<compile_context>
chip_gen: v7x
topology: tpu7x:2x2x1
jax: 0.10.2.dev20260603
libtpu: 0.0.44.dev20260713+nightly
codegen_flags: <defaults>
</compile_context>

<pallas_src>
import functools

import jax
import jax.numpy as jnp
from jax import lax
from jax.experimental import pallas as pl
from jax.experimental.pallas import tpu as pltpu
from jax.experimental.pallas import tpu_sc as plsc

B = 4096
F = 26
V = 100000
D = 16

NC = 2
NS = 16
NW = NC * NS
BPW = B // NW
NIDX = F * BPW

_mesh = plsc.VectorSubcoreMesh(core_axis_name="c", subcore_axis_name="s")


@functools.partial(
    pl.kernel,
    mesh=_mesh,
    out_type=jax.ShapeDtypeStruct((B,), jnp.float32),
    scratch_types=[
        pltpu.VMEM((NIDX,), jnp.int32),
        pltpu.VMEM((NIDX, D), jnp.float32),
        pltpu.VMEM((BPW,), jnp.float32),
        pltpu.SemaphoreType.DMA,
    ],
    compiler_params=pltpu.CompilerParams(
        needs_layout_passes=False,
        use_tc_tiling_on_sc=False,
    ),
)
def _fm_sc(table_hbm, idx_hbm, out_hbm, idx_v, rows_v, out_v, sem):
    wid = lax.axis_index("s") * NC + lax.axis_index("c")
    base = wid * BPW

    pltpu.sync_copy(idx_hbm.at[wid], idx_v)

    copies = [
        pltpu.async_copy(
            table_hbm.at[f].at[idx_v.at[pl.ds(f * BPW, BPW)]],
            rows_v.at[pl.ds(f * BPW, BPW)],
            sem,
        )
        for f in range(F)
    ]
    for cp in copies:
        cp.wait()

    lane = lax.iota(jnp.int32, 16)

    def _group(g, carry):
        b0 = g * 16
        res = jnp.zeros((16,), jnp.float32)
        for j in range(16):
            s = jnp.zeros((D,), jnp.float32)
            ss = jnp.zeros((D,), jnp.float32)
            for f in range(F):
                v = rows_v[f * BPW + b0 + j, :]
                s = s + v
                ss = ss + v * v
            r = jnp.sum(s * s - ss)
            res = jnp.where(lane == j, r, res)
        out_v[pl.ds(b0, 16)] = 0.5 * res
        return carry

    lax.fori_loop(0, BPW // 16, _group, 0)

    pltpu.sync_copy(out_v, out_hbm.at[pl.ds(base, BPW)])


def kernel(X, tables):
    Xp = (
        X.astype(jnp.int32)
        .reshape(NW, BPW, F)
        .transpose(0, 2, 1)
        .reshape(NW, NIDX)
    )
    out = _fm_sc(tables, Xp)
    return out.reshape(B, 1)

# --- scband reference (transcript-rebuilt; emitter-appended) ---
"""Pipeline reference for scband-factorization-machine-layer-83511344103540 (READ-ONLY COPY).

The authoritative reference and input builder live on the scoring server;
editing this copy changes nothing except your own understanding.
"""

import jax, jax.numpy as jnp
import numpy as np

B = 4096   # batch
F = 26     # number of sparse fields
V = 100000 # vocabulary size per field
D = 16     # embedding dim
INIT_STD = 0.0001


def setup_inputs(seed: int = 0) -> dict:
    key = jax.random.key(seed)
    k1, k2 = jax.random.split(key)
    # X holds one sparse index per field (torch stores it as float and casts to long;
    # here we carry it as int64 directly)
    X = jax.random.randint(k1, (B, F), 0, V, dtype=jnp.int64)
    # one embedding table per sparse field, stacked: [F, V, D]
    tables = jax.random.normal(k2, (F, V, D), dtype=jnp.float32) * INIT_STD
    return {"X": X, "tables": tables}


def reference(X, tables):
    # per-field embedding lookup: emb[b, f, :] = tables[f, X[b, f], :]
    field_idx = jnp.arange(F)[None, :]              # [1, F]
    emb = tables[field_idx, X]                      # [B, F, D]
    # FM second-order cross term
    s = jnp.sum(emb, axis=1, keepdims=True)         # [B, 1, D]
    square_of_sum = s * s                           # [B, 1, D]
    sum_of_square = jnp.sum(emb * emb, axis=1, keepdims=True)  # [B, 1, D]
    cross_term = square_of_sum - sum_of_square
    cross_term = 0.5 * jnp.sum(cross_term, axis=2)  # [B, 1]
    return cross_term

if __name__ == "__main__":
    import jax
    _d = setup_inputs()
    print(jax.jit(kernel)(*tuple(_d.values())))

</pallas_src>

<mosaic_0001>
#map = affine_map<(d0, d1) -> (0, 0, 0)>
#map1 = affine_map<(d0, d1) -> (0, 0)>
#map2 = affine_map<(d0, d1) -> (0)>
module attributes {stable_mosaic.version = 14 : i64} {
  func.func @_fm_sc(%arg0: i32, %arg1: i32, %arg2: memref<26x100000x16xf32, #tpu.memory_space<hbm>>, %arg3: memref<32x3328xi32, #tpu.memory_space<hbm>>, %arg4: memref<4096xf32, #tpu.memory_space<hbm>>, %arg5: memref<3328xi32, #tpu.memory_space<vmem>>, %arg6: memref<3328x16xf32, #tpu.memory_space<vmem>>, %arg7: memref<128xf32, #tpu.memory_space<vmem>>, %arg8: memref<!tpu.dma_semaphore, #tpu.memory_space<semaphore_mem>>) attributes {dimension_semantics = [#tpu.dimension_semantics<core_parallel>, #tpu.dimension_semantics<subcore_parallel>], iteration_bounds = array<i64: 2, 16>, scalar_prefetch = 0 : i64, scratch_operands = 4 : i64, tpu.core_type = #tpu.core_type<sc_vector_subcore>, window_params = [{transform_indices = #map}, {transform_indices = #map1}, {transform_indices = #map2}]} {
    %mul3A = arith.constant 2 : i32
    %mul3A_0 = arith.muli %arg1, %mul3A : i32
    %add3A = arith.addi %mul3A_0, %arg0 : i32
    %mul3A_1 = arith.constant 128 : i32
    %mul3A_2 = arith.muli %add3A, %mul3A_1 : i32
    "tpu.region"() ({
      %run_scoped3A = tpu.sem_alloc : memref<!tpu.dma_semaphore, #tpu.memory_space<semaphore_mem>>
      %dma_start3A_682 = arith.constant 0 : i32
      %dma_start3A_683 = tpu.memref_slice %arg3[%add3A, %dma_start3A_682] : memref<32x3328xi32, #tpu.memory_space<hbm>> -> memref<1x3328xi32, #tpu.memory_space<hbm>>
      %dma_start3A_684 = tpu.memref_squeeze %dma_start3A_683 : memref<1x3328xi32, #tpu.memory_space<hbm>> -> memref<3328xi32, #tpu.memory_space<hbm>>
      %dma_start3A_685 = arith.constant 0 : i32
      %dma_start3A_686 = tpu.memref_slice %arg3[%add3A, %dma_start3A_685] : memref<32x3328xi32, #tpu.memory_space<hbm>> -> memref<1x3328xi32, #tpu.memory_space<hbm>>
      %dma_start3A_687 = tpu.memref_squeeze %dma_start3A_686 : memref<1x3328xi32, #tpu.memory_space<hbm>> -> memref<3328xi32, #tpu.memory_space<hbm>>
      tpu.enqueue_dma source(%dma_start3A_687 : memref<3328xi32, #tpu.memory_space<hbm>>) target(%arg5 : memref<3328xi32, #tpu.memory_space<vmem>>) target_semaphore(%run_scoped3A : memref<!tpu.dma_semaphore, #tpu.memory_space<semaphore_mem>>)
      %dma_wait3A_688 = arith.constant 0 : i32
      %dma_wait3A_689 = tpu.memref_slice %arg3[%add3A, %dma_wait3A_688] : memref<32x3328xi32, #tpu.memory_space<hbm>> -> memref<1x3328xi32, #tpu.memory_space<hbm>>
      %dma_wait3A_690 = tpu.memref_squeeze %dma_wait3A_689 : memref<1x3328xi32, #tpu.memory_space<hbm>> -> memref<3328xi32, #tpu.memory_space<hbm>>
      %dma_wait3A_691 = arith.constant 0 : i32
      %dma_wait3A_692 = tpu.memref_slice %arg3[%add3A, %dma_wait3A_691] : memref<32x3328xi32, #tpu.memory_space<hbm>> -> memref<1x3328xi32, #tpu.memory_space<hbm>>
      %dma_wait3A_693 = tpu.memref_squeeze %dma_wait3A_692 : memref<1x3328xi32, #tpu.memory_space<hbm>> -> memref<3328xi32, #tpu.memory_space<hbm>>
      tpu.wait_dma2 semaphore(%run_scoped3A : memref<!tpu.dma_semaphore, #tpu.memory_space<semaphore_mem>>) src(%dma_wait3A_693 : memref<3328xi32, #tpu.memory_space<hbm>>) dst(%arg5 : memref<3328xi32, #tpu.memory_space<vmem>>)
      tpu.yield
    }) : () -> ()
    %dma_start3A = arith.constant 0 : i32
    %dma_start3A_3 = arith.constant 0 : i32
    %dma_start3A_4 = arith.constant 0 : i32
    %dma_start3A_5 = tpu.memref_slice %arg6[%dma_start3A_3, %dma_start3A_4] : memref<3328x16xf32, #tpu.memory_space<vmem>> -> memref<128x16xf32, #tpu.memory_space<vmem>>
    %dma_start3A_6 = arith.constant 0 : i32
    %dma_start3A_7 = tpu.memref_slice %arg5[%dma_start3A_6] : memref<3328xi32, #tpu.memory_space<vmem>> -> memref<128xi32, #tpu.memory_space<vmem>>
    %dma_start3A_8 = arith.constant 0 : i32
    %dma_start3A_9 = arith.constant 0 : i32
    %dma_start3A_10 = tpu.memref_slice %arg2[%dma_start3A, %dma_start3A_8, %dma_start3A_9] : memref<26x100000x16xf32, #tpu.memory_space<hbm>> -> memref<1x100000x16xf32, #tpu.memory_space<hbm>>
    %dma_start3A_11 = tpu.memref_squeeze %dma_start3A_10 : memref<1x100000x16xf32, #tpu.memory_space<hbm>> -> memref<100000x16xf32, #tpu.memory_space<hbm>>
    %dma_start3A_12 = arith.constant 0 : i32
    %dma_start3A_13 = arith.constant 0 : i32
    %dma_start3A_14 = tpu.memref_slice %dma_start3A_11[%dma_start3A_12, %dma_start3A_13] : memref<100000x16xf32, #tpu.memory_space<hbm>> -> memref<100000x16xf32, #tpu.memory_space<hbm>>
    tpu.enqueue_indirect_dma source(%dma_start3A_14 : memref<100000x16xf32, #tpu.memory_space<hbm>>) target(%dma_start3A_5 : memref<128x16xf32, #tpu.memory_space<vmem>>) offsets(%dma_start3A_7 : memref<128xi32, #tpu.memory_space<vmem>>) semaphore(%arg8 : memref<!tpu.dma_semaphore, #tpu.memory_space<semaphore_mem>>)
    %dma_start3A_15 = arith.constant 1 : i32
    %dma_start3A_16 = arith.constant 128 : i32
    %dma_start3A_17 = arith.constant 0 : i32
    %dma_start3A_18 = tpu.memref_slice %arg6[%dma_start3A_16, %dma_start3A_17] : memref<3328x16xf32, #tpu.memory_space<vmem>> -> memref<128x16xf32, #tpu.memory_space<vmem>>
    %dma_start3A_19 = arith.constant 128 : i32
    %dma_start3A_20 = tpu.memref_slice %arg5[%dma_start3A_19] : memref<3328xi32, #tpu.memory_space<vmem>> -> memref<128xi32, #tpu.memory_space<vmem>>
    %dma_start3A_21 = arith.constant 0 : i32
    %dma_start3A_22 = arith.constant 0 : i32
    %dma_start3A_23 = tpu.memref_slice %arg2[%dma_start3A_15, %dma_start3A_21, %dma_start3A_22] : memref<26x100000x16xf32, #tpu.memory_space<hbm>> -> memref<1x100000x16xf32, #tpu.memory_space<hbm>>
    %dma_start3A_24 = tpu.memref_squeeze %dma_start3A_23 : memref<1x100000x16xf32, #tpu.memory_space<hbm>> -> memref<100000x16xf32, #tpu.memory_space<hbm>>
    %dma_start3A_25 = arith.constant 0 : i32
    %dma_start3A_26 = arith.constant 0 : i32
    %dma_start3A_27 = tpu.memref_slice %dma_start3A_24[%dma_start3A_25, %dma_start3A_26] : memref<100000x16xf32, #tpu.memory_space<hbm>> -> memref<100000x16xf32, #tpu.memory_space<hbm>>
    tpu.enqueue_indirect_dma source(%dma_start3A_27 : memref<100000x16xf32, #tpu.memory_space<hbm>>) target(%dma_start3A_18 : memref<128x16xf32, #tpu.memory_space<vmem>>) offsets(%dma_start3A_20 : memref<128xi32, #tpu.memory_space<vmem>>) semaphore(%arg8 : memref<!tpu.dma_semaphore, #tpu.memory_space<semaphore_mem>>)
    %dma_start3A_28 = arith.constant 2 : i32
    %dma_start3A_29 = arith.constant 256 : i32
    %dma_start3A_30 = arith.constant 0 : i32
    %dma_start3A_31 = tpu.memref_slice %arg6[%dma_start3A_29, %dma_start3A_30] : memref<3328x16xf32, #tpu.memory_space<vmem>> -> memref<128x16xf32, #tpu.memory_space<vmem>>
    %dma_start3A_32 = arith.constant 256 : i32
    %dma_start3A_33 = tpu.memref_slice %arg5[%dma_start3A_32] : memref<3328xi32, #tpu.memory_space<vmem>> -> memref<128xi32, #tpu.memory_space<vmem>>
    %dma_start3A_34 = arith.constant 0 : i32
    %dma_start3A_35 = arith.constant 0 : i32
    %dma_start3A_36 = tpu.memref_slice %arg2[%dma_start3A_28, %dma_start3A_34, %dma_start3A_35] : memref<26x100000x16xf32, #tpu.memory_space<hbm>> -> memref<1x100000x16xf32, #tpu.memory_space<hbm>>
    %dma_start3A_37 = tpu.memref_squeeze %dma_start3A_36 : memref<1x100000x16xf32, #tpu.memory_space<hbm>> -> memref<100000x16xf32, #tpu.memory_space<hbm>>
    %dma_start3A_38 = arith.constant 0 : i32
    %dma_start3A_39 = arith.constant 0 : i32
    %dma_start3A_40 = tpu.memref_slice %dma_start3A_37[%dma_start3A_38, %dma_start3A_39] : memref<100000x16xf32, #tpu.memory_space<hbm>> -> memref<100000x16xf32, #tpu.memory_space<hbm>>
    tpu.enqueue_indirect_dma source(%dma_start3A_40 : memref<100000x16xf32, #tpu.memory_space<hbm>>) target(%dma_start3A_31 : memref<128x16xf32, #tpu.memory_space<vmem>>) offsets(%dma_start3A_33 : memref<128xi32, #tpu.memory_space<vmem>>) semaphore(%arg8 : memref<!tpu.dma_semaphore, #tpu.memory_space<semaphore_mem>>)
    %dma_start3A_41 = arith.constant 3 : i32
    %dma_start3A_42 = arith.constant 384 : i32
    %dma_start3A_43 = arith.constant 0 : i32
    %dma_start3A_44 = tpu.memref_slice %arg6[%dma_start3A_42, %dma_start3A_43] : memref<3328x16xf32, #tpu.memory_space<vmem>> -> memref<128x16xf32, #tpu.memory_space<vmem>>
    %dma_start3A_45 = arith.constant 384 : i32
    %dma_start3A_46 = tpu.memref_slice %arg5[%dma_start3A_45] : memref<3328xi32, #tpu.memory_space<vmem>> -> memref<128xi32, #tpu.memory_space<vmem>>
    %dma_start3A_47 = arith.constant 0 : i32
    %dma_start3A_48 = arith.constant 0 : i32
    %dma_start3A_49 = tpu.memref_slice %arg2[%dma_start3A_41, %dma_start3A_47, %dma_start3A_48] : memref<26x100000x16xf32, #tpu.memory_space<hbm>> -> memref<1x100000x16xf32, #tpu.memory_space<hbm>>
    %dma_start3A_50 = tpu.memref_squeeze %dma_start3A_49 : memref<1x100000x16xf32, #tpu.memory_space<hbm>> -> memref<100000x16xf32, #tpu.memory_space<hbm>>
    %dma_start3A_51 = arith.constant 0 : i32
    %dma_start3A_52 = arith.constant 0 : i32
    %dma_start3A_53 = tpu.memref_slice %dma_start3A_50[%dma_start3A_51, %dma_start3A_52] : memref<100000x16xf32, #tpu.memory_space<hbm>> -> memref<100000x16xf32, #tpu.memory_space<hbm>>
    tpu.enqueue_indirect_dma source(%dma_start3A_53 : memref<100000x16xf32, #tpu.memory_space<hbm>>) target(%dma_start3A_44 : memref<128x16xf32, #tpu.memory_space<vmem>>) offsets(%dma_start3A_46 : memref<128xi32, #tpu.memory_space<vmem>>) semaphore(%arg8 : memref<!tpu.dma_semaphore, #tpu.memory_space<semaphore_mem>>)
    %dma_start3A_54 = arith.constant 4 : i32
    %dma_start3A_55 = arith.constant 512 : i32
    %dma_start3A_56 = arith.constant 0 : i32
    %dma_start3A_57 = tpu.memref_slice %arg6[%dma_start3A_55, %dma_start3A_56] : memref<3328x16xf32, #tpu.memory_space<vmem>> -> memref<128x16xf32, #tpu.memory_space<vmem>>
    %dma_start3A_58 = arith.constant 512 : i32
    %dma_start3A_59 = tpu.memref_slice %arg5[%dma_start3A_58] : memref<3328xi32, #tpu.memory_space<vmem>> -> memref<128xi32, #tpu.memory_space<vmem>>
    %dma_start3A_60 = arith.constant 0 : i32
    %dma_start3A_61 = arith.constant 0 : i32
    %dma_start3A_62 = tpu.memref_slice %arg2[%dma_start3A_54, %dma_start3A_60, %dma_start3A_61] : memref<26x100000x16xf32, #tpu.memory_space<hbm>> -> memref<1x100000x16xf32, #tpu.memory_space<hbm>>
    %dma_start3A_63 = tpu.memref_squeeze %dma_start3A_62 : memref<1x100000x16xf32, #tpu.memory_space<hbm>> -> memref<100000x16xf32, #tpu.memory_space<hbm>>
    %dma_start3A_64 = arith.constant 0 : i32
    %dma_start3A_65 = arith.constant 0 : i32
    %dma_start3A_66 = tpu.memref_slice %dma_start3A_63[%dma_start3A_64, %dma_start3A_65] : memref<100000x16xf32, #tpu.memory_space<hbm>> -> memref<100000x16xf32, #tpu.memory_space<hbm>>
    tpu.enqueue_indirect_dma source(%dma_start3A_66 : memref<100000x16xf32, #tpu.memory_space<hbm>>) target(%dma_start3A_57 : memref<128x16xf32, #tpu.memory_space<vmem>>) offsets(%dma_start3A_59 : memref<128xi32, #tpu.memory_space<vmem>>) semaphore(%arg8 : memref<!tpu.dma_semaphore, #tpu.memory_space<semaphore_mem>>)
    %dma_start3A_67 = arith.constant 5 : i32
    %dma_start3A_68 = arith.constant 640 : i32
    %dma_start3A_69 = arith.constant 0 : i32
    %dma_start3A_70 = tpu.memref_slice %arg6[%dma_start3A_68, %dma_start3A_69] : memref<3328x16xf32, #tpu.memory_space<vmem>> -> memref<128x16xf32, #tpu.memory_space<vmem>>
    %dma_start3A_71 = arith.constant 640 : i32
    %dma_start3A_72 = tpu.memref_slice %arg5[%dma_start3A_71] : memref<3328xi32, #tpu.memory_space<vmem>> -> memref<128xi32, #tpu.memory_space<vmem>>
    %dma_start3A_73 = arith.constant 0 : i32
    %dma_start3A_74 = arith.constant 0 : i32
    %dma_start3A_75 = tpu.memref_slice %arg2[%dma_start3A_67, %dma_start3A_73, %dma_start3A_74] : memref<26x100000x16xf32, #tpu.memory_space<hbm>> -> memref<1x100000x16xf32, #tpu.memory_space<hbm>>
    %dma_start3A_76 = tpu.memref_squeeze %dma_start3A_75 : memref<1x100000x16xf32, #tpu.memory_space<hbm>> -> memref<100000x16xf32, #tpu.memory_space<hbm>>
    %dma_start3A_77 = arith.constant 0 : i32
    %dma_start3A_78 = arith.constant 0 : i32
    %dma_start3A_79 = tpu.memref_slice %dma_start3A_76[%dma_start3A_77, %dma_start3A_78] : memref<100000x16xf32, #tpu.memory_space<hbm>> -> memref<100000x16xf32, #tpu.memory_space<hbm>>
    tpu.enqueue_indirect_dma source(%dma_start3A_79 : memref<100000x16xf32, #tpu.memory_space<hbm>>) target(%dma_start3A_70 : memref<128x16xf32, #tpu.memory_space<vmem>>) offsets(%dma_start3A_72 : memref<128xi32, #tpu.memory_space<vmem>>) semaphore(%arg8 : memref<!tpu.dma_semaphore, #tpu.memory_space<semaphore_mem>>)
    %dma_start3A_80 = arith.constant 6 : i32
    %dma_start3A_81 = arith.constant 768 : i32
    %dma_start3A_82 = arith.constant 0 : i32
    %dma_start3A_83 = tpu.memref_slice %arg6[%dma_start3A_81, %dma_start3A_82] : memref<3328x16xf32, #tpu.memory_space<vmem>> -> memref<128x16xf32, #tpu.memory_space<vmem>>
    %dma_start3A_84 = arith.constant 768 : i32
    %dma_start3A_85 = tpu.memref_slice %arg5[%dma_start3A_84] : memref<3328xi32, #tpu.memory_space<vmem>> -> memref<128xi32, #tpu.memory_space<vmem>>
    %dma_start3A_86 = arith.constant 0 : i32
    %dma_start3A_87 = arith.constant 0 : i32
    %dma_start3A_88 = tpu.memref_slice %arg2[%dma_start3A_80, %dma_start3A_86, %dma_start3A_87] : memref<26x100000x16xf32, #tpu.memory_space<hbm>> -> memref<1x100000x16xf32, #tpu.memory_space<hbm>>
    %dma_start3A_89 = tpu.memref_squeeze %dma_start3A_88 : memref<1x100000x16xf32, #tpu.memory_space<hbm>> -> memref<100000x16xf32, #tpu.memory_space<hbm>>
    %dma_start3A_90 = arith.constant 0 : i32
    %dma_start3A_91 = arith.constant 0 : i32
    %dma_start3A_92 = tpu.memref_slice %dma_start3A_89[%dma_start3A_90, %dma_start3A_91] : memref<100000x16xf32, #tpu.memory_space<hbm>> -> memref<100000x16xf32, #tpu.memory_space<hbm>>
    tpu.enqueue_indirect_dma source(%dma_start3A_92 : memref<100000x16xf32, #tpu.memory_space<hbm>>) target(%dma_start3A_83 : memref<128x16xf32, #tpu.memory_space<vmem>>) offsets(%dma_start3A_85 : memref<128xi32, #tpu.memory_space<vmem>>) semaphore(%arg8 : memref<!tpu.dma_semaphore, #tpu.memory_space<semaphore_mem>>)
    %dma_start3A_93 = arith.constant 7 : i32
    %dma_start3A_94 = arith.constant 896 : i32
    %dma_start3A_95 = arith.constant 0 : i32
    %dma_start3A_96 = tpu.memref_slice %arg6[%dma_start3A_94, %dma_start3A_95] : memref<3328x16xf32, #tpu.memory_space<vmem>> -> memref<128x16xf32, #tpu.memory_space<vmem>>
    %dma_start3A_97 = arith.constant 896 : i32
    %dma_start3A_98 = tpu.memref_slice %arg5[%dma_start3A_97] : memref<3328xi32, #tpu.memory_space<vmem>> -> memref<128xi32, #tpu.memory_space<vmem>>
    %dma_start3A_99 = arith.constant 0 : i32
    %dma_start3A_100 = arith.constant 0 : i32
    %dma_start3A_101 = tpu.memref_slice %arg2[%dma_start3A_93, %dma_start3A_99, %dma_start3A_100] : memref<26x100000x16xf32, #tpu.memory_space<hbm>> -> memref<1x100000x16xf32, #tpu.memory_space<hbm>>
    %dma_start3A_102 = tpu.memref_squeeze %dma_start3A_101 : memref<1x100000x16xf32, #tpu.memory_space<hbm>> -> memref<100000x16xf32, #tpu.memory_space<hbm>>
    %dma_start3A_103 = arith.constant 0 : i32
    %dma_start3A_104 = arith.constant 0 : i32
    %dma_start3A_105 = tpu.memref_slice %dma_start3A_102[%dma_start3A_103, %dma_start3A_104] : memref<100000x16xf32, #tpu.memory_space<hbm>> -> memref<100000x16xf32, #tpu.memory_space<hbm>>
    tpu.enqueue_indirect_dma source(%dma_start3A_105 : memref<100000x16xf32, #tpu.memory_space<hbm>>) target(%dma_start3A_96 : memref<128x16xf32, #tpu.memory_space<vmem>>) offsets(%dma_start3A_98 : memref<128xi32, #tpu.memory_space<vmem>>) semaphore(%arg8 : memref<!tpu.dma_semaphore, #tpu.memory_space<semaphore_mem>>)
    %dma_start3A_106 = arith.constant 8 : i32
    %dma_start3A_107 = arith.constant 1024 : i32
    %dma_start3A_108 = arith.constant 0 : i32
    %dma_start3A_109 = tpu.memref_slice %arg6[%dma_start3A_107, %dma_start3A_108] : memref<3328x16xf32, #tpu.memory_space<vmem>> -> memref<128x16xf32, #tpu.memory_space<vmem>>
    %dma_start3A_110 = arith.constant 1024 : i32
    %dma_start3A_111 = tpu.memref_slice %arg5[%dma_start3A_110] : memref<3328xi32, #tpu.memory_space<vmem>> -> memref<128xi32, #tpu.memory_space<vmem>>
    %dma_start3A_112 = arith.constant 0 : i32
    %dma_start3A_113 = arith.constant 0 : i32
    %dma_start3A_114 = tpu.memref_slice %arg2[%dma_start3A_106, %dma_start3A_112, %dma_start3A_113] : memref<26x100000x16xf32, #tpu.memory_space<hbm>> -> memref<1x100000x16xf32, #tpu.memory_space<hbm>>
    %dma_start3A_115 = tpu.memref_squeeze %dma_start3A_114 : memref<1x100000x16xf32, #tpu.memory_space<hbm>> -> memref<100000x16xf32, #tpu.memory_space<hbm>>
    %dma_start3A_116 = arith.constant 0 : i32
    %dma_start3A_117 = arith.constant 0 : i32
    %dma_start3A_118 = tpu.memref_slice %dma_start3A_115[%dma_start3A_116, %dma_start3A_117] : memref<100000x16xf32, #tpu.memory_space<hbm>> -> memref<100000x16xf32, #tpu.memory_space<hbm>>
    tpu.enqueue_indirect_dma source(%dma_start3A_118 : memref<100000x16xf32, #tpu.memory_space<hbm>>) target(%dma_start3A_109 : memref<128x16xf32, #tpu.memory_space<vmem>>) offsets(%dma_start3A_111 : memref<128xi32, #tpu.memory_space<vmem>>) semaphore(%arg8 : memref<!tpu.dma_semaphore, #tpu.memory_space<semaphore_mem>>)
    %dma_start3A_119 = arith.constant 9 : i32
    %dma_start3A_120 = arith.constant 1152 : i32
    %dma_start3A_121 = arith.constant 0 : i32
    %dma_start3A_122 = tpu.memref_slice %arg6[%dma_start3A_120, %dma_start3A_121] : memref<3328x16xf32, #tpu.memory_space<vmem>> -> memref<128x16xf32, #tpu.memory_space<vmem>>
    %dma_start3A_123 = arith.constant 1152 : i32
    %dma_start3A_124 = tpu.memref_slice %arg5[%dma_start3A_123] : memref<3328xi32, #tpu.memory_space<vmem>> -> memref<128xi32, #tpu.memory_space<vmem>>
    %dma_start3A_125 = arith.constant 0 : i32
    %dma_start3A_126 = arith.constant 0 : i32
    %dma_start3A_127 = tpu.memref_slice %arg2[%dma_start3A_119, %dma_start3A_125, %dma_start3A_126] : memref<26x100000x16xf32, #tpu.memory_space<hbm>> -> memref<1x100000x16xf32, #tpu.memory_space<hbm>>
    %dma_start3A_128 = tpu.memref_squeeze %dma_start3A_127 : memref<1x100000x16xf32, #tpu.memory_space<hbm>> -> memref<100000x16xf32, #tpu.memory_space<hbm>>
    %dma_start3A_129 = arith.constant 0 : i32
    %dma_start3A_130 = arith.constant 0 : i32
    %dma_start3A_131 = tpu.memref_slice %dma_start3A_128[%dma_start3A_129, %dma_start3A_130] : memref<100000x16xf32, #tpu.memory_space<hbm>> -> memref<100000x16xf32, #tpu.memory_space<hbm>>
    tpu.enqueue_indirect_dma source(%dma_start3A_131 : memref<100000x16xf32, #tpu.memory_space<hbm>>) target(%dma_start3A_122 : memref<128x16xf32, #tpu.memory_space<vmem>>) offsets(%dma_start3A_124 : memref<128xi32, #tpu.memory_space<vmem>>) semaphore(%arg8 : memref<!tpu.dma_semaphore, #tpu.memory_space<semaphore_mem>>)
    %dma_start3A_132 = arith.constant 10 : i32
    %dma_start3A_133 = arith.constant 1280 : i32
    %dma_start3A_134 = arith.constant 0 : i32
    %dma_start3A_135 = tpu.memref_slice %arg6[%dma_start3A_133, %dma_start3A_134] : memref<3328x16xf32, #tpu.memory_space<vmem>> -> memref<128x16xf32, #tpu.memory_space<vmem>>
    %dma_start3A_136 = arith.constant 1280 : i32
    %dma_start3A_137 = tpu.memref_slice %arg5[%dma_start3A_136] : memref<3328xi32, #tpu.memory_space<vmem>> -> memref<128xi32, #tpu.memory_space<vmem>>
    %dma_start3A_138 = arith.constant 0 : i32
    %dma_start3A_139 = arith.constant 0 : i32
    %dma_start3A_140 = tpu.memref_slice %arg2[%dma_start3A_132, %dma_start3A_138, %dma_start3A_139] : memref<26x100000x16xf32, #tpu.memory_space<hbm>> -> memref<1x100000x16xf32, #tpu.memory_space<hbm>>
    %dma_start3A_141 = tpu.memref_squeeze %dma_start3A_140 : memref<1x100000x16xf32, #tpu.memory_space<hbm>> -> memref<100000x16xf32, #tpu.memory_space<hbm>>
    %dma_start3A_142 = arith.constant 0 : i32
    %dma_start3A_143 = arith.constant 0 : i32
    %dma_start3A_144 = tpu.memref_slice %dma_start3A_141[%dma_start3A_142, %dma_start3A_143] : memref<100000x16xf32, #tpu.memory_space<hbm>> -> memref<100000x16xf32, #tpu.memory_space<hbm>>
    tpu.enqueue_indirect_dma source(%dma_start3A_144 : memref<100000x16xf32, #tpu.memory_space<hbm>>) target(%dma_start3A_135 : memref<128x16xf32, #tpu.memory_space<vmem>>) offsets(%dma_start3A_137 : memref<128xi32, #tpu.memory_space<vmem>>) semaphore(%arg8 : memref<!tpu.dma_semaphore, #tpu.memory_space<semaphore_mem>>)
    %dma_start3A_145 = arith.constant 11 : i32
    %dma_start3A_146 = arith.constant 1408 : i32
    %dma_start3A_147 = arith.constant 0 : i32
    %dma_start3A_148 = tpu.memref_slice %arg6[%dma_start3A_146, %dma_start3A_147] : memref<3328x16xf32, #tpu.memory_space<vmem>> -> memref<128x16xf32, #tpu.memory_space<vmem>>
    %dma_start3A_149 = arith.constant 1408 : i32
    %dma_start3A_150 = tpu.memref_slice %arg5[%dma_start3A_149] : memref<3328xi32, #tpu.memory_space<vmem>> -> memref<128xi32, #tpu.memory_space<vmem>>
    %dma_start3A_151 = arith.constant 0 : i32
    %dma_start3A_152 = arith.constant 0 : i32
    %dma_start3A_153 = tpu.memref_slice %arg2[%dma_start3A_145, %dma_start3A_151, %dma_start3A_152] : memref<26x100000x16xf32, #tpu.memory_space<hbm>> -> memref<1x100000x16xf32, #tpu.memory_space<hbm>>
    %dma_start3A_154 = tpu.memref_squeeze %dma_start3A_153 : memref<1x100000x16xf32, #tpu.memory_space<hbm>> -> memref<100000x16xf32, #tpu.memory_space<hbm>>
    %dma_start3A_155 = arith.constant 0 : i32
    %dma_start3A_156 = arith.constant 0 : i32
    %dma_start3A_157 = tpu.memref_slice %dma_start3A_154[%dma_start3A_155, %dma_start3A_156] : memref<100000x16xf32, #tpu.memory_space<hbm>> -> memref<100000x16xf32, #tpu.memory_space<hbm>>
    tpu.enqueue_indirect_dma source(%dma_start3A_157 : memref<100000x16xf32, #tpu.memory_space<hbm>>) target(%dma_start3A_148 : memref<128x16xf32, #tpu.memory_space<vmem>>) offsets(%dma_start3A_150 : memref<128xi32, #tpu.memory_space<vmem>>) semaphore(%arg8 : memref<!tpu.dma_semaphore, #tpu.memory_space<semaphore_mem>>)
    %dma_start3A_158 = arith.constant 12 : i32
    %dma_start3A_159 = arith.constant 1536 : i32
    %dma_start3A_160 = arith.constant 0 : i32
    %dma_start3A_161 = tpu.memref_slice %arg6[%dma_start3A_159, %dma_start3A_160] : memref<3328x16xf32, #tpu.memory_space<vmem>> -> memref<128x16xf32, #tpu.memory_space<vmem>>
    %dma_start3A_162 = arith.constant 1536 : i32
    %dma_start3A_163 = tpu.memref_slice %arg5[%dma_start3A_162] : memref<3328xi32, #tpu.memory_space<vmem>> -> memref<128xi32, #tpu.memory_space<vmem>>
    %dma_start3A_164 = arith.constant 0 : i32
    %dma_start3A_165 = arith.constant 0 : i32
    %dma_start3A_166 = tpu.memref_slice %arg2[%dma_start3A_158, %dma_start3A_164, %dma_start3A_165] : memref<26x100000x16xf32, #tpu.memory_space<hbm>> -> memref<1x100000x16xf32, #tpu.memory_space<hbm>>
    %dma_start3A_167 = tpu.memref_squeeze %dma_start3A_166 : memref<1x100000x16xf32, #tpu.memory_space<hbm>> -> memref<100000x16xf32, #tpu.memory_space<hbm>>
    %dma_start3A_168 = arith.constant 0 : i32
    %dma_start3A_169 = arith.constant 0 : i32
    %dma_start3A_170 = tpu.memref_slice %dma_start3A_167[%dma_start3A_168, %dma_start3A_169] : memref<100000x16xf32, #tpu.memory_space<hbm>> -> memref<100000x16xf32, #tpu.memory_space<hbm>>
    tpu.enqueue_indirect_dma source(%dma_start3A_170 : memref<100000x16xf32, #tpu.memory_space<hbm>>) target(%dma_start3A_161 : memref<128x16xf32, #tpu.memory_space<vmem>>) offsets(%dma_start3A_163 : memref<128xi32, #tpu.memory_space<vmem>>) semaphore(%arg8 : memref<!tpu.dma_semaphore, #tpu.memory_space<semaphore_mem>>)
    %dma_start3A_171 = arith.constant 13 : i32
    %dma_start3A_172 = arith.constant 1664 : i32
    %dma_start3A_173 = arith.constant 0 : i32
    %dma_start3A_174 = tpu.memref_slice %arg6[%dma_start3A_172, %dma_start3A_173] : memref<3328x16xf32, #tpu.memory_space<vmem>> -> memref<128x16xf32, #tpu.memory_space<vmem>>
    %dma_start3A_175 = arith.constant 1664 : i32
    %dma_start3A_176 = tpu.memref_slice %arg5[%dma_start3A_175] : memref<3328xi32, #tpu.memory_space<vmem>> -> memref<128xi32, #tpu.memory_space<vmem>>
    %dma_start3A_177 = arith.constant 0 : i32
    %dma_start3A_178 = arith.constant 0 : i32
    %dma_start3A_179 = tpu.memref_slice %arg2[%dma_start3A_171, %dma_start3A_177, %dma_start3A_178] : memref<26x100000x16xf32, #tpu.memory_space<hbm>> -> memref<1x100000x16xf32, #tpu.memory_space<hbm>>
    %dma_start3A_180 = tpu.memref_squeeze %dma_start3A_179 : memref<1x100000x16xf32, #tpu.memory_space<hbm>> -> memref<100000x16xf32, #tpu.memory_space<hbm>>
    %dma_start3A_181 = arith.constant 0 : i32
    %dma_start3A_182 = arith.constant 0 : i32
    %dma_start3A_183 = tpu.memref_slice %dma_start3A_180[%dma_start3A_181, %dma_start3A_182] : memref<100000x16xf32, #tpu.memory_space<hbm>> -> memref<100000x16xf32, #tpu.memory_space<hbm>>
    tpu.enqueue_indirect_dma source(%dma_start3A_183 : memref<100000x16xf32, #tpu.memory_space<hbm>>) target(%dma_start3A_174 : memref<128x16xf32, #tpu.memory_space<vmem>>) offsets(%dma_start3A_176 : memref<128xi32, #tpu.memory_space<vmem>>) semaphore(%arg8 : memref<!tpu.dma_semaphore, #tpu.memory_space<semaphore_mem>>)
    %dma_start3A_184 = arith.constant 14 : i32
    %dma_start3A_185 = arith.constant 1792 : i32
    %dma_start3A_186 = arith.constant 0 : i32
    %dma_start3A_187 = tpu.memref_slice %arg6[%dma_start3A_185, %dma_start3A_186] : memref<3328x16xf32, #tpu.memory_space<vmem>> -> memref<128x16xf32, #tpu.memory_space<vmem>>
    %dma_start3A_188 = arith.constant 1792 : i32
    %dma_start3A_189 = tpu.memref_slice %arg5[%dma_start3A_188] : memref<3328xi32, #tpu.memory_space<vmem>> -> memref<128xi32, #tpu.memory_space<vmem>>
    %dma_start3A_190 = arith.constant 0 : i32
    %dma_start3A_191 = arith.constant 0 : i32
    %dma_start3A_192 = tpu.memref_slice %arg2[%dma_start3A_184, %dma_start3A_190, %dma_start3A_191] : memref<26x100000x16xf32, #tpu.memory_space<hbm>> -> memref<1x100000x16xf32, #tpu.memory_space<hbm>>
    %dma_start3A_193 = tpu.memref_squeeze %dma_start3A_192 : memref<1x100000x16xf32, #tpu.memory_space<hbm>> -> memref<100000x16xf32, #tpu.memory_space<hbm>>
    %dma_start3A_194 = arith.constant 0 : i32
    %dma_start3A_195 = arith.constant 0 : i32
    %dma_start3A_196 = tpu.memref_slice %dma_start3A_193[%dma_start3A_194, %dma_start3A_195] : memref<100000x16xf32, #tpu.memory_space<hbm>> -> memref<100000x16xf32, #tpu.memory_space<hbm>>
    tpu.enqueue_indirect_dma source(%dma_start3A_196 : memref<100000x16xf32, #tpu.memory_space<hbm>>) target(%dma_start3A_187 : memref<128x16xf32, #tpu.memory_space<vmem>>) offsets(%dma_start3A_189 : memref<128xi32, #tpu.memory_space<vmem>>) semaphore(%arg8 : memref<!tpu.dma_semaphore, #tpu.memory_space<semaphore_mem>>)
    %dma_start3A_197 = arith.constant 15 : i32
    %dma_start3A_198 = arith.constant 1920 : i32
    %dma_start3A_199 = arith.constant 0 : i32
    %dma_start3A_200 = tpu.memref_slice %arg6[%dma_start3A_198, %dma_start3A_199] : memref<3328x16xf32, #tpu.memory_space<vmem>> -> memref<128x16xf32, #tpu.memory_space<vmem>>
    %dma_start3A_201 = arith.constant 1920 : i32
    %dma_start3A_202 = tpu.memref_slice %arg5[%dma_start3A_201] : memref<3328xi32, #tpu.memory_space<vmem>> -> memref<128xi32, #tpu.memory_space<vmem>>
    %dma_start3A_203 = arith.constant 0 : i32
    %dma_start3A_204 = arith.constant 0 : i32
    %dma_start3A_205 = tpu.memref_slice %arg2[%dma_start3A_197, %dma_start3A_203, %dma_start3A_204] : memref<26x100000x16xf32, #tpu.memory_space<hbm>> -> memref<1x100000x16xf32, #tpu.memory_space<hbm>>
    %dma_start3A_206 = tpu.memref_squeeze %dma_start3A_205 : memref<1x100000x16xf32, #tpu.memory_space<hbm>> -> memref<100000x16xf32, #tpu.memory_space<hbm>>
    %dma_start3A_207 = arith.constant 0 : i32
    %dma_start3A_208 = arith.constant 0 : i32
    %dma_start3A_209 = tpu.memref_slice %dma_start3A_206[%dma_start3A_207, %dma_start3A_208] : memref<100000x16xf32, #tpu.memory_space<hbm>> -> memref<100000x16xf32, #tpu.memory_space<hbm>>
    tpu.enqueue_indirect_dma source(%dma_start3A_209 : memref<100000x16xf32, #tpu.memory_space<hbm>>) target(%dma_start3A_200 : memref<128x16xf32, #tpu.memory_space<vmem>>) offsets(%dma_start3A_202 : memref<128xi32, #tpu.memory_space<vmem>>) semaphore(%arg8 : memref<!tpu.dma_semaphore, #tpu.memory_space<semaphore_mem>>)
    %dma_start3A_210 = arith.constant 16 : i32
    %dma_start3A_211 = arith.constant 2048 : i32
    %dma_start3A_212 = arith.constant 0 : i32
    %dma_start3A_213 = tpu.memref_slice %arg6[%dma_start3A_211, %dma_start3A_212] : memref<3328x16xf32, #tpu.memory_space<vmem>> -> memref<128x16xf32, #tpu.memory_space<vmem>>
    %dma_start3A_214 = arith.constant 2048 : i32
    %dma_start3A_215 = tpu.memref_slice %arg5[%dma_start3A_214] : memref<3328xi32, #tpu.memory_space<vmem>> -> memref<128xi32, #tpu.memory_space<vmem>>
    %dma_start3A_216 = arith.constant 0 : i32
    %dma_start3A_217 = arith.constant 0 : i32
    %dma_start3A_218 = tpu.memref_slice %arg2[%dma_start3A_210, %dma_start3A_216, %dma_start3A_217] : memref<26x100000x16xf32, #tpu.memory_space<hbm>> -> memref<1x100000x16xf32, #tpu.memory_space<hbm>>
    %dma_start3A_219 = tpu.memref_squeeze %dma_start3A_218 : memref<1x100000x16xf32, #tpu.memory_space<hbm>> -> memref<100000x16xf32, #tpu.memory_space<hbm>>
    %dma_start3A_220 = arith.constant 0 : i32
    %dma_start3A_221 = arith.constant 0 : i32
    %dma_start3A_222 = tpu.memref_slice %dma_start3A_219[%dma_start3A_220, %dma_start3A_221] : memref<100000x16xf32, #tpu.memory_space<hbm>> -> memref<100000x16xf32, #tpu.memory_space<hbm>>
    tpu.enqueue_indirect_dma source(%dma_start3A_222 : memref<100000x16xf32, #tpu.memory_space<hbm>>) target(%dma_start3A_213 : memref<128x16xf32, #tpu.memory_space<vmem>>) offsets(%dma_start3A_215 : memref<128xi32, #tpu.memory_space<vmem>>) semaphore(%arg8 : memref<!tpu.dma_semaphore, #tpu.memory_space<semaphore_mem>>)
    %dma_start3A_223 = arith.constant 17 : i32
    %dma_start3A_224 = arith.constant 2176 : i32
    %dma_start3A_225 = arith.constant 0 : i32
    %dma_start3A_226 = tpu.memref_slice %arg6[%dma_start3A_224, %dma_start3A_225] : memref<3328x16xf32, #tpu.memory_space<vmem>> -> memref<128x16xf32, #tpu.memory_space<vmem>>
    %dma_start3A_227 = arith.constant 2176 : i32
    %dma_start3A_228 = tpu.memref_slice %arg5[%dma_start3A_227] : memref<3328xi32, #tpu.memory_space<vmem>> -> memref<128xi32, #tpu.memory_space<vmem>>
    %dma_start3A_229 = arith.constant 0 : i32
    %dma_start3A_230 = arith.constant 0 : i32
    %dma_start3A_231 = tpu.memref_slice %arg2[%dma_start3A_223, %dma_start3A_229, %dma_start3A_230] : memref<26x100000x16xf32, #tpu.memory_space<hbm>> -> memref<1x100000x16xf32, #tpu.memory_space<hbm>>
    %dma_start3A_232 = tpu.memref_squeeze %dma_start3A_231 : memref<1x100000x16xf32, #tpu.memory_space<hbm>> -> memref<100000x16xf32, #tpu.memory_space<hbm>>
    %dma_start3A_233 = arith.constant 0 : i32
    %dma_start3A_234 = arith.constant 0 : i32
    %dma_start3A_235 = tpu.memref_slice %dma_start3A_232[%dma_start3A_233, %dma_start3A_234] : memref<100000x16xf32, #tpu.memory_space<hbm>> -> memref<100000x16xf32, #tpu.memory_space<hbm>>
    tpu.enqueue_indirect_dma source(%dma_start3A_235 : memref<100000x16xf32, #tpu.memory_space<hbm>>) target(%dma_start3A_226 : memref<128x16xf32, #tpu.memory_space<vmem>>) offsets(%dma_start3A_228 : memref<128xi32, #tpu.memory_space<vmem>>) semaphore(%arg8 : memref<!tpu.dma_semaphore, #tpu.memory_space<semaphore_mem>>)
    %dma_start3A_236 = arith.constant 18 : i32
    %dma_start3A_237 = arith.constant 2304 : i32
    %dma_start3A_238 = arith.constant 0 : i32
    %dma_start3A_239 = tpu.memref_slice %arg6[%dma_start3A_237, %dma_start3A_238] : memref<3328x16xf32, #tpu.memory_space<vmem>> -> memref<128x16xf32, #tpu.memory_space<vmem>>
    %dma_start3A_240 = arith.constant 2304 : i32
    %dma_start3A_241 = tpu.memref_slice %arg5[%dma_start3A_240] : memref<3328xi32, #tpu.memory_space<vmem>> -> memref<128xi32, #tpu.memory_space<vmem>>
    %dma_start3A_242 = arith.constant 0 : i32
    %dma_start3A_243 = arith.constant 0 : i32
    %dma_start3A_244 = tpu.memref_slice %arg2[%dma_start3A_236, %dma_start3A_242, %dma_start3A_243] : memref<26x100000x16xf32, #tpu.memory_space<hbm>> -> memref<1x100000x16xf32, #tpu.memory_space<hbm>>
    %dma_start3A_245 = tpu.memref_squeeze %dma_start3A_244 : memref<1x100000x16xf32, #tpu.memory_space<hbm>> -> memref<100000x16xf32, #tpu.memory_space<hbm>>
    %dma_start3A_246 = arith.constant 0 : i32
    %dma_start3A_247 = arith.constant 0 : i32
    %dma_start3A_248 = tpu.memref_slice %dma_start3A_245[%dma_start3A_246, %dma_start3A_247] : memref<100000x16xf32, #tpu.memory_space<hbm>> -> memref<100000x16xf32, #tpu.memory_space<hbm>>
    tpu.enqueue_indirect_dma source(%dma_start3A_248 : memref<100000x16xf32, #tpu.memory_space<hbm>>) target(%dma_start3A_239 : memref<128x16xf32, #tpu.memory_space<vmem>>) offsets(%dma_start3A_241 : memref<128xi32, #tpu.memory_space<vmem>>) semaphore(%arg8 : memref<!tpu.dma_semaphore, #tpu.memory_space<semaphore_mem>>)
    %dma_start3A_249 = arith.constant 19 : i32
    %dma_start3A_250 = arith.constant 2432 : i32
    %dma_start3A_251 = arith.constant 0 : i32
    %dma_start3A_252 = tpu.memref_slice %arg6[%dma_start3A_250, %dma_start3A_251] : memref<3328x16xf32, #tpu.memory_space<vmem>> -> memref<128x16xf32, #tpu.memory_space<vmem>>
    %dma_start3A_253 = arith.constant 2432 : i32
    %dma_start3A_254 = tpu.memref_slice %arg5[%dma_start3A_253] : memref<3328xi32, #tpu.memory_space<vmem>> -> memref<128xi32, #tpu.memory_space<vmem>>
    %dma_start3A_255 = arith.constant 0 : i32
    %dma_start3A_256 = arith.constant 0 : i32
    %dma_start3A_257 = tpu.memref_slice %arg2[%dma_start3A_249, %dma_start3A_255, %dma_start3A_256] : memref<26x100000x16xf32, #tpu.memory_space<hbm>> -> memref<1x100000x16xf32, #tpu.memory_space<hbm>>
    %dma_start3A_258 = tpu.memref_squeeze %dma_start3A_257 : memref<1x100000x16xf32, #tpu.memory_space<hbm>> -> memref<100000x16xf32, #tpu.memory_space<hbm>>
    %dma_start3A_259 = arith.constant 0 : i32
    %dma_start3A_260 = arith.constant 0 : i32
    %dma_start3A_261 = tpu.memref_slice %dma_start3A_258[%dma_start3A_259, %dma_start3A_260] : memref<100000x16xf32, #tpu.memory_space<hbm>> -> memref<100000x16xf32, #tpu.memory_space<hbm>>
    tpu.enqueue_indirect_dma source(%dma_start3A_261 : memref<100000x16xf32, #tpu.memory_space<hbm>>) target(%dma_start3A_252 : memref<128x16xf32, #tpu.memory_space<vmem>>) offsets(%dma_start3A_254 : memref<128xi32, #tpu.memory_space<vmem>>) semaphore(%arg8 : memref<!tpu.dma_semaphore, #tpu.memory_space<semaphore_mem>>)
    %dma_start3A_262 = arith.constant 20 : i32
    %dma_start3A_263 = arith.constant 2560 : i32
    %dma_start3A_264 = arith.constant 0 : i32
    %dma_start3A_265 = tpu.memref_slice %arg6[%dma_start3A_263, %dma_start3A_264] : memref<3328x16xf32, #tpu.memory_space<vmem>> -> memref<128x16xf32, #tpu.memory_space<vmem>>
    %dma_start3A_266 = arith.constant 2560 : i32
    %dma_start3A_267 = tpu.memref_slice %arg5[%dma_start3A_266] : memref<3328xi32, #tpu.memory_space<vmem>> -> memref<128xi32, #tpu.memory_space<vmem>>
    %dma_start3A_268 = arith.constant 0 : i32
    %dma_start3A_269 = arith.constant 0 : i32
    %dma_start3A_270 = tpu.memref_slice %arg2[%dma_start3A_262, %dma_start3A_268, %dma_start3A_269] : memref<26x100000x16xf32, #tpu.memory_space<hbm>> -> memref<1x100000x16xf32, #tpu.memory_space<hbm>>
    %dma_start3A_271 = tpu.memref_squeeze %dma_start3A_270 : memref<1x100000x16xf32, #tpu.memory_space<hbm>> -> memref<100000x16xf32, #tpu.memory_space<hbm>>
    %dma_start3A_272 = arith.constant 0 : i32
    %dma_start3A_273 = arith.constant 0 : i32
    %dma_start3A_274 = tpu.memref_slice %dma_start3A_271[%dma_start3A_272, %dma_start3A_273] : memref<100000x16xf32, #tpu.memory_space<hbm>> -> memref<100000x16xf32, #tpu.memory_space<hbm>>
    tpu.enqueue_indirect_dma source(%dma_start3A_274 : memref<100000x16xf32, #tpu.memory_space<hbm>>) target(%dma_start3A_265 : memref<128x16xf32, #tpu.memory_space<vmem>>) offsets(%dma_start3A_267 : memref<128xi32, #tpu.memory_space<vmem>>) semaphore(%arg8 : memref<!tpu.dma_semaphore, #tpu.memory_space<semaphore_mem>>)
    %dma_start3A_275 = arith.constant 21 : i32
    %dma_start3A_276 = arith.constant 2688 : i32
    %dma_start3A_277 = arith.constant 0 : i32
    %dma_start3A_278 = tpu.memref_slice %arg6[%dma_start3A_276, %dma_start3A_277] : memref<3328x16xf32, #tpu.memory_space<vmem>> -> memref<128x16xf32, #tpu.memory_space<vmem>>
    %dma_start3A_279 = arith.constant 2688 : i32
    %dma_start3A_280 = tpu.memref_slice %arg5[%dma_start3A_279] : memref<3328xi32, #tpu.memory_space<vmem>> -> memref<128xi32, #tpu.memory_space<vmem>>
    %dma_start3A_281 = arith.constant 0 : i32
    %dma_start3A_282 = arith.constant 0 : i32
    %dma_start3A_283 = tpu.memref_slice %arg2[%dma_start3A_275, %dma_start3A_281, %dma_start3A_282] : memref<26x100000x16xf32, #tpu.memory_space<hbm>> -> memref<1x100000x16xf32, #tpu.memory_space<hbm>>
    %dma_start3A_284 = tpu.memref_squeeze %dma_start3A_283 : memref<1x100000x16xf32, #tpu.memory_space<hbm>> -> memref<100000x16xf32, #tpu.memory_space<hbm>>
    %dma_start3A_285 = arith.constant 0 : i32
    %dma_start3A_286 = arith.constant 0 : i32
    %dma_start3A_287 = tpu.memref_slice %dma_start3A_284[%dma_start3A_285, %dma_start3A_286] : memref<100000x16xf32, #tpu.memory_space<hbm>> -> memref<100000x16xf32, #tpu.memory_space<hbm>>
    tpu.enqueue_indirect_dma source(%dma_start3A_287 : memref<100000x16xf32, #tpu.memory_space<hbm>>) target(%dma_start3A_278 : memref<128x16xf32, #tpu.memory_space<vmem>>) offsets(%dma_start3A_280 : memref<128xi32, #tpu.memory_space<vmem>>) semaphore(%arg8 : memref<!tpu.dma_semaphore, #tpu.memory_space<semaphore_mem>>)
    %dma_start3A_288 = arith.constant 22 : i32
    %dma_start3A_289 = arith.constant 2816 : i32
    %dma_start3A_290 = arith.constant 0 : i32
    %dma_start3A_291 = tpu.memref_slice %arg6[%dma_start3A_289, %dma_start3A_290] : memref<3328x16xf32, #tpu.memory_space<vmem>> -> memref<128x16xf32, #tpu.memory_space<vmem>>
    %dma_start3A_292 = arith.constant 2816 : i32
    %dma_start3A_293 = tpu.memref_slice %arg5[%dma_start3A_292] : memref<3328xi32, #tpu.memory_space<vmem>> -> memref<128xi32, #tpu.memory_space<vmem>>
    %dma_start3A_294 = arith.constant 0 : i32
    %dma_start3A_295 = arith.constant 0 : i32
    %dma_start3A_296 = tpu.memref_slice %arg2[%dma_start3A_288, %dma_start3A_294, %dma_start3A_295] : memref<26x100000x16xf32, #tpu.memory_space<hbm>> -> memref<1x100000x16xf32, #tpu.memory_space<hbm>>
    %dma_start3A_297 = tpu.memref_squeeze %dma_start3A_296 : memref<1x100000x16xf32, #tpu.memory_space<hbm>> -> memref<100000x16xf32, #tpu.memory_space<hbm>>
    %dma_start3A_298 = arith.constant 0 : i32
    %dma_start3A_299 = arith.constant 0 : i32
    %dma_start3A_300 = tpu.memref_slice %dma_start3A_297[%dma_start3A_298, %dma_start3A_299] : memref<100000x16xf32, #tpu.memory_space<hbm>> -> memref<100000x16xf32, #tpu.memory_space<hbm>>
    tpu.enqueue_indirect_dma source(%dma_start3A_300 : memref<100000x16xf32, #tpu.memory_space<hbm>>) target(%dma_start3A_291 : memref<128x16xf32, #tpu.memory_space<vmem>>) offsets(%dma_start3A_293 : memref<128xi32, #tpu.memory_space<vmem>>) semaphore(%arg8 : memref<!tpu.dma_semaphore, #tpu.memory_space<semaphore_mem>>)
    %dma_start3A_301 = arith.constant 23 : i32
    %dma_start3A_302 = arith.constant 2944 : i32
    %dma_start3A_303 = arith.constant 0 : i32
    %dma_start3A_304 = tpu.memref_slice %arg6[%dma_start3A_302, %dma_start3A_303] : memref<3328x16xf32, #tpu.memory_space<vmem>> -> memref<128x16xf32, #tpu.memory_space<vmem>>
    %dma_start3A_305 = arith.constant 2944 : i32
    %dma_start3A_306 = tpu.memref_slice %arg5[%dma_start3A_305] : memref<3328xi32, #tpu.memory_space<vmem>> -> memref<128xi32, #tpu.memory_space<vmem>>
    %dma_start3A_307 = arith.constant 0 : i32
    %dma_start3A_308 = arith.constant 0 : i32
    %dma_start3A_309 = tpu.memref_slice %arg2[%dma_start3A_301, %dma_start3A_307, %dma_start3A_308] : memref<26x100000x16xf32, #tpu.memory_space<hbm>> -> memref<1x100000x16xf32, #tpu.memory_space<hbm>>
    %dma_start3A_310 = tpu.memref_squeeze %dma_start3A_309 : memref<1x100000x16xf32, #tpu.memory_space<hbm>> -> memref<100000x16xf32, #tpu.memory_space<hbm>>
    %dma_start3A_311 = arith.constant 0 : i32
    %dma_start3A_312 = arith.constant 0 : i32
    %dma_start3A_313 = tpu.memref_slice %dma_start3A_310[%dma_start3A_311, %dma_start3A_312] : memref<100000x16xf32, #tpu.memory_space<hbm>> -> memref<100000x16xf32, #tpu.memory_space<hbm>>
    tpu.enqueue_indirect_dma source(%dma_start3A_313 : memref<100000x16xf32, #tpu.memory_space<hbm>>) target(%dma_start3A_304 : memref<128x16xf32, #tpu.memory_space<vmem>>) offsets(%dma_start3A_306 : memref<128xi32, #tpu.memory_space<vmem>>) semaphore(%arg8 : memref<!tpu.dma_semaphore, #tpu.memory_space<semaphore_mem>>)
    %dma_start3A_314 = arith.constant 24 : i32
    %dma_start3A_315 = arith.constant 3072 : i32
    %dma_start3A_316 = arith.constant 0 : i32
    %dma_start3A_317 = tpu.memref_slice %arg6[%dma_start3A_315, %dma_start3A_316] : memref<3328x16xf32, #tpu.memory_space<vmem>> -> memref<128x16xf32, #tpu.memory_space<vmem>>
    %dma_start3A_318 = arith.constant 3072 : i32
    %dma_start3A_319 = tpu.memref_slice %arg5[%dma_start3A_318] : memref<3328xi32, #tpu.memory_space<vmem>> -> memref<128xi32, #tpu.memory_space<vmem>>
    %dma_start3A_320 = arith.constant 0 : i32
    %dma_start3A_321 = arith.constant 0 : i32
    %dma_start3A_322 = tpu.memref_slice %arg2[%dma_start3A_314, %dma_start3A_320, %dma_start3A_321] : memref<26x100000x16xf32, #tpu.memory_space<hbm>> -> memref<1x100000x16xf32, #tpu.memory_space<hbm>>
    %dma_start3A_323 = tpu.memref_squeeze %dma_start3A_322 : memref<1x100000x16xf32, #tpu.memory_space<hbm>> -> memref<100000x16xf32, #tpu.memory_space<hbm>>
    %dma_start3A_324 = arith.constant 0 : i32
    %dma_start3A_325 = arith.constant 0 : i32
    %dma_start3A_326 = tpu.memref_slice %dma_start3A_323[%dma_start3A_324, %dma_start3A_325] : memref<100000x16xf32, #tpu.memory_space<hbm>> -> memref<100000x16xf32, #tpu.memory_space<hbm>>
    tpu.enqueue_indirect_dma source(%dma_start3A_326 : memref<100000x16xf32, #tpu.memory_space<hbm>>) target(%dma_start3A_317 : memref<128x16xf32, #tpu.memory_space<vmem>>) offsets(%dma_start3A_319 : memref<128xi32, #tpu.memory_space<vmem>>) semaphore(%arg8 : memref<!tpu.dma_semaphore, #tpu.memory_space<semaphore_mem>>)
    %dma_start3A_327 = arith.constant 25 : i32
    %dma_start3A_328 = arith.constant 3200 : i32
    %dma_start3A_329 = arith.constant 0 : i32
    %dma_start3A_330 = tpu.memref_slice %arg6[%dma_start3A_328, %dma_start3A_329] : memref<3328x16xf32, #tpu.memory_space<vmem>> -> memref<128x16xf32, #tpu.memory_space<vmem>>
    %dma_start3A_331 = arith.constant 3200 : i32
    %dma_start3A_332 = tpu.memref_slice %arg5[%dma_start3A_331] : memref<3328xi32, #tpu.memory_space<vmem>> -> memref<128xi32, #tpu.memory_space<vmem>>
    %dma_start3A_333 = arith.constant 0 : i32
    %dma_start3A_334 = arith.constant 0 : i32
    %dma_start3A_335 = tpu.memref_slice %arg2[%dma_start3A_327, %dma_start3A_333, %dma_start3A_334] : memref<26x100000x16xf32, #tpu.memory_space<hbm>> -> memref<1x100000x16xf32, #tpu.memory_space<hbm>>
    %dma_start3A_336 = tpu.memref_squeeze %dma_start3A_335 : memref<1x100000x16xf32, #tpu.memory_space<hbm>> -> memref<100000x16xf32, #tpu.memory_space<hbm>>
    %dma_start3A_337 = arith.constant 0 : i32
    %dma_start3A_338 = arith.constant 0 : i32
    %dma_start3A_339 = tpu.memref_slice %dma_start3A_336[%dma_start3A_337, %dma_start3A_338] : memref<100000x16xf32, #tpu.memory_space<hbm>> -> memref<100000x16xf32, #tpu.memory_space<hbm>>
    tpu.enqueue_indirect_dma source(%dma_start3A_339 : memref<100000x16xf32, #tpu.memory_space<hbm>>) target(%dma_start3A_330 : memref<128x16xf32, #tpu.memory_space<vmem>>) offsets(%dma_start3A_332 : memref<128xi32, #tpu.memory_space<vmem>>) semaphore(%arg8 : memref<!tpu.dma_semaphore, #tpu.memory_space<semaphore_mem>>)
    %dma_wait3A = arith.constant 0 : i32
    %dma_wait3A_340 = arith.constant 0 : i32
    %dma_wait3A_341 = arith.constant 0 : i32
    %dma_wait3A_342 = tpu.memref_slice %arg6[%dma_wait3A_340, %dma_wait3A_341] : memref<3328x16xf32, #tpu.memory_space<vmem>> -> memref<128x16xf32, #tpu.memory_space<vmem>>
    %dma_wait3A_343 = arith.constant 0 : i32
    %dma_wait3A_344 = tpu.memref_slice %arg5[%dma_wait3A_343] : memref<3328xi32, #tpu.memory_space<vmem>> -> memref<128xi32, #tpu.memory_space<vmem>>
    %dma_wait3A_345 = arith.constant 0 : i32
    %dma_wait3A_346 = arith.constant 0 : i32
    %dma_wait3A_347 = tpu.memref_slice %arg2[%dma_wait3A, %dma_wait3A_345, %dma_wait3A_346] : memref<26x100000x16xf32, #tpu.memory_space<hbm>> -> memref<1x100000x16xf32, #tpu.memory_space<hbm>>
    %dma_wait3A_348 = tpu.memref_squeeze %dma_wait3A_347 : memref<1x100000x16xf32, #tpu.memory_space<hbm>> -> memref<100000x16xf32, #tpu.memory_space<hbm>>
    %dma_wait3A_349 = arith.constant 0 : i32
    %dma_wait3A_350 = arith.constant 0 : i32
    %dma_wait3A_351 = tpu.memref_slice %dma_wait3A_348[%dma_wait3A_349, %dma_wait3A_350] : memref<100000x16xf32, #tpu.memory_space<hbm>> -> memref<100000x16xf32, #tpu.memory_space<hbm>>
    tpu.wait_indirect_dma semaphore(%arg8 : memref<!tpu.dma_semaphore, #tpu.memory_space<semaphore_mem>>) src(%dma_wait3A_351 : memref<100000x16xf32, #tpu.memory_space<hbm>>) dst(%dma_wait3A_342 : memref<128x16xf32, #tpu.memory_space<vmem>>)
    %dma_wait3A_352 = arith.constant 1 : i32
    %dma_wait3A_353 = arith.constant 128 : i32
    %dma_wait3A_354 = arith.constant 0 : i32
    %dma_wait3A_355 = tpu.memref_slice %arg6[%dma_wait3A_353, %dma_wait3A_354] : memref<3328x16xf32, #tpu.memory_space<vmem>> -> memref<128x16xf32, #tpu.memory_space<vmem>>
    %dma_wait3A_356 = arith.constant 128 : i32
    %dma_wait3A_357 = tpu.memref_slice %arg5[%dma_wait3A_356] : memref<3328xi32, #tpu.memory_space<vmem>> -> memref<128xi32, #tpu.memory_space<vmem>>
    %dma_wait3A_358 = arith.constant 0 : i32
    %dma_wait3A_359 = arith.constant 0 : i32
    %dma_wait3A_360 = tpu.memref_slice %arg2[%dma_wait3A_352, %dma_wait3A_358, %dma_wait3A_359] : memref<26x100000x16xf32, #tpu.memory_space<hbm>> -> memref<1x100000x16xf32, #tpu.memory_space<hbm>>
    %dma_wait3A_361 = tpu.memref_squeeze %dma_wait3A_360 : memref<1x100000x16xf32, #tpu.memory_space<hbm>> -> memref<100000x16xf32, #tpu.memory_space<hbm>>
    %dma_wait3A_362 = arith.constant 0 : i32
    %dma_wait3A_363 = arith.constant 0 : i32
    %dma_wait3A_364 = tpu.memref_slice %dma_wait3A_361[%dma_wait3A_362, %dma_wait3A_363] : memref<100000x16xf32, #tpu.memory_space<hbm>> -> memref<100000x16xf32, #tpu.memory_space<hbm>>
    tpu.wait_indirect_dma semaphore(%arg8 : memref<!tpu.dma_semaphore, #tpu.memory_space<semaphore_mem>>) src(%dma_wait3A_364 : memref<100000x16xf32, #tpu.memory_space<hbm>>) dst(%dma_wait3A_355 : memref<128x16xf32, #tpu.memory_space<vmem>>)
    %dma_wait3A_365 = arith.constant 2 : i32
    %dma_wait3A_366 = arith.constant 256 : i32
    %dma_wait3A_367 = arith.constant 0 : i32
    %dma_wait3A_368 = tpu.memref_slice %arg6[%dma_wait3A_366, %dma_wait3A_367] : memref<3328x16xf32, #tpu.memory_space<vmem>> -> memref<128x16xf32, #tpu.memory_space<vmem>>
    %dma_wait3A_369 = arith.constant 256 : i32
    %dma_wait3A_370 = tpu.memref_slice %arg5[%dma_wait3A_369] : memref<3328xi32, #tpu.memory_space<vmem>> -> memref<128xi32, #tpu.memory_space<vmem>>
    %dma_wait3A_371 = arith.constant 0 : i32
    %dma_wait3A_372 = arith.constant 0 : i32
    %dma_wait3A_373 = tpu.memref_slice %arg2[%dma_wait3A_365, %dma_wait3A_371, %dma_wait3A_372] : memref<26x100000x16xf32, #tpu.memory_space<hbm>> -> memref<1x100000x16xf32, #tpu.memory_space<hbm>>
    %dma_wait3A_374 = tpu.memref_squeeze %dma_wait3A_373 : memref<1x100000x16xf32, #tpu.memory_space<hbm>> -> memref<100000x16xf32, #tpu.memory_space<hbm>>
    %dma_wait3A_375 = arith.constant 0 : i32
    %dma_wait3A_376 = arith.constant 0 : i32
    %dma_wait3A_377 = tpu.memref_slice %dma_wait3A_374[%dma_wait3A_375, %dma_wait3A_376] : memref<100000x16xf32, #tpu.memory_space<hbm>> -> memref<100000x16xf32, #tpu.memory_space<hbm>>
    tpu.wait_indirect_dma semaphore(%arg8 : memref<!tpu.dma_semaphore, #tpu.memory_space<semaphore_mem>>) src(%dma_wait3A_377 : memref<100000x16xf32, #tpu.memory_space<hbm>>) dst(%dma_wait3A_368 : memref<128x16xf32, #tpu.memory_space<vmem>>)
    %dma_wait3A_378 = arith.constant 3 : i32
    %dma_wait3A_379 = arith.constant 384 : i32
    %dma_wait3A_380 = arith.constant 0 : i32
    %dma_wait3A_381 = tpu.memref_slice %arg6[%dma_wait3A_379, %dma_wait3A_380] : memref<3328x16xf32, #tpu.memory_space<vmem>> -> memref<128x16xf32, #tpu.memory_space<vmem>>
    %dma_wait3A_382 = arith.constant 384 : i32
    %dma_wait3A_383 = tpu.memref_slice %arg5[%dma_wait3A_382] : memref<3328xi32, #tpu.memory_space<vmem>> -> memref<128xi32, #tpu.memory_space<vmem>>
    %dma_wait3A_384 = arith.constant 0 : i32
    %dma_wait3A_385 = arith.constant 0 : i32
    %dma_wait3A_386 = tpu.memref_slice %arg2[%dma_wait3A_378, %dma_wait3A_384, %dma_wait3A_385] : memref<26x100000x16xf32, #tpu.memory_space<hbm>> -> memref<1x100000x16xf32, #tpu.memory_space<hbm>>
    %dma_wait3A_387 = tpu.memref_squeeze %dma_wait3A_386 : memref<1x100000x16xf32, #tpu.memory_space<hbm>> -> memref<100000x16xf32, #tpu.memory_space<hbm>>
    %dma_wait3A_388 = arith.constant 0 : i32
    %dma_wait3A_389 = arith.constant 0 : i32
    %dma_wait3A_390 = tpu.memref_slice %dma_wait3A_387[%dma_wait3A_388, %dma_wait3A_389] : memref<100000x16xf32, #tpu.memory_space<hbm>> -> memref<100000x16xf32, #tpu.memory_space<hbm>>
    tpu.wait_indirect_dma semaphore(%arg8 : memref<!tpu.dma_semaphore, #tpu.memory_space<semaphore_mem>>) src(%dma_wait3A_390 : memref<100000x16xf32, #tpu.memory_space<hbm>>) dst(%dma_wait3A_381 : memref<128x16xf32, #tpu.memory_space<vmem>>)
    %dma_wait3A_391 = arith.constant 4 : i32
    %dma_wait3A_392 = arith.constant 512 : i32
    %dma_wait3A_393 = arith.constant 0 : i32
    %dma_wait3A_394 = tpu.memref_slice %arg6[%dma_wait3A_392, %dma_wait3A_393] : memref<3328x16xf32, #tpu.memory_space<vmem>> -> memref<128x16xf32, #tpu.memory_space<vmem>>
    %dma_wait3A_395 = arith.constant 512 : i32
    %dma_wait3A_396 = tpu.memref_slice %arg5[%dma_wait3A_395] : memref<3328xi32, #tpu.memory_space<vmem>> -> memref<128xi32, #tpu.memory_space<vmem>>
    %dma_wait3A_397 = arith.constant 0 : i32
    %dma_wait3A_398 = arith.constant 0 : i32
    %dma_wait3A_399 = tpu.memref_slice %arg2[%dma_wait3A_391, %dma_wait3A_397, %dma_wait3A_398] : memref<26x100000x16xf32, #tpu.memory_space<hbm>> -> memref<1x100000x16xf32, #tpu.memory_space<hbm>>
    %dma_wait3A_400 = tpu.memref_squeeze %dma_wait3A_399 : memref<1x100000x16xf32, #tpu.memory_space<hbm>> -> memref<100000x16xf32, #tpu.memory_space<hbm>>
    %dma_wait3A_401 = arith.constant 0 : i32
    %dma_wait3A_402 = arith.constant 0 : i32
    %dma_wait3A_403 = tpu.memref_slice %dma_wait3A_400[%dma_wait3A_401, %dma_wait3A_402] : memref<100000x16xf32, #tpu.memory_space<hbm>> -> memref<100000x16xf32, #tpu.memory_space<hbm>>
    tpu.wait_indirect_dma semaphore(%arg8 : memref<!tpu.dma_semaphore, #tpu.memory_space<semaphore_mem>>) src(%dma_wait3A_403 : memref<100000x16xf32, #tpu.memory_space<hbm>>) dst(%dma_wait3A_394 : memref<128x16xf32, #tpu.memory_space<vmem>>)
    %dma_wait3A_404 = arith.constant 5 : i32
    %dma_wait3A_405 = arith.constant 640 : i32
    %dma_wait3A_406 = arith.constant 0 : i32
    %dma_wait3A_407 = tpu.memref_slice %arg6[%dma_wait3A_405, %dma_wait3A_406] : memref<3328x16xf32, #tpu.memory_space<vmem>> -> memref<128x16xf32, #tpu.memory_space<vmem>>
    %dma_wait3A_408 = arith.constant 640 : i32
    %dma_wait3A_409 = tpu.memref_slice %arg5[%dma_wait3A_408] : memref<3328xi32, #tpu.memory_space<vmem>> -> memref<128xi32, #tpu.memory_space<vmem>>
    %dma_wait3A_410 = arith.constant 0 : i32
    %dma_wait3A_411 = arith.constant 0 : i32
    %dma_wait3A_412 = tpu.memref_slice %arg2[%dma_wait3A_404, %dma_wait3A_410, %dma_wait3A_411] : memref<26x100000x16xf32, #tpu.memory_space<hbm>> -> memref<1x100000x16xf32, #tpu.memory_space<hbm>>
    %dma_wait3A_413 = tpu.memref_squeeze %dma_wait3A_412 : memref<1x100000x16xf32, #tpu.memory_space<hbm>> -> memref<100000x16xf32, #tpu.memory_space<hbm>>
    %dma_wait3A_414 = arith.constant 0 : i32
    %dma_wait3A_415 = arith.constant 0 : i32
    %dma_wait3A_416 = tpu.memref_slice %dma_wait3A_413[%dma_wait3A_414, %dma_wait3A_415] : memref<100000x16xf32, #tpu.memory_space<hbm>> -> memref<100000x16xf32, #tpu.memory_space<hbm>>
    tpu.wait_indirect_dma semaphore(%arg8 : memref<!tpu.dma_semaphore, #tpu.memory_space<semaphore_mem>>) src(%dma_wait3A_416 : memref<100000x16xf32, #tpu.memory_space<hbm>>) dst(%dma_wait3A_407 : memref<128x16xf32, #tpu.memory_space<vmem>>)
    %dma_wait3A_417 = arith.constant 6 : i32
    %dma_wait3A_418 = arith.constant 768 : i32
    %dma_wait3A_419 = arith.constant 0 : i32
    %dma_wait3A_420 = tpu.memref_slice %arg6[%dma_wait3A_418, %dma_wait3A_419] : memref<3328x16xf32, #tpu.memory_space<vmem>> -> memref<128x16xf32, #tpu.memory_space<vmem>>
    %dma_wait3A_421 = arith.constant 768 : i32
    %dma_wait3A_422 = tpu.memref_slice %arg5[%dma_wait3A_421] : memref<3328xi32, #tpu.memory_space<vmem>> -> memref<128xi32, #tpu.memory_space<vmem>>
    %dma_wait3A_423 = arith.constant 0 : i32
    %dma_wait3A_424 = arith.constant 0 : i32
    %dma_wait3A_425 = tpu.memref_slice %arg2[%dma_wait3A_417, %dma_wait3A_423, %dma_wait3A_424] : memref<26x100000x16xf32, #tpu.memory_space<hbm>> -> memref<1x100000x16xf32, #tpu.memory_space<hbm>>
    %dma_wait3A_426 = tpu.memref_squeeze %dma_wait3A_425 : memref<1x100000x16xf32, #tpu.memory_space<hbm>> -> memref<100000x16xf32, #tpu.memory_space<hbm>>
    %dma_wait3A_427 = arith.constant 0 : i32
    %dma_wait3A_428 = arith.constant 0 : i32
    %dma_wait3A_429 = tpu.memref_slice %dma_wait3A_426[%dma_wait3A_427, %dma_wait3A_428] : memref<100000x16xf32, #tpu.memory_space<hbm>> -> memref<100000x16xf32, #tpu.memory_space<hbm>>
    tpu.wait_indirect_dma semaphore(%arg8 : memref<!tpu.dma_semaphore, #tpu.memory_space<semaphore_mem>>) src(%dma_wait3A_429 : memref<100000x16xf32, #tpu.memory_space<hbm>>) dst(%dma_wait3A_420 : memref<128x16xf32, #tpu.memory_space<vmem>>)
    %dma_wait3A_430 = arith.constant 7 : i32
    %dma_wait3A_431 = arith.constant 896 : i32
    %dma_wait3A_432 = arith.constant 0 : i32
    %dma_wait3A_433 = tpu.memref_slice %arg6[%dma_wait3A_431, %dma_wait3A_432] : memref<3328x16xf32, #tpu.memory_space<vmem>> -> memref<128x16xf32, #tpu.memory_space<vmem>>
    %dma_wait3A_434 = arith.constant 896 : i32
    %dma_wait3A_435 = tpu.memref_slice %arg5[%dma_wait3A_434] : memref<3328xi32, #tpu.memory_space<vmem>> -> memref<128xi32, #tpu.memory_space<vmem>>
    %dma_wait3A_436 = arith.constant 0 : i32
    %dma_wait3A_437 = arith.constant 0 : i32
    %dma_wait3A_438 = tpu.memref_slice %arg2[%dma_wait3A_430, %dma_wait3A_436, %dma_wait3A_437] : memref<26x100000x16xf32, #tpu.memory_space<hbm>> -> memref<1x100000x16xf32, #tpu.memory_space<hbm>>
    %dma_wait3A_439 = tpu.memref_squeeze %dma_wait3A_438 : memref<1x100000x16xf32, #tpu.memory_space<hbm>> -> memref<100000x16xf32, #tpu.memory_space<hbm>>
    %dma_wait3A_440 = arith.constant 0 : i32
    %dma_wait3A_441 = arith.constant 0 : i32
    %dma_wait3A_442 = tpu.memref_slice %dma_wait3A_439[%dma_wait3A_440, %dma_wait3A_441] : memref<100000x16xf32, #tpu.memory_space<hbm>> -> memref<100000x16xf32, #tpu.memory_space<hbm>>
    tpu.wait_indirect_dma semaphore(%arg8 : memref<!tpu.dma_semaphore, #tpu.memory_space<semaphore_mem>>) src(%dma_wait3A_442 : memref<100000x16xf32, #tpu.memory_space<hbm>>) dst(%dma_wait3A_433 : memref<128x16xf32, #tpu.memory_space<vmem>>)
    %dma_wait3A_443 = arith.constant 8 : i32
    %dma_wait3A_444 = arith.constant 1024 : i32
    %dma_wait3A_445 = arith.constant 0 : i32
    %dma_wait3A_446 = tpu.memref_slice %arg6[%dma_wait3A_444, %dma_wait3A_445] : memref<3328x16xf32, #tpu.memory_space<vmem>> -> memref<128x16xf32, #tpu.memory_space<vmem>>
    %dma_wait3A_447 = arith.constant 1024 : i32
    %dma_wait3A_448 = tpu.memref_slice %arg5[%dma_wait3A_447] : memref<3328xi32, #tpu.memory_space<vmem>> -> memref<128xi32, #tpu.memory_space<vmem>>
    %dma_wait3A_449 = arith.constant 0 : i32
    %dma_wait3A_450 = arith.constant 0 : i32
    %dma_wait3A_451 = tpu.memref_slice %arg2[%dma_wait3A_443, %dma_wait3A_449, %dma_wait3A_450] : memref<26x100000x16xf32, #tpu.memory_space<hbm>> -> memref<1x100000x16xf32, #tpu.memory_space<hbm>>
    %dma_wait3A_452 = tpu.memref_squeeze %dma_wait3A_451 : memref<1x100000x16xf32, #tpu.memory_space<hbm>> -> memref<100000x16xf32, #tpu.memory_space<hbm>>
    %dma_wait3A_453 = arith.constant 0 : i32
    %dma_wait3A_454 = arith.constant 0 : i32
    %dma_wait3A_455 = tpu.memref_slice %dma_wait3A_452[%dma_wait3A_453, %dma_wait3A_454] : memref<100000x16xf32, #tpu.memory_space<hbm>> -> memref<100000x16xf32, #tpu.memory_space<hbm>>
    tpu.wait_indirect_dma semaphore(%arg8 : memref<!tpu.dma_semaphore, #tpu.memory_space<semaphore_mem>>) src(%dma_wait3A_455 : memref<100000x16xf32, #tpu.memory_space<hbm>>) dst(%dma_wait3A_446 : memref<128x16xf32, #tpu.memory_space<vmem>>)
    %dma_wait3A_456 = arith.constant 9 : i32
    %dma_wait3A_457 = arith.constant 1152 : i32
    %dma_wait3A_458 = arith.constant 0 : i32
    %dma_wait3A_459 = tpu.memref_slice %arg6[%dma_wait3A_457, %dma_wait3A_458] : memref<3328x16xf32, #tpu.memory_space<vmem>> -> memref<128x16xf32, #tpu.memory_space<vmem>>
    %dma_wait3A_460 = arith.constant 1152 : i32
    %dma_wait3A_461 = tpu.memref_slice %arg5[%dma_wait3A_460] : memref<3328xi32, #tpu.memory_space<vmem>> -> memref<128xi32, #tpu.memory_space<vmem>>
    %dma_wait3A_462 = arith.constant 0 : i32
    %dma_wait3A_463 = arith.constant 0 : i32
    %dma_wait3A_464 = tpu.memref_slice %arg2[%dma_wait3A_456, %dma_wait3A_462, %dma_wait3A_463] : memref<26x100000x16xf32, #tpu.memory_space<hbm>> -> memref<1x100000x16xf32, #tpu.memory_space<hbm>>
    %dma_wait3A_465 = tpu.memref_squeeze %dma_wait3A_464 : memref<1x100000x16xf32, #tpu.memory_space<hbm>> -> memref<100000x16xf32, #tpu.memory_space<hbm>>
    %dma_wait3A_466 = arith.constant 0 : i32
    %dma_wait3A_467 = arith.constant 0 : i32
    %dma_wait3A_468 = tpu.memref_slice %dma_wait3A_465[%dma_wait3A_466, %dma_wait3A_467] : memref<100000x16xf32, #tpu.memory_space<hbm>> -> memref<100000x16xf32, #tpu.memory_space<hbm>>
    tpu.wait_indirect_dma semaphore(%arg8 : memref<!tpu.dma_semaphore, #tpu.memory_space<semaphore_mem>>) src(%dma_wait3A_468 : memref<100000x16xf32, #tpu.memory_space<hbm>>) dst(%dma_wait3A_459 : memref<128x16xf32, #tpu.memory_space<vmem>>)
    %dma_wait3A_469 = arith.constant 10 : i32
    %dma_wait3A_470 = arith.constant 1280 : i32
    %dma_wait3A_471 = arith.constant 0 : i32
    %dma_wait3A_472 = tpu.memref_slice %arg6[%dma_wait3A_470, %dma_wait3A_471] : memref<3328x16xf32, #tpu.memory_space<vmem>> -> memref<128x16xf32, #tpu.memory_space<vmem>>
    %dma_wait3A_473 = arith.constant 1280 : i32
    %dma_wait3A_474 = tpu.memref_slice %arg5[%dma_wait3A_473] : memref<3328xi32, #tpu.memory_space<vmem>> -> memref<128xi32, #tpu.memory_space<vmem>>
    %dma_wait3A_475 = arith.constant 0 : i32
    %dma_wait3A_476 = arith.constant 0 : i32
    %dma_wait3A_477 = tpu.memref_slice %arg2[%dma_wait3A_469, %dma_wait3A_475, %dma_wait3A_476] : memref<26x100000x16xf32, #tpu.memory_space<hbm>> -> memref<1x100000x16xf32, #tpu.memory_space<hbm>>
    %dma_wait3A_478 = tpu.memref_squeeze %dma_wait3A_477 : memref<1x100000x16xf32, #tpu.memory_space<hbm>> -> memref<100000x16xf32, #tpu.memory_space<hbm>>
    %dma_wait3A_479 = arith.constant 0 : i32
    %dma_wait3A_480 = arith.constant 0 : i32
    %dma_wait3A_481 = tpu.memref_slice %dma_wait3A_478[%dma_wait3A_479, %dma_wait3A_480] : memref<100000x16xf32, #tpu.memory_space<hbm>> -> memref<100000x16xf32, #tpu.memory_space<hbm>>
    tpu.wait_indirect_dma semaphore(%arg8 : memref<!tpu.dma_semaphore, #tpu.memory_space<semaphore_mem>>) src(%dma_wait3A_481 : memref<100000x16xf32, #tpu.memory_space<hbm>>) dst(%dma_wait3A_472 : memref<128x16xf32, #tpu.memory_space<vmem>>)
    %dma_wait3A_482 = arith.constant 11 : i32
    %dma_wait3A_483 = arith.constant 1408 : i32
    %dma_wait3A_484 = arith.constant 0 : i32
    %dma_wait3A_485 = tpu.memref_slice %arg6[%dma_wait3A_483, %dma_wait3A_484] : memref<3328x16xf32, #tpu.memory_space<vmem>> -> memref<128x16xf32, #tpu.memory_space<vmem>>
    %dma_wait3A_486 = arith.constant 1408 : i32
    %dma_wait3A_487 = tpu.memref_slice %arg5[%dma_wait3A_486] : memref<3328xi32, #tpu.memory_space<vmem>> -> memref<128xi32, #tpu.memory_space<vmem>>
    %dma_wait3A_488 = arith.constant 0 : i32
    %dma_wait3A_489 = arith.constant 0 : i32
    %dma_wait3A_490 = tpu.memref_slice %arg2[%dma_wait3A_482, %dma_wait3A_488, %dma_wait3A_489] : memref<26x100000x16xf32, #tpu.memory_space<hbm>> -> memref<1x100000x16xf32, #tpu.memory_space<hbm>>
    %dma_wait3A_491 = tpu.memref_squeeze %dma_wait3A_490 : memref<1x100000x16xf32, #tpu.memory_space<hbm>> -> memref<100000x16xf32, #tpu.memory_space<hbm>>
    %dma_wait3A_492 = arith.constant 0 : i32
    %dma_wait3A_493 = arith.constant 0 : i32
    %dma_wait3A_494 = tpu.memref_slice %dma_wait3A_491[%dma_wait3A_492, %dma_wait3A_493] : memref<100000x16xf32, #tpu.memory_space<hbm>> -> memref<100000x16xf32, #tpu.memory_space<hbm>>
    tpu.wait_indirect_dma semaphore(%arg8 : memref<!tpu.dma_semaphore, #tpu.memory_space<semaphore_mem>>) src(%dma_wait3A_494 : memref<100000x16xf32, #tpu.memory_space<hbm>>) dst(%dma_wait3A_485 : memref<128x16xf32, #tpu.memory_space<vmem>>)
    %dma_wait3A_495 = arith.constant 12 : i32
    %dma_wait3A_496 = arith.constant 1536 : i32
    %dma_wait3A_497 = arith.constant 0 : i32
    %dma_wait3A_498 = tpu.memref_slice %arg6[%dma_wait3A_496, %dma_wait3A_497] : memref<3328x16xf32, #tpu.memory_space<vmem>> -> memref<128x16xf32, #tpu.memory_space<vmem>>
    %dma_wait3A_499 = arith.constant 1536 : i32
    %dma_wait3A_500 = tpu.memref_slice %arg5[%dma_wait3A_499] : memref<3328xi32, #tpu.memory_space<vmem>> -> memref<128xi32, #tpu.memory_space<vmem>>
    %dma_wait3A_501 = arith.constant 0 : i32
    %dma_wait3A_502 = arith.constant 0 : i32
    %dma_wait3A_503 = tpu.memref_slice %arg2[%dma_wait3A_495, %dma_wait3A_501, %dma_wait3A_502] : memref<26x100000x16xf32, #tpu.memory_space<hbm>> -> memref<1x100000x16xf32, #tpu.memory_space<hbm>>
    %dma_wait3A_504 = tpu.memref_squeeze %dma_wait3A_503 : memref<1x100000x16xf32, #tpu.memory_space<hbm>> -> memref<100000x16xf32, #tpu.memory_space<hbm>>
    %dma_wait3A_505 = arith.constant 0 : i32
    %dma_wait3A_506 = arith.constant 0 : i32
    %dma_wait3A_507 = tpu.memref_slice %dma_wait3A_504[%dma_wait3A_505, %dma_wait3A_506] : memref<100000x16xf32, #tpu.memory_space<hbm>> -> memref<100000x16xf32, #tpu.memory_space<hbm>>
    tpu.wait_indirect_dma semaphore(%arg8 : memref<!tpu.dma_semaphore, #tpu.memory_space<semaphore_mem>>) src(%dma_wait3A_507 : memref<100000x16xf32, #tpu.memory_space<hbm>>) dst(%dma_wait3A_498 : memref<128x16xf32, #tpu.memory_space<vmem>>)
    %dma_wait3A_508 = arith.constant 13 : i32
    %dma_wait3A_509 = arith.constant 1664 : i32
    %dma_wait3A_510 = arith.constant 0 : i32
    %dma_wait3A_511 = tpu.memref_slice %arg6[%dma_wait3A_509, %dma_wait3A_510] : memref<3328x16xf32, #tpu.memory_space<vmem>> -> memref<128x16xf32, #tpu.memory_space<vmem>>
    %dma_wait3A_512 = arith.constant 1664 : i32
    %dma_wait3A_513 = tpu.memref_slice %arg5[%dma_wait3A_512] : memref<3328xi32, #tpu.memory_space<vmem>> -> memref<128xi32, #tpu.memory_space<vmem>>
    %dma_wait3A_514 = arith.constant 0 : i32
    %dma_wait3A_515 = arith.constant 0 : i32
    %dma_wait3A_516 = tpu.memref_slice %arg2[%dma_wait3A_508, %dma_wait3A_514, %dma_wait3A_515] : memref<26x100000x16xf32, #tpu.memory_space<hbm>> -> memref<1x100000x16xf32, #tpu.memory_space<hbm>>
    %dma_wait3A_517 = tpu.memref_squeeze %dma_wait3A_516 : memref<1x100000x16xf32, #tpu.memory_space<hbm>> -> memref<100000x16xf32, #tpu.memory_space<hbm>>
    %dma_wait3A_518 = arith.constant 0 : i32
    %dma_wait3A_519 = arith.constant 0 : i32
    %dma_wait3A_520 = tpu.memref_slice %dma_wait3A_517[%dma_wait3A_518, %dma_wait3A_519] : memref<100000x16xf32, #tpu.memory_space<hbm>> -> memref<100000x16xf32, #tpu.memory_space<hbm>>
    tpu.wait_indirect_dma semaphore(%arg8 : memref<!tpu.dma_semaphore, #tpu.memory_space<semaphore_mem>>) src(%dma_wait3A_520 : memref<100000x16xf32, #tpu.memory_space<hbm>>) dst(%dma_wait3A_511 : memref<128x16xf32, #tpu.memory_space<vmem>>)
    %dma_wait3A_521 = arith.constant 14 : i32
    %dma_wait3A_522 = arith.constant 1792 : i32
    %dma_wait3A_523 = arith.constant 0 : i32
    %dma_wait3A_524 = tpu.memref_slice %arg6[%dma_wait3A_522, %dma_wait3A_523] : memref<3328x16xf32, #tpu.memory_space<vmem>> -> memref<128x16xf32, #tpu.memory_space<vmem>>
    %dma_wait3A_525 = arith.constant 1792 : i32
    %dma_wait3A_526 = tpu.memref_slice %arg5[%dma_wait3A_525] : memref<3328xi32, #tpu.memory_space<vmem>> -> memref<128xi32, #tpu.memory_space<vmem>>
    %dma_wait3A_527 = arith.constant 0 : i32
    %dma_wait3A_528 = arith.constant 0 : i32
    %dma_wait3A_529 = tpu.memref_slice %arg2[%dma_wait3A_521, %dma_wait3A_527, %dma_wait3A_528] : memref<26x100000x16xf32, #tpu.memory_space<hbm>> -> memref<1x100000x16xf32, #tpu.memory_space<hbm>>
    %dma_wait3A_530 = tpu.memref_squeeze %dma_wait3A_529 : memref<1x100000x16xf32, #tpu.memory_space<hbm>> -> memref<100000x16xf32, #tpu.memory_space<hbm>>
    %dma_wait3A_531 = arith.constant 0 : i32
    %dma_wait3A_532 = arith.constant 0 : i32
    %dma_wait3A_533 = tpu.memref_slice %dma_wait3A_530[%dma_wait3A_531, %dma_wait3A_532] : memref<100000x16xf32, #tpu.memory_space<hbm>> -> memref<100000x16xf32, #tpu.memory_space<hbm>>
    tpu.wait_indirect_dma semaphore(%arg8 : memref<!tpu.dma_semaphore, #tpu.memory_space<semaphore_mem>>) src(%dma_wait3A_533 : memref<100000x16xf32, #tpu.memory_space<hbm>>) dst(%dma_wait3A_524 : memref<128x16xf32, #tpu.memory_space<vmem>>)
    %dma_wait3A_534 = arith.constant 15 : i32
    %dma_wait3A_535 = arith.constant 1920 : i32
    %dma_wait3A_536 = arith.constant 0 : i32
    %dma_wait3A_537 = tpu.memref_slice %arg6[%dma_wait3A_535, %dma_wait3A_536] : memref<3328x16xf32, #tpu.memory_space<vmem>> -> memref<128x16xf32, #tpu.memory_space<vmem>>
    %dma_wait3A_538 = arith.constant 1920 : i32
    %dma_wait3A_539 = tpu.memref_slice %arg5[%dma_wait3A_538] : memref<3328xi32, #tpu.memory_space<vmem>> -> memref<128xi32, #tpu.memory_space<vmem>>
    %dma_wait3A_540 = arith.constant 0 : i32
    %dma_wait3A_541 = arith.constant 0 : i32
    %dma_wait3A_542 = tpu.memref_slice %arg2[%dma_wait3A_534, %dma_wait3A_540, %dma_wait3A_541] : memref<26x100000x16xf32, #tpu.memory_space<hbm>> -> memref<1x100000x16xf32, #tpu.memory_space<hbm>>
    %dma_wait3A_543 = tpu.memref_squeeze %dma_wait3A_542 : memref<1x100000x16xf32, #tpu.memory_space<hbm>> -> memref<100000x16xf32, #tpu.memory_space<hbm>>
    %dma_wait3A_544 = arith.constant 0 : i32
    %dma_wait3A_545 = arith.constant 0 : i32
    %dma_wait3A_546 = tpu.memref_slice %dma_wait3A_543[%dma_wait3A_544, %dma_wait3A_545] : memref<100000x16xf32, #tpu.memory_space<hbm>> -> memref<100000x16xf32, #tpu.memory_space<hbm>>
    tpu.wait_indirect_dma semaphore(%arg8 : memref<!tpu.dma_semaphore, #tpu.memory_space<semaphore_mem>>) src(%dma_wait3A_546 : memref<100000x16xf32, #tpu.memory_space<hbm>>) dst(%dma_wait3A_537 : memref<128x16xf32, #tpu.memory_space<vmem>>)
    %dma_wait3A_547 = arith.constant 16 : i32
    %dma_wait3A_548 = arith.constant 2048 : i32
    %dma_wait3A_549 = arith.constant 0 : i32
    %dma_wait3A_550 = tpu.memref_slice %arg6[%dma_wait3A_548, %dma_wait3A_549] : memref<3328x16xf32, #tpu.memory_space<vmem>> -> memref<128x16xf32, #tpu.memory_space<vmem>>
    %dma_wait3A_551 = arith.constant 2048 : i32
    %dma_wait3A_552 = tpu.memref_slice %arg5[%dma_wait3A_551] : memref<3328xi32, #tpu.memory_space<vmem>> -> memref<128xi32, #tpu.memory_space<vmem>>
    %dma_wait3A_553 = arith.constant 0 : i32
    %dma_wait3A_554 = arith.constant 0 : i32
    %dma_wait3A_555 = tpu.memref_slice %arg2[%dma_wait3A_547, %dma_wait3A_553, %dma_wait3A_554] : memref<26x100000x16xf32, #tpu.memory_space<hbm>> -> memref<1x100000x16xf32, #tpu.memory_space<hbm>>
    %dma_wait3A_556 = tpu.memref_squeeze %dma_wait3A_555 : memref<1x100000x16xf32, #tpu.memory_space<hbm>> -> memref<100000x16xf32, #tpu.memory_space<hbm>>
    %dma_wait3A_557 = arith.constant 0 : i32
    %dma_wait3A_558 = arith.constant 0 : i32
    %dma_wait3A_559 = tpu.memref_slice %dma_wait3A_556[%dma_wait3A_557, %dma_wait3A_558] : memref<100000x16xf32, #tpu.memory_space<hbm>> -> memref<100000x16xf32, #tpu.memory_space<hbm>>
    tpu.wait_indirect_dma semaphore(%arg8 : memref<!tpu.dma_semaphore, #tpu.memory_space<semaphore_mem>>) src(%dma_wait3A_559 : memref<100000x16xf32, #tpu.memory_space<hbm>>) dst(%dma_wait3A_550 : memref<128x16xf32, #tpu.memory_space<vmem>>)
    %dma_wait3A_560 = arith.constant 17 : i32
    %dma_wait3A_561 = arith.constant 2176 : i32
    %dma_wait3A_562 = arith.constant 0 : i32
    %dma_wait3A_563 = tpu.memref_slice %arg6[%dma_wait3A_561, %dma_wait3A_562] : memref<3328x16xf32, #tpu.memory_space<vmem>> -> memref<128x16xf32, #tpu.memory_space<vmem>>
    %dma_wait3A_564 = arith.constant 2176 : i32
    %dma_wait3A_565 = tpu.memref_slice %arg5[%dma_wait3A_564] : memref<3328xi32, #tpu.memory_space<vmem>> -> memref<128xi32, #tpu.memory_space<vmem>>
    %dma_wait3A_566 = arith.constant 0 : i32
    %dma_wait3A_567 = arith.constant 0 : i32
    %dma_wait3A_568 = tpu.memref_slice %arg2[%dma_wait3A_560, %dma_wait3A_566, %dma_wait3A_567] : memref<26x100000x16xf32, #tpu.memory_space<hbm>> -> memref<1x100000x16xf32, #tpu.memory_space<hbm>>
    %dma_wait3A_569 = tpu.memref_squeeze %dma_wait3A_568 : memref<1x100000x16xf32, #tpu.memory_space<hbm>> -> memref<100000x16xf32, #tpu.memory_space<hbm>>
    %dma_wait3A_570 = arith.constant 0 : i32
    %dma_wait3A_571 = arith.constant 0 : i32
    %dma_wait3A_572 = tpu.memref_slice %dma_wait3A_569[%dma_wait3A_570, %dma_wait3A_571] : memref<100000x16xf32, #tpu.memory_space<hbm>> -> memref<100000x16xf32, #tpu.memory_space<hbm>>
    tpu.wait_indirect_dma semaphore(%arg8 : memref<!tpu.dma_semaphore, #tpu.memory_space<semaphore_mem>>) src(%dma_wait3A_572 : memref<100000x16xf32, #tpu.memory_space<hbm>>) dst(%dma_wait3A_563 : memref<128x16xf32, #tpu.memory_space<vmem>>)
    %dma_wait3A_573 = arith.constant 18 : i32
    %dma_wait3A_574 = arith.constant 2304 : i32
    %dma_wait3A_575 = arith.constant 0 : i32
    %dma_wait3A_576 = tpu.memref_slice %arg6[%dma_wait3A_574, %dma_wait3A_575] : memref<3328x16xf32, #tpu.memory_space<vmem>> -> memref<128x16xf32, #tpu.memory_space<vmem>>
    %dma_wait3A_577 = arith.constant 2304 : i32
    %dma_wait3A_578 = tpu.memref_slice %arg5[%dma_wait3A_577] : memref<3328xi32, #tpu.memory_space<vmem>> -> memref<128xi32, #tpu.memory_space<vmem>>
    %dma_wait3A_579 = arith.constant 0 : i32
    %dma_wait3A_580 = arith.constant 0 : i32
    %dma_wait3A_581 = tpu.memref_slice %arg2[%dma_wait3A_573, %dma_wait3A_579, %dma_wait3A_580] : memref<26x100000x16xf32, #tpu.memory_space<hbm>> -> memref<1x100000x16xf32, #tpu.memory_space<hbm>>
    %dma_wait3A_582 = tpu.memref_squeeze %dma_wait3A_581 : memref<1x100000x16xf32, #tpu.memory_space<hbm>> -> memref<100000x16xf32, #tpu.memory_space<hbm>>
    %dma_wait3A_583 = arith.constant 0 : i32
    %dma_wait3A_584 = arith.constant 0 : i32
    %dma_wait3A_585 = tpu.memref_slice %dma_wait3A_582[%dma_wait3A_583, %dma_wait3A_584] : memref<100000x16xf32, #tpu.memory_space<hbm>> -> memref<100000x16xf32, #tpu.memory_space<hbm>>
    tpu.wait_indirect_dma semaphore(%arg8 : memref<!tpu.dma_semaphore, #tpu.memory_space<semaphore_mem>>) src(%dma_wait3A_585 : memref<100000x16xf32, #tpu.memory_space<hbm>>) dst(%dma_wait3A_576 : memref<128x16xf32, #tpu.memory_space<vmem>>)
    %dma_wait3A_586 = arith.constant 19 : i32
    %dma_wait3A_587 = arith.constant 2432 : i32
    %dma_wait3A_588 = arith.constant 0 : i32
    %dma_wait3A_589 = tpu.memref_slice %arg6[%dma_wait3A_587, %dma_wait3A_588] : memref<3328x16xf32, #tpu.memory_space<vmem>> -> memref<128x16xf32, #tpu.memory_space<vmem>>
    %dma_wait3A_590 = arith.constant 2432 : i32
    %dma_wait3A_591 = tpu.memref_slice %arg5[%dma_wait3A_590] : memref<3328xi32, #tpu.memory_space<vmem>> -> memref<128xi32, #tpu.memory_space<vmem>>
    %dma_wait3A_592 = arith.constant 0 : i32
    %dma_wait3A_593 = arith.constant 0 : i32
    %dma_wait3A_594 = tpu.memref_slice %arg2[%dma_wait3A_586, %dma_wait3A_592, %dma_wait3A_593] : memref<26x100000x16xf32, #tpu.memory_space<hbm>> -> memref<1x100000x16xf32, #tpu.memory_space<hbm>>
    %dma_wait3A_595 = tpu.memref_squeeze %dma_wait3A_594 : memref<1x100000x16xf32, #tpu.memory_space<hbm>> -> memref<100000x16xf32, #tpu.memory_space<hbm>>
    %dma_wait3A_596 = arith.constant 0 : i32
    %dma_wait3A_597 = arith.constant 0 : i32
    %dma_wait3A_598 = tpu.memref_slice %dma_wait3A_595[%dma_wait3A_596, %dma_wait3A_597] : memref<100000x16xf32, #tpu.memory_space<hbm>> -> memref<100000x16xf32, #tpu.memory_space<hbm>>
    tpu.wait_indirect_dma semaphore(%arg8 : memref<!tpu.dma_semaphore, #tpu.memory_space<semaphore_mem>>) src(%dma_wait3A_598 : memref<100000x16xf32, #tpu.memory_space<hbm>>) dst(%dma_wait3A_589 : memref<128x16xf32, #tpu.memory_space<vmem>>)
    %dma_wait3A_599 = arith.constant 20 : i32
    %dma_wait3A_600 = arith.constant 2560 : i32
    %dma_wait3A_601 = arith.constant 0 : i32
    %dma_wait3A_602 = tpu.memref_slice %arg6[%dma_wait3A_600, %dma_wait3A_601] : memref<3328x16xf32, #tpu.memory_space<vmem>> -> memref<128x16xf32, #tpu.memory_space<vmem>>
    %dma_wait3A_603 = arith.constant 2560 : i32
    %dma_wait3A_604 = tpu.memref_slice %arg5[%dma_wait3A_603] : memref<3328xi32, #tpu.memory_space<vmem>> -> memref<128xi32, #tpu.memory_space<vmem>>
    %dma_wait3A_605 = arith.constant 0 : i32
    %dma_wait3A_606 = arith.constant 0 : i32
    %dma_wait3A_607 = tpu.memref_slice %arg2[%dma_wait3A_599, %dma_wait3A_605, %dma_wait3A_606] : memref<26x100000x16xf32, #tpu.memory_space<hbm>> -> memref<1x100000x16xf32, #tpu.memory_space<hbm>>
    %dma_wait3A_608 = tpu.memref_squeeze %dma_wait3A_607 : memref<1x100000x16xf32, #tpu.memory_space<hbm>> -> memref<100000x16xf32, #tpu.memory_space<hbm>>
    %dma_wait3A_609 = arith.constant 0 : i32
    %dma_wait3A_610 = arith.constant 0 : i32
    %dma_wait3A_611 = tpu.memref_slice %dma_wait3A_608[%dma_wait3A_609, %dma_wait3A_610] : memref<100000x16xf32, #tpu.memory_space<hbm>> -> memref<100000x16xf32, #tpu.memory_space<hbm>>
    tpu.wait_indirect_dma semaphore(%arg8 : memref<!tpu.dma_semaphore, #tpu.memory_space<semaphore_mem>>) src(%dma_wait3A_611 : memref<100000x16xf32, #tpu.memory_space<hbm>>) dst(%dma_wait3A_602 : memref<128x16xf32, #tpu.memory_space<vmem>>)
    %dma_wait3A_612 = arith.constant 21 : i32
    %dma_wait3A_613 = arith.constant 2688 : i32
    %dma_wait3A_614 = arith.constant 0 : i32
    %dma_wait3A_615 = tpu.memref_slice %arg6[%dma_wait3A_613, %dma_wait3A_614] : memref<3328x16xf32, #tpu.memory_space<vmem>> -> memref<128x16xf32, #tpu.memory_space<vmem>>
    %dma_wait3A_616 = arith.constant 2688 : i32
    %dma_wait3A_617 = tpu.memref_slice %arg5[%dma_wait3A_616] : memref<3328xi32, #tpu.memory_space<vmem>> -> memref<128xi32, #tpu.memory_space<vmem>>
    %dma_wait3A_618 = arith.constant 0 : i32
    %dma_wait3A_619 = arith.constant 0 : i32
    %dma_wait3A_620 = tpu.memref_slice %arg2[%dma_wait3A_612, %dma_wait3A_618, %dma_wait3A_619] : memref<26x100000x16xf32, #tpu.memory_space<hbm>> -> memref<1x100000x16xf32, #tpu.memory_space<hbm>>
    %dma_wait3A_621 = tpu.memref_squeeze %dma_wait3A_620 : memref<1x100000x16xf32, #tpu.memory_space<hbm>> -> memref<100000x16xf32, #tpu.memory_space<hbm>>
    %dma_wait3A_622 = arith.constant 0 : i32
    %dma_wait3A_623 = arith.constant 0 : i32
    %dma_wait3A_624 = tpu.memref_slice %dma_wait3A_621[%dma_wait3A_622, %dma_wait3A_623] : memref<100000x16xf32, #tpu.memory_space<hbm>> -> memref<100000x16xf32, #tpu.memory_space<hbm>>
    tpu.wait_indirect_dma semaphore(%arg8 : memref<!tpu.dma_semaphore, #tpu.memory_space<semaphore_mem>>) src(%dma_wait3A_624 : memref<100000x16xf32, #tpu.memory_space<hbm>>) dst(%dma_wait3A_615 : memref<128x16xf32, #tpu.memory_space<vmem>>)
    %dma_wait3A_625 = arith.constant 22 : i32
    %dma_wait3A_626 = arith.constant 2816 : i32
    %dma_wait3A_627 = arith.constant 0 : i32
    %dma_wait3A_628 = tpu.memref_slice %arg6[%dma_wait3A_626, %dma_wait3A_627] : memref<3328x16xf32, #tpu.memory_space<vmem>> -> memref<128x16xf32, #tpu.memory_space<vmem>>
    %dma_wait3A_629 = arith.constant 2816 : i32
    %dma_wait3A_630 = tpu.memref_slice %arg5[%dma_wait3A_629] : memref<3328xi32, #tpu.memory_space<vmem>> -> memref<128xi32, #tpu.memory_space<vmem>>
    %dma_wait3A_631 = arith.constant 0 : i32
    %dma_wait3A_632 = arith.constant 0 : i32
    %dma_wait3A_633 = tpu.memref_slice %arg2[%dma_wait3A_625, %dma_wait3A_631, %dma_wait3A_632] : memref<26x100000x16xf32, #tpu.memory_space<hbm>> -> memref<1x100000x16xf32, #tpu.memory_space<hbm>>
    %dma_wait3A_634 = tpu.memref_squeeze %dma_wait3A_633 : memref<1x100000x16xf32, #tpu.memory_space<hbm>> -> memref<100000x16xf32, #tpu.memory_space<hbm>>
    %dma_wait3A_635 = arith.constant 0 : i32
    %dma_wait3A_636 = arith.constant 0 : i32
    %dma_wait3A_637 = tpu.memref_slice %dma_wait3A_634[%dma_wait3A_635, %dma_wait3A_636] : memref<100000x16xf32, #tpu.memory_space<hbm>> -> memref<100000x16xf32, #tpu.memory_space<hbm>>
    tpu.wait_indirect_dma semaphore(%arg8 : memref<!tpu.dma_semaphore, #tpu.memory_space<semaphore_mem>>) src(%dma_wait3A_637 : memref<100000x16xf32, #tpu.memory_space<hbm>>) dst(%dma_wait3A_628 : memref<128x16xf32, #tpu.memory_space<vmem>>)
    %dma_wait3A_638 = arith.constant 23 : i32
    %dma_wait3A_639 = arith.constant 2944 : i32
    %dma_wait3A_640 = arith.constant 0 : i32
    %dma_wait3A_641 = tpu.memref_slice %arg6[%dma_wait3A_639, %dma_wait3A_640] : memref<3328x16xf32, #tpu.memory_space<vmem>> -> memref<128x16xf32, #tpu.memory_space<vmem>>
    %dma_wait3A_642 = arith.constant 2944 : i32
    %dma_wait3A_643 = tpu.memref_slice %arg5[%dma_wait3A_642] : memref<3328xi32, #tpu.memory_space<vmem>> -> memref<128xi32, #tpu.memory_space<vmem>>
    %dma_wait3A_644 = arith.constant 0 : i32
    %dma_wait3A_645 = arith.constant 0 : i32
    %dma_wait3A_646 = tpu.memref_slice %arg2[%dma_wait3A_638, %dma_wait3A_644, %dma_wait3A_645] : memref<26x100000x16xf32, #tpu.memory_space<hbm>> -> memref<1x100000x16xf32, #tpu.memory_space<hbm>>
    %dma_wait3A_647 = tpu.memref_squeeze %dma_wait3A_646 : memref<1x100000x16xf32, #tpu.memory_space<hbm>> -> memref<100000x16xf32, #tpu.memory_space<hbm>>
    %dma_wait3A_648 = arith.constant 0 : i32
    %dma_wait3A_649 = arith.constant 0 : i32
    %dma_wait3A_650 = tpu.memref_slice %dma_wait3A_647[%dma_wait3A_648, %dma_wait3A_649] : memref<100000x16xf32, #tpu.memory_space<hbm>> -> memref<100000x16xf32, #tpu.memory_space<hbm>>
    tpu.wait_indirect_dma semaphore(%arg8 : memref<!tpu.dma_semaphore, #tpu.memory_space<semaphore_mem>>) src(%dma_wait3A_650 : memref<100000x16xf32, #tpu.memory_space<hbm>>) dst(%dma_wait3A_641 : memref<128x16xf32, #tpu.memory_space<vmem>>)
    %dma_wait3A_651 = arith.constant 24 : i32
    %dma_wait3A_652 = arith.constant 3072 : i32
    %dma_wait3A_653 = arith.constant 0 : i32
    %dma_wait3A_654 = tpu.memref_slice %arg6[%dma_wait3A_652, %dma_wait3A_653] : memref<3328x16xf32, #tpu.memory_space<vmem>> -> memref<128x16xf32, #tpu.memory_space<vmem>>
    %dma_wait3A_655 = arith.constant 3072 : i32
    %dma_wait3A_656 = tpu.memref_slice %arg5[%dma_wait3A_655] : memref<3328xi32, #tpu.memory_space<vmem>> -> memref<128xi32, #tpu.memory_space<vmem>>
    %dma_wait3A_657 = arith.constant 0 : i32
    %dma_wait3A_658 = arith.constant 0 : i32
    %dma_wait3A_659 = tpu.memref_slice %arg2[%dma_wait3A_651, %dma_wait3A_657, %dma_wait3A_658] : memref<26x100000x16xf32, #tpu.memory_space<hbm>> -> memref<1x100000x16xf32, #tpu.memory_space<hbm>>
    %dma_wait3A_660 = tpu.memref_squeeze %dma_wait3A_659 : memref<1x100000x16xf32, #tpu.memory_space<hbm>> -> memref<100000x16xf32, #tpu.memory_space<hbm>>
    %dma_wait3A_661 = arith.constant 0 : i32
    %dma_wait3A_662 = arith.constant 0 : i32
    %dma_wait3A_663 = tpu.memref_slice %dma_wait3A_660[%dma_wait3A_661, %dma_wait3A_662] : memref<100000x16xf32, #tpu.memory_space<hbm>> -> memref<100000x16xf32, #tpu.memory_space<hbm>>
    tpu.wait_indirect_dma semaphore(%arg8 : memref<!tpu.dma_semaphore, #tpu.memory_space<semaphore_mem>>) src(%dma_wait3A_663 : memref<100000x16xf32, #tpu.memory_space<hbm>>) dst(%dma_wait3A_654 : memref<128x16xf32, #tpu.memory_space<vmem>>)
    %dma_wait3A_664 = arith.constant 25 : i32
    %dma_wait3A_665 = arith.constant 3200 : i32
    %dma_wait3A_666 = arith.constant 0 : i32
    %dma_wait3A_667 = tpu.memref_slice %arg6[%dma_wait3A_665, %dma_wait3A_666] : memref<3328x16xf32, #tpu.memory_space<vmem>> -> memref<128x16xf32, #tpu.memory_space<vmem>>
    %dma_wait3A_668 = arith.constant 3200 : i32
    %dma_wait3A_669 = tpu.memref_slice %arg5[%dma_wait3A_668] : memref<3328xi32, #tpu.memory_space<vmem>> -> memref<128xi32, #tpu.memory_space<vmem>>
    %dma_wait3A_670 = arith.constant 0 : i32
    %dma_wait3A_671 = arith.constant 0 : i32
    %dma_wait3A_672 = tpu.memref_slice %arg2[%dma_wait3A_664, %dma_wait3A_670, %dma_wait3A_671] : memref<26x100000x16xf32, #tpu.memory_space<hbm>> -> memref<1x100000x16xf32, #tpu.memory_space<hbm>>
    %dma_wait3A_673 = tpu.memref_squeeze %dma_wait3A_672 : memref<1x100000x16xf32, #tpu.memory_space<hbm>> -> memref<100000x16xf32, #tpu.memory_space<hbm>>
    %dma_wait3A_674 = arith.constant 0 : i32
    %dma_wait3A_675 = arith.constant 0 : i32
    %dma_wait3A_676 = tpu.memref_slice %dma_wait3A_673[%dma_wait3A_674, %dma_wait3A_675] : memref<100000x16xf32, #tpu.memory_space<hbm>> -> memref<100000x16xf32, #tpu.memory_space<hbm>>
    tpu.wait_indirect_dma semaphore(%arg8 : memref<!tpu.dma_semaphore, #tpu.memory_space<semaphore_mem>>) src(%dma_wait3A_676 : memref<100000x16xf32, #tpu.memory_space<hbm>>) dst(%dma_wait3A_667 : memref<128x16xf32, #tpu.memory_space<vmem>>)
    %iota3A = tpu.iota {dimensions = array<i32: 0>} : vector<16xi32>
    %scan3A = arith.constant 0 : i32
    %scan3A_677 = arith.constant 0 : i32
    %scan3A_678 = arith.constant 8 : i32
    %scan3A_679 = arith.addi %scan3A_677, %scan3A_678 : i32
    %scan3A_680 = arith.constant 1 : i32
    scf.for %scan3A_682 = %scan3A_677 to %scan3A_679 step %scan3A_680  : i32 {
      %mul3A_683 = arith.constant 16 : i32
      %mul3A_684 = arith.muli %scan3A_682, %mul3A_683 : i32
      %broadcast_in_dim3A = arith.constant 0.000000e+00 : f32
      %broadcast_in_dim3A_685 = vector.broadcast %broadcast_in_dim3A : f32 to vector<16xf32>
      %broadcast_in_dim3A_686 = arith.constant 0.000000e+00 : f32
      %broadcast_in_dim3A_687 = vector.broadcast %broadcast_in_dim3A_686 : f32 to vector<16xf32>
      %broadcast_in_dim3A_688 = arith.constant 0.000000e+00 : f32
      %broadcast_in_dim3A_689 = vector.broadcast %broadcast_in_dim3A_688 : f32 to vector<16xf32>
      %add3A_690 = arith.constant 0 : i32
      %add3A_691 = arith.addi %add3A_690, %mul3A_684 : i32
      %add3A_692 = arith.constant 0 : i32
      %add3A_693 = arith.addi %add3A_691, %add3A_692 : i32
      %get3A = arith.index_cast %add3A_693 : i32 to index
      %get3A_694 = arith.constant 0 : index
      %get3A_695 = tpu.vector_load %arg6[%get3A, %get3A_694] {strides = array<i32>} : memref<3328x16xf32, #tpu.memory_space<vmem>>, vector<16xf32>,
      %add3A_696 = arith.addf %broadcast_in_dim3A_687, %get3A_695 : vector<16xf32>
      %mul3A_697 = arith.mulf %get3A_695, %get3A_695 : vector<16xf32>
      %add3A_698 = arith.addf %broadcast_in_dim3A_689, %mul3A_697 : vector<16xf32>
      %add3A_699 = arith.constant 128 : i32
      %add3A_700 = arith.addi %add3A_699, %mul3A_684 : i32
      %add3A_701 = arith.constant 0 : i32
      %add3A_702 = arith.addi %add3A_700, %add3A_701 : i32
      %get3A_703 = arith.index_cast %add3A_702 : i32 to index
      %get3A_704 = arith.constant 0 : index
      %get3A_705 = tpu.vector_load %arg6[%get3A_703, %get3A_704] {strides = array<i32>} : memref<3328x16xf32, #tpu.memory_space<vmem>>, vector<16xf32>,
      %add3A_706 = arith.addf %add3A_696, %get3A_705 : vector<16xf32>
      %mul3A_707 = arith.mulf %get3A_705, %get3A_705 : vector<16xf32>
      %add3A_708 = arith.addf %add3A_698, %mul3A_707 : vector<16xf32>
      %add3A_709 = arith.constant 256 : i32
      %add3A_710 = arith.addi %add3A_709, %mul3A_684 : i32
      %add3A_711 = arith.constant 0 : i32
      %add3A_712 = arith.addi %add3A_710, %add3A_711 : i32
      %get3A_713 = arith.index_cast %add3A_712 : i32 to index
      %get3A_714 = arith.constant 0 : index
      %get3A_715 = tpu.vector_load %arg6[%get3A_713, %get3A_714] {strides = array<i32>} : memref<3328x16xf32, #tpu.memory_space<vmem>>, vector<16xf32>,
      %add3A_716 = arith.addf %add3A_706, %get3A_715 : vector<16xf32>
      %mul3A_717 = arith.mulf %get3A_715, %get3A_715 : vector<16xf32>
      %add3A_718 = arith.addf %add3A_708, %mul3A_717 : vector<16xf32>
      %add3A_719 = arith.constant 384 : i32
      %add3A_720 = arith.addi %add3A_719, %mul3A_684 : i32
      %add3A_721 = arith.constant 0 : i32
      %add3A_722 = arith.addi %add3A_720, %add3A_721 : i32
      %get3A_723 = arith.index_cast %add3A_722 : i32 to index
      %get3A_724 = arith.constant 0 : index
      %get3A_725 = tpu.vector_load %arg6[%get3A_723, %get3A_724] {strides = array<i32>} : memref<3328x16xf32, #tpu.memory_space<vmem>>, vector<16xf32>,
      %add3A_726 = arith.addf %add3A_716, %get3A_725 : vector<16xf32>
      %mul3A_727 = arith.mulf %get3A_725, %get3A_725 : vector<16xf32>
      %add3A_728 = arith.addf %add3A_718, %mul3A_727 : vector<16xf32>
      %add3A_729 = arith.constant 512 : i32
      %add3A_730 = arith.addi %add3A_729, %mul3A_684 : i32
      %add3A_731 = arith.constant 0 : i32
      %add3A_732 = arith.addi %add3A_730, %add3A_731 : i32
      %get3A_733 = arith.index_cast %add3A_732 : i32 to index
      %get3A_734 = arith.constant 0 : index
      %get3A_735 = tpu.vector_load %arg6[%get3A_733, %get3A_734] {strides = array<i32>} : memref<3328x16xf32, #tpu.memory_space<vmem>>, vector<16xf32>,
      %add3A_736 = arith.addf %add3A_726, %get3A_735 : vector<16xf32>
      %mul3A_737 = arith.mulf %get3A_735, %get3A_735 : vector<16xf32>
      %add3A_738 = arith.addf %add3A_728, %mul3A_737 : vector<16xf32>
      %add3A_739 = arith.constant 640 : i32
      %add3A_740 = arith.addi %add3A_739, %mul3A_684 : i32
      %add3A_741 = arith.constant 0 : i32
      %add3A_742 = arith.addi %add3A_740, %add3A_741 : i32
      %get3A_743 = arith.index_cast %add3A_742 : i32 to index
      %get3A_744 = arith.constant 0 : index
      %get3A_745 = tpu.vector_load %arg6[%get3A_743, %get3A_744] {strides = array<i32>} : memref<3328x16xf32, #tpu.memory_space<vmem>>, vector<16xf32>,
      %add3A_746 = arith.addf %add3A_736, %get3A_745 : vector<16xf32>
      %mul3A_747 = arith.mulf %get3A_745, %get3A_745 : vector<16xf32>
      %add3A_748 = arith.addf %add3A_738, %mul3A_747 : vector<16xf32>
      %add3A_749 = arith.constant 768 : i32
      %add3A_750 = arith.addi %add3A_749, %mul3A_684 : i32
      %add3A_751 = arith.constant 0 : i32
      %add3A_752 = arith.addi %add3A_750, %add3A_751 : i32
      %get3A_753 = arith.index_cast %add3A_752 : i32 to index
      %get3A_754 = arith.constant 0 : index
      %get3A_755 = tpu.vector_load %arg6[%get3A_753, %get3A_754] {strides = array<i32>} : memref<3328x16xf32, #tpu.memory_space<vmem>>, vector<16xf32>,
      %add3A_756 = arith.addf %add3A_746, %get3A_755 : vector<16xf32>
      %mul3A_757 = arith.mulf %get3A_755, %get3A_755 : vector<16xf32>
      %add3A_758 = arith.addf %add3A_748, %mul3A_757 : vector<16xf32>
      %add3A_759 = arith.constant 896 : i32
      %add3A_760 = arith.addi %add3A_759, %mul3A_684 : i32
      %add3A_761 = arith.constant 0 : i32
      %add3A_762 = arith.addi %add3A_760, %add3A_761 : i32
      %get3A_763 = arith.index_cast %add3A_762 : i32 to index
      %get3A_764 = arith.constant 0 : index
      %get3A_765 = tpu.vector_load %arg6[%get3A_763, %get3A_764] {strides = array<i32>} : memref<3328x16xf32, #tpu.memory_space<vmem>>, vector<16xf32>,
      %add3A_766 = arith.addf %add3A_756, %get3A_765 : vector<16xf32>
      %mul3A_767 = arith.mulf %get3A_765, %get3A_765 : vector<16xf32>
      %add3A_768 = arith.addf %add3A_758, %mul3A_767 : vector<16xf32>
      %add3A_769 = arith.constant 1024 : i32
      %add3A_770 = arith.addi %add3A_769, %mul3A_684 : i32
      %add3A_771 = arith.constant 0 : i32
      %add3A_772 = arith.addi %add3A_770, %add3A_771 : i32
      %get3A_773 = arith.index_cast %add3A_772 : i32 to index
      %get3A_774 = arith.constant 0 : index
      %get3A_775 = tpu.vector_load %arg6[%get3A_773, %get3A_774] {strides = array<i32>} : memref<3328x16xf32, #tpu.memory_space<vmem>>, vector<16xf32>,
      %add3A_776 = arith.addf %add3A_766, %get3A_775 : vector<16xf32>
      %mul3A_777 = arith.mulf %get3A_775, %get3A_775 : vector<16xf32>
      %add3A_778 = arith.addf %add3A_768, %mul3A_777 : vector<16xf32>
      %add3A_779 = arith.constant 1152 : i32
      %add3A_780 = arith.addi %add3A_779, %mul3A_684 : i32
      %add3A_781 = arith.constant 0 : i32
      %add3A_782 = arith.addi %add3A_780, %add3A_781 : i32
      %get3A_783 = arith.index_cast %add3A_782 : i32 to index
      %get3A_784 = arith.constant 0 : index
      %get3A_785 = tpu.vector_load %arg6[%get3A_783, %get3A_784] {strides = array<i32>} : memref<3328x16xf32, #tpu.memory_space<vmem>>, vector<16xf32>,
      %add3A_786 = arith.addf %add3A_776, %get3A_785 : vector<16xf32>
      %mul3A_787 = arith.mulf %get3A_785, %get3A_785 : vector<16xf32>
      %add3A_788 = arith.addf %add3A_778, %mul3A_787 : vector<16xf32>
      %add3A_789 = arith.constant 1280 : i32
      %add3A_790 = arith.addi %add3A_789, %mul3A_684 : i32
      %add3A_791 = arith.constant 0 : i32
      %add3A_792 = arith.addi %add3A_790, %add3A_791 : i32
      %get3A_793 = arith.index_cast %add3A_792 : i32 to index
      %get3A_794 = arith.constant 0 : index
      %get3A_795 = tpu.vector_load %arg6[%get3A_793, %get3A_794] {strides = array<i32>} : memref<3328x16xf32, #tpu.memory_space<vmem>>, vector<16xf32>,
      %add3A_796 = arith.addf %add3A_786, %get3A_795 : vector<16xf32>
      %mul3A_797 = arith.mulf %get3A_795, %get3A_795 : vector<16xf32>
      %add3A_798 = arith.addf %add3A_788, %mul3A_797 : vector<16xf32>
      %add3A_799 = arith.constant 1408 : i32
      %add3A_800 = arith.addi %add3A_799, %mul3A_684 : i32
      %add3A_801 = arith.constant 0 : i32
      %add3A_802 = arith.addi %add3A_800, %add3A_801 : i32
      %get3A_803 = arith.index_cast %add3A_802 : i32 to index
      %get3A_804 = arith.constant 0 : index
      %get3A_805 = tpu.vector_load %arg6[%get3A_803, %get3A_804] {strides = array<i32>} : memref<3328x16xf32, #tpu.memory_space<vmem>>, vector<16xf32>,
      %add3A_806 = arith.addf %add3A_796, %get3A_805 : vector<16xf32>
      %mul3A_807 = arith.mulf %get3A_805, %get3A_805 : vector<16xf32>
      %add3A_808 = arith.addf %add3A_798, %mul3A_807 : vector<16xf32>
      %add3A_809 = arith.constant 1536 : i32
      %add3A_810 = arith.addi %add3A_809, %mul3A_684 : i32
      %add3A_811 = arith.constant 0 : i32
      %add3A_812 = arith.addi %add3A_810, %add3A_811 : i32
      %get3A_813 = arith.index_cast %add3A_812 : i32 to index
      %get3A_814 = arith.constant 0 : index
      %get3A_815 = tpu.vector_load %arg6[%get3A_813, %get3A_814] {strides = array<i32>} : memref<3328x16xf32, #tpu.memory_space<vmem>>, vector<16xf32>,
      %add3A_816 = arith.addf %add3A_806, %get3A_815 : vector<16xf32>
      %mul3A_817 = arith.mulf %get3A_815, %get3A_815 : vector<16xf32>
      %add3A_818 = arith.addf %add3A_808, %mul3A_817 : vector<16xf32>
      %add3A_819 = arith.constant 1664 : i32
      %add3A_820 = arith.addi %add3A_819, %mul3A_684 : i32
      %add3A_821 = arith.constant 0 : i32
      %add3A_822 = arith.addi %add3A_820, %add3A_821 : i32
      %get3A_823 = arith.index_cast %add3A_822 : i32 to index
      %get3A_824 = arith.constant 0 : index
      %get3A_825 = tpu.vector_load %arg6[%get3A_823, %get3A_824] {strides = array<i32>} : memref<3328x16xf32, #tpu.memory_space<vmem>>, vector<16xf32>,
      %add3A_826 = arith.addf %add3A_816, %get3A_825 : vector<16xf32>
      %mul3A_827 = arith.mulf %get3A_825, %get3A_825 : vector<16xf32>
      %add3A_828 = arith.addf %add3A_818, %mul3A_827 : vector<16xf32>
      %add3A_829 = arith.constant 1792 : i32
      %add3A_830 = arith.addi %add3A_829, %mul3A_684 : i32
      %add3A_831 = arith.constant 0 : i32
      %add3A_832 = arith.addi %add3A_830, %add3A_831 : i32
      %get3A_833 = arith.index_cast %add3A_832 : i32 to index
      %get3A_834 = arith.constant 0 : index
      %get3A_835 = tpu.vector_load %arg6[%get3A_833, %get3A_834] {strides = array<i32>} : memref<3328x16xf32, #tpu.memory_space<vmem>>, vector<16xf32>,
      %add3A_836 = arith.addf %add3A_826, %get3A_835 : vector<16xf32>
      %mul3A_837 = arith.mulf %get3A_835, %get3A_835 : vector<16xf32>
      %add3A_838 = arith.addf %add3A_828, %mul3A_837 : vector<16xf32>
      %add3A_839 = arith.constant 1920 : i32
      %add3A_840 = arith.addi %add3A_839, %mul3A_684 : i32
      %add3A_841 = arith.constant 0 : i32
      %add3A_842 = arith.addi %add3A_840, %add3A_841 : i32
      %get3A_843 = arith.index_cast %add3A_842 : i32 to index
      %get3A_844 = arith.constant 0 : index
      %get3A_845 = tpu.vector_load %arg6[%get3A_843, %get3A_844] {strides = array<i32>} : memref<3328x16xf32, #tpu.memory_space<vmem>>, vector<16xf32>,
      %add3A_846 = arith.addf %add3A_836, %get3A_845 : vector<16xf32>
      %mul3A_847 = arith.mulf %get3A_845, %get3A_845 : vector<16xf32>
      %add3A_848 = arith.addf %add3A_838, %mul3A_847 : vector<16xf32>
      %add3A_849 = arith.constant 2048 : i32
      %add3A_850 = arith.addi %add3A_849, %mul3A_684 : i32
      %add3A_851 = arith.constant 0 : i32
      %add3A_852 = arith.addi %add3A_850, %add3A_851 : i32
      %get3A_853 = arith.index_cast %add3A_852 : i32 to index
      %get3A_854 = arith.constant 0 : index
      %get3A_855 = tpu.vector_load %arg6[%get3A_853, %get3A_854] {strides = array<i32>} : memref<3328x16xf32, #tpu.memory_space<vmem>>, vector<16xf32>,
      %add3A_856 = arith.addf %add3A_846, %get3A_855 : vector<16xf32>
      %mul3A_857 = arith.mulf %get3A_855, %get3A_855 : vector<16xf32>
      %add3A_858 = arith.addf %add3A_848, %mul3A_857 : vector<16xf32>
      %add3A_859 = arith.constant 2176 : i32
      %add3A_860 = arith.addi %add3A_859, %mul3A_684 : i32
      %add3A_861 = arith.constant 0 : i32
      %add3A_862 = arith.addi %add3A_860, %add3A_861 : i32
      %get3A_863 = arith.index_cast %add3A_862 : i32 to index
      %get3A_864 = arith.constant 0 : index
      %get3A_865 = tpu.vector_load %arg6[%get3A_863, %get3A_864] {strides = array<i32>} : memref<3328x16xf32, #tpu.memory_space<vmem>>, vector<16xf32>,
      %add3A_866 = arith.addf %add3A_856, %get3A_865 : vector<16xf32>
      %mul3A_867 = arith.mulf %get3A_865, %get3A_865 : vector<16xf32>
      %add3A_868 = arith.addf %add3A_858, %mul3A_867 : vector<16xf32>
      %add3A_869 = arith.constant 2304 : i32
      %add3A_870 = arith.addi %add3A_869, %mul3A_684 : i32
      %add3A_871 = arith.constant 0 : i32
      %add3A_872 = arith.addi %add3A_870, %add3A_871 : i32
      %get3A_873 = arith.index_cast %add3A_872 : i32 to index
      %get3A_874 = arith.constant 0 : index
      %get3A_875 = tpu.vector_load %arg6[%get3A_873, %get3A_874] {strides = array<i32>} : memref<3328x16xf32, #tpu.memory_space<vmem>>, vector<16xf32>,
      %add3A_876 = arith.addf %add3A_866, %get3A_875 : vector<16xf32>
      %mul3A_877 = arith.mulf %get3A_875, %get3A_875 : vector<16xf32>
      %add3A_878 = arith.addf %add3A_868, %mul3A_877 : vector<16xf32>
      %add3A_879 = arith.constant 2432 : i32
      %add3A_880 = arith.addi %add3A_879, %mul3A_684 : i32
      %add3A_881 = arith.constant 0 : i32
      %add3A_882 = arith.addi %add3A_880, %add3A_881 : i32
      %get3A_883 = arith.index_cast %add3A_882 : i32 to index
      %get3A_884 = arith.constant 0 : index
      %get3A_885 = tpu.vector_load %arg6[%get3A_883, %get3A_884] {strides = array<i32>} : memref<3328x16xf32, #tpu.memory_space<vmem>>, vector<16xf32>,
      %add3A_886 = arith.addf %add3A_876, %get3A_885 : vector<16xf32>
      %mul3A_887 = arith.mulf %get3A_885, %get3A_885 : vector<16xf32>
      %add3A_888 = arith.addf %add3A_878, %mul3A_887 : vector<16xf32>
      %add3A_889 = arith.constant 2560 : i32
      %add3A_890 = arith.addi %add3A_889, %mul3A_684 : i32
      %add3A_891 = arith.constant 0 : i32
      %add3A_892 = arith.addi %add3A_890, %add3A_891 : i32
      %get3A_893 = arith.index_cast %add3A_892 : i32 to index
      %get3A_894 = arith.constant 0 : index
      %get3A_895 = tpu.vector_load %arg6[%get3A_893, %get3A_894] {strides = array<i32>} : memref<3328x16xf32, #tpu.memory_space<vmem>>, vector<16xf32>,
      %add3A_896 = arith.addf %add3A_886, %get3A_895 : vector<16xf32>
      %mul3A_897 = arith.mulf %get3A_895, %get3A_895 : vector<16xf32>
      %add3A_898 = arith.addf %add3A_888, %mul3A_897 : vector<16xf32>
      %add3A_899 = arith.constant 2688 : i32
      %add3A_900 = arith.addi %add3A_899, %mul3A_684 : i32
      %add3A_901 = arith.constant 0 : i32
      %add3A_902 = arith.addi %add3A_900, %add3A_901 : i32
      %get3A_903 = arith.index_cast %add3A_902 : i32 to index
      %get3A_904 = arith.constant 0 : index
      %get3A_905 = tpu.vector_load %arg6[%get3A_903, %get3A_904] {strides = array<i32>} : memref<3328x16xf32, #tpu.memory_space<vmem>>, vector<16xf32>,
      %add3A_906 = arith.addf %add3A_896, %get3A_905 : vector<16xf32>
      %mul3A_907 = arith.mulf %get3A_905, %get3A_905 : vector<16xf32>
      %add3A_908 = arith.addf %add3A_898, %mul3A_907 : vector<16xf32>
      %add3A_909 = arith.constant 2816 : i32
      %add3A_910 = arith.addi %add3A_909, %mul3A_684 : i32
      %add3A_911 = arith.constant 0 : i32
      %add3A_912 = arith.addi %add3A_910, %add3A_911 : i32
      %get3A_913 = arith.index_cast %add3A_912 : i32 to index
      %get3A_914 = arith.constant 0 : index
      %get3A_915 = tpu.vector_load %arg6[%get3A_913, %get3A_914] {strides = array<i32>} : memref<3328x16xf32, #tpu.memory_space<vmem>>, vector<16xf32>,
      %add3A_916 = arith.addf %add3A_906, %get3A_915 : vector<16xf32>
      %mul3A_917 = arith.mulf %get3A_915, %get3A_915 : vector<16xf32>
      %add3A_918 = arith.addf %add3A_908, %mul3A_917 : vector<16xf32>
      %add3A_919 = arith.constant 2944 : i32
      %add3A_920 = arith.addi %add3A_919, %mul3A_684 : i32
      %add3A_921 = arith.constant 0 : i32
      %add3A_922 = arith.addi %add3A_920, %add3A_921 : i32
      %get3A_923 = arith.index_cast %add3A_922 : i32 to index
      %get3A_924 = arith.constant 0 : index
      %get3A_925 = tpu.vector_load %arg6[%get3A_923, %get3A_924] {strides = array<i32>} : memref<3328x16xf32, #tpu.memory_space<vmem>>, vector<16xf32>,
      %add3A_926 = arith.addf %add3A_916, %get3A_925 : vector<16xf32>
      %mul3A_927 = arith.mulf %get3A_925, %get3A_925 : vector<16xf32>
      %add3A_928 = arith.addf %add3A_918, %mul3A_927 : vector<16xf32>
      %add3A_929 = arith.constant 3072 : i32
      %add3A_930 = arith.addi %add3A_929, %mul3A_684 : i32
      %add3A_931 = arith.constant 0 : i32
      %add3A_932 = arith.addi %add3A_930, %add3A_931 : i32
      %get3A_933 = arith.index_cast %add3A_932 : i32 to index
      %get3A_934 = arith.constant 0 : index
      %get3A_935 = tpu.vector_load %arg6[%get3A_933, %get3A_934] {strides = array<i32>} : memref<3328x16xf32, #tpu.memory_space<vmem>>, vector<16xf32>,
      %add3A_936 = arith.addf %add3A_926, %get3A_935 : vector<16xf32>
      %mul3A_937 = arith.mulf %get3A_935, %get3A_935 : vector<16xf32>
      %add3A_938 = arith.addf %add3A_928, %mul3A_937 : vector<16xf32>
      %add3A_939 = arith.constant 3200 : i32
      %add3A_940 = arith.addi %add3A_939, %mul3A_684 : i32
      %add3A_941 = arith.constant 0 : i32
      %add3A_942 = arith.addi %add3A_940, %add3A_941 : i32
      %get3A_943 = arith.index_cast %add3A_942 : i32 to index
      %get3A_944 = arith.constant 0 : index
      %get3A_945 = tpu.vector_load %arg6[%get3A_943, %get3A_944] {strides = array<i32>} : memref<3328x16xf32, #tpu.memory_space<vmem>>, vector<16xf32>,
      %add3A_946 = arith.addf %add3A_936, %get3A_945 : vector<16xf32>
      %mul3A_947 = arith.mulf %get3A_945, %get3A_945 : vector<16xf32>
      %add3A_948 = arith.addf %add3A_938, %mul3A_947 : vector<16xf32>
      %mul3A_949 = arith.mulf %add3A_946, %add3A_946 : vector<16xf32>
      %sub3A = arith.subf %mul3A_949, %add3A_948 : vector<16xf32>
      %reduce_sum3A = arith.constant true
      %reduce_sum3A_950 = vector.broadcast %reduce_sum3A : i1 to vector<16xi1>
      %reduce_sum3A_951 = tpu.scan <sum>, %sub3A masked %reduce_sum3A_950 : vector<16xf32>, vector<16xi1> -> vector<16xf32>
      %reduce_sum3A_952 = vector.extract %reduce_sum3A_951[15] : f32 from vector<16xf32>
      %eq3A = arith.constant 0 : i32
      %eq3A_953 = vector.broadcast %eq3A : i32 to vector<16xi32>
      %eq3A_954 = arith.cmpi eq, %iota3A, %eq3A_953 : vector<16xi32>
      %broadcast_in_dim3A_955 = vector.broadcast %reduce_sum3A_952 : f32 to vector<16xf32>
      %select_n3A = arith.select %eq3A_954, %broadcast_in_dim3A_955, %broadcast_in_dim3A_685 : vector<16xi1>, vector<16xf32>
      %broadcast_in_dim3A_956 = arith.constant 0.000000e+00 : f32
      %broadcast_in_dim3A_957 = vector.broadcast %broadcast_in_dim3A_956 : f32 to vector<16xf32>
      %broadcast_in_dim3A_958 = arith.constant 0.000000e+00 : f32
      %broadcast_in_dim3A_959 = vector.broadcast %broadcast_in_dim3A_958 : f32 to vector<16xf32>
      %add3A_960 = arith.constant 0 : i32
      %add3A_961 = arith.addi %add3A_960, %mul3A_684 : i32
      %add3A_962 = arith.constant 1 : i32
      %add3A_963 = arith.addi %add3A_961, %add3A_962 : i32
      %get3A_964 = arith.index_cast %add3A_963 : i32 to index
      %get3A_965 = arith.constant 0 : index
      %get3A_966 = tpu.vector_load %arg6[%get3A_964, %get3A_965] {strides = array<i32>} : memref<3328x16xf32, #tpu.memory_space<vmem>>, vector<16xf32>,
      %add3A_967 = arith.addf %broadcast_in_dim3A_957, %get3A_966 : vector<16xf32>
      %mul3A_968 = arith.mulf %get3A_966, %get3A_966 : vector<16xf32>
      %add3A_969 = arith.addf %broadcast_in_dim3A_959, %mul3A_968 : vector<16xf32>
      %add3A_970 = arith.constant 128 : i32
      %add3A_971 = arith.addi %add3A_970, %mul3A_684 : i32
      %add3A_972 = arith.constant 1 : i32
      %add3A_973 = arith.addi %add3A_971, %add3A_972 : i32
      %get3A_974 = arith.index_cast %add3A_973 : i32 to index
      %get3A_975 = arith.constant 0 : index
      %get3A_976 = tpu.vector_load %arg6[%get3A_974, %get3A_975] {strides = array<i32>} : memref<3328x16xf32, #tpu.memory_space<vmem>>, vector<16xf32>,
      %add3A_977 = arith.addf %add3A_967, %get3A_976 : vector<16xf32>
      %mul3A_978 = arith.mulf %get3A_976, %get3A_976 : vector<16xf32>
      %add3A_979 = arith.addf %add3A_969, %mul3A_978 : vector<16xf32>
      %add3A_980 = arith.constant 256 : i32
      %add3A_981 = arith.addi %add3A_980, %mul3A_684 : i32
      %add3A_982 = arith.constant 1 : i32
      %add3A_983 = arith.addi %add3A_981, %add3A_982 : i32
      %get3A_984 = arith.index_cast %add3A_983 : i32 to index
      %get3A_985 = arith.constant 0 : index
      %get3A_986 = tpu.vector_load %arg6[%get3A_984, %get3A_985] {strides = array<i32>} : memref<3328x16xf32, #tpu.memory_space<vmem>>, vector<16xf32>,
      %add3A_987 = arith.addf %add3A_977, %get3A_986 : vector<16xf32>
      %mul3A_988 = arith.mulf %get3A_986, %get3A_986 : vector<16xf32>
      %add3A_989 = arith.addf %add3A_979, %mul3A_988 : vector<16xf32>
      %add3A_990 = arith.constant 384 : i32
      %add3A_991 = arith.addi %add3A_990, %mul3A_684 : i32
      %add3A_992 = arith.constant 1 : i32
      %add3A_993 = arith.addi %add3A_991, %add3A_992 : i32
      %get3A_994 = arith.index_cast %add3A_993 : i32 to index
      %get3A_995 = arith.constant 0 : index
      %get3A_996 = tpu.vector_load %arg6[%get3A_994, %get3A_995] {strides = array<i32>} : memref<3328x16xf32, #tpu.memory_space<vmem>>, vector<16xf32>,
      %add3A_997 = arith.addf %add3A_987, %get3A_996 : vector<16xf32>
      %mul3A_998 = arith.mulf %get3A_996, %get3A_996 : vector<16xf32>
      %add3A_999 = arith.addf %add3A_989, %mul3A_998 : vector<16xf32>
      %add3A_1000 = arith.constant 512 : i32
      %add3A_1001 = arith.addi %add3A_1000, %mul3A_684 : i32
      %add3A_1002 = arith.constant 1 : i32
      %add3A_1003 = arith.addi %add3A_1001, %add3A_1002 : i32
      %get3A_1004 = arith.index_cast %add3A_1003 : i32 to index
      %get3A_1005 = arith.constant 0 : index
      %get3A_1006 = tpu.vector_load %arg6[%get3A_1004, %get3A_1005] {strides = array<i32>} : memref<3328x16xf32, #tpu.memory_space<vmem>>, vector<16xf32>,
      %add3A_1007 = arith.addf %add3A_997, %get3A_1006 : vector<16xf32>
      %mul3A_1008 = arith.mulf %get3A_1006, %get3A_1006 : vector<16xf32>
      %add3A_1009 = arith.addf %add3A_999, %mul3A_1008 : vector<16xf32>
      %add3A_1010 = arith.constant 640 : i32
      %add3A_1011 = arith.addi %add3A_1010, %mul3A_684 : i32
      %add3A_1012 = arith.constant 1 : i32
      %add3A_1013 = arith.addi %add3A_1011, %add3A_1012 : i32
      %get3A_1014 = arith.index_cast %add3A_1013 : i32 to index
      %get3A_1015 = arith.constant 0 : index
      %get3A_1016 = tpu.vector_load %arg6[%get3A_1014, %get3A_1015] {strides = array<i32>} : memref<3328x16xf32, #tpu.memory_space<vmem>>, vector<16xf32>,
      %add3A_1017 = arith.addf %add3A_1007, %get3A_1016 : vector<16xf32>
      %mul3A_1018 = arith.mulf %get3A_1016, %get3A_1016 : vector<16xf32>
      %add3A_1019 = arith.addf %add3A_1009, %mul3A_1018 : vector<16xf32>
      %add3A_1020 = arith.constant 768 : i32
      %add3A_1021 = arith.addi %add3A_1020, %mul3A_684 : i32
      %add3A_1022 = arith.constant 1 : i32
      %add3A_1023 = arith.addi %add3A_1021, %add3A_1022 : i32
      %get3A_1024 = arith.index_cast %add3A_1023 : i32 to index
      %get3A_1025 = arith.constant 0 : index
      %get3A_1026 = tpu.vector_load %arg6[%get3A_1024, %get3A_1025] {strides = array<i32>} : memref<3328x16xf32, #tpu.memory_space<vmem>>, vector<16xf32>,
      %add3A_1027 = arith.addf %add3A_1017, %get3A_1026 : vector<16xf32>
      %mul3A_1028 = arith.mulf %get3A_1026, %get3A_1026 : vector<16xf32>
      %add3A_1029 = arith.addf %add3A_1019, %mul3A_1028 : vector<16xf32>
      %add3A_1030 = arith.constant 896 : i32
      %add3A_1031 = arith.addi %add3A_1030, %mul3A_684 : i32
      %add3A_1032 = arith.constant 1 : i32
      %add3A_1033 = arith.addi %add3A_1031, %add3A_1032 : i32
      %get3A_1034 = arith.index_cast %add3A_1033 : i32 to index
      %get3A_1035 = arith.constant 0 : index
      %get3A_1036 = tpu.vector_load %arg6[%get3A_1034, %get3A_1035] {strides = array<i32>} : memref<3328x16xf32, #tpu.memory_space<vmem>>, vector<16xf32>,
      %add3A_1037 = arith.addf %add3A_1027, %get3A_1036 : vector<16xf32>
      %mul3A_1038 = arith.mulf %get3A_1036, %get3A_1036 : vector<16xf32>
      %add3A_1039 = arith.addf %add3A_1029, %mul3A_1038 : vector<16xf32>
      %add3A_1040 = arith.constant 1024 : i32
      %add3A_1041 = arith.addi %add3A_1040, %mul3A_684 : i32
      %add3A_1042 = arith.constant 1 : i32
      %add3A_1043 = arith.addi %add3A_1041, %add3A_1042 : i32
      %get3A_1044 = arith.index_cast %add3A_1043 : i32 to index
      %get3A_1045 = arith.constant 0 : index
      %get3A_1046 = tpu.vector_load %arg6[%get3A_1044, %get3A_1045] {strides = array<i32>} : memref<3328x16xf32, #tpu.memory_space<vmem>>, vector<16xf32>,
      %add3A_1047 = arith.addf %add3A_1037, %get3A_1046 : vector<16xf32>
      %mul3A_1048 = arith.mulf %get3A_1046, %get3A_1046 : vector<16xf32>
      %add3A_1049 = arith.addf %add3A_1039, %mul3A_1048 : vector<16xf32>
      %add3A_1050 = arith.constant 1152 : i32
      %add3A_1051 = arith.addi %add3A_1050, %mul3A_684 : i32
      %add3A_1052 = arith.constant 1 : i32
      %add3A_1053 = arith.addi %add3A_1051, %add3A_1052 : i32
      %get3A_1054 = arith.index_cast %add3A_1053 : i32 to index
      %get3A_1055 = arith.constant 0 : index
      %get3A_1056 = tpu.vector_load %arg6[%get3A_1054, %get3A_1055] {strides = array<i32>} : memref<3328x16xf32, #tpu.memory_space<vmem>>, vector<16xf32>,
      %add3A_1057 = arith.addf %add3A_1047, %get3A_1056 : vector<16xf32>
      %mul3A_1058 = arith.mulf %get3A_1056, %get3A_1056 : vector<16xf32>
      %add3A_1059 = arith.addf %add3A_1049, %mul3A_1058 : vector<16xf32>
      %add3A_1060 = arith.constant 1280 : i32
      %add3A_1061 = arith.addi %add3A_1060, %mul3A_684 : i32
      %add3A_1062 = arith.constant 1 : i32
      %add3A_1063 = arith.addi %add3A_1061, %add3A_1062 : i32
      %get3A_1064 = arith.index_cast %add3A_1063 : i32 to index
      %get3A_1065 = arith.constant 0 : index
      %get3A_1066 = tpu.vector_load %arg6[%get3A_1064, %get3A_1065] {strides = array<i32>} : memref<3328x16xf32, #tpu.memory_space<vmem>>, vector<16xf32>,
      %add3A_1067 = arith.addf %add3A_1057, %get3A_1066 : vector<16xf32>
      %mul3A_1068 = arith.mulf %get3A_1066, %get3A_1066 : vector<16xf32>
      %add3A_1069 = arith.addf %add3A_1059, %mul3A_1068 : vector<16xf32>
      %add3A_1070 = arith.constant 1408 : i32
      %add3A_1071 = arith.addi %add3A_1070, %mul3A_684 : i32
      %add3A_1072 = arith.constant 1 : i32
      %add3A_1073 = arith.addi %add3A_1071, %add3A_1072 : i32
      %get3A_1074 = arith.index_cast %add3A_1073 : i32 to index
      %get3A_1075 = arith.constant 0 : index
      %get3A_1076 = tpu.vector_load %arg6[%get3A_1074, %get3A_1075] {strides = array<i32>} : memref<3328x16xf32, #tpu.memory_space<vmem>>, vector<16xf32>,
      %add3A_1077 = arith.addf %add3A_1067, %get3A_1076 : vector<16xf32>
      %mul3A_1078 = arith.mulf %get3A_1076, %get3A_1076 : vector<16xf32>
      %add3A_1079 = arith.addf %add3A_1069, %mul3A_1078 : vector<16xf32>
      %add3A_1080 = arith.constant 1536 : i32
      %add3A_1081 = arith.addi %add3A_1080, %mul3A_684 : i32
      %add3A_1082 = arith.constant 1 : i32
      %add3A_1083 = arith.addi %add3A_1081, %add3A_1082 : i32
      %get3A_1084 = arith.index_cast %add3A_1083 : i32 to index
      %get3A_1085 = arith.constant 0 : index
      %get3A_1086 = tpu.vector_load %arg6[%get3A_1084, %get3A_1085] {strides = array<i32>} : memref<3328x16xf32, #tpu.memory_space<vmem>>, vector<16xf32>,
      %add3A_1087 = arith.addf %add3A_1077, %get3A_1086 : vector<16xf32>
      %mul3A_1088 = arith.mulf %get3A_1086, %get3A_1086 : vector<16xf32>
      %add3A_1089 = arith.addf %add3A_1079, %mul3A_1088 : vector<16xf32>
      %add3A_1090 = arith.constant 1664 : i32
      %add3A_1091 = arith.addi %add3A_1090, %mul3A_684 : i32
      %add3A_1092 = arith.constant 1 : i32
      %add3A_1093 = arith.addi %add3A_1091, %add3A_1092 : i32
      %get3A_1094 = arith.index_cast %add3A_1093 : i32 to index
      %get3A_1095 = arith.constant 0 : index
      %get3A_1096 = tpu.vector_load %arg6[%get3A_1094, %get3A_1095] {strides = array<i32>} : memref<3328x16xf32, #tpu.memory_space<vmem>>, vector<16xf32>,
      %add3A_1097 = arith.addf %add3A_1087, %get3A_1096 : vector<16xf32>
      %mul3A_1098 = arith.mulf %get3A_1096, %get3A_1096 : vector<16xf32>
      %add3A_1099 = arith.addf %add3A_1089, %mul3A_1098 : vector<16xf32>
      %add3A_1100 = arith.constant 1792 : i32
      %add3A_1101 = arith.addi %add3A_1100, %mul3A_684 : i32
      %add3A_1102 = arith.constant 1 : i32
      %add3A_1103 = arith.addi %add3A_1101, %add3A_1102 : i32
      %get3A_1104 = arith.index_cast %add3A_1103 : i32 to index
      %get3A_1105 = arith.constant 0 : index
      %get3A_1106 = tpu.vector_load %arg6[%get3A_1104, %get3A_1105] {strides = array<i32>} : memref<3328x16xf32, #tpu.memory_space<vmem>>, vector<16xf32>,
      %add3A_1107 = arith.addf %add3A_1097, %get3A_1106 : vector<16xf32>
      %mul3A_1108 = arith.mulf %get3A_1106, %get3A_1106 : vector<16xf32>
      %add3A_1109 = arith.addf %add3A_1099, %mul3A_1108 : vector<16xf32>
      %add3A_1110 = arith.constant 1920 : i32
      %add3A_1111 = arith.addi %add3A_1110, %mul3A_684 : i32
      %add3A_1112 = arith.constant 1 : i32
      %add3A_1113 = arith.addi %add3A_1111, %add3A_1112 : i32
      %get3A_1114 = arith.index_cast %add3A_1113 : i32 to index
      %get3A_1115 = arith.constant 0 : index
      %get3A_1116 = tpu.vector_load %arg6[%get3A_1114, %get3A_1115] {strides = array<i32>} : memref<3328x16xf32, #tpu.memory_space<vmem>>, vector<16xf32>,
      %add3A_1117 = arith.addf %add3A_1107, %get3A_1116 : vector<16xf32>
      %mul3A_1118 = arith.mulf %get3A_1116, %get3A_1116 : vector<16xf32>
      %add3A_1119 = arith.addf %add3A_1109, %mul3A_1118 : vector<16xf32>
      %add3A_1120 = arith.constant 2048 : i32
      %add3A_1121 = arith.addi %add3A_1120, %mul3A_684 : i32
      %add3A_1122 = arith.constant 1 : i32
      %add3A_1123 = arith.addi %add3A_1121, %add3A_1122 : i32
      %get3A_1124 = arith.index_cast %add3A_1123 : i32 to index
      %get3A_1125 = arith.constant 0 : index
      %get3A_1126 = tpu.vector_load %arg6[%get3A_1124, %get3A_1125] {strides = array<i32>} : memref<3328x16xf32, #tpu.memory_space<vmem>>, vector<16xf32>,
      %add3A_1127 = arith.addf %add3A_1117, %get3A_1126 : vector<16xf32>
      %mul3A_1128 = arith.mulf %get3A_1126, %get3A_1126 : vector<16xf32>
      %add3A_1129 = arith.addf %add3A_1119, %mul3A_1128 : vector<16xf32>
      %add3A_1130 = arith.constant 2176 : i32
      %add3A_1131 = arith.addi %add3A_1130, %mul3A_684 : i32
      %add3A_1132 = arith.constant 1 : i32
      %add3A_1133 = arith.addi %add3A_1131, %add3A_1132 : i32
      %get3A_1134 = arith.index_cast %add3A_1133 : i32 to index
      %get3A_1135 = arith.constant 0 : index
      %get3A_1136 = tpu.vector_load %arg6[%get3A_1134, %get3A_1135] {strides = array<i32>} : memref<3328x16xf32, #tpu.memory_space<vmem>>, vector<16xf32>,
      %add3A_1137 = arith.addf %add3A_1127, %get3A_1136 : vector<16xf32>
      %mul3A_1138 = arith.mulf %get3A_1136, %get3A_1136 : vector<16xf32>
      %add3A_1139 = arith.addf %add3A_1129, %mul3A_1138 : vector<16xf32>
      %add3A_1140 = arith.constant 2304 : i32
      %add3A_1141 = arith.addi %add3A_1140, %mul3A_684 : i32
      %add3A_1142 = arith.constant 1 : i32
      %add3A_1143 = arith.addi %add3A_1141, %add3A_1142 : i32
      %get3A_1144 = arith.index_cast %add3A_1143 : i32 to index
      %get3A_1145 = arith.constant 0 : index
      %get3A_1146 = tpu.vector_load %arg6[%get3A_1144, %get3A_1145] {strides = array<i32>} : memref<3328x16xf32, #tpu.memory_space<vmem>>, vector<16xf32>,
      %add3A_1147 = arith.addf %add3A_1137, %get3A_1146 : vector<16xf32>
      %mul3A_1148 = arith.mulf %get3A_1146, %get3A_1146 : vector<16xf32>
      %add3A_1149 = arith.addf %add3A_1139, %mul3A_1148 : vector<16xf32>
      %add3A_1150 = arith.constant 2432 : i32
      %add3A_1151 = arith.addi %add3A_1150, %mul3A_684 : i32
      %add3A_1152 = arith.constant 1 : i32
      %add3A_1153 = arith.addi %add3A_1151, %add3A_1152 : i32
      %get3A_1154 = arith.index_cast %add3A_1153 : i32 to index
      %get3A_1155 = arith.constant 0 : index
      %get3A_1156 = tpu.vector_load %arg6[%get3A_1154, %get3A_1155] {strides = array<i32>} : memref<3328x16xf32, #tpu.memory_space<vmem>>, vector<16xf32>,
      %add3A_1157 = arith.addf %add3A_1147, %get3A_1156 : vector<16xf32>
      %mul3A_1158 = arith.mulf %get3A_1156, %get3A_1156 : vector<16xf32>
      %add3A_1159 = arith.addf %add3A_1149, %mul3A_1158 : vector<16xf32>
      %add3A_1160 = arith.constant 2560 : i32
      %add3A_1161 = arith.addi %add3A_1160, %mul3A_684 : i32
      %add3A_1162 = arith.constant 1 : i32
      %add3A_1163 = arith.addi %add3A_1161, %add3A_1162 : i32
      %get3A_1164 = arith.index_cast %add3A_1163 : i32 to index
      %get3A_1165 = arith.constant 0 : index
      %get3A_1166 = tpu.vector_load %arg6[%get3A_1164, %get3A_1165] {strides = array<i32>} : memref<3328x16xf32, #tpu.memory_space<vmem>>, vector<16xf32>,
      %add3A_1167 = arith.addf %add3A_1157, %get3A_1166 : vector<16xf32>
      %mul3A_1168 = arith.mulf %get3A_1166, %get3A_1166 : vector<16xf32>
      %add3A_1169 = arith.addf %add3A_1159, %mul3A_1168 : vector<16xf32>
      %add3A_1170 = arith.constant 2688 : i32
      %add3A_1171 = arith.addi %add3A_1170, %mul3A_684 : i32
      %add3A_1172 = arith.constant 1 : i32
      %add3A_1173 = arith.addi %add3A_1171, %add3A_1172 : i32
      %get3A_1174 = arith.index_cast %add3A_1173 : i32 to index
      %get3A_1175 = arith.constant 0 : index
      %get3A_1176 = tpu.vector_load %arg6[%get3A_1174, %get3A_1175] {strides = array<i32>} : memref<3328x16xf32, #tpu.memory_space<vmem>>, vector<16xf32>,
      %add3A_1177 = arith.addf %add3A_1167, %get3A_1176 : vector<16xf32>
      %mul3A_1178 = arith.mulf %get3A_1176, %get3A_1176 : vector<16xf32>
      %add3A_1179 = arith.addf %add3A_1169, %mul3A_1178 : vector<16xf32>
      %add3A_1180 = arith.constant 2816 : i32
      %add3A_1181 = arith.addi %add3A_1180, %mul3A_684 : i32
      %add3A_1182 = arith.constant 1 : i32
      %add3A_1183 = arith.addi %add3A_1181, %add3A_1182 : i32
      %get3A_1184 = arith.index_cast %add3A_1183 : i32 to index
      %get3A_1185 = arith.constant 0 : index
      %get3A_1186 = tpu.vector_load %arg6[%get3A_1184, %get3A_1185] {strides = array<i32>} : memref<3328x16xf32, #tpu.memory_space<vmem>>, vector<16xf32>,
      %add3A_1187 = arith.addf %add3A_1177, %get3A_1186 : vector<16xf32>
      %mul3A_1188 = arith.mulf %get3A_1186, %get3A_1186 : vector<16xf32>
      %add3A_1189 = arith.addf %add3A_1179, %mul3A_1188 : vector<16xf32>
      %add3A_1190 = arith.constant 2944 : i32
      %add3A_1191 = arith.addi %add3A_1190, %mul3A_684 : i32
      %add3A_1192 = arith.constant 1 : i32
      %add3A_1193 = arith.addi %add3A_1191, %add3A_1192 : i32
      %get3A_1194 = arith.index_cast %add3A_1193 : i32 to index
      %get3A_1195 = arith.constant 0 : index
      %get3A_1196 = tpu.vector_load %arg6[%get3A_1194, %get3A_1195] {strides = array<i32>} : memref<3328x16xf32, #tpu.memory_space<vmem>>, vector<16xf32>,
      %add3A_1197 = arith.addf %add3A_1187, %get3A_1196 : vector<16xf32>
      %mul3A_1198 = arith.mulf %get3A_1196, %get3A_1196 : vector<16xf32>
      %add3A_1199 = arith.addf %add3A_1189, %mul3A_1198 : vector<16xf32>
      %add3A_1200 = arith.constant 3072 : i32
      %add3A_1201 = arith.addi %add3A_1200, %mul3A_684 : i32
      %add3A_1202 = arith.constant 1 : i32
      %add3A_1203 = arith.addi %add3A_1201, %add3A_1202 : i32
      %get3A_1204 = arith.index_cast %add3A_1203 : i32 to index
      %get3A_1205 = arith.constant 0 : index
      %get3A_1206 = tpu.vector_load %arg6[%get3A_1204, %get3A_1205] {strides = array<i32>} : memref<3328x16xf32, #tpu.memory_space<vmem>>, vector<16xf32>,
      %add3A_1207 = arith.addf %add3A_1197, %get3A_1206 : vector<16xf32>
      %mul3A_1208 = arith.mulf %get3A_1206, %get3A_1206 : vector<16xf32>
      %add3A_1209 = arith.addf %add3A_1199, %mul3A_1208 : vector<16xf32>
      %add3A_1210 = arith.constant 3200 : i32
      %add3A_1211 = arith.addi %add3A_1210, %mul3A_684 : i32
      %add3A_1212 = arith.constant 1 : i32
      %add3A_1213 = arith.addi %add3A_1211, %add3A_1212 : i32
      %get3A_1214 = arith.index_cast %add3A_1213 : i32 to index
      %get3A_1215 = arith.constant 0 : index
      %get3A_1216 = tpu.vector_load %arg6[%get3A_1214, %get3A_1215] {strides = array<i32>} : memref<3328x16xf32, #tpu.memory_space<vmem>>, vector<16xf32>,
      %add3A_1217 = arith.addf %add3A_1207, %get3A_1216 : vector<16xf32>
      %mul3A_1218 = arith.mulf %get3A_1216, %get3A_1216 : vector<16xf32>
      %add3A_1219 = arith.addf %add3A_1209, %mul3A_1218 : vector<16xf32>
      %mul3A_1220 = arith.mulf %add3A_1217, %add3A_1217 : vector<16xf32>
      %sub3A_1221 = arith.subf %mul3A_1220, %add3A_1219 : vector<16xf32>
      %reduce_sum3A_1222 = arith.constant true
      %reduce_sum3A_1223 = vector.broadcast %reduce_sum3A_1222 : i1 to vector<16xi1>
      %reduce_sum3A_1224 = tpu.scan <sum>, %sub3A_1221 masked %reduce_sum3A_1223 : vector<16xf32>, vector<16xi1> -> vector<16xf32>
      %reduce_sum3A_1225 = vector.extract %reduce_sum3A_1224[15] : f32 from vector<16xf32>
      %eq3A_1226 = arith.constant 1 : i32
      %eq3A_1227 = vector.broadcast %eq3A_1226 : i32 to vector<16xi32>
      %eq3A_1228 = arith.cmpi eq, %iota3A, %eq3A_1227 : vector<16xi32>
      %broadcast_in_dim3A_1229 = vector.broadcast %reduce_sum3A_1225 : f32 to vector<16xf32>
      %select_n3A_1230 = arith.select %eq3A_1228, %broadcast_in_dim3A_1229, %select_n3A : vector<16xi1>, vector<16xf32>
      %broadcast_in_dim3A_1231 = arith.constant 0.000000e+00 : f32
      %broadcast_in_dim3A_1232 = vector.broadcast %broadcast_in_dim3A_1231 : f32 to vector<16xf32>
      %broadcast_in_dim3A_1233 = arith.constant 0.000000e+00 : f32
      %broadcast_in_dim3A_1234 = vector.broadcast %broadcast_in_dim3A_1233 : f32 to vector<16xf32>
      %add3A_1235 = arith.constant 0 : i32
      %add3A_1236 = arith.addi %add3A_1235, %mul3A_684 : i32
      %add3A_1237 = arith.constant 2 : i32
      %add3A_1238 = arith.addi %add3A_1236, %add3A_1237 : i32
      %get3A_1239 = arith.index_cast %add3A_1238 : i32 to index
      %get3A_1240 = arith.constant 0 : index
      %get3A_1241 = tpu.vector_load %arg6[%get3A_1239, %get3A_1240] {strides = array<i32>} : memref<3328x16xf32, #tpu.memory_space<vmem>>, vector<16xf32>,
      %add3A_1242 = arith.addf %broadcast_in_dim3A_1232, %get3A_1241 : vector<16xf32>
      %mul3A_1243 = arith.mulf %get3A_1241, %get3A_1241 : vector<16xf32>
      %add3A_1244 = arith.addf %broadcast_in_dim3A_1234, %mul3A_1243 : vector<16xf32>
      %add3A_1245 = arith.constant 128 : i32
      %add3A_1246 = arith.addi %add3A_1245, %mul3A_684 : i32
      %add3A_1247 = arith.constant 2 : i32
      %add3A_1248 = arith.addi %add3A_1246, %add3A_1247 : i32
      %get3A_1249 = arith.index_cast %add3A_1248 : i32 to index
      %get3A_1250 = arith.constant 0 : index
      %get3A_1251 = tpu.vector_load %arg6[%get3A_1249, %get3A_1250] {strides = array<i32>} : memref<3328x16xf32, #tpu.memory_space<vmem>>, vector<16xf32>,
      %add3A_1252 = arith.addf %add3A_1242, %get3A_1251 : vector<16xf32>
      %mul3A_1253 = arith.mulf %get3A_1251, %get3A_1251 : vector<16xf32>
      %add3A_1254 = arith.addf %add3A_1244, %mul3A_1253 : vector<16xf32>
      %add3A_1255 = arith.constant 256 : i32
      %add3A_1256 = arith.addi %add3A_1255, %mul3A_684 : i32
      %add3A_1257 = arith.constant 2 : i32
      %add3A_1258 = arith.addi %add3A_1256, %add3A_1257 : i32
      %get3A_1259 = arith.index_cast %add3A_1258 : i32 to index
      %get3A_1260 = arith.constant 0 : index
      %get3A_1261 = tpu.vector_load %arg6[%get3A_1259, %get3A_1260] {strides = array<i32>} : memref<3328x16xf32, #tpu.memory_space<vmem>>, vector<16xf32>,
      %add3A_1262 = arith.addf %add3A_1252, %get3A_1261 : vector<16xf32>
      %mul3A_1263 = arith.mulf %get3A_1261, %get3A_1261 : vector<16xf32>
      %add3A_1264 = arith.addf %add3A_1254, %mul3A_1263 : vector<16xf32>
      %add3A_1265 = arith.constant 384 : i32
      %add3A_1266 = arith.addi %add3A_1265, %mul3A_684 : i32
      %add3A_1267 = arith.constant 2 : i32
      %add3A_1268 = arith.addi %add3A_1266, %add3A_1267 : i32
      %get3A_1269 = arith.index_cast %add3A_1268 : i32 to index
      %get3A_1270 = arith.constant 0 : index
      %get3A_1271 = tpu.vector_load %arg6[%get3A_1269, %get3A_1270] {strides = array<i32>} : memref<3328x16xf32, #tpu.memory_space<vmem>>, vector<16xf32>,
      %add3A_1272 = arith.addf %add3A_1262, %get3A_1271 : vector<16xf32>
      %mul3A_1273 = arith.mulf %get3A_1271, %get3A_1271 : vector<16xf32>
      %add3A_1274 = arith.addf %add3A_1264, %mul3A_1273 : vector<16xf32>
      %add3A_1275 = arith.constant 512 : i32
      %add3A_1276 = arith.addi %add3A_1275, %mul3A_684 : i32
      %add3A_1277 = arith.constant 2 : i32
      %add3A_1278 = arith.addi %add3A_1276, %add3A_1277 : i32
      %get3A_1279 = arith.index_cast %add3A_1278 : i32 to index
      %get3A_1280 = arith.constant 0 : index
      %get3A_1281 = tpu.vector_load %arg6[%get3A_1279, %get3A_1280] {strides = array<i32>} : memref<3328x16xf32, #tpu.memory_space<vmem>>, vector<16xf32>,
      %add3A_1282 = arith.addf %add3A_1272, %get3A_1281 : vector<16xf32>
      %mul3A_1283 = arith.mulf %get3A_1281, %get3A_1281 : vector<16xf32>
      %add3A_1284 = arith.addf %add3A_1274, %mul3A_1283 : vector<16xf32>
      %add3A_1285 = arith.constant 640 : i32
      %add3A_1286 = arith.addi %add3A_1285, %mul3A_684 : i32
      %add3A_1287 = arith.constant 2 : i32
      %add3A_1288 = arith.addi %add3A_1286, %add3A_1287 : i32
      %get3A_1289 = arith.index_cast %add3A_1288 : i32 to index
      %get3A_1290 = arith.constant 0 : index
      %get3A_1291 = tpu.vector_load %arg6[%get3A_1289, %get3A_1290] {strides = array<i32>} : memref<3328x16xf32, #tpu.memory_space<vmem>>, vector<16xf32>,
      %add3A_1292 = arith.addf %add3A_1282, %get3A_1291 : vector<16xf32>
      %mul3A_1293 = arith.mulf %get3A_1291, %get3A_1291 : vector<16xf32>
      %add3A_1294 = arith.addf %add3A_1284, %mul3A_1293 : vector<16xf32>
      %add3A_1295 = arith.constant 768 : i32
      %add3A_1296 = arith.addi %add3A_1295, %mul3A_684 : i32
      %add3A_1297 = arith.constant 2 : i32
      %add3A_1298 = arith.addi %add3A_1296, %add3A_1297 : i32
      %get3A_1299 = arith.index_cast %add3A_1298 : i32 to index
      %get3A_1300 = arith.constant 0 : index
      %get3A_1301 = tpu.vector_load %arg6[%get3A_1299, %get3A_1300] {strides = array<i32>} : memref<3328x16xf32, #tpu.memory_space<vmem>>, vector<16xf32>,
      %add3A_1302 = arith.addf %add3A_1292, %get3A_1301 : vector<16xf32>
      %mul3A_1303 = arith.mulf %get3A_1301, %get3A_1301 : vector<16xf32>
      %add3A_1304 = arith.addf %add3A_1294, %mul3A_1303 : vector<16xf32>
      %add3A_1305 = arith.constant 896 : i32
      %add3A_1306 = arith.addi %add3A_1305, %mul3A_684 : i32
      %add3A_1307 = arith.constant 2 : i32
      %add3A_1308 = arith.addi %add3A_1306, %add3A_1307 : i32
      %get3A_1309 = arith.index_cast %add3A_1308 : i32 to index
      %get3A_1310 = arith.constant 0 : index
      %get3A_1311 = tpu.vector_load %arg6[%get3A_1309, %get3A_1310] {strides = array<i32>} : memref<3328x16xf32, #tpu.memory_space<vmem>>, vector<16xf32>,
      %add3A_1312 = arith.addf %add3A_1302, %get3A_1311 : vector<16xf32>
      %mul3A_1313 = arith.mulf %get3A_1311, %get3A_1311 : vector<16xf32>
      %add3A_1314 = arith.addf %add3A_1304, %mul3A_1313 : vector<16xf32>
      %add3A_1315 = arith.constant 1024 : i32
      %add3A_1316 = arith.addi %add3A_1315, %mul3A_684 : i32
      %add3A_1317 = arith.constant 2 : i32
      %add3A_1318 = arith.addi %add3A_1316, %add3A_1317 : i32
      %get3A_1319 = arith.index_cast %add3A_1318 : i32 to index
      %get3A_1320 = arith.constant 0 : index
      %get3A_1321 = tpu.vector_load %arg6[%get3A_1319, %get3A_1320] {strides = array<i32>} : memref<3328x16xf32, #tpu.memory_space<vmem>>, vector<16xf32>,
      %add3A_1322 = arith.addf %add3A_1312, %get3A_1321 : vector<16xf32>
      %mul3A_1323 = arith.mulf %get3A_1321, %get3A_1321 : vector<16xf32>
      %add3A_1324 = arith.addf %add3A_1314, %mul3A_1323 : vector<16xf32>
      %add3A_1325 = arith.constant 1152 : i32
      %add3A_1326 = arith.addi %add3A_1325, %mul3A_684 : i32
      %add3A_1327 = arith.constant 2 : i32
      %add3A_1328 = arith.addi %add3A_1326, %add3A_1327 : i32
      %get3A_1329 = arith.index_cast %add3A_1328 : i32 to index
      %get3A_1330 = arith.constant 0 : index
      %get3A_1331 = tpu.vector_load %arg6[%get3A_1329, %get3A_1330] {strides = array<i32>} : memref<3328x16xf32, #tpu.memory_space<vmem>>, vector<16xf32>,
      %add3A_1332 = arith.addf %add3A_1322, %get3A_1331 : vector<16xf32>
      %mul3A_1333 = arith.mulf %get3A_1331, %get3A_1331 : vector<16xf32>
      %add3A_1334 = arith.addf %add3A_1324, %mul3A_1333 : vector<16xf32>
      %add3A_1335 = arith.constant 1280 : i32
      %add3A_1336 = arith.addi %add3A_1335, %mul3A_684 : i32
      %add3A_1337 = arith.constant 2 : i32
      %add3A_1338 = arith.addi %add3A_1336, %add3A_1337 : i32
      %get3A_1339 = arith.index_cast %add3A_1338 : i32 to index
      %get3A_1340 = arith.constant 0 : index
      %get3A_1341 = tpu.vector_load %arg6[%get3A_1339, %get3A_1340] {strides = array<i32>} : memref<3328x16xf32, #tpu.memory_space<vmem>>, vector<16xf32>,
      %add3A_1342 = arith.addf %add3A_1332, %get3A_1341 : vector<16xf32>
      %mul3A_1343 = arith.mulf %get3A_1341, %get3A_1341 : vector<16xf32>
      %add3A_1344 = arith.addf %add3A_1334, %mul3A_1343 : vector<16xf32>
      %add3A_1345 = arith.constant 1408 : i32
      %add3A_1346 = arith.addi %add3A_1345, %mul3A_684 : i32
      %add3A_1347 = arith.constant 2 : i32
      %add3A_1348 = arith.addi %add3A_1346, %add3A_1347 : i32
      %get3A_1349 = arith.index_cast %add3A_1348 : i32 to index
      %get3A_1350 = arith.constant 0 : index
      %get3A_1351 = tpu.vector_load %arg6[%get3A_1349, %get3A_1350] {strides = array<i32>} : memref<3328x16xf32, #tpu.memory_space<vmem>>, vector<16xf32>,
      %add3A_1352 = arith.addf %add3A_1342, %get3A_1351 : vector<16xf32>
      %mul3A_1353 = arith.mulf %get3A_1351, %get3A_1351 : vector<16xf32>
      %add3A_1354 = arith.addf %add3A_1344, %mul3A_1353 : vector<16xf32>
      %add3A_1355 = arith.constant 1536 : i32
      %add3A_1356 = arith.addi %add3A_1355, %mul3A_684 : i32
      %add3A_1357 = arith.constant 2 : i32
      %add3A_1358 = arith.addi %add3A_1356, %add3A_1357 : i32
      %get3A_1359 = arith.index_cast %add3A_1358 : i32 to index
      %get3A_1360 = arith.constant 0 : index
      %get3A_1361 = tpu.vector_load %arg6[%get3A_1359, %get3A_1360] {strides = array<i32>} : memref<3328x16xf32, #tpu.memory_space<vmem>>, vector<16xf32>,
      %add3A_1362 = arith.addf %add3A_1352, %get3A_1361 : vector<16xf32>
      %mul3A_1363 = arith.mulf %get3A_1361, %get3A_1361 : vector<16xf32>
      %add3A_1364 = arith.addf %add3A_1354, %mul3A_1363 : vector<16xf32>
      %add3A_1365 = arith.constant 1664 : i32
      %add3A_1366 = arith.addi %add3A_1365, %mul3A_684 : i32
      %add3A_1367 = arith.constant 2 : i32
      %add3A_1368 = arith.addi %add3A_1366, %add3A_1367 : i32
      %get3A_1369 = arith.index_cast %add3A_1368 : i32 to index
      %get3A_1370 = arith.constant 0 : index
      %get3A_1371 = tpu.vector_load %arg6[%get3A_1369, %get3A_1370] {strides = array<i32>} : memref<3328x16xf32, #tpu.memory_space<vmem>>, vector<16xf32>,
      %add3A_1372 = arith.addf %add3A_1362, %get3A_1371 : vector<16xf32>
      %mul3A_1373 = arith.mulf %get3A_1371, %get3A_1371 : vector<16xf32>
      %add3A_1374 = arith.addf %add3A_1364, %mul3A_1373 : vector<16xf32>
      %add3A_1375 = arith.constant 1792 : i32
      %add3A_1376 = arith.addi %add3A_1375, %mul3A_684 : i32
      %add3A_1377 = arith.constant 2 : i32
      %add3A_1378 = arith.addi %add3A_1376, %add3A_1377 : i32
      %get3A_1379 = arith.index_cast %add3A_1378 : i32 to index
      %get3A_1380 = arith.constant 0 : index
      %get3A_1381 = tpu.vector_load %arg6[%get3A_1379, %get3A_1380] {strides = array<i32>} : memref<3328x16xf32, #tpu.memory_space<vmem>>, vector<16xf32>,
      %add3A_1382 = arith.addf %add3A_1372, %get3A_1381 : vector<16xf32>
      %mul3A_1383 = arith.mulf %get3A_1381, %get3A_1381 : vector<16xf32>
      %add3A_1384 = arith.addf %add3A_1374, %mul3A_1383 : vector<16xf32>
      %add3A_1385 = arith.constant 1920 : i32
      %add3A_1386 = arith.addi %add3A_1385, %mul3A_684 : i32
      %add3A_1387 = arith.constant 2 : i32
      %add3A_1388 = arith.addi %add3A_1386, %add3A_1387 : i32
      %get3A_1389 = arith.index_cast %add3A_1388 : i32 to index
      %get3A_1390 = arith.constant 0 : index
      %get3A_1391 = tpu.vector_load %arg6[%get3A_1389, %get3A_1390] {strides = array<i32>} : memref<3328x16xf32, #tpu.memory_space<vmem>>, vector<16xf32>,
      %add3A_1392 = arith.addf %add3A_1382, %get3A_1391 : vector<16xf32>
      %mul3A_1393 = arith.mulf %get3A_1391, %get3A_1391 : vector<16xf32>
      %add3A_1394 = arith.addf %add3A_1384, %mul3A_1393 : vector<16xf32>
      %add3A_1395 = arith.constant 2048 : i32
      %add3A_1396 = arith.addi %add3A_1395, %mul3A_684 : i32
      %add3A_1397 = arith.constant 2 : i32
      %add3A_1398 = arith.addi %add3A_1396, %add3A_1397 : i32
      %get3A_1399 = arith.index_cast %add3A_1398 : i32 to index
      %get3A_1400 = arith.constant 0 : index
      %get3A_1401 = tpu.vector_load %arg6[%get3A_1399, %get3A_1400] {strides = array<i32>} : memref<3328x16xf32, #tpu.memory_space<vmem>>, vector<16xf32>,
      %add3A_1402 = arith.addf %add3A_1392, %get3A_1401 : vector<16xf32>
      %mul3A_1403 = arith.mulf %get3A_1401, %get3A_1401 : vector<16xf32>
      %add3A_1404 = arith.addf %add3A_1394, %mul3A_1403 : vector<16xf32>
      %add3A_1405 = arith.constant 2176 : i32
      %add3A_1406 = arith.addi %add3A_1405, %mul3A_684 : i32
      %add3A_1407 = arith.constant 2 : i32
      %add3A_1408 = arith.addi %add3A_1406, %add3A_1407 : i32
      %get3A_1409 = arith.index_cast %add3A_1408 : i32 to index
      %get3A_1410 = arith.constant 0 : index
      %get3A_1411 = tpu.vector_load %arg6[%get3A_1409, %get3A_1410] {strides = array<i32>} : memref<3328x16xf32, #tpu.memory_space<vmem>>, vector<16xf32>,
      %add3A_1412 = arith.addf %add3A_1402, %get3A_1411 : vector<16xf32>
      %mul3A_1413 = arith.mulf %get3A_1411, %get3A_1411 : vector<16xf32>
      %add3A_1414 = arith.addf %add3A_1404, %mul3A_1413 : vector<16xf32>
      %add3A_1415 = arith.constant 2304 : i32
      %add3A_1416 = arith.addi %add3A_1415, %mul3A_684 : i32
      %add3A_1417 = arith.constant 2 : i32
      %add3A_1418 = arith.addi %add3A_1416, %add3A_1417 : i32
      %get3A_1419 = arith.index_cast %add3A_1418 : i32 to index
      %get3A_1420 = arith.constant 0 : index
      %get3A_1421 = tpu.vector_load %arg6[%get3A_1419, %get3A_1420] {strides = array<i32>} : memref<3328x16xf32, #tpu.memory_space<vmem>>, vector<16xf32>,
      %add3A_1422 = arith.addf %add3A_1412, %get3A_1421 : vector<16xf32>
      %mul3A_1423 = arith.mulf %get3A_1421, %get3A_1421 : vector<16xf32>
      %add3A_1424 = arith.addf %add3A_1414, %mul3A_1423 : vector<16xf32>
      %add3A_1425 = arith.constant 2432 : i32
      %add3A_1426 = arith.addi %add3A_1425, %mul3A_684 : i32
      %add3A_1427 = arith.constant 2 : i32
      %add3A_1428 = arith.addi %add3A_1426, %add3A_1427 : i32
      %get3A_1429 = arith.index_cast %add3A_1428 : i32 to index
      %get3A_1430 = arith.constant 0 : index
      %get3A_1431 = tpu.vector_load %arg6[%get3A_1429, %get3A_1430] {strides = array<i32>} : memref<3328x16xf32, #tpu.memory_space<vmem>>, vector<16xf32>,
      %add3A_1432 = arith.addf %add3A_1422, %get3A_1431 : vector<16xf32>
      %mul3A_1433 = arith.mulf %get3A_1431, %get3A_1431 : vector<16xf32>
      %add3A_1434 = arith.addf %add3A_1424, %mul3A_1433 : vector<16xf32>
      %add3A_1435 = arith.constant 2560 : i32
      %add3A_1436 = arith.addi %add3A_1435, %mul3A_684 : i32
      %add3A_1437 = arith.constant 2 : i32
      %add3A_1438 = arith.addi %add3A_1436, %add3A_1437 : i32
      %get3A_1439 = arith.index_cast %add3A_1438 : i32 to index
      %get3A_1440 = arith.constant 0 : index
      %get3A_1441 = tpu.vector_load %arg6[%get3A_1439, %get3A_1440] {strides = array<i32>} : memref<3328x16xf32, #tpu.memory_space<vmem>>, vector<16xf32>,
      %add3A_1442 = arith.addf %add3A_1432, %get3A_1441 : vector<16xf32>
      %mul3A_1443 = arith.mulf %get3A_1441, %get3A_1441 : vector<16xf32>
      %add3A_1444 = arith.addf %add3A_1434, %mul3A_1443 : vector<16xf32>
      %add3A_1445 = arith.constant 2688 : i32
      %add3A_1446 = arith.addi %add3A_1445, %mul3A_684 : i32
      %add3A_1447 = arith.constant 2 : i32
      %add3A_1448 = arith.addi %add3A_1446, %add3A_1447 : i32
      %get3A_1449 = arith.index_cast %add3A_1448 : i32 to index
      %get3A_1450 = arith.constant 0 : index
      %get3A_1451 = tpu.vector_load %arg6[%get3A_1449, %get3A_1450] {strides = array<i32>} : memref<3328x16xf32, #tpu.memory_space<vmem>>, vector<16xf32>,
      %add3A_1452 = arith.addf %add3A_1442, %get3A_1451 : vector<16xf32>
      %mul3A_1453 = arith.mulf %get3A_1451, %get3A_1451 : vector<16xf32>
      %add3A_1454 = arith.addf %add3A_1444, %mul3A_1453 : vector<16xf32>
      %add3A_1455 = arith.constant 2816 : i32
      %add3A_1456 = arith.addi %add3A_1455, %mul3A_684 : i32
      %add3A_1457 = arith.constant 2 : i32
      %add3A_1458 = arith.addi %add3A_1456, %add3A_1457 : i32
      %get3A_1459 = arith.index_cast %add3A_1458 : i32 to index
      %get3A_1460 = arith.constant 0 : index
      %get3A_1461 = tpu.vector_load %arg6[%get3A_1459, %get3A_1460] {strides = array<i32>} : memref<3328x16xf32, #tpu.memory_space<vmem>>, vector<16xf32>,
      %add3A_1462 = arith.addf %add3A_1452, %get3A_1461 : vector<16xf32>
      %mul3A_1463 = arith.mulf %get3A_1461, %get3A_1461 : vector<16xf32>
      %add3A_1464 = arith.addf %add3A_1454, %mul3A_1463 : vector<16xf32>
      %add3A_1465 = arith.constant 2944 : i32
      %add3A_1466 = arith.addi %add3A_1465, %mul3A_684 : i32
      %add3A_1467 = arith.constant 2 : i32
      %add3A_1468 = arith.addi %add3A_1466, %add3A_1467 : i32
      %get3A_1469 = arith.index_cast %add3A_1468 : i32 to index
      %get3A_1470 = arith.constant 0 : index
      %get3A_1471 = tpu.vector_load %arg6[%get3A_1469, %get3A_1470] {strides = array<i32>} : memref<3328x16xf32, #tpu.memory_space<vmem>>, vector<16xf32>,
      %add3A_1472 = arith.addf %add3A_1462, %get3A_1471 : vector<16xf32>
      %mul3A_1473 = arith.mulf %get3A_1471, %get3A_1471 : vector<16xf32>
      %add3A_1474 = arith.addf %add3A_1464, %mul3A_1473 : vector<16xf32>
      %add3A_1475 = arith.constant 3072 : i32
      %add3A_1476 = arith.addi %add3A_1475, %mul3A_684 : i32
      %add3A_1477 = arith.constant 2 : i32
      %add3A_1478 = arith.addi %add3A_1476, %add3A_1477 : i32
      %get3A_1479 = arith.index_cast %add3A_1478 : i32 to index
      %get3A_1480 = arith.constant 0 : index
      %get3A_1481 = tpu.vector_load %arg6[%get3A_1479, %get3A_1480] {strides = array<i32>} : memref<3328x16xf32, #tpu.memory_space<vmem>>, vector<16xf32>,
      %add3A_1482 = arith.addf %add3A_1472, %get3A_1481 : vector<16xf32>
      %mul3A_1483 = arith.mulf %get3A_1481, %get3A_1481 : vector<16xf32>
      %add3A_1484 = arith.addf %add3A_1474, %mul3A_1483 : vector<16xf32>
      %add3A_1485 = arith.constant 3200 : i32
      %add3A_1486 = arith.addi %add3A_1485, %mul3A_684 : i32
      %add3A_1487 = arith.constant 2 : i32
      %add3A_1488 = arith.addi %add3A_1486, %add3A_1487 : i32
      %get3A_1489 = arith.index_cast %add3A_1488 : i32 to index
      %get3A_1490 = arith.constant 0 : index
      %get3A_1491 = tpu.vector_load %arg6[%get3A_1489, %get3A_1490] {strides = array<i32>} : memref<3328x16xf32, #tpu.memory_space<vmem>>, vector<16xf32>,
      %add3A_1492 = arith.addf %add3A_1482, %get3A_1491 : vector<16xf32>
      %mul3A_1493 = arith.mulf %get3A_1491, %get3A_1491 : vector<16xf32>
      %add3A_1494 = arith.addf %add3A_1484, %mul3A_1493 : vector<16xf32>
      %mul3A_1495 = arith.mulf %add3A_1492, %add3A_1492 : vector<16xf32>
      %sub3A_1496 = arith.subf %mul3A_1495, %add3A_1494 : vector<16xf32>
      %reduce_sum3A_1497 = arith.constant true
      %reduce_sum3A_1498 = vector.broadcast %reduce_sum3A_1497 : i1 to vector<16xi1>
      %reduce_sum3A_1499 = tpu.scan <sum>, %sub3A_1496 masked %reduce_sum3A_1498 : vector<16xf32>, vector<16xi1> -> vector<16xf32>
      %reduce_sum3A_1500 = vector.extract %reduce_sum3A_1499[15] : f32 from vector<16xf32>
      %eq3A_1501 = arith.constant 2 : i32
      %eq3A_1502 = vector.broadcast %eq3A_1501 : i32 to vector<16xi32>
      %eq3A_1503 = arith.cmpi eq, %iota3A, %eq3A_1502 : vector<16xi32>
      %broadcast_in_dim3A_1504 = vector.broadcast %reduce_sum3A_1500 : f32 to vector<16xf32>
      %select_n3A_1505 = arith.select %eq3A_1503, %broadcast_in_dim3A_1504, %select_n3A_1230 : vector<16xi1>, vector<16xf32>
      %broadcast_in_dim3A_1506 = arith.constant 0.000000e+00 : f32
      %broadcast_in_dim3A_1507 = vector.broadcast %broadcast_in_dim3A_1506 : f32 to vector<16xf32>
      %broadcast_in_dim3A_1508 = arith.constant 0.000000e+00 : f32
      %broadcast_in_dim3A_1509 = vector.broadcast %broadcast_in_dim3A_1508 : f32 to vector<16xf32>
      %add3A_1510 = arith.constant 0 : i32
      %add3A_1511 = arith.addi %add3A_1510, %mul3A_684 : i32
      %add3A_1512 = arith.constant 3 : i32
      %add3A_1513 = arith.addi %add3A_1511, %add3A_1512 : i32
      %get3A_1514 = arith.index_cast %add3A_1513 : i32 to index
      %get3A_1515 = arith.constant 0 : index
      %get3A_1516 = tpu.vector_load %arg6[%get3A_1514, %get3A_1515] {strides = array<i32>} : memref<3328x16xf32, #tpu.memory_space<vmem>>, vector<16xf32>,
      %add3A_1517 = arith.addf %broadcast_in_dim3A_1507, %get3A_1516 : vector<16xf32>
      %mul3A_1518 = arith.mulf %get3A_1516, %get3A_1516 : vector<16xf32>
      %add3A_1519 = arith.addf %broadcast_in_dim3A_1509, %mul3A_1518 : vector<16xf32>
      %add3A_1520 = arith.constant 128 : i32
      %add3A_1521 = arith.addi %add3A_1520, %mul3A_684 : i32
      %add3A_1522 = arith.constant 3 : i32
      %add3A_1523 = arith.addi %add3A_1521, %add3A_1522 : i32
      %get3A_1524 = arith.index_cast %add3A_1523 : i32 to index
      %get3A_1525 = arith.constant 0 : index
      %get3A_1526 = tpu.vector_load %arg6[%get3A_1524, %get3A_1525] {strides = array<i32>} : memref<3328x16xf32, #tpu.memory_space<vmem>>, vector<16xf32>,
      %add3A_1527 = arith.addf %add3A_1517, %get3A_1526 : vector<16xf32>
      %mul3A_1528 = arith.mulf %get3A_1526, %get3A_1526 : vector<16xf32>
      %add3A_1529 = arith.addf %add3A_1519, %mul3A_1528 : vector<16xf32>
      %add3A_1530 = arith.constant 256 : i32
      %add3A_1531 = arith.addi %add3A_1530, %mul3A_684 : i32
      %add3A_1532 = arith.constant 3 : i32
      %add3A_1533 = arith.addi %add3A_1531, %add3A_1532 : i32
      %get3A_1534 = arith.index_cast %add3A_1533 : i32 to index
      %get3A_1535 = arith.constant 0 : index
      %get3A_1536 = tpu.vector_load %arg6[%get3A_1534, %get3A_1535] {strides = array<i32>} : memref<3328x16xf32, #tpu.memory_space<vmem>>, vector<16xf32>,
      %add3A_1537 = arith.addf %add3A_1527, %get3A_1536 : vector<16xf32>
      %mul3A_1538 = arith.mulf %get3A_1536, %get3A_1536 : vector<16xf32>
      %add3A_1539 = arith.addf %add3A_1529, %mul3A_1538 : vector<16xf32>
      %add3A_1540 = arith.constant 384 : i32
      %add3A_1541 = arith.addi %add3A_1540, %mul3A_684 : i32
      %add3A_1542 = arith.constant 3 : i32
      %add3A_1543 = arith.addi %add3A_1541, %add3A_1542 : i32
      %get3A_1544 = arith.index_cast %add3A_1543 : i32 to index
      %get3A_1545 = arith.constant 0 : index
      %get3A_1546 = tpu.vector_load %arg6[%get3A_1544, %get3A_1545] {strides = array<i32>} : memref<3328x16xf32, #tpu.memory_space<vmem>>, vector<16xf32>,
      %add3A_1547 = arith.addf %add3A_1537, %get3A_1546 : vector<16xf32>
      %mul3A_1548 = arith.mulf %get3A_1546, %get3A_1546 : vector<16xf32>
      %add3A_1549 = arith.addf %add3A_1539, %mul3A_1548 : vector<16xf32>
      %add3A_1550 = arith.constant 512 : i32
      %add3A_1551 = arith.addi %add3A_1550, %mul3A_684 : i32
      %add3A_1552 = arith.constant 3 : i32
      %add3A_1553 = arith.addi %add3A_1551, %add3A_1552 : i32
      %get3A_1554 = arith.index_cast %add3A_1553 : i32 to index
      %get3A_1555 = arith.constant 0 : index
      %get3A_1556 = tpu.vector_load %arg6[%get3A_1554, %get3A_1555] {strides = array<i32>} : memref<3328x16xf32, #tpu.memory_space<vmem>>, vector<16xf32>,
      %add3A_1557 = arith.addf %add3A_1547, %get3A_1556 : vector<16xf32>
      %mul3A_1558 = arith.mulf %get3A_1556, %get3A_1556 : vector<16xf32>
      %add3A_1559 = arith.addf %add3A_1549, %mul3A_1558 : vector<16xf32>
      %add3A_1560 = arith.constant 640 : i32
      %add3A_1561 = arith.addi %add3A_1560, %mul3A_684 : i32
      %add3A_1562 = arith.constant 3 : i32
      %add3A_1563 = arith.addi %add3A_1561, %add3A_1562 : i32
      %get3A_1564 = arith.index_cast %add3A_1563 : i32 to index
      %get3A_1565 = arith.constant 0 : index
      %get3A_1566 = tpu.vector_load %arg6[%get3A_1564, %get3A_1565] {strides = array<i32>} : memref<3328x16xf32, #tpu.memory_space<vmem>>, vector<16xf32>,
      %add3A_1567 = arith.addf %add3A_1557, %get3A_1566 : vector<16xf32>
      %mul3A_1568 = arith.mulf %get3A_1566, %get3A_1566 : vector<16xf32>
      %add3A_1569 = arith.addf %add3A_1559, %mul3A_1568 : vector<16xf32>
      %add3A_1570 = arith.constant 768 : i32
      %add3A_1571 = arith.addi %add3A_1570, %mul3A_684 : i32
      %add3A_1572 = arith.constant 3 : i32
      %add3A_1573 = arith.addi %add3A_1571, %add3A_1572 : i32
      %get3A_1574 = arith.index_cast %add3A_1573 : i32 to index
      %get3A_1575 = arith.constant 0 : index
      %get3A_1576 = tpu.vector_load %arg6[%get3A_1574, %get3A_1575] {strides = array<i32>} : memref<3328x16xf32, #tpu.memory_space<vmem>>, vector<16xf32>,
      %add3A_1577 = arith.addf %add3A_1567, %get3A_1576 : vector<16xf32>
      %mul3A_1578 = arith.mulf %get3A_1576, %get3A_1576 : vector<16xf32>
      %add3A_1579 = arith.addf %add3A_1569, %mul3A_1578 : vector<16xf32>
      %add3A_1580 = arith.constant 896 : i32
      %add3A_1581 = arith.addi %add3A_1580, %mul3A_684 : i32
      %add3A_1582 = arith.constant 3 : i32
      %add3A_1583 = arith.addi %add3A_1581, %add3A_1582 : i32
      %get3A_1584 = arith.index_cast %add3A_1583 : i32 to index
      %get3A_1585 = arith.constant 0 : index
      %get3A_1586 = tpu.vector_load %arg6[%get3A_1584, %get3A_1585] {strides = array<i32>} : memref<3328x16xf32, #tpu.memory_space<vmem>>, vector<16xf32>,
      %add3A_1587 = arith.addf %add3A_1577, %get3A_1586 : vector<16xf32>
      %mul3A_1588 = arith.mulf %get3A_1586, %get3A_1586 : vector<16xf32>
      %add3A_1589 = arith.addf %add3A_1579, %mul3A_1588 : vector<16xf32>
      %add3A_1590 = arith.constant 1024 : i32
      %add3A_1591 = arith.addi %add3A_1590, %mul3A_684 : i32
      %add3A_1592 = arith.constant 3 : i32
      %add3A_1593 = arith.addi %add3A_1591, %add3A_1592 : i32
      %get3A_1594 = arith.index_cast %add3A_1593 : i32 to index
      %get3A_1595 = arith.constant 0 : index
      %get3A_1596 = tpu.vector_load %arg6[%get3A_1594, %get3A_1595] {strides = array<i32>} : memref<3328x16xf32, #tpu.memory_space<vmem>>, vector<16xf32>,
      %add3A_1597 = arith.addf %add3A_1587, %get3A_1596 : vector<16xf32>
      %mul3A_1598 = arith.mulf %get3A_1596, %get3A_1596 : vector<16xf32>
      %add3A_1599 = arith.addf %add3A_1589, %mul3A_1598 : vector<16xf32>
      %add3A_1600 = arith.constant 1152 : i32
      %add3A_1601 = arith.addi %add3A_1600, %mul3A_684 : i32
      %add3A_1602 = arith.constant 3 : i32
      %add3A_1603 = arith.addi %add3A_1601, %add3A_1602 : i32
      %get3A_1604 = arith.index_cast %add3A_1603 : i32 to index
      %get3A_1605 = arith.constant 0 : index
      %get3A_1606 = tpu.vector_load %arg6[%get3A_1604, %get3A_1605] {strides = array<i32>} : memref<3328x16xf32, #tpu.memory_space<vmem>>, vector<16xf32>,
      %add3A_1607 = arith.addf %add3A_1597, %get3A_1606 : vector<16xf32>
      %mul3A_1608 = arith.mulf %get3A_1606, %get3A_1606 : vector<16xf32>
      %add3A_1609 = arith.addf %add3A_1599, %mul3A_1608 : vector<16xf32>
      %add3A_1610 = arith.constant 1280 : i32
      %add3A_1611 = arith.addi %add3A_1610, %mul3A_684 : i32
      %add3A_1612 = arith.constant 3 : i32
      %add3A_1613 = arith.addi %add3A_1611, %add3A_1612 : i32
      %get3A_1614 = arith.index_cast %add3A_1613 : i32 to index
      %get3A_1615 = arith.constant 0 : index
      %get3A_1616 = tpu.vector_load %arg6[%get3A_1614, %get3A_1615] {strides = array<i32>} : memref<3328x16xf32, #tpu.memory_space<vmem>>, vector<16xf32>,
      %add3A_1617 = arith.addf %add3A_1607, %get3A_1616 : vector<16xf32>
      %mul3A_1618 = arith.mulf %get3A_1616, %get3A_1616 : vector<16xf32>
      %add3A_1619 = arith.addf %add3A_1609, %mul3A_1618 : vector<16xf32>
      %add3A_1620 = arith.constant 1408 : i32
      %add3A_1621 = arith.addi %add3A_1620, %mul3A_684 : i32
      %add3A_1622 = arith.constant 3 : i32
      %add3A_1623 = arith.addi %add3A_1621, %add3A_1622 : i32
      %get3A_1624 = arith.index_cast %add3A_1623 : i32 to index
      %get3A_1625 = arith.constant 0 : index
      %get3A_1626 = tpu.vector_load %arg6[%get3A_1624, %get3A_1625] {strides = array<i32>} : memref<3328x16xf32, #tpu.memory_space<vmem>>, vector<16xf32>,
      %add3A_1627 = arith.addf %add3A_1617, %get3A_1626 : vector<16xf32>
      %mul3A_1628 = arith.mulf %get3A_1626, %get3A_1626 : vector<16xf32>
      %add3A_1629 = arith.addf %add3A_1619, %mul3A_1628 : vector<16xf32>
      %add3A_1630 = arith.constant 1536 : i32
      %add3A_1631 = arith.addi %add3A_1630, %mul3A_684 : i32
      %add3A_1632 = arith.constant 3 : i32
      %add3A_1633 = arith.addi %add3A_1631, %add3A_1632 : i32
      %get3A_1634 = arith.index_cast %add3A_1633 : i32 to index
      %get3A_1635 = arith.constant 0 : index
      %get3A_1636 = tpu.vector_load %arg6[%get3A_1634, %get3A_1635] {strides = array<i32>} : memref<3328x16xf32, #tpu.memory_space<vmem>>, vector<16xf32>,
      %add3A_1637 = arith.addf %add3A_1627, %get3A_1636 : vector<16xf32>
      %mul3A_1638 = arith.mulf %get3A_1636, %get3A_1636 : vector<16xf32>
      %add3A_1639 = arith.addf %add3A_1629, %mul3A_1638 : vector<16xf32>
      %add3A_1640 = arith.constant 1664 : i32
      %add3A_1641 = arith.addi %add3A_1640, %mul3A_684 : i32
      %add3A_1642 = arith.constant 3 : i32
      %add3A_1643 = arith.addi %add3A_1641, %add3A_1642 : i32
      %get3A_1644 = arith.index_cast %add3A_1643 : i32 to index
      %get3A_1645 = arith.constant 0 : index
      %get3A_1646 = tpu.vector_load %arg6[%get3A_1644, %get3A_1645] {strides = array<i32>} : memref<3328x16xf32, #tpu.memory_space<vmem>>, vector<16xf32>,
      %add3A_1647 = arith.addf %add3A_1637, %get3A_1646 : vector<16xf32>
      %mul3A_1648 = arith.mulf %get3A_1646, %get3A_1646 : vector<16xf32>
      %add3A_1649 = arith.addf %add3A_1639, %mul3A_1648 : vector<16xf32>
      %add3A_1650 = arith.constant 1792 : i32
      %add3A_1651 = arith.addi %add3A_1650, %mul3A_684 : i32
      %add3A_1652 = arith.constant 3 : i32
      %add3A_1653 = arith.addi %add3A_1651, %add3A_1652 : i32
      %get3A_1654 = arith.index_cast %add3A_1653 : i32 to index
      %get3A_1655 = arith.constant 0 : index
      %get3A_1656 = tpu.vector_load %arg6[%get3A_1654, %get3A_1655] {strides = array<i32>} : memref<3328x16xf32, #tpu.memory_space<vmem>>, vector<16xf32>,
      %add3A_1657 = arith.addf %add3A_1647, %get3A_1656 : vector<16xf32>
      %mul3A_1658 = arith.mulf %get3A_1656, %get3A_1656 : vector<16xf32>
      %add3A_1659 = arith.addf %add3A_1649, %mul3A_1658 : vector<16xf32>
      %add3A_1660 = arith.constant 1920 : i32
      %add3A_1661 = arith.addi %add3A_1660, %mul3A_684 : i32
      %add3A_1662 = arith.constant 3 : i32
      %add3A_1663 = arith.addi %add3A_1661, %add3A_1662 : i32
      %get3A_1664 = arith.index_cast %add3A_1663 : i32 to index
      %get3A_1665 = arith.constant 0 : index
      %get3A_1666 = tpu.vector_load %arg6[%get3A_1664, %get3A_1665] {strides = array<i32>} : memref<3328x16xf32, #tpu.memory_space<vmem>>, vector<16xf32>,
      %add3A_1667 = arith.addf %add3A_1657, %get3A_1666 : vector<16xf32>
      %mul3A_1668 = arith.mulf %get3A_1666, %get3A_1666 : vector<16xf32>
      %add3A_1669 = arith.addf %add3A_1659, %mul3A_1668 : vector<16xf32>
      %add3A_1670 = arith.constant 2048 : i32
      %add3A_1671 = arith.addi %add3A_1670, %mul3A_684 : i32
      %add3A_1672 = arith.constant 3 : i32
      %add3A_1673 = arith.addi %add3A_1671, %add3A_1672 : i32
      %get3A_1674 = arith.index_cast %add3A_1673 : i32 to index
      %get3A_1675 = arith.constant 0 : index
      %get3A_1676 = tpu.vector_load %arg6[%get3A_1674, %get3A_1675] {strides = array<i32>} : memref<3328x16xf32, #tpu.memory_space<vmem>>, vector<16xf32>,
      %add3A_1677 = arith.addf %add3A_1667, %get3A_1676 : vector<16xf32>
      %mul3A_1678 = arith.mulf %get3A_1676, %get3A_1676 : vector<16xf32>
      %add3A_1679 = arith.addf %add3A_1669, %mul3A_1678 : vector<16xf32>
      %add3A_1680 = arith.constant 2176 : i32
      %add3A_1681 = arith.addi %add3A_1680, %mul3A_684 : i32
      %add3A_1682 = arith.constant 3 : i32
      %add3A_1683 = arith.addi %add3A_1681, %add3A_1682 : i32
      %get3A_1684 = arith.index_cast %add3A_1683 : i32 to index
      %get3A_1685 = arith.constant 0 : index
      %get3A_1686 = tpu.vector_load %arg6[%get3A_1684, %get3A_1685] {strides = array<i32>} : memref<3328x16xf32, #tpu.memory_space<vmem>>, vector<16xf32>,
      %add3A_1687 = arith.addf %add3A_1677, %get3A_1686 : vector<16xf32>
      %mul3A_1688 = arith.mulf %get3A_1686, %get3A_1686 : vector<16xf32>
      %add3A_1689 = arith.addf %add3A_1679, %mul3A_1688 : vector<16xf32>
      %add3A_1690 = arith.constant 2304 : i32
      %add3A_1691 = arith.addi %add3A_1690, %mul3A_684 : i32
      %add3A_1692 = arith.constant 3 : i32
      %add3A_1693 = arith.addi %add3A_1691, %add3A_1692 : i32
      %get3A_1694 = arith.index_cast %add3A_1693 : i32 to index
      %get3A_1695 = arith.constant 0 : index
      %get3A_1696 = tpu.vector_load %arg6[%get3A_1694, %get3A_1695] {strides = array<i32>} : memref<3328x16xf32, #tpu.memory_space<vmem>>, vector<16xf32>,
      %add3A_1697 = arith.addf %add3A_1687, %get3A_1696 : vector<16xf32>
      %mul3A_1698 = arith.mulf %get3A_1696, %get3A_1696 : vector<16xf32>
      %add3A_1699 = arith.addf %add3A_1689, %mul3A_1698 : vector<16xf32>
      %add3A_1700 = arith.constant 2432 : i32
      %add3A_1701 = arith.addi %add3A_1700, %mul3A_684 : i32
      %add3A_1702 = arith.constant 3 : i32
      %add3A_1703 = arith.addi %add3A_1701, %add3A_1702 : i32
      %get3A_1704 = arith.index_cast %add3A_1703 : i32 to index
      %get3A_1705 = arith.constant 0 : index
      %get3A_1706 = tpu.vector_load %arg6[%get3A_1704, %get3A_1705] {strides = array<i32>} : memref<3328x16xf32, #tpu.memory_space<vmem>>, vector<16xf32>,
      %add3A_1707 = arith.addf %add3A_1697, %get3A_1706 : vector<16xf32>
      %mul3A_1708 = arith.mulf %get3A_1706, %get3A_1706 : vector<16xf32>
      %add3A_1709 = arith.addf %add3A_1699, %mul3A_1708 : vector<16xf32>
      %add3A_1710 = arith.constant 2560 : i32
      %add3A_1711 = arith.addi %add3A_1710, %mul3A_684 : i32
      %add3A_1712 = arith.constant 3 : i32
      %add3A_1713 = arith.addi %add3A_1711, %add3A_1712 : i32
      %get3A_1714 = arith.index_cast %add3A_1713 : i32 to index
      %get3A_1715 = arith.constant 0 : index
      %get3A_1716 = tpu.vector_load %arg6[%get3A_1714, %get3A_1715] {strides = array<i32>} : memref<3328x16xf32, #tpu.memory_space<vmem>>, vector<16xf32>,
      %add3A_1717 = arith.addf %add3A_1707, %get3A_1716 : vector<16xf32>
      %mul3A_1718 = arith.mulf %get3A_1716, %get3A_1716 : vector<16xf32>
      %add3A_1719 = arith.addf %add3A_1709, %mul3A_1718 : vector<16xf32>
      %add3A_1720 = arith.constant 2688 : i32
      %add3A_1721 = arith.addi %add3A_1720, %mul3A_684 : i32
      %add3A_1722 = arith.constant 3 : i32
      %add3A_1723 = arith.addi %add3A_1721, %add3A_1722 : i32
      %get3A_1724 = arith.index_cast %add3A_1723 : i32 to index
      %get3A_1725 = arith.constant 0 : index
      %get3A_1726 = tpu.vector_load %arg6[%get3A_1724, %get3A_1725] {strides = array<i32>} : memref<3328x16xf32, #tpu.memory_space<vmem>>, vector<16xf32>,
      %add3A_1727 = arith.addf %add3A_1717, %get3A_1726 : vector<16xf32>
      %mul3A_1728 = arith.mulf %get3A_1726, %get3A_1726 : vector<16xf32>
      %add3A_1729 = arith.addf %add3A_1719, %mul3A_1728 : vector<16xf32>
      %add3A_1730 = arith.constant 2816 : i32
      %add3A_1731 = arith.addi %add3A_1730, %mul3A_684 : i32
      %add3A_1732 = arith.constant 3 : i32
      %add3A_1733 = arith.addi %add3A_1731, %add3A_1732 : i32
      %get3A_1734 = arith.index_cast %add3A_1733 : i32 to index
      %get3A_1735 = arith.constant 0 : index
      %get3A_1736 = tpu.vector_load %arg6[%get3A_1734, %get3A_1735] {strides = array<i32>} : memref<3328x16xf32, #tpu.memory_space<vmem>>, vector<16xf32>,
      %add3A_1737 = arith.addf %add3A_1727, %get3A_1736 : vector<16xf32>
      %mul3A_1738 = arith.mulf %get3A_1736, %get3A_1736 : vector<16xf32>
      %add3A_1739 = arith.addf %add3A_1729, %mul3A_1738 : vector<16xf32>
      %add3A_1740 = arith.constant 2944 : i32
      %add3A_1741 = arith.addi %add3A_1740, %mul3A_684 : i32
      %add3A_1742 = arith.constant 3 : i32
      %add3A_1743 = arith.addi %add3A_1741, %add3A_1742 : i32
      %get3A_1744 = arith.index_cast %add3A_1743 : i32 to index
      %get3A_1745 = arith.constant 0 : index
      %get3A_1746 = tpu.vector_load %arg6[%get3A_1744, %get3A_1745] {strides = array<i32>} : memref<3328x16xf32, #tpu.memory_space<vmem>>, vector<16xf32>,
      %add3A_1747 = arith.addf %add3A_1737, %get3A_1746 : vector<16xf32>
      %mul3A_1748 = arith.mulf %get3A_1746, %get3A_1746 : vector<16xf32>
      %add3A_1749 = arith.addf %add3A_1739, %mul3A_1748 : vector<16xf32>
      %add3A_1750 = arith.constant 3072 : i32
      %add3A_1751 = arith.addi %add3A_1750, %mul3A_684 : i32
      %add3A_1752 = arith.constant 3 : i32
      %add3A_1753 = arith.addi %add3A_1751, %add3A_1752 : i32
      %get3A_1754 = arith.index_cast %add3A_1753 : i32 to index
      %get3A_1755 = arith.constant 0 : index
      %get3A_1756 = tpu.vector_load %arg6[%get3A_1754, %get3A_1755] {strides = array<i32>} : memref<3328x16xf32, #tpu.memory_space<vmem>>, vector<16xf32>,
      %add3A_1757 = arith.addf %add3A_1747, %get3A_1756 : vector<16xf32>
      %mul3A_1758 = arith.mulf %get3A_1756, %get3A_1756 : vector<16xf32>
      %add3A_1759 = arith.addf %add3A_1749, %mul3A_1758 : vector<16xf32>
      %add3A_1760 = arith.constant 3200 : i32
      %add3A_1761 = arith.addi %add3A_1760, %mul3A_684 : i32
      %add3A_1762 = arith.constant 3 : i32
      %add3A_1763 = arith.addi %add3A_1761, %add3A_1762 : i32
      %get3A_1764 = arith.index_cast %add3A_1763 : i32 to index
      %get3A_1765 = arith.constant 0 : index
      %get3A_1766 = tpu.vector_load %arg6[%get3A_1764, %get3A_1765] {strides = array<i32>} : memref<3328x16xf32, #tpu.memory_space<vmem>>, vector<16xf32>,
      %add3A_1767 = arith.addf %add3A_1757, %get3A_1766 : vector<16xf32>
      %mul3A_1768 = arith.mulf %get3A_1766, %get3A_1766 : vector<16xf32>
      %add3A_1769 = arith.addf %add3A_1759, %mul3A_1768 : vector<16xf32>
      %mul3A_1770 = arith.mulf %add3A_1767, %add3A_1767 : vector<16xf32>
      %sub3A_1771 = arith.subf %mul3A_1770, %add3A_1769 : vector<16xf32>
      %reduce_sum3A_1772 = arith.constant true
      %reduce_sum3A_1773 = vector.broadcast %reduce_sum3A_1772 : i1 to vector<16xi1>
      %reduce_sum3A_1774 = tpu.scan <sum>, %sub3A_1771 masked %reduce_sum3A_1773 : vector<16xf32>, vector<16xi1> -> vector<16xf32>
      %reduce_sum3A_1775 = vector.extract %reduce_sum3A_1774[15] : f32 from vector<16xf32>
      %eq3A_1776 = arith.constant 3 : i32
      %eq3A_1777 = vector.broadcast %eq3A_1776 : i32 to vector<16xi32>
      %eq3A_1778 = arith.cmpi eq, %iota3A, %eq3A_1777 : vector<16xi32>
      %broadcast_in_dim3A_1779 = vector.broadcast %reduce_sum3A_1775 : f32 to vector<16xf32>
      %select_n3A_1780 = arith.select %eq3A_1778, %broadcast_in_dim3A_1779, %select_n3A_1505 : vector<16xi1>, vector<16xf32>
      %broadcast_in_dim3A_1781 = arith.constant 0.000000e+00 : f32
      %broadcast_in_dim3A_1782 = vector.broadcast %broadcast_in_dim3A_1781 : f32 to vector<16xf32>
      %broadcast_in_dim3A_1783 = arith.constant 0.000000e+00 : f32
      %broadcast_in_dim3A_1784 = vector.broadcast %broadcast_in_dim3A_1783 : f32 to vector<16xf32>
      %add3A_1785 = arith.constant 0 : i32
      %add3A_1786 = arith.addi %add3A_1785, %mul3A_684 : i32
      %add3A_1787 = arith.constant 4 : i32
      %add3A_1788 = arith.addi %add3A_1786, %add3A_1787 : i32
      %get3A_1789 = arith.index_cast %add3A_1788 : i32 to index
      %get3A_1790 = arith.constant 0 : index
      %get3A_1791 = tpu.vector_load %arg6[%get3A_1789, %get3A_1790] {strides = array<i32>} : memref<3328x16xf32, #tpu.memory_space<vmem>>, vector<16xf32>,
      %add3A_1792 = arith.addf %broadcast_in_dim3A_1782, %get3A_1791 : vector<16xf32>
      %mul3A_1793 = arith.mulf %get3A_1791, %get3A_1791 : vector<16xf32>
      %add3A_1794 = arith.addf %broadcast_in_dim3A_1784, %mul3A_1793 : vector<16xf32>
      %add3A_1795 = arith.constant 128 : i32
      %add3A_1796 = arith.addi %add3A_1795, %mul3A_684 : i32
      %add3A_1797 = arith.constant 4 : i32
      %add3A_1798 = arith.addi %add3A_1796, %add3A_1797 : i32
      %get3A_1799 = arith.index_cast %add3A_1798 : i32 to index
      %get3A_1800 = arith.constant 0 : index
      %get3A_1801 = tpu.vector_load %arg6[%get3A_1799, %get3A_1800] {strides = array<i32>} : memref<3328x16xf32, #tpu.memory_space<vmem>>, vector<16xf32>,
      %add3A_1802 = arith.addf %add3A_1792, %get3A_1801 : vector<16xf32>
      %mul3A_1803 = arith.mulf %get3A_1801, %get3A_1801 : vector<16xf32>
      %add3A_1804 = arith.addf %add3A_1794, %mul3A_1803 : vector<16xf32>
      %add3A_1805 = arith.constant 256 : i32
      %add3A_1806 = arith.addi %add3A_1805, %mul3A_684 : i32
      %add3A_1807 = arith.constant 4 : i32
      %add3A_1808 = arith.addi %add3A_1806, %add3A_1807 : i32
      %get3A_1809 = arith.index_cast %add3A_1808 : i32 to index
      %get3A_1810 = arith.constant 0 : index
      %get3A_1811 = tpu.vector_load %arg6[%get3A_1809, %get3A_1810] {strides = array<i32>} : memref<3328x16xf32, #tpu.memory_space<vmem>>, vector<16xf32>,
      %add3A_1812 = arith.addf %add3A_1802, %get3A_1811 : vector<16xf32>
      %mul3A_1813 = arith.mulf %get3A_1811, %get3A_1811 : vector<16xf32>
      %add3A_1814 = arith.addf %add3A_1804, %mul3A_1813 : vector<16xf32>
      %add3A_1815 = arith.constant 384 : i32
      %add3A_1816 = arith.addi %add3A_1815, %mul3A_684 : i32
      %add3A_1817 = arith.constant 4 : i32
      %add3A_1818 = arith.addi %add3A_1816, %add3A_1817 : i32
      %get3A_1819 = arith.index_cast %add3A_1818 : i32 to index
      %get3A_1820 = arith.constant 0 : index
      %get3A_1821 = tpu.vector_load %arg6[%get3A_1819, %get3A_1820] {strides = array<i32>} : memref<3328x16xf32, #tpu.memory_space<vmem>>, vector<16xf32>,
      %add3A_1822 = arith.addf %add3A_1812, %get3A_1821 : vector<16xf32>
      %mul3A_1823 = arith.mulf %get3A_1821, %get3A_1821 : vector<16xf32>
      %add3A_1824 = arith.addf %add3A_1814, %mul3A_1823 : vector<16xf32>
      %add3A_1825 = arith.constant 512 : i32
      %add3A_1826 = arith.addi %add3A_1825, %mul3A_684 : i32
      %add3A_1827 = arith.constant 4 : i32
      %add3A_1828 = arith.addi %add3A_1826, %add3A_1827 : i32
      %get3A_1829 = arith.index_cast %add3A_1828 : i32 to index
      %get3A_1830 = arith.constant 0 : index
      %get3A_1831 = tpu.vector_load %arg6[%get3A_1829, %get3A_1830] {strides = array<i32>} : memref<3328x16xf32, #tpu.memory_space<vmem>>, vector<16xf32>,
      %add3A_1832 = arith.addf %add3A_1822, %get3A_1831 : vector<16xf32>
      %mul3A_1833 = arith.mulf %get3A_1831, %get3A_1831 : vector<16xf32>
      %add3A_1834 = arith.addf %add3A_1824, %mul3A_1833 : vector<16xf32>
      %add3A_1835 = arith.constant 640 : i32
      %add3A_1836 = arith.addi %add3A_1835, %mul3A_684 : i32
      %add3A_1837 = arith.constant 4 : i32
      %add3A_1838 = arith.addi %add3A_1836, %add3A_1837 : i32
      %get3A_1839 = arith.index_cast %add3A_1838 : i32 to index
      %get3A_1840 = arith.constant 0 : index
      %get3A_1841 = tpu.vector_load %arg6[%get3A_1839, %get3A_1840] {strides = array<i32>} : memref<3328x16xf32, #tpu.memory_space<vmem>>, vector<16xf32>,
      %add3A_1842 = arith.addf %add3A_1832, %get3A_1841 : vector<16xf32>
      %mul3A_1843 = arith.mulf %get3A_1841, %get3A_1841 : vector<16xf32>
      %add3A_1844 = arith.addf %add3A_1834, %mul3A_1843 : vector<16xf32>
      %add3A_1845 = arith.constant 768 : i32
      %add3A_1846 = arith.addi %add3A_1845, %mul3A_684 : i32
      %add3A_1847 = arith.constant 4 : i32
      %add3A_1848 = arith.addi %add3A_1846, %add3A_1847 : i32
      %get3A_1849 = arith.index_cast %add3A_1848 : i32 to index
      %get3A_1850 = arith.constant 0 : index
      %get3A_1851 = tpu.vector_load %arg6[%get3A_1849, %get3A_1850] {strides = array<i32>} : memref<3328x16xf32, #tpu.memory_space<vmem>>, vector<16xf32>,
      %add3A_1852 = arith.addf %add3A_1842, %get3A_1851 : vector<16xf32>
      %mul3A_1853 = arith.mulf %get3A_1851, %get3A_1851 : vector<16xf32>
      %add3A_1854 = arith.addf %add3A_1844, %mul3A_1853 : vector<16xf32>
      %add3A_1855 = arith.constant 896 : i32
      %add3A_1856 = arith.addi %add3A_1855, %mul3A_684 : i32
      %add3A_1857 = arith.constant 4 : i32
      %add3A_1858 = arith.addi %add3A_1856, %add3A_1857 : i32
      %get3A_1859 = arith.index_cast %add3A_1858 : i32 to index
      %get3A_1860 = arith.constant 0 : index
      %get3A_1861 = tpu.vector_load %arg6[%get3A_1859, %get3A_1860] {strides = array<i32>} : memref<3328x16xf32, #tpu.memory_space<vmem>>, vector<16xf32>,
      %add3A_1862 = arith.addf %add3A_1852, %get3A_1861 : vector<16xf32>
      %mul3A_1863 = arith.mulf %get3A_1861, %get3A_1861 : vector<16xf32>
      %add3A_1864 = arith.addf %add3A_1854, %mul3A_1863 : vector<16xf32>
      %add3A_1865 = arith.constant 1024 : i32
      %add3A_1866 = arith.addi %add3A_1865, %mul3A_684 : i32
      %add3A_1867 = arith.constant 4 : i32
      %add3A_1868 = arith.addi %add3A_1866, %add3A_1867 : i32
      %get3A_1869 = arith.index_cast %add3A_1868 : i32 to index
      %get3A_1870 = arith.constant 0 : index
      %get3A_1871 = tpu.vector_load %arg6[%get3A_1869, %get3A_1870] {strides = array<i32>} : memref<3328x16xf32, #tpu.memory_space<vmem>>, vector<16xf32>,
      %add3A_1872 = arith.addf %add3A_1862, %get3A_1871 : vector<16xf32>
      %mul3A_1873 = arith.mulf %get3A_1871, %get3A_1871 : vector<16xf32>
      %add3A_1874 = arith.addf %add3A_1864, %mul3A_1873 : vector<16xf32>
      %add3A_1875 = arith.constant 1152 : i32
      %add3A_1876 = arith.addi %add3A_1875, %mul3A_684 : i32
      %add3A_1877 = arith.constant 4 : i32
      %add3A_1878 = arith.addi %add3A_1876, %add3A_1877 : i32
      %get3A_1879 = arith.index_cast %add3A_1878 : i32 to index
      %get3A_1880 = arith.constant 0 : index
      %get3A_1881 = tpu.vector_load %arg6[%get3A_1879, %get3A_1880] {strides = array<i32>} : memref<3328x16xf32, #tpu.memory_space<vmem>>, vector<16xf32>,
      %add3A_1882 = arith.addf %add3A_1872, %get3A_1881 : vector<16xf32>
      %mul3A_1883 = arith.mulf %get3A_1881, %get3A_1881 : vector<16xf32>
      %add3A_1884 = arith.addf %add3A_1874, %mul3A_1883 : vector<16xf32>
      %add3A_1885 = arith.constant 1280 : i32
      %add3A_1886 = arith.addi %add3A_1885, %mul3A_684 : i32
      %add3A_1887 = arith.constant 4 : i32
      %add3A_1888 = arith.addi %add3A_1886, %add3A_1887 : i32
      %get3A_1889 = arith.index_cast %add3A_1888 : i32 to index
      %get3A_1890 = arith.constant 0 : index
      %get3A_1891 = tpu.vector_load %arg6[%get3A_1889, %get3A_1890] {strides = array<i32>} : memref<3328x16xf32, #tpu.memory_space<vmem>>, vector<16xf32>,
      %add3A_1892 = arith.addf %add3A_1882, %get3A_1891 : vector<16xf32>
      %mul3A_1893 = arith.mulf %get3A_1891, %get3A_1891 : vector<16xf32>
      %add3A_1894 = arith.addf %add3A_1884, %mul3A_1893 : vector<16xf32>
      %add3A_1895 = arith.constant 1408 : i32
      %add3A_1896 = arith.addi %add3A_1895, %mul3A_684 : i32
      %add3A_1897 = arith.constant 4 : i32
      %add3A_1898 = arith.addi %add3A_1896, %add3A_1897 : i32
      %get3A_1899 = arith.index_cast %add3A_1898 : i32 to index
      %get3A_1900 = arith.constant 0 : index
      %get3A_1901 = tpu.vector_load %arg6[%get3A_1899, %get3A_1900] {strides = array<i32>} : memref<3328x16xf32, #tpu.memory_space<vmem>>, vector<16xf32>,
      %add3A_1902 = arith.addf %add3A_1892, %get3A_1901 : vector<16xf32>
      %mul3A_1903 = arith.mulf %get3A_1901, %get3A_1901 : vector<16xf32>
      %add3A_1904 = arith.addf %add3A_1894, %mul3A_1903 : vector<16xf32>
      %add3A_1905 = arith.constant 1536 : i32
      %add3A_1906 = arith.addi %add3A_1905, %mul3A_684 : i32
      %add3A_1907 = arith.constant 4 : i32
      %add3A_1908 = arith.addi %add3A_1906, %add3A_1907 : i32
      %get3A_1909 = arith.index_cast %add3A_1908 : i32 to index
      %get3A_1910 = arith.constant 0 : index
      %get3A_1911 = tpu.vector_load %arg6[%get3A_1909, %get3A_1910] {strides = array<i32>} : memref<3328x16xf32, #tpu.memory_space<vmem>>, vector<16xf32>,
      %add3A_1912 = arith.addf %add3A_1902, %get3A_1911 : vector<16xf32>
      %mul3A_1913 = arith.mulf %get3A_1911, %get3A_1911 : vector<16xf32>
      %add3A_1914 = arith.addf %add3A_1904, %mul3A_1913 : vector<16xf32>
      %add3A_1915 = arith.constant 1664 : i32
      %add3A_1916 = arith.addi %add3A_1915, %mul3A_684 : i32
      %add3A_1917 = arith.constant 4 : i32
      %add3A_1918 = arith.addi %add3A_1916, %add3A_1917 : i32
      %get3A_1919 = arith.index_cast %add3A_1918 : i32 to index
      %get3A_1920 = arith.constant 0 : index
      %get3A_1921 = tpu.vector_load %arg6[%get3A_1919, %get3A_1920] {strides = array<i32>} : memref<3328x16xf32, #tpu.memory_space<vmem>>, vector<16xf32>,
      %add3A_1922 = arith.addf %add3A_1912, %get3A_1921 : vector<16xf32>
      %mul3A_1923 = arith.mulf %get3A_1921, %get3A_1921 : vector<16xf32>
      %add3A_1924 = arith.addf %add3A_1914, %mul3A_1923 : vector<16xf32>
      %add3A_1925 = arith.constant 1792 : i32
      %add3A_1926 = arith.addi %add3A_1925, %mul3A_684 : i32
      %add3A_1927 = arith.constant 4 : i32
      %add3A_1928 = arith.addi %add3A_1926, %add3A_1927 : i32
      %get3A_1929 = arith.index_cast %add3A_1928 : i32 to index
      %get3A_1930 = arith.constant 0 : index
      %get3A_1931 = tpu.vector_load %arg6[%get3A_1929, %get3A_1930] {strides = array<i32>} : memref<3328x16xf32, #tpu.memory_space<vmem>>, vector<16xf32>,
      %add3A_1932 = arith.addf %add3A_1922, %get3A_1931 : vector<16xf32>
      %mul3A_1933 = arith.mulf %get3A_1931, %get3A_1931 : vector<16xf32>
      %add3A_1934 = arith.addf %add3A_1924, %mul3A_1933 : vector<16xf32>
      %add3A_1935 = arith.constant 1920 : i32
      %add3A_1936 = arith.addi %add3A_1935, %mul3A_684 : i32
      %add3A_1937 = arith.constant 4 : i32
      %add3A_1938 = arith.addi %add3A_1936, %add3A_1937 : i32
      %get3A_1939 = arith.index_cast %add3A_1938 : i32 to index
      %get3A_1940 = arith.constant 0 : index
      %get3A_1941 = tpu.vector_load %arg6[%get3A_1939, %get3A_1940] {strides = array<i32>} : memref<3328x16xf32, #tpu.memory_space<vmem>>, vector<16xf32>,
      %add3A_1942 = arith.addf %add3A_1932, %get3A_1941 : vector<16xf32>
      %mul3A_1943 = arith.mulf %get3A_1941, %get3A_1941 : vector<16xf32>
      %add3A_1944 = arith.addf %add3A_1934, %mul3A_1943 : vector<16xf32>
      %add3A_1945 = arith.constant 2048 : i32
      %add3A_1946 = arith.addi %add3A_1945, %mul3A_684 : i32
      %add3A_1947 = arith.constant 4 : i32
      %add3A_1948 = arith.addi %add3A_1946, %add3A_1947 : i32
      %get3A_1949 = arith.index_cast %add3A_1948 : i32 to index
      %get3A_1950 = arith.constant 0 : index
      %get3A_1951 = tpu.vector_load %arg6[%get3A_1949, %get3A_1950] {strides = array<i32>} : memref<3328x16xf32, #tpu.memory_space<vmem>>, vector<16xf32>,
      %add3A_1952 = arith.addf %add3A_1942, %get3A_1951 : vector<16xf32>
      %mul3A_1953 = arith.mulf %get3A_1951, %get3A_1951 : vector<16xf32>
      %add3A_1954 = arith.addf %add3A_1944, %mul3A_1953 : vector<16xf32>
      %add3A_1955 = arith.constant 2176 : i32
      %add3A_1956 = arith.addi %add3A_1955, %mul3A_684 : i32
      %add3A_1957 = arith.constant 4 : i32
      %add3A_1958 = arith.addi %add3A_1956, %add3A_1957 : i32
      %get3A_1959 = arith.index_cast %add3A_1958 : i32 to index
      %get3A_1960 = arith.constant 0 : index
      %get3A_1961 = tpu.vector_load %arg6[%get3A_1959, %get3A_1960] {strides = array<i32>} : memref<3328x16xf32, #tpu.memory_space<vmem>>, vector<16xf32>,
      %add3A_1962 = arith.addf %add3A_1952, %get3A_1961 : vector<16xf32>
      %mul3A_1963 = arith.mulf %get3A_1961, %get3A_1961 : vector<16xf32>
      %add3A_1964 = arith.addf %add3A_1954, %mul3A_1963 : vector<16xf32>
      %add3A_1965 = arith.constant 2304 : i32
      %add3A_1966 = arith.addi %add3A_1965, %mul3A_684 : i32
      %add3A_1967 = arith.constant 4 : i32
      %add3A_1968 = arith.addi %add3A_1966, %add3A_1967 : i32
      %get3A_1969 = arith.index_cast %add3A_1968 : i32 to index
      %get3A_1970 = arith.constant 0 : index
      %get3A_1971 = tpu.vector_load %arg6[%get3A_1969, %get3A_1970] {strides = array<i32>} : memref<3328x16xf32, #tpu.memory_space<vmem>>, vector<16xf32>,
      %add3A_1972 = arith.addf %add3A_1962, %get3A_1971 : vector<16xf32>
      %mul3A_1973 = arith.mulf %get3A_1971, %get3A_1971 : vector<16xf32>
      %add3A_1974 = arith.addf %add3A_1964, %mul3A_1973 : vector<16xf32>
      %add3A_1975 = arith.constant 2432 : i32
      %add3A_1976 = arith.addi %add3A_1975, %mul3A_684 : i32
      %add3A_1977 = arith.constant 4 : i32
      %add3A_1978 = arith.addi %add3A_1976, %add3A_1977 : i32
      %get3A_1979 = arith.index_cast %add3A_1978 : i32 to index
      %get3A_1980 = arith.constant 0 : index
      %get3A_1981 = tpu.vector_load %arg6[%get3A_1979, %get3A_1980] {strides = array<i32>} : memref<3328x16xf32, #tpu.memory_space<vmem>>, vector<16xf32>,
      %add3A_1982 = arith.addf %add3A_1972, %get3A_1981 : vector<16xf32>
      %mul3A_1983 = arith.mulf %get3A_1981, %get3A_1981 : vector<16xf32>
      %add3A_1984 = arith.addf %add3A_1974, %mul3A_1983 : vector<16xf32>
      %add3A_1985 = arith.constant 2560 : i32
      %add3A_1986 = arith.addi %add3A_1985, %mul3A_684 : i32
      %add3A_1987 = arith.constant 4 : i32
      %add3A_1988 = arith.addi %add3A_1986, %add3A_1987 : i32
      %get3A_1989 = arith.index_cast %add3A_1988 : i32 to index
      %get3A_1990 = arith.constant 0 : index
      %get3A_1991 = tpu.vector_load %arg6[%get3A_1989, %get3A_1990] {strides = array<i32>} : memref<3328x16xf32, #tpu.memory_space<vmem>>, vector<16xf32>,
      %add3A_1992 = arith.addf %add3A_1982, %get3A_1991 : vector<16xf32>
      %mul3A_1993 = arith.mulf %get3A_1991, %get3A_1991 : vector<16xf32>
      %add3A_1994 = arith.addf %add3A_1984, %mul3A_1993 : vector<16xf32>
      %add3A_1995 = arith.constant 2688 : i32
      %add3A_1996 = arith.addi %add3A_1995, %mul3A_684 : i32
      %add3A_1997 = arith.constant 4 : i32
      %add3A_1998 = arith.addi %add3A_1996, %add3A_1997 : i32
      %get3A_1999 = arith.index_cast %add3A_1998 : i32 to index
      %get3A_2000 = arith.constant 0 : index
      %get3A_2001 = tpu.vector_load %arg6[%get3A_1999, %get3A_2000] {strides = array<i32>} : memref<3328x16xf32, #tpu.memory_space<vmem>>, vector<16xf32>,
      %add3A_2002 = arith.addf %add3A_1992, %get3A_2001 : vector<16xf32>
      %mul3A_2003 = arith.mulf %get3A_2001, %get3A_2001 : vector<16xf32>
      %add3A_2004 = arith.addf %add3A_1994, %mul3A_2003 : vector<16xf32>
      %add3A_2005 = arith.constant 2816 : i32
      %add3A_2006 = arith.addi %add3A_2005, %mul3A_684 : i32
      %add3A_2007 = arith.constant 4 : i32
      %add3A_2008 = arith.addi %add3A_2006, %add3A_2007 : i32
      %get3A_2009 = arith.index_cast %add3A_2008 : i32 to index
      %get3A_2010 = arith.constant 0 : index
      %get3A_2011 = tpu.vector_load %arg6[%get3A_2009, %get3A_2010] {strides = array<i32>} : memref<3328x16xf32, #tpu.memory_space<vmem>>, vector<16xf32>,
      %add3A_2012 = arith.addf %add3A_2002, %get3A_2011 : vector<16xf32>
      %mul3A_2013 = arith.mulf %get3A_2011, %get3A_2011 : vector<16xf32>
      %add3A_2014 = arith.addf %add3A_2004, %mul3A_2013 : vector<16xf32>
      %add3A_2015 = arith.constant 2944 : i32
      %add3A_2016 = arith.addi %add3A_2015, %mul3A_684 : i32
      %add3A_2017 = arith.constant 4 : i32
      %add3A_2018 = arith.addi %add3A_2016, %add3A_2017 : i32
      %get3A_2019 = arith.index_cast %add3A_2018 : i32 to index
      %get3A_2020 = arith.constant 0 : index
      %get3A_2021 = tpu.vector_load %arg6[%get3A_2019, %get3A_2020] {strides = array<i32>} : memref<3328x16xf32, #tpu.memory_space<vmem>>, vector<16xf32>,
      %add3A_2022 = arith.addf %add3A_2012, %get3A_2021 : vector<16xf32>
      %mul3A_2023 = arith.mulf %get3A_2021, %get3A_2021 : vector<16xf32>
      %add3A_2024 = arith.addf %add3A_2014, %mul3A_2023 : vector<16xf32>
      %add3A_2025 = arith.constant 3072 : i32
      %add3A_2026 = arith.addi %add3A_2025, %mul3A_684 : i32
      %add3A_2027 = arith.constant 4 : i32
      %add3A_2028 = arith.addi %add3A_2026, %add3A_2027 : i32
      %get3A_2029 = arith.index_cast %add3A_2028 : i32 to index
      %get3A_2030 = arith.constant 0 : index
      %get3A_2031 = tpu.vector_load %arg6[%get3A_2029, %get3A_2030] {strides = array<i32>} : memref<3328x16xf32, #tpu.memory_space<vmem>>, vector<16xf32>,
      %add3A_2032 = arith.addf %add3A_2022, %get3A_2031 : vector<16xf32>
      %mul3A_2033 = arith.mulf %get3A_2031, %get3A_2031 : vector<16xf32>
      %add3A_2034 = arith.addf %add3A_2024, %mul3A_2033 : vector<16xf32>
      %add3A_2035 = arith.constant 3200 : i32
      %add3A_2036 = arith.addi %add3A_2035, %mul3A_684 : i32
      %add3A_2037 = arith.constant 4 : i32
      %add3A_2038 = arith.addi %add3A_2036, %add3A_2037 : i32
      %get3A_2039 = arith.index_cast %add3A_2038 : i32 to index
      %get3A_2040 = arith.constant 0 : index
      %get3A_2041 = tpu.vector_load %arg6[%get3A_2039, %get3A_2040] {strides = array<i32>} : memref<3328x16xf32, #tpu.memory_space<vmem>>, vector<16xf32>,
      %add3A_2042 = arith.addf %add3A_2032, %get3A_2041 : vector<16xf32>
      %mul3A_2043 = arith.mulf %get3A_2041, %get3A_2041 : vector<16xf32>
      %add3A_2044 = arith.addf %add3A_2034, %mul3A_2043 : vector<16xf32>
      %mul3A_2045 = arith.mulf %add3A_2042, %add3A_2042 : vector<16xf32>
      %sub3A_2046 = arith.subf %mul3A_2045, %add3A_2044 : vector<16xf32>
      %reduce_sum3A_2047 = arith.constant true
      %reduce_sum3A_2048 = vector.broadcast %reduce_sum3A_2047 : i1 to vector<16xi1>
      %reduce_sum3A_2049 = tpu.scan <sum>, %sub3A_2046 masked %reduce_sum3A_2048 : vector<16xf32>, vector<16xi1> -> vector<16xf32>
      %reduce_sum3A_2050 = vector.extract %reduce_sum3A_2049[15] : f32 from vector<16xf32>
      %eq3A_2051 = arith.constant 4 : i32
      %eq3A_2052 = vector.broadcast %eq3A_2051 : i32 to vector<16xi32>
      %eq3A_2053 = arith.cmpi eq, %iota3A, %eq3A_2052 : vector<16xi32>
      %broadcast_in_dim3A_2054 = vector.broadcast %reduce_sum3A_2050 : f32 to vector<16xf32>
      %select_n3A_2055 = arith.select %eq3A_2053, %broadcast_in_dim3A_2054, %select_n3A_1780 : vector<16xi1>, vector<16xf32>
      %broadcast_in_dim3A_2056 = arith.constant 0.000000e+00 : f32
      %broadcast_in_dim3A_2057 = vector.broadcast %broadcast_in_dim3A_2056 : f32 to vector<16xf32>
      %broadcast_in_dim3A_2058 = arith.constant 0.000000e+00 : f32
      %broadcast_in_dim3A_2059 = vector.broadcast %broadcast_in_dim3A_2058 : f32 to vector<16xf32>
      %add3A_2060 = arith.constant 0 : i32
      %add3A_2061 = arith.addi %add3A_2060, %mul3A_684 : i32
      %add3A_2062 = arith.constant 5 : i32
      %add3A_2063 = arith.addi %add3A_2061, %add3A_2062 : i32
      %get3A_2064 = arith.index_cast %add3A_2063 : i32 to index
      %get3A_2065 = arith.constant 0 : index
      %get3A_2066 = tpu.vector_load %arg6[%get3A_2064, %get3A_2065] {strides = array<i32>} : memref<3328x16xf32, #tpu.memory_space<vmem>>, vector<16xf32>,
      %add3A_2067 = arith.addf %broadcast_in_dim3A_2057, %get3A_2066 : vector<16xf32>
      %mul3A_2068 = arith.mulf %get3A_2066, %get3A_2066 : vector<16xf32>
      %add3A_2069 = arith.addf %broadcast_in_dim3A_2059, %mul3A_2068 : vector<16xf32>
      %add3A_2070 = arith.constant 128 : i32
      %add3A_2071 = arith.addi %add3A_2070, %mul3A_684 : i32
      %add3A_2072 = arith.constant 5 : i32
      %add3A_2073 = arith.addi %add3A_2071, %add3A_2072 : i32
      %get3A_2074 = arith.index_cast %add3A_2073 : i32 to index
      %get3A_2075 = arith.constant 0 : index
      %get3A_2076 = tpu.vector_load %arg6[%get3A_2074, %get3A_2075] {strides = array<i32>} : memref<3328x16xf32, #tpu.memory_space<vmem>>, vector<16xf32>,
      %add3A_2077 = arith.addf %add3A_2067, %get3A_2076 : vector<16xf32>
      %mul3A_2078 = arith.mulf %get3A_2076, %get3A_2076 : vector<16xf32>
      %add3A_2079 = arith.addf %add3A_2069, %mul3A_2078 : vector<16xf32>
      %add3A_2080 = arith.constant 256 : i32
      %add3A_2081 = arith.addi %add3A_2080, %mul3A_684 : i32
      %add3A_2082 = arith.constant 5 : i32
      %add3A_2083 = arith.addi %add3A_2081, %add3A_2082 : i32
      %get3A_2084 = arith.index_cast %add3A_2083 : i32 to index
      %get3A_2085 = arith.constant 0 : index
      %get3A_2086 = tpu.vector_load %arg6[%get3A_2084, %get3A_2085] {strides = array<i32>} : memref<3328x16xf32, #tpu.memory_space<vmem>>, vector<16xf32>,
      %add3A_2087 = arith.addf %add3A_2077, %get3A_2086 : vector<16xf32>
      %mul3A_2088 = arith.mulf %get3A_2086, %get3A_2086 : vector<16xf32>
      %add3A_2089 = arith.addf %add3A_2079, %mul3A_2088 : vector<16xf32>
      %add3A_2090 = arith.constant 384 : i32
      %add3A_2091 = arith.addi %add3A_2090, %mul3A_684 : i32
      %add3A_2092 = arith.constant 5 : i32
      %add3A_2093 = arith.addi %add3A_2091, %add3A_2092 : i32
      %get3A_2094 = arith.index_cast %add3A_2093 : i32 to index
      %get3A_2095 = arith.constant 0 : index
      %get3A_2096 = tpu.vector_load %arg6[%get3A_2094, %get3A_2095] {strides = array<i32>} : memref<3328x16xf32, #tpu.memory_space<vmem>>, vector<16xf32>,
      %add3A_2097 = arith.addf %add3A_2087, %get3A_2096 : vector<16xf32>
      %mul3A_2098 = arith.mulf %get3A_2096, %get3A_2096 : vector<16xf32>
      %add3A_2099 = arith.addf %add3A_2089, %mul3A_2098 : vector<16xf32>
      %add3A_2100 = arith.constant 512 : i32
      %add3A_2101 = arith.addi %add3A_2100, %mul3A_684 : i32
      %add3A_2102 = arith.constant 5 : i32
      %add3A_2103 = arith.addi %add3A_2101, %add3A_2102 : i32
      %get3A_2104 = arith.index_cast %add3A_2103 : i32 to index
      %get3A_2105 = arith.constant 0 : index
      %get3A_2106 = tpu.vector_load %arg6[%get3A_2104, %get3A_2105] {strides = array<i32>} : memref<3328x16xf32, #tpu.memory_space<vmem>>, vector<16xf32>,
      %add3A_2107 = arith.addf %add3A_2097, %get3A_2106 : vector<16xf32>
      %mul3A_2108 = arith.mulf %get3A_2106, %get3A_2106 : vector<16xf32>
      %add3A_2109 = arith.addf %add3A_2099, %mul3A_2108 : vector<16xf32>
      %add3A_2110 = arith.constant 640 : i32
      %add3A_2111 = arith.addi %add3A_2110, %mul3A_684 : i32
      %add3A_2112 = arith.constant 5 : i32
      %add3A_2113 = arith.addi %add3A_2111, %add3A_2112 : i32
      %get3A_2114 = arith.index_cast %add3A_2113 : i32 to index
      %get3A_2115 = arith.constant 0 : index
      %get3A_2116 = tpu.vector_load %arg6[%get3A_2114, %get3A_2115] {strides = array<i32>} : memref<3328x16xf32, #tpu.memory_space<vmem>>, vector<16xf32>,
      %add3A_2117 = arith.addf %add3A_2107, %get3A_2116 : vector<16xf32>
      %mul3A_2118 = arith.mulf %get3A_2116, %get3A_2116 : vector<16xf32>
      %add3A_2119 = arith.addf %add3A_2109, %mul3A_2118 : vector<16xf32>
      %add3A_2120 = arith.constant 768 : i32
      %add3A_2121 = arith.addi %add3A_2120, %mul3A_684 : i32
      %add3A_2122 = arith.constant 5 : i32
      %add3A_2123 = arith.addi %add3A_2121, %add3A_2122 : i32
      %get3A_2124 = arith.index_cast %add3A_2123 : i32 to index
      %get3A_2125 = arith.constant 0 : index
      %get3A_2126 = tpu.vector_load %arg6[%get3A_2124, %get3A_2125] {strides = array<i32>} : memref<3328x16xf32, #tpu.memory_space<vmem>>, vector<16xf32>,
      %add3A_2127 = arith.addf %add3A_2117, %get3A_2126 : vector<16xf32>
      %mul3A_2128 = arith.mulf %get3A_2126, %get3A_2126 : vector<16xf32>
      %add3A_2129 = arith.addf %add3A_2119, %mul3A_2128 : vector<16xf32>
      %add3A_2130 = arith.constant 896 : i32
      %add3A_2131 = arith.addi %add3A_2130, %mul3A_684 : i32
      %add3A_2132 = arith.constant 5 : i32
      %add3A_2133 = arith.addi %add3A_2131, %add3A_2132 : i32
      %get3A_2134 = arith.index_cast %add3A_2133 : i32 to index
      %get3A_2135 = arith.constant 0 : index
      %get3A_2136 = tpu.vector_load %arg6[%get3A_2134, %get3A_2135] {strides = array<i32>} : memref<3328x16xf32, #tpu.memory_space<vmem>>, vector<16xf32>,
      %add3A_2137 = arith.addf %add3A_2127, %get3A_2136 : vector<16xf32>
      %mul3A_2138 = arith.mulf %get3A_2136, %get3A_2136 : vector<16xf32>
      %add3A_2139 = arith.addf %add3A_2129, %mul3A_2138 : vector<16xf32>
      %add3A_2140 = arith.constant 1024 : i32
      %add3A_2141 = arith.addi %add3A_2140, %mul3A_684 : i32
      %add3A_2142 = arith.constant 5 : i32
      %add3A_2143 = arith.addi %add3A_2141, %add3A_2142 : i32
      %get3A_2144 = arith.index_cast %add3A_2143 : i32 to index
      %get3A_2145 = arith.constant 0 : index
      %get3A_2146 = tpu.vector_load %arg6[%get3A_2144, %get3A_2145] {strides = array<i32>} : memref<3328x16xf32, #tpu.memory_space<vmem>>, vector<16xf32>,
      %add3A_2147 = arith.addf %add3A_2137, %get3A_2146 : vector<16xf32>
      %mul3A_2148 = arith.mulf %get3A_2146, %get3A_2146 : vector<16xf32>
      %add3A_2149 = arith.addf %add3A_2139, %mul3A_2148 : vector<16xf32>
      %add3A_2150 = arith.constant 1152 : i32
      %add3A_2151 = arith.addi %add3A_2150, %mul3A_684 : i32
      %add3A_2152 = arith.constant 5 : i32
      %add3A_2153 = arith.addi %add3A_2151, %add3A_2152 : i32
      %get3A_2154 = arith.index_cast %add3A_2153 : i32 to index
      %get3A_2155 = arith.constant 0 : index
      %get3A_2156 = tpu.vector_load %arg6[%get3A_2154, %get3A_2155] {strides = array<i32>} : memref<3328x16xf32, #tpu.memory_space<vmem>>, vector<16xf32>,
      %add3A_2157 = arith.addf %add3A_2147, %get3A_2156 : vector<16xf32>
      %mul3A_2158 = arith.mulf %get3A_2156, %get3A_2156 : vector<16xf32>
      %add3A_2159 = arith.addf %add3A_2149, %mul3A_2158 : vector<16xf32>
      %add3A_2160 = arith.constant 1280 : i32
      %add3A_2161 = arith.addi %add3A_2160, %mul3A_684 : i32
      %add3A_2162 = arith.constant 5 : i32
      %add3A_2163 = arith.addi %add3A_2161, %add3A_2162 : i32
      %get3A_2164 = arith.index_cast %add3A_2163 : i32 to index
      %get3A_2165 = arith.constant 0 : index
      %get3A_2166 = tpu.vector_load %arg6[%get3A_2164, %get3A_2165] {strides = array<i32>} : memref<3328x16xf32, #tpu.memory_space<vmem>>, vector<16xf32>,
      %add3A_2167 = arith.addf %add3A_2157, %get3A_2166 : vector<16xf32>
      %mul3A_2168 = arith.mulf %get3A_2166, %get3A_2166 : vector<16xf32>
      %add3A_2169 = arith.addf %add3A_2159, %mul3A_2168 : vector<16xf32>
      %add3A_2170 = arith.constant 1408 : i32
      %add3A_2171 = arith.addi %add3A_2170, %mul3A_684 : i32
      %add3A_2172 = arith.constant 5 : i32
      %add3A_2173 = arith.addi %add3A_2171, %add3A_2172 : i32
      %get3A_2174 = arith.index_cast %add3A_2173 : i32 to index
      %get3A_2175 = arith.constant 0 : index
      %get3A_2176 = tpu.vector_load %arg6[%get3A_2174, %get3A_2175] {strides = array<i32>} : memref<3328x16xf32, #tpu.memory_space<vmem>>, vector<16xf32>,
      %add3A_2177 = arith.addf %add3A_2167, %get3A_2176 : vector<16xf32>
      %mul3A_2178 = arith.mulf %get3A_2176, %get3A_2176 : vector<16xf32>
      %add3A_2179 = arith.addf %add3A_2169, %mul3A_2178 : vector<16xf32>
      %add3A_2180 = arith.constant 1536 : i32
      %add3A_2181 = arith.addi %add3A_2180, %mul3A_684 : i32
      %add3A_2182 = arith.constant 5 : i32
      %add3A_2183 = arith.addi %add3A_2181, %add3A_2182 : i32
      %get3A_2184 = arith.index_cast %add3A_2183 : i32 to index
      %get3A_2185 = arith.constant 0 : index
      %get3A_2186 = tpu.vector_load %arg6[%get3A_2184, %get3A_2185] {strides = array<i32>} : memref<3328x16xf32, #tpu.memory_space<vmem>>, vector<16xf32>,
      %add3A_2187 = arith.addf %add3A_2177, %get3A_2186 : vector<16xf32>
      %mul3A_2188 = arith.mulf %get3A_2186, %get3A_2186 : vector<16xf32>
      %add3A_2189 = arith.addf %add3A_2179, %mul3A_2188 : vector<16xf32>
      %add3A_2190 = arith.constant 1664 : i32
      %add3A_2191 = arith.addi %add3A_2190, %mul3A_684 : i32
      %add3A_2192 = arith.constant 5 : i32
      %add3A_2193 = arith.addi %add3A_2191, %add3A_2192 : i32
      %get3A_2194 = arith.index_cast %add3A_2193 : i32 to index
      %get3A_2195 = arith.constant 0 : index
      %get3A_2196 = tpu.vector_load %arg6[%get3A_2194, %get3A_2195] {strides = array<i32>} : memref<3328x16xf32, #tpu.memory_space<vmem>>, vector<16xf32>,
      %add3A_2197 = arith.addf %add3A_2187, %get3A_2196 : vector<16xf32>
      %mul3A_2198 = arith.mulf %get3A_2196, %get3A_2196 : vector<16xf32>
      %add3A_2199 = arith.addf %add3A_2189, %mul3A_2198 : vector<16xf32>
      %add3A_2200 = arith.constant 1792 : i32
      %add3A_2201 = arith.addi %add3A_2200, %mul3A_684 : i32
      %add3A_2202 = arith.constant 5 : i32
      %add3A_2203 = arith.addi %add3A_2201, %add3A_2202 : i32
      %get3A_2204 = arith.index_cast %add3A_2203 : i32 to index
      %get3A_2205 = arith.constant 0 : index
      %get3A_2206 = tpu.vector_load %arg6[%get3A_2204, %get3A_2205] {strides = array<i32>} : memref<3328x16xf32, #tpu.memory_space<vmem>>, vector<16xf32>,
      %add3A_2207 = arith.addf %add3A_2197, %get3A_2206 : vector<16xf32>
      %mul3A_2208 = arith.mulf %get3A_2206, %get3A_2206 : vector<16xf32>
      %add3A_2209 = arith.addf %add3A_2199, %mul3A_2208 : vector<16xf32>
      %add3A_2210 = arith.constant 1920 : i32
      %add3A_2211 = arith.addi %add3A_2210, %mul3A_684 : i32
      %add3A_2212 = arith.constant 5 : i32
      %add3A_2213 = arith.addi %add3A_2211, %add3A_2212 : i32
      %get3A_2214 = arith.index_cast %add3A_2213 : i32 to index
      %get3A_2215 = arith.constant 0 : index
      %get3A_2216 = tpu.vector_load %arg6[%get3A_2214, %get3A_2215] {strides = array<i32>} : memref<3328x16xf32, #tpu.memory_space<vmem>>, vector<16xf32>,
      %add3A_2217 = arith.addf %add3A_2207, %get3A_2216 : vector<16xf32>
      %mul3A_2218 = arith.mulf %get3A_2216, %get3A_2216 : vector<16xf32>
      %add3A_2219 = arith.addf %add3A_2209, %mul3A_2218 : vector<16xf32>
      %add3A_2220 = arith.constant 2048 : i32
      %add3A_2221 = arith.addi %add3A_2220, %mul3A_684 : i32
      %add3A_2222 = arith.constant 5 : i32
      %add3A_2223 = arith.addi %add3A_2221, %add3A_2222 : i32
      %get3A_2224 = arith.index_cast %add3A_2223 : i32 to index
      %get3A_2225 = arith.constant 0 : index
      %get3A_2226 = tpu.vector_load %arg6[%get3A_2224, %get3A_2225] {strides = array<i32>} : memref<3328x16xf32, #tpu.memory_space<vmem>>, vector<16xf32>,
      %add3A_2227 = arith.addf %add3A_2217, %get3A_2226 : vector<16xf32>
      %mul3A_2228 = arith.mulf %get3A_2226, %get3A_2226 : vector<16xf32>
      %add3A_2229 = arith.addf %add3A_2219, %mul3A_2228 : vector<16xf32>
      %add3A_2230 = arith.constant 2176 : i32
      %add3A_2231 = arith.addi %add3A_2230, %mul3A_684 : i32
      %add3A_2232 = arith.constant 5 : i32
      %add3A_2233 = arith.addi %add3A_2231, %add3A_2232 : i32
      %get3A_2234 = arith.index_cast %add3A_2233 : i32 to index
      %get3A_2235 = arith.constant 0 : index
      %get3A_2236 = tpu.vector_load %arg6[%get3A_2234, %get3A_2235] {strides = array<i32>} : memref<3328x16xf32, #tpu.memory_space<vmem>>, vector<16xf32>,
      %add3A_2237 = arith.addf %add3A_2227, %get3A_2236 : vector<16xf32>
      %mul3A_2238 = arith.mulf %get3A_2236, %get3A_2236 : vector<16xf32>
      %add3A_2239 = arith.addf %add3A_2229, %mul3A_2238 : vector<16xf32>
      %add3A_2240 = arith.constant 2304 : i32
      %add3A_2241 = arith.addi %add3A_2240, %mul3A_684 : i32
      %add3A_2242 = arith.constant 5 : i32
      %add3A_2243 = arith.addi %add3A_2241, %add3A_2242 : i32
      %get3A_2244 = arith.index_cast %add3A_2243 : i32 to index
      %get3A_2245 = arith.constant 0 : index
      %get3A_2246 = tpu.vector_load %arg6[%get3A_2244, %get3A_2245] {strides = array<i32>} : memref<3328x16xf32, #tpu.memory_space<vmem>>, vector<16xf32>,
      %add3A_2247 = arith.addf %add3A_2237, %get3A_2246 : vector<16xf32>
      %mul3A_2248 = arith.mulf %get3A_2246, %get3A_2246 : vector<16xf32>
      %add3A_2249 = arith.addf %add3A_2239, %mul3A_2248 : vector<16xf32>
      %add3A_2250 = arith.constant 2432 : i32
      %add3A_2251 = arith.addi %add3A_2250, %mul3A_684 : i32
      %add3A_2252 = arith.constant 5 : i32
      %add3A_2253 = arith.addi %add3A_2251, %add3A_2252 : i32
      %get3A_2254 = arith.index_cast %add3A_2253 : i32 to index
      %get3A_2255 = arith.constant 0 : index
      %get3A_2256 = tpu.vector_load %arg6[%get3A_2254, %get3A_2255] {strides = array<i32>} : memref<3328x16xf32, #tpu.memory_space<vmem>>, vector<16xf32>,
      %add3A_2257 = arith.addf %add3A_2247, %get3A_2256 : vector<16xf32>
      %mul3A_2258 = arith.mulf %get3A_2256, %get3A_2256 : vector<16xf32>
      %add3A_2259 = arith.addf %add3A_2249, %mul3A_2258 : vector<16xf32>
      %add3A_2260 = arith.constant 2560 : i32
      %add3A_2261 = arith.addi %add3A_2260, %mul3A_684 : i32
      %add3A_2262 = arith.constant 5 : i32
      %add3A_2263 = arith.addi %add3A_2261, %add3A_2262 : i32
      %get3A_2264 = arith.index_cast %add3A_2263 : i32 to index
      %get3A_2265 = arith.constant 0 : index
      %get3A_2266 = tpu.vector_load %arg6[%get3A_2264, %get3A_2265] {strides = array<i32>} : memref<3328x16xf32, #tpu.memory_space<vmem>>, vector<16xf32>,
      %add3A_2267 = arith.addf %add3A_2257, %get3A_2266 : vector<16xf32>
      %mul3A_2268 = arith.mulf %get3A_2266, %get3A_2266 : vector<16xf32>
      %add3A_2269 = arith.addf %add3A_2259, %mul3A_2268 : vector<16xf32>
      %add3A_2270 = arith.constant 2688 : i32
      %add3A_2271 = arith.addi %add3A_2270, %mul3A_684 : i32
      %add3A_2272 = arith.constant 5 : i32
      %add3A_2273 = arith.addi %add3A_2271, %add3A_2272 : i32
      %get3A_2274 = arith.index_cast %add3A_2273 : i32 to index
      %get3A_2275 = arith.constant 0 : index
      %get3A_2276 = tpu.vector_load %arg6[%get3A_2274, %get3A_2275] {strides = array<i32>} : memref<3328x16xf32, #tpu.memory_space<vmem>>, vector<16xf32>,
      %add3A_2277 = arith.addf %add3A_2267, %get3A_2276 : vector<16xf32>
      %mul3A_2278 = arith.mulf %get3A_2276, %get3A_2276 : vector<16xf32>
      %add3A_2279 = arith.addf %add3A_2269, %mul3A_2278 : vector<16xf32>
      %add3A_2280 = arith.constant 2816 : i32
      %add3A_2281 = arith.addi %add3A_2280, %mul3A_684 : i32
      %add3A_2282 = arith.constant 5 : i32
      %add3A_2283 = arith.addi %add3A_2281, %add3A_2282 : i32
      %get3A_2284 = arith.index_cast %add3A_2283 : i32 to index
      %get3A_2285 = arith.constant 0 : index
      %get3A_2286 = tpu.vector_load %arg6[%get3A_2284, %get3A_2285] {strides = array<i32>} : memref<3328x16xf32, #tpu.memory_space<vmem>>, vector<16xf32>,
      %add3A_2287 = arith.addf %add3A_2277, %get3A_2286 : vector<16xf32>
      %mul3A_2288 = arith.mulf %get3A_2286, %get3A_2286 : vector<16xf32>
      %add3A_2289 = arith.addf %add3A_2279, %mul3A_2288 : vector<16xf32>
      %add3A_2290 = arith.constant 2944 : i32
      %add3A_2291 = arith.addi %add3A_2290, %mul3A_684 : i32
      %add3A_2292 = arith.constant 5 : i32
      %add3A_2293 = arith.addi %add3A_2291, %add3A_2292 : i32
      %get3A_2294 = arith.index_cast %add3A_2293 : i32 to index
      %get3A_2295 = arith.constant 0 : index
      %get3A_2296 = tpu.vector_load %arg6[%get3A_2294, %get3A_2295] {strides = array<i32>} : memref<3328x16xf32, #tpu.memory_space<vmem>>, vector<16xf32>,
      %add3A_2297 = arith.addf %add3A_2287, %get3A_2296 : vector<16xf32>
      %mul3A_2298 = arith.mulf %get3A_2296, %get3A_2296 : vector<16xf32>
      %add3A_2299 = arith.addf %add3A_2289, %mul3A_2298 : vector<16xf32>
      %add3A_2300 = arith.constant 3072 : i32
      %add3A_2301 = arith.addi %add3A_2300, %mul3A_684 : i32
      %add3A_2302 = arith.constant 5 : i32
      %add3A_2303 = arith.addi %add3A_2301, %add3A_2302 : i32
      %get3A_2304 = arith.index_cast %add3A_2303 : i32 to index
      %get3A_2305 = arith.constant 0 : index
      %get3A_2306 = tpu.vector_load %arg6[%get3A_2304, %get3A_2305] {strides = array<i32>} : memref<3328x16xf32, #tpu.memory_space<vmem>>, vector<16xf32>,
      %add3A_2307 = arith.addf %add3A_2297, %get3A_2306 : vector<16xf32>
      %mul3A_2308 = arith.mulf %get3A_2306, %get3A_2306 : vector<16xf32>
      %add3A_2309 = arith.addf %add3A_2299, %mul3A_2308 : vector<16xf32>
      %add3A_2310 = arith.constant 3200 : i32
      %add3A_2311 = arith.addi %add3A_2310, %mul3A_684 : i32
      %add3A_2312 = arith.constant 5 : i32
      %add3A_2313 = arith.addi %add3A_2311, %add3A_2312 : i32
      %get3A_2314 = arith.index_cast %add3A_2313 : i32 to index
      %get3A_2315 = arith.constant 0 : index
      %get3A_2316 = tpu.vector_load %arg6[%get3A_2314, %get3A_2315] {strides = array<i32>} : memref<3328x16xf32, #tpu.memory_space<vmem>>, vector<16xf32>,
      %add3A_2317 = arith.addf %add3A_2307, %get3A_2316 : vector<16xf32>
      %mul3A_2318 = arith.mulf %get3A_2316, %get3A_2316 : vector<16xf32>
      %add3A_2319 = arith.addf %add3A_2309, %mul3A_2318 : vector<16xf32>
      %mul3A_2320 = arith.mulf %add3A_2317, %add3A_2317 : vector<16xf32>
      %sub3A_2321 = arith.subf %mul3A_2320, %add3A_2319 : vector<16xf32>
      %reduce_sum3A_2322 = arith.constant true
      %reduce_sum3A_2323 = vector.broadcast %reduce_sum3A_2322 : i1 to vector<16xi1>
      %reduce_sum3A_2324 = tpu.scan <sum>, %sub3A_2321 masked %reduce_sum3A_2323 : vector<16xf32>, vector<16xi1> -> vector<16xf32>
      %reduce_sum3A_2325 = vector.extract %reduce_sum3A_2324[15] : f32 from vector<16xf32>
      %eq3A_2326 = arith.constant 5 : i32
      %eq3A_2327 = vector.broadcast %eq3A_2326 : i32 to vector<16xi32>
      %eq3A_2328 = arith.cmpi eq, %iota3A, %eq3A_2327 : vector<16xi32>
      %broadcast_in_dim3A_2329 = vector.broadcast %reduce_sum3A_2325 : f32 to vector<16xf32>
      %select_n3A_2330 = arith.select %eq3A_2328, %broadcast_in_dim3A_2329, %select_n3A_2055 : vector<16xi1>, vector<16xf32>
      %broadcast_in_dim3A_2331 = arith.constant 0.000000e+00 : f32
      %broadcast_in_dim3A_2332 = vector.broadcast %broadcast_in_dim3A_2331 : f32 to vector<16xf32>
      %broadcast_in_dim3A_2333 = arith.constant 0.000000e+00 : f32
      %broadcast_in_dim3A_2334 = vector.broadcast %broadcast_in_dim3A_2333 : f32 to vector<16xf32>
      %add3A_2335 = arith.constant 0 : i32
      %add3A_2336 = arith.addi %add3A_2335, %mul3A_684 : i32
      %add3A_2337 = arith.constant 6 : i32
      %add3A_2338 = arith.addi %add3A_2336, %add3A_2337 : i32
      %get3A_2339 = arith.index_cast %add3A_2338 : i32 to index
      %get3A_2340 = arith.constant 0 : index
      %get3A_2341 = tpu.vector_load %arg6[%get3A_2339, %get3A_2340] {strides = array<i32>} : memref<3328x16xf32, #tpu.memory_space<vmem>>, vector<16xf32>,
      %add3A_2342 = arith.addf %broadcast_in_dim3A_2332, %get3A_2341 : vector<16xf32>
      %mul3A_2343 = arith.mulf %get3A_2341, %get3A_2341 : vector<16xf32>
      %add3A_2344 = arith.addf %broadcast_in_dim3A_2334, %mul3A_2343 : vector<16xf32>
      %add3A_2345 = arith.constant 128 : i32
      %add3A_2346 = arith.addi %add3A_2345, %mul3A_684 : i32
      %add3A_2347 = arith.constant 6 : i32
      %add3A_2348 = arith.addi %add3A_2346, %add3A_2347 : i32
      %get3A_2349 = arith.index_cast %add3A_2348 : i32 to index
      %get3A_2350 = arith.constant 0 : index
      %get3A_2351 = tpu.vector_load %arg6[%get3A_2349, %get3A_2350] {strides = array<i32>} : memref<3328x16xf32, #tpu.memory_space<vmem>>, vector<16xf32>,
      %add3A_2352 = arith.addf %add3A_2342, %get3A_2351 : vector<16xf32>
      %mul3A_2353 = arith.mulf %get3A_2351, %get3A_2351 : vector<16xf32>
      %add3A_2354 = arith.addf %add3A_2344, %mul3A_2353 : vector<16xf32>
      %add3A_2355 = arith.constant 256 : i32
      %add3A_2356 = arith.addi %add3A_2355, %mul3A_684 : i32
      %add3A_2357 = arith.constant 6 : i32
      %add3A_2358 = arith.addi %add3A_2356, %add3A_2357 : i32
      %get3A_2359 = arith.index_cast %add3A_2358 : i32 to index
      %get3A_2360 = arith.constant 0 : index
      %get3A_2361 = tpu.vector_load %arg6[%get3A_2359, %get3A_2360] {strides = array<i32>} : memref<3328x16xf32, #tpu.memory_space<vmem>>, vector<16xf32>,
      %add3A_2362 = arith.addf %add3A_2352, %get3A_2361 : vector<16xf32>
      %mul3A_2363 = arith.mulf %get3A_2361, %get3A_2361 : vector<16xf32>
      %add3A_2364 = arith.addf %add3A_2354, %mul3A_2363 : vector<16xf32>
      %add3A_2365 = arith.constant 384 : i32
      %add3A_2366 = arith.addi %add3A_2365, %mul3A_684 : i32
      %add3A_2367 = arith.constant 6 : i32
      %add3A_2368 = arith.addi %add3A_2366, %add3A_2367 : i32
      %get3A_2369 = arith.index_cast %add3A_2368 : i32 to index
      %get3A_2370 = arith.constant 0 : index
      %get3A_2371 = tpu.vector_load %arg6[%get3A_2369, %get3A_2370] {strides = array<i32>} : memref<3328x16xf32, #tpu.memory_space<vmem>>, vector<16xf32>,
      %add3A_2372 = arith.addf %add3A_2362, %get3A_2371 : vector<16xf32>
      %mul3A_2373 = arith.mulf %get3A_2371, %get3A_2371 : vector<16xf32>
      %add3A_2374 = arith.addf %add3A_2364, %mul3A_2373 : vector<16xf32>
      %add3A_2375 = arith.constant 512 : i32
      %add3A_2376 = arith.addi %add3A_2375, %mul3A_684 : i32
      %add3A_2377 = arith.constant 6 : i32
      %add3A_2378 = arith.addi %add3A_2376, %add3A_2377 : i32
      %get3A_2379 = arith.index_cast %add3A_2378 : i32 to index
      %get3A_2380 = arith.constant 0 : index
      %get3A_2381 = tpu.vector_load %arg6[%get3A_2379, %get3A_2380] {strides = array<i32>} : memref<3328x16xf32, #tpu.memory_space<vmem>>, vector<16xf32>,
      %add3A_2382 = arith.addf %add3A_2372, %get3A_2381 : vector<16xf32>
      %mul3A_2383 = arith.mulf %get3A_2381, %get3A_2381 : vector<16xf32>
      %add3A_2384 = arith.addf %add3A_2374, %mul3A_2383 : vector<16xf32>
      %add3A_2385 = arith.constant 640 : i32
      %add3A_2386 = arith.addi %add3A_2385, %mul3A_684 : i32
      %add3A_2387 = arith.constant 6 : i32
      %add3A_2388 = arith.addi %add3A_2386, %add3A_2387 : i32
      %get3A_2389 = arith.index_cast %add3A_2388 : i32 to index
      %get3A_2390 = arith.constant 0 : index
      %get3A_2391 = tpu.vector_load %arg6[%get3A_2389, %get3A_2390] {strides = array<i32>} : memref<3328x16xf32, #tpu.memory_space<vmem>>, vector<16xf32>,
      %add3A_2392 = arith.addf %add3A_2382, %get3A_2391 : vector<16xf32>
      %mul3A_2393 = arith.mulf %get3A_2391, %get3A_2391 : vector<16xf32>
      %add3A_2394 = arith.addf %add3A_2384, %mul3A_2393 : vector<16xf32>
      %add3A_2395 = arith.constant 768 : i32
      %add3A_2396 = arith.addi %add3A_2395, %mul3A_684 : i32
      %add3A_2397 = arith.constant 6 : i32
      %add3A_2398 = arith.addi %add3A_2396, %add3A_2397 : i32
      %get3A_2399 = arith.index_cast %add3A_2398 : i32 to index
      %get3A_2400 = arith.constant 0 : index
      %get3A_2401 = tpu.vector_load %arg6[%get3A_2399, %get3A_2400] {strides = array<i32>} : memref<3328x16xf32, #tpu.memory_space<vmem>>, vector<16xf32>,
      %add3A_2402 = arith.addf %add3A_2392, %get3A_2401 : vector<16xf32>
      %mul3A_2403 = arith.mulf %get3A_2401, %get3A_2401 : vector<16xf32>
      %add3A_2404 = arith.addf %add3A_2394, %mul3A_2403 : vector<16xf32>
      %add3A_2405 = arith.constant 896 : i32
      %add3A_2406 = arith.addi %add3A_2405, %mul3A_684 : i32
      %add3A_2407 = arith.constant 6 : i32
      %add3A_2408 = arith.addi %add3A_2406, %add3A_2407 : i32
      %get3A_2409 = arith.index_cast %add3A_2408 : i32 to index
      %get3A_2410 = arith.constant 0 : index
      %get3A_2411 = tpu.vector_load %arg6[%get3A_2409, %get3A_2410] {strides = array<i32>} : memref<3328x16xf32, #tpu.memory_space<vmem>>, vector<16xf32>,
      %add3A_2412 = arith.addf %add3A_2402, %get3A_2411 : vector<16xf32>
      %mul3A_2413 = arith.mulf %get3A_2411, %get3A_2411 : vector<16xf32>
      %add3A_2414 = arith.addf %add3A_2404, %mul3A_2413 : vector<16xf32>
      %add3A_2415 = arith.constant 1024 : i32
      %add3A_2416 = arith.addi %add3A_2415, %mul3A_684 : i32
      %add3A_2417 = arith.constant 6 : i32
      %add3A_2418 = arith.addi %add3A_2416, %add3A_2417 : i32
      %get3A_2419 = arith.index_cast %add3A_2418 : i32 to index
      %get3A_2420 = arith.constant 0 : index
      %get3A_2421 = tpu.vector_load %arg6[%get3A_2419, %get3A_2420] {strides = array<i32>} : memref<3328x16xf32, #tpu.memory_space<vmem>>, vector<16xf32>,
      %add3A_2422 = arith.addf %add3A_2412, %get3A_2421 : vector<16xf32>
      %mul3A_2423 = arith.mulf %get3A_2421, %get3A_2421 : vector<16xf32>
      %add3A_2424 = arith.addf %add3A_2414, %mul3A_2423 : vector<16xf32>
      %add3A_2425 = arith.constant 1152 : i32
      %add3A_2426 = arith.addi %add3A_2425, %mul3A_684 : i32
      %add3A_2427 = arith.constant 6 : i32
      %add3A_2428 = arith.addi %add3A_2426, %add3A_2427 : i32
      %get3A_2429 = arith.index_cast %add3A_2428 : i32 to index
      %get3A_2430 = arith.constant 0 : index
      %get3A_2431 = tpu.vector_load %arg6[%get3A_2429, %get3A_2430] {strides = array<i32>} : memref<3328x16xf32, #tpu.memory_space<vmem>>, vector<16xf32>,
      %add3A_2432 = arith.addf %add3A_2422, %get3A_2431 : vector<16xf32>
      %mul3A_2433 = arith.mulf %get3A_2431, %get3A_2431 : vector<16xf32>
      %add3A_2434 = arith.addf %add3A_2424, %mul3A_2433 : vector<16xf32>
      %add3A_2435 = arith.constant 1280 : i32
      %add3A_2436 = arith.addi %add3A_2435, %mul3A_684 : i32
      %add3A_2437 = arith.constant 6 : i32
      %add3A_2438 = arith.addi %add3A_2436, %add3A_2437 : i32
      %get3A_2439 = arith.index_cast %add3A_2438 : i32 to index
      %get3A_2440 = arith.constant 0 : index
      %get3A_2441 = tpu.vector_load %arg6[%get3A_2439, %get3A_2440] {strides = array<i32>} : memref<3328x16xf32, #tpu.memory_space<vmem>>, vector<16xf32>,
      %add3A_2442 = arith.addf %add3A_2432, %get3A_2441 : vector<16xf32>
      %mul3A_2443 = arith.mulf %get3A_2441, %get3A_2441 : vector<16xf32>
      %add3A_2444 = arith.addf %add3A_2434, %mul3A_2443 : vector<16xf32>
      %add3A_2445 = arith.constant 1408 : i32
      %add3A_2446 = arith.addi %add3A_2445, %mul3A_684 : i32
      %add3A_2447 = arith.constant 6 : i32
      %add3A_2448 = arith.addi %add3A_2446, %add3A_2447 : i32
      %get3A_2449 = arith.index_cast %add3A_2448 : i32 to index
      %get3A_2450 = arith.constant 0 : index
      %get3A_2451 = tpu.vector_load %arg6[%get3A_2449, %get3A_2450] {strides = array<i32>} : memref<3328x16xf32, #tpu.memory_space<vmem>>, vector<16xf32>,
      %add3A_2452 = arith.addf %add3A_2442, %get3A_2451 : vector<16xf32>
      %mul3A_2453 = arith.mulf %get3A_2451, %get3A_2451 : vector<16xf32>
      %add3A_2454 = arith.addf %add3A_2444, %mul3A_2453 : vector<16xf32>
      %add3A_2455 = arith.constant 1536 : i32
      %add3A_2456 = arith.addi %add3A_2455, %mul3A_684 : i32
      %add3A_2457 = arith.constant 6 : i32
      %add3A_2458 = arith.addi %add3A_2456, %add3A_2457 : i32
      %get3A_2459 = arith.index_cast %add3A_2458 : i32 to index
      %get3A_2460 = arith.constant 0 : index
      %get3A_2461 = tpu.vector_load %arg6[%get3A_2459, %get3A_2460] {strides = array<i32>} : memref<3328x16xf32, #tpu.memory_space<vmem>>, vector<16xf32>,
      %add3A_2462 = arith.addf %add3A_2452, %get3A_2461 : vector<16xf32>
      %mul3A_2463 = arith.mulf %get3A_2461, %get3A_2461 : vector<16xf32>
      %add3A_2464 = arith.addf %add3A_2454, %mul3A_2463 : vector<16xf32>
      %add3A_2465 = arith.constant 1664 : i32
      %add3A_2466 = arith.addi %add3A_2465, %mul3A_684 : i32
      %add3A_2467 = arith.constant 6 : i32
      %add3A_2468 = arith.addi %add3A_2466, %add3A_2467 : i32
      %get3A_2469 = arith.index_cast %add3A_2468 : i32 to index
      %get3A_2470 = arith.constant 0 : index
      %get3A_2471 = tpu.vector_load %arg6[%get3A_2469, %get3A_2470] {strides = array<i32>} : memref<3328x16xf32, #tpu.memory_space<vmem>>, vector<16xf32>,
      %add3A_2472 = arith.addf %add3A_2462, %get3A_2471 : vector<16xf32>
      %mul3A_2473 = arith.mulf %get3A_2471, %get3A_2471 : vector<16xf32>
      %add3A_2474 = arith.addf %add3A_2464, %mul3A_2473 : vector<16xf32>
      %add3A_2475 = arith.constant 1792 : i32
      %add3A_2476 = arith.addi %add3A_2475, %mul3A_684 : i32
      %add3A_2477 = arith.constant 6 : i32
      %add3A_2478 = arith.addi %add3A_2476, %add3A_2477 : i32
      %get3A_2479 = arith.index_cast %add3A_2478 : i32 to index
      %get3A_2480 = arith.constant 0 : index
      %get3A_2481 = tpu.vector_load %arg6[%get3A_2479, %get3A_2480] {strides = array<i32>} : memref<3328x16xf32, #tpu.memory_space<vmem>>, vector<16xf32>,
      %add3A_2482 = arith.addf %add3A_2472, %get3A_2481 : vector<16xf32>
      %mul3A_2483 = arith.mulf %get3A_2481, %get3A_2481 : vector<16xf32>
      %add3A_2484 = arith.addf %add3A_2474, %mul3A_2483 : vector<16xf32>
      %add3A_2485 = arith.constant 1920 : i32
      %add3A_2486 = arith.addi %add3A_2485, %mul3A_684 : i32
      %add3A_2487 = arith.constant 6 : i32
      %add3A_2488 = arith.addi %add3A_2486, %add3A_2487 : i32
      %get3A_2489 = arith.index_cast %add3A_2488 : i32 to index
      %get3A_2490 = arith.constant 0 : index
      %get3A_2491 = tpu.vector_load %arg6[%get3A_2489, %get3A_2490] {strides = array<i32>} : memref<3328x16xf32, #tpu.memory_space<vmem>>, vector<16xf32>,
      %add3A_2492 = arith.addf %add3A_2482, %get3A_2491 : vector<16xf32>
      %mul3A_2493 = arith.mulf %get3A_2491, %get3A_2491 : vector<16xf32>
      %add3A_2494 = arith.addf %add3A_2484, %mul3A_2493 : vector<16xf32>
      %add3A_2495 = arith.constant 2048 : i32
      %add3A_2496 = arith.addi %add3A_2495, %mul3A_684 : i32
      %add3A_2497 = arith.constant 6 : i32
      %add3A_2498 = arith.addi %add3A_2496, %add3A_2497 : i32
      %get3A_2499 = arith.index_cast %add3A_2498 : i32 to index
      %get3A_2500 = arith.constant 0 : index
      %get3A_2501 = tpu.vector_load %arg6[%get3A_2499, %get3A_2500] {strides = array<i32>} : memref<3328x16xf32, #tpu.memory_space<vmem>>, vector<16xf32>,
      %add3A_2502 = arith.addf %add3A_2492, %get3A_2501 : vector<16xf32>
      %mul3A_2503 = arith.mulf %get3A_2501, %get3A_2501 : vector<16xf32>
      %add3A_2504 = arith.addf %add3A_2494, %mul3A_2503 : vector<16xf32>
      %add3A_2505 = arith.constant 2176 : i32
      %add3A_2506 = arith.addi %add3A_2505, %mul3A_684 : i32
      %add3A_2507 = arith.constant 6 : i32
      %add3A_2508 = arith.addi %add3A_2506, %add3A_2507 : i32
      %get3A_2509 = arith.index_cast %add3A_2508 : i32 to index
      %get3A_2510 = arith.constant 0 : index
      %get3A_2511 = tpu.vector_load %arg6[%get3A_2509, %get3A_2510] {strides = array<i32>} : memref<3328x16xf32, #tpu.memory_space<vmem>>, vector<16xf32>,
      %add3A_2512 = arith.addf %add3A_2502, %get3A_2511 : vector<16xf32>
      %mul3A_2513 = arith.mulf %get3A_2511, %get3A_2511 : vector<16xf32>
      %add3A_2514 = arith.addf %add3A_2504, %mul3A_2513 : vector<16xf32>
      %add3A_2515 = arith.constant 2304 : i32
      %add3A_2516 = arith.addi %add3A_2515, %mul3A_684 : i32
      %add3A_2517 = arith.constant 6 : i32
      %add3A_2518 = arith.addi %add3A_2516, %add3A_2517 : i32
      %get3A_2519 = arith.index_cast %add3A_2518 : i32 to index
      %get3A_2520 = arith.constant 0 : index
      %get3A_2521 = tpu.vector_load %arg6[%get3A_2519, %get3A_2520] {strides = array<i32>} : memref<3328x16xf32, #tpu.memory_space<vmem>>, vector<16xf32>,
      %add3A_2522 = arith.addf %add3A_2512, %get3A_2521 : vector<16xf32>
      %mul3A_2523 = arith.mulf %get3A_2521, %get3A_2521 : vector<16xf32>
      %add3A_2524 = arith.addf %add3A_2514, %mul3A_2523 : vector<16xf32>
      %add3A_2525 = arith.constant 2432 : i32
      %add3A_2526 = arith.addi %add3A_2525, %mul3A_684 : i32
      %add3A_2527 = arith.constant 6 : i32
      %add3A_2528 = arith.addi %add3A_2526, %add3A_2527 : i32
      %get3A_2529 = arith.index_cast %add3A_2528 : i32 to index
      %get3A_2530 = arith.constant 0 : index
      %get3A_2531 = tpu.vector_load %arg6[%get3A_2529, %get3A_2530] {strides = array<i32>} : memref<3328x16xf32, #tpu.memory_space<vmem>>, vector<16xf32>,
      %add3A_2532 = arith.addf %add3A_2522, %get3A_2531 : vector<16xf32>
      %mul3A_2533 = arith.mulf %get3A_2531, %get3A_2531 : vector<16xf32>
      %add3A_2534 = arith.addf %add3A_2524, %mul3A_2533 : vector<16xf32>
      %add3A_2535 = arith.constant 2560 : i32
      %add3A_2536 = arith.addi %add3A_2535, %mul3A_684 : i32
      %add3A_2537 = arith.constant 6 : i32
      %add3A_2538 = arith.addi %add3A_2536, %add3A_2537 : i32
      %get3A_2539 = arith.index_cast %add3A_2538 : i32 to index
      %get3A_2540 = arith.constant 0 : index
      %get3A_2541 = tpu.vector_load %arg6[%get3A_2539, %get3A_2540] {strides = array<i32>} : memref<3328x16xf32, #tpu.memory_space<vmem>>, vector<16xf32>,
      %add3A_2542 = arith.addf %add3A_2532, %get3A_2541 : vector<16xf32>
      %mul3A_2543 = arith.mulf %get3A_2541, %get3A_2541 : vector<16xf32>
      %add3A_2544 = arith.addf %add3A_2534, %mul3A_2543 : vector<16xf32>
      %add3A_2545 = arith.constant 2688 : i32
      %add3A_2546 = arith.addi %add3A_2545, %mul3A_684 : i32
      %add3A_2547 = arith.constant 6 : i32
      %add3A_2548 = arith.addi %add3A_2546, %add3A_2547 : i32
      %get3A_2549 = arith.index_cast %add3A_2548 : i32 to index
      %get3A_2550 = arith.constant 0 : index
      %get3A_2551 = tpu.vector_load %arg6[%get3A_2549, %get3A_2550] {strides = array<i32>} : memref<3328x16xf32, #tpu.memory_space<vmem>>, vector<16xf32>,
      %add3A_2552 = arith.addf %add3A_2542, %get3A_2551 : vector<16xf32>
      %mul3A_2553 = arith.mulf %get3A_2551, %get3A_2551 : vector<16xf32>
      %add3A_2554 = arith.addf %add3A_2544, %mul3A_2553 : vector<16xf32>
      %add3A_2555 = arith.constant 2816 : i32
      %add3A_2556 = arith.addi %add3A_2555, %mul3A_684 : i32
      %add3A_2557 = arith.constant 6 : i32
      %add3A_2558 = arith.addi %add3A_2556, %add3A_2557 : i32
      %get3A_2559 = arith.index_cast %add3A_2558 : i32 to index
      %get3A_2560 = arith.constant 0 : index
      %get3A_2561 = tpu.vector_load %arg6[%get3A_2559, %get3A_2560] {strides = array<i32>} : memref<3328x16xf32, #tpu.memory_space<vmem>>, vector<16xf32>,
      %add3A_2562 = arith.addf %add3A_2552, %get3A_2561 : vector<16xf32>
      %mul3A_2563 = arith.mulf %get3A_2561, %get3A_2561 : vector<16xf32>
      %add3A_2564 = arith.addf %add3A_2554, %mul3A_2563 : vector<16xf32>
      %add3A_2565 = arith.constant 2944 : i32
      %add3A_2566 = arith.addi %add3A_2565, %mul3A_684 : i32
      %add3A_2567 = arith.constant 6 : i32
      %add3A_2568 = arith.addi %add3A_2566, %add3A_2567 : i32
      %get3A_2569 = arith.index_cast %add3A_2568 : i32 to index
      %get3A_2570 = arith.constant 0 : index
      %get3A_2571 = tpu.vector_load %arg6[%get3A_2569, %get3A_2570] {strides = array<i32>} : memref<3328x16xf32, #tpu.memory_space<vmem>>, vector<16xf32>,
      %add3A_2572 = arith.addf %add3A_2562, %get3A_2571 : vector<16xf32>
      %mul3A_2573 = arith.mulf %get3A_2571, %get3A_2571 : vector<16xf32>
      %add3A_2574 = arith.addf %add3A_2564, %mul3A_2573 : vector<16xf32>
      %add3A_2575 = arith.constant 3072 : i32
      %add3A_2576 = arith.addi %add3A_2575, %mul3A_684 : i32
      %add3A_2577 = arith.constant 6 : i32
      %add3A_2578 = arith.addi %add3A_2576, %add3A_2577 : i32
      %get3A_2579 = arith.index_cast %add3A_2578 : i32 to index
      %get3A_2580 = arith.constant 0 : index
      %get3A_2581 = tpu.vector_load %arg6[%get3A_2579, %get3A_2580] {strides = array<i32>} : memref<3328x16xf32, #tpu.memory_space<vmem>>, vector<16xf32>,
      %add3A_2582 = arith.addf %add3A_2572, %get3A_2581 : vector<16xf32>
      %mul3A_2583 = arith.mulf %get3A_2581, %get3A_2581 : vector<16xf32>
      %add3A_2584 = arith.addf %add3A_2574, %mul3A_2583 : vector<16xf32>
      %add3A_2585 = arith.constant 3200 : i32
      %add3A_2586 = arith.addi %add3A_2585, %mul3A_684 : i32
      %add3A_2587 = arith.constant 6 : i32
      %add3A_2588 = arith.addi %add3A_2586, %add3A_2587 : i32
      %get3A_2589 = arith.index_cast %add3A_2588 : i32 to index
      %get3A_2590 = arith.constant 0 : index
      %get3A_2591 = tpu.vector_load %arg6[%get3A_2589, %get3A_2590] {strides = array<i32>} : memref<3328x16xf32, #tpu.memory_space<vmem>>, vector<16xf32>,
      %add3A_2592 = arith.addf %add3A_2582, %get3A_2591 : vector<16xf32>
      %mul3A_2593 = arith.mulf %get3A_2591, %get3A_2591 : vector<16xf32>
      %add3A_2594 = arith.addf %add3A_2584, %mul3A_2593 : vector<16xf32>
      %mul3A_2595 = arith.mulf %add3A_2592, %add3A_2592 : vector<16xf32>
      %sub3A_2596 = arith.subf %mul3A_2595, %add3A_2594 : vector<16xf32>
      %reduce_sum3A_2597 = arith.constant true
      %reduce_sum3A_2598 = vector.broadcast %reduce_sum3A_2597 : i1 to vector<16xi1>
      %reduce_sum3A_2599 = tpu.scan <sum>, %sub3A_2596 masked %reduce_sum3A_2598 : vector<16xf32>, vector<16xi1> -> vector<16xf32>
      %reduce_sum3A_2600 = vector.extract %reduce_sum3A_2599[15] : f32 from vector<16xf32>
      %eq3A_2601 = arith.constant 6 : i32
      %eq3A_2602 = vector.broadcast %eq3A_2601 : i32 to vector<16xi32>
      %eq3A_2603 = arith.cmpi eq, %iota3A, %eq3A_2602 : vector<16xi32>
      %broadcast_in_dim3A_2604 = vector.broadcast %reduce_sum3A_2600 : f32 to vector<16xf32>
      %select_n3A_2605 = arith.select %eq3A_2603, %broadcast_in_dim3A_2604, %select_n3A_2330 : vector<16xi1>, vector<16xf32>
      %broadcast_in_dim3A_2606 = arith.constant 0.000000e+00 : f32
      %broadcast_in_dim3A_2607 = vector.broadcast %broadcast_in_dim3A_2606 : f32 to vector<16xf32>
      %broadcast_in_dim3A_2608 = arith.constant 0.000000e+00 : f32
      %broadcast_in_dim3A_2609 = vector.broadcast %broadcast_in_dim3A_2608 : f32 to vector<16xf32>
      %add3A_2610 = arith.constant 0 : i32
      %add3A_2611 = arith.addi %add3A_2610, %mul3A_684 : i32
      %add3A_2612 = arith.constant 7 : i32
      %add3A_2613 = arith.addi %add3A_2611, %add3A_2612 : i32
      %get3A_2614 = arith.index_cast %add3A_2613 : i32 to index
      %get3A_2615 = arith.constant 0 : index
      %get3A_2616 = tpu.vector_load %arg6[%get3A_2614, %get3A_2615] {strides = array<i32>} : memref<3328x16xf32, #tpu.memory_space<vmem>>, vector<16xf32>,
      %add3A_2617 = arith.addf %broadcast_in_dim3A_2607, %get3A_2616 : vector<16xf32>
      %mul3A_2618 = arith.mulf %get3A_2616, %get3A_2616 : vector<16xf32>
      %add3A_2619 = arith.addf %broadcast_in_dim3A_2609, %mul3A_2618 : vector<16xf32>
      %add3A_2620 = arith.constant 128 : i32
      %add3A_2621 = arith.addi %add3A_2620, %mul3A_684 : i32
      %add3A_2622 = arith.constant 7 : i32
      %add3A_2623 = arith.addi %add3A_2621, %add3A_2622 : i32
      %get3A_2624 = arith.index_cast %add3A_2623 : i32 to index
      %get3A_2625 = arith.constant 0 : index
      %get3A_2626 = tpu.vector_load %arg6[%get3A_2624, %get3A_2625] {strides = array<i32>} : memref<3328x16xf32, #tpu.memory_space<vmem>>, vector<16xf32>,
      %add3A_2627 = arith.addf %add3A_2617, %get3A_2626 : vector<16xf32>
      %mul3A_2628 = arith.mulf %get3A_2626, %get3A_2626 : vector<16xf32>
      %add3A_2629 = arith.addf %add3A_2619, %mul3A_2628 : vector<16xf32>
      %add3A_2630 = arith.constant 256 : i32
      %add3A_2631 = arith.addi %add3A_2630, %mul3A_684 : i32
      %add3A_2632 = arith.constant 7 : i32
      %add3A_2633 = arith.addi %add3A_2631, %add3A_2632 : i32
      %get3A_2634 = arith.index_cast %add3A_2633 : i32 to index
      %get3A_2635 = arith.constant 0 : index
      %get3A_2636 = tpu.vector_load %arg6[%get3A_2634, %get3A_2635] {strides = array<i32>} : memref<3328x16xf32, #tpu.memory_space<vmem>>, vector<16xf32>,
      %add3A_2637 = arith.addf %add3A_2627, %get3A_2636 : vector<16xf32>
      %mul3A_2638 = arith.mulf %get3A_2636, %get3A_2636 : vector<16xf32>
      %add3A_2639 = arith.addf %add3A_2629, %mul3A_2638 : vector<16xf32>
      %add3A_2640 = arith.constant 384 : i32
      %add3A_2641 = arith.addi %add3A_2640, %mul3A_684 : i32
      %add3A_2642 = arith.constant 7 : i32
      %add3A_2643 = arith.addi %add3A_2641, %add3A_2642 : i32
      %get3A_2644 = arith.index_cast %add3A_2643 : i32 to index
      %get3A_2645 = arith.constant 0 : index
      %get3A_2646 = tpu.vector_load %arg6[%get3A_2644, %get3A_2645] {strides = array<i32>} : memref<3328x16xf32, #tpu.memory_space<vmem>>, vector<16xf32>,
      %add3A_2647 = arith.addf %add3A_2637, %get3A_2646 : vector<16xf32>
      %mul3A_2648 = arith.mulf %get3A_2646, %get3A_2646 : vector<16xf32>
      %add3A_2649 = arith.addf %add3A_2639, %mul3A_2648 : vector<16xf32>
      %add3A_2650 = arith.constant 512 : i32
      %add3A_2651 = arith.addi %add3A_2650, %mul3A_684 : i32
      %add3A_2652 = arith.constant 7 : i32
      %add3A_2653 = arith.addi %add3A_2651, %add3A_2652 : i32
      %get3A_2654 = arith.index_cast %add3A_2653 : i32 to index
      %get3A_2655 = arith.constant 0 : index
      %get3A_2656 = tpu.vector_load %arg6[%get3A_2654, %get3A_2655] {strides = array<i32>} : memref<3328x16xf32, #tpu.memory_space<vmem>>, vector<16xf32>,
      %add3A_2657 = arith.addf %add3A_2647, %get3A_2656 : vector<16xf32>
      %mul3A_2658 = arith.mulf %get3A_2656, %get3A_2656 : vector<16xf32>
      %add3A_2659 = arith.addf %add3A_2649, %mul3A_2658 : vector<16xf32>
      %add3A_2660 = arith.constant 640 : i32
      %add3A_2661 = arith.addi %add3A_2660, %mul3A_684 : i32
      %add3A_2662 = arith.constant 7 : i32
      %add3A_2663 = arith.addi %add3A_2661, %add3A_2662 : i32
      %get3A_2664 = arith.index_cast %add3A_2663 : i32 to index
      %get3A_2665 = arith.constant 0 : index
      %get3A_2666 = tpu.vector_load %arg6[%get3A_2664, %get3A_2665] {strides = array<i32>} : memref<3328x16xf32, #tpu.memory_space<vmem>>, vector<16xf32>,
      %add3A_2667 = arith.addf %add3A_2657, %get3A_2666 : vector<16xf32>
      %mul3A_2668 = arith.mulf %get3A_2666, %get3A_2666 : vector<16xf32>
      %add3A_2669 = arith.addf %add3A_2659, %mul3A_2668 : vector<16xf32>
      %add3A_2670 = arith.constant 768 : i32
      %add3A_2671 = arith.addi %add3A_2670, %mul3A_684 : i32
      %add3A_2672 = arith.constant 7 : i32
      %add3A_2673 = arith.addi %add3A_2671, %add3A_2672 : i32
      %get3A_2674 = arith.index_cast %add3A_2673 : i32 to index
      %get3A_2675 = arith.constant 0 : index
      %get3A_2676 = tpu.vector_load %arg6[%get3A_2674, %get3A_2675] {strides = array<i32>} : memref<3328x16xf32, #tpu.memory_space<vmem>>, vector<16xf32>,
      %add3A_2677 = arith.addf %add3A_2667, %get3A_2676 : vector<16xf32>
      %mul3A_2678 = arith.mulf %get3A_2676, %get3A_2676 : vector<16xf32>
      %add3A_2679 = arith.addf %add3A_2669, %mul3A_2678 : vector<16xf32>
      %add3A_2680 = arith.constant 896 : i32
      %add3A_2681 = arith.addi %add3A_2680, %mul3A_684 : i32
      %add3A_2682 = arith.constant 7 : i32
      %add3A_2683 = arith.addi %add3A_2681, %add3A_2682 : i32
      %get3A_2684 = arith.index_cast %add3A_2683 : i32 to index
      %get3A_2685 = arith.constant 0 : index
      %get3A_2686 = tpu.vector_load %arg6[%get3A_2684, %get3A_2685] {strides = array<i32>} : memref<3328x16xf32, #tpu.memory_space<vmem>>, vector<16xf32>,
      %add3A_2687 = arith.addf %add3A_2677, %get3A_2686 : vector<16xf32>
      %mul3A_2688 = arith.mulf %get3A_2686, %get3A_2686 : vector<16xf32>
      %add3A_2689 = arith.addf %add3A_2679, %mul3A_2688 : vector<16xf32>
      %add3A_2690 = arith.constant 1024 : i32
      %add3A_2691 = arith.addi %add3A_2690, %mul3A_684 : i32
      %add3A_2692 = arith.constant 7 : i32
      %add3A_2693 = arith.addi %add3A_2691, %add3A_2692 : i32
      %get3A_2694 = arith.index_cast %add3A_2693 : i32 to index
      %get3A_2695 = arith.constant 0 : index
      %get3A_2696 = tpu.vector_load %arg6[%get3A_2694, %get3A_2695] {strides = array<i32>} : memref<3328x16xf32, #tpu.memory_space<vmem>>, vector<16xf32>,
      %add3A_2697 = arith.addf %add3A_2687, %get3A_2696 : vector<16xf32>
      %mul3A_2698 = arith.mulf %get3A_2696, %get3A_2696 : vector<16xf32>
      %add3A_2699 = arith.addf %add3A_2689, %mul3A_2698 : vector<16xf32>
      %add3A_2700 = arith.constant 1152 : i32
      %add3A_2701 = arith.addi %add3A_2700, %mul3A_684 : i32
      %add3A_2702 = arith.constant 7 : i32
      %add3A_2703 = arith.addi %add3A_2701, %add3A_2702 : i32
      %get3A_2704 = arith.index_cast %add3A_2703 : i32 to index
      %get3A_2705 = arith.constant 0 : index
      %get3A_2706 = tpu.vector_load %arg6[%get3A_2704, %get3A_2705] {strides = array<i32>} : memref<3328x16xf32, #tpu.memory_space<vmem>>, vector<16xf32>,
      %add3A_2707 = arith.addf %add3A_2697, %get3A_2706 : vector<16xf32>
      %mul3A_2708 = arith.mulf %get3A_2706, %get3A_2706 : vector<16xf32>
      %add3A_2709 = arith.addf %add3A_2699, %mul3A_2708 : vector<16xf32>
      %add3A_2710 = arith.constant 1280 : i32
      %add3A_2711 = arith.addi %add3A_2710, %mul3A_684 : i32
      %add3A_2712 = arith.constant 7 : i32
      %add3A_2713 = arith.addi %add3A_2711, %add3A_2712 : i32
      %get3A_2714 = arith.index_cast %add3A_2713 : i32 to index
      %get3A_2715 = arith.constant 0 : index
      %get3A_2716 = tpu.vector_load %arg6[%get3A_2714, %get3A_2715] {strides = array<i32>} : memref<3328x16xf32, #tpu.memory_space<vmem>>, vector<16xf32>,
      %add3A_2717 = arith.addf %add3A_2707, %get3A_2716 : vector<16xf32>
      %mul3A_2718 = arith.mulf %get3A_2716, %get3A_2716 : vector<16xf32>
      %add3A_2719 = arith.addf %add3A_2709, %mul3A_2718 : vector<16xf32>
      %add3A_2720 = arith.constant 1408 : i32
      %add3A_2721 = arith.addi %add3A_2720, %mul3A_684 : i32
      %add3A_2722 = arith.constant 7 : i32
      %add3A_2723 = arith.addi %add3A_2721, %add3A_2722 : i32
      %get3A_2724 = arith.index_cast %add3A_2723 : i32 to index
      %get3A_2725 = arith.constant 0 : index
      %get3A_2726 = tpu.vector_load %arg6[%get3A_2724, %get3A_2725] {strides = array<i32>} : memref<3328x16xf32, #tpu.memory_space<vmem>>, vector<16xf32>,
      %add3A_2727 = arith.addf %add3A_2717, %get3A_2726 : vector<16xf32>
      %mul3A_2728 = arith.mulf %get3A_2726, %get3A_2726 : vector<16xf32>
      %add3A_2729 = arith.addf %add3A_2719, %mul3A_2728 : vector<16xf32>
      %add3A_2730 = arith.constant 1536 : i32
      %add3A_2731 = arith.addi %add3A_2730, %mul3A_684 : i32
      %add3A_2732 = arith.constant 7 : i32
      %add3A_2733 = arith.addi %add3A_2731, %add3A_2732 : i32
      %get3A_2734 = arith.index_cast %add3A_2733 : i32 to index
      %get3A_2735 = arith.constant 0 : index
      %get3A_2736 = tpu.vector_load %arg6[%get3A_2734, %get3A_2735] {strides = array<i32>} : memref<3328x16xf32, #tpu.memory_space<vmem>>, vector<16xf32>,
      %add3A_2737 = arith.addf %add3A_2727, %get3A_2736 : vector<16xf32>
      %mul3A_2738 = arith.mulf %get3A_2736, %get3A_2736 : vector<16xf32>
      %add3A_2739 = arith.addf %add3A_2729, %mul3A_2738 : vector<16xf32>
      %add3A_2740 = arith.constant 1664 : i32
      %add3A_2741 = arith.addi %add3A_2740, %mul3A_684 : i32
      %add3A_2742 = arith.constant 7 : i32
      %add3A_2743 = arith.addi %add3A_2741, %add3A_2742 : i32
      %get3A_2744 = arith.index_cast %add3A_2743 : i32 to index
      %get3A_2745 = arith.constant 0 : index
      %get3A_2746 = tpu.vector_load %arg6[%get3A_2744, %get3A_2745] {strides = array<i32>} : memref<3328x16xf32, #tpu.memory_space<vmem>>, vector<16xf32>,
      %add3A_2747 = arith.addf %add3A_2737, %get3A_2746 : vector<16xf32>
      %mul3A_2748 = arith.mulf %get3A_2746, %get3A_2746 : vector<16xf32>
      %add3A_2749 = arith.addf %add3A_2739, %mul3A_2748 : vector<16xf32>
      %add3A_2750 = arith.constant 1792 : i32
      %add3A_2751 = arith.addi %add3A_2750, %mul3A_684 : i32
      %add3A_2752 = arith.constant 7 : i32
      %add3A_2753 = arith.addi %add3A_2751, %add3A_2752 : i32
      %get3A_2754 = arith.index_cast %add3A_2753 : i32 to index
      %get3A_2755 = arith.constant 0 : index
      %get3A_2756 = tpu.vector_load %arg6[%get3A_2754, %get3A_2755] {strides = array<i32>} : memref<3328x16xf32, #tpu.memory_space<vmem>>, vector<16xf32>,
      %add3A_2757 = arith.addf %add3A_2747, %get3A_2756 : vector<16xf32>
      %mul3A_2758 = arith.mulf %get3A_2756, %get3A_2756 : vector<16xf32>
      %add3A_2759 = arith.addf %add3A_2749, %mul3A_2758 : vector<16xf32>
      %add3A_2760 = arith.constant 1920 : i32
      %add3A_2761 = arith.addi %add3A_2760, %mul3A_684 : i32
      %add3A_2762 = arith.constant 7 : i32
      %add3A_2763 = arith.addi %add3A_2761, %add3A_2762 : i32
      %get3A_2764 = arith.index_cast %add3A_2763 : i32 to index
      %get3A_2765 = arith.constant 0 : index
      %get3A_2766 = tpu.vector_load %arg6[%get3A_2764, %get3A_2765] {strides = array<i32>} : memref<3328x16xf32, #tpu.memory_space<vmem>>, vector<16xf32>,
      %add3A_2767 = arith.addf %add3A_2757, %get3A_2766 : vector<16xf32>
      %mul3A_2768 = arith.mulf %get3A_2766, %get3A_2766 : vector<16xf32>
      %add3A_2769 = arith.addf %add3A_2759, %mul3A_2768 : vector<16xf32>
      %add3A_2770 = arith.constant 2048 : i32
      %add3A_2771 = arith.addi %add3A_2770, %mul3A_684 : i32
      %add3A_2772 = arith.constant 7 : i32
      %add3A_2773 = arith.addi %add3A_2771, %add3A_2772 : i32
      %get3A_2774 = arith.index_cast %add3A_2773 : i32 to index
      %get3A_2775 = arith.constant 0 : index
      %get3A_2776 = tpu.vector_load %arg6[%get3A_2774, %get3A_2775] {strides = array<i32>} : memref<3328x16xf32, #tpu.memory_space<vmem>>, vector<16xf32>,
      %add3A_2777 = arith.addf %add3A_2767, %get3A_2776 : vector<16xf32>
      %mul3A_2778 = arith.mulf %get3A_2776, %get3A_2776 : vector<16xf32>
      %add3A_2779 = arith.addf %add3A_2769, %mul3A_2778 : vector<16xf32>
      %add3A_2780 = arith.constant 2176 : i32
      %add3A_2781 = arith.addi %add3A_2780, %mul3A_684 : i32
      %add3A_2782 = arith.constant 7 : i32
      %add3A_2783 = arith.addi %add3A_2781, %add3A_2782 : i32
      %get3A_2784 = arith.index_cast %add3A_2783 : i32 to index
      %get3A_2785 = arith.constant 0 : index
      %get3A_2786 = tpu.vector_load %arg6[%get3A_2784, %get3A_2785] {strides = array<i32>} : memref<3328x16xf32, #tpu.memory_space<vmem>>, vector<16xf32>,
      %add3A_2787 = arith.addf %add3A_2777, %get3A_2786 : vector<16xf32>
      %mul3A_2788 = arith.mulf %get3A_2786, %get3A_2786 : vector<16xf32>
      %add3A_2789 = arith.addf %add3A_2779, %mul3A_2788 : vector<16xf32>
      %add3A_2790 = arith.constant 2304 : i32
      %add3A_2791 = arith.addi %add3A_2790, %mul3A_684 : i32
      %add3A_2792 = arith.constant 7 : i32
      %add3A_2793 = arith.addi %add3A_2791, %add3A_2792 : i32
      %get3A_2794 = arith.index_cast %add3A_2793 : i32 to index
      %get3A_2795 = arith.constant 0 : index
      %get3A_2796 = tpu.vector_load %arg6[%get3A_2794, %get3A_2795] {strides = array<i32>} : memref<3328x16xf32, #tpu.memory_space<vmem>>, vector<16xf32>,
      %add3A_2797 = arith.addf %add3A_2787, %get3A_2796 : vector<16xf32>
      %mul3A_2798 = arith.mulf %get3A_2796, %get3A_2796 : vector<16xf32>
      %add3A_2799 = arith.addf %add3A_2789, %mul3A_2798 : vector<16xf32>
      %add3A_2800 = arith.constant 2432 : i32
      %add3A_2801 = arith.addi %add3A_2800, %mul3A_684 : i32
      %add3A_2802 = arith.constant 7 : i32
      %add3A_2803 = arith.addi %add3A_2801, %add3A_2802 : i32
      %get3A_2804 = arith.index_cast %add3A_2803 : i32 to index
      %get3A_2805 = arith.constant 0 : index
      %get3A_2806 = tpu.vector_load %arg6[%get3A_2804, %get3A_2805] {strides = array<i32>} : memref<3328x16xf32, #tpu.memory_space<vmem>>, vector<16xf32>,
      %add3A_2807 = arith.addf %add3A_2797, %get3A_2806 : vector<16xf32>
      %mul3A_2808 = arith.mulf %get3A_2806, %get3A_2806 : vector<16xf32>
      %add3A_2809 = arith.addf %add3A_2799, %mul3A_2808 : vector<16xf32>
      %add3A_2810 = arith.constant 2560 : i32
      %add3A_2811 = arith.addi %add3A_2810, %mul3A_684 : i32
      %add3A_2812 = arith.constant 7 : i32
      %add3A_2813 = arith.addi %add3A_2811, %add3A_2812 : i32
      %get3A_2814 = arith.index_cast %add3A_2813 : i32 to index
      %get3A_2815 = arith.constant 0 : index
      %get3A_2816 = tpu.vector_load %arg6[%get3A_2814, %get3A_2815] {strides = array<i32>} : memref<3328x16xf32, #tpu.memory_space<vmem>>, vector<16xf32>,
      %add3A_2817 = arith.addf %add3A_2807, %get3A_2816 : vector<16xf32>
      %mul3A_2818 = arith.mulf %get3A_2816, %get3A_2816 : vector<16xf32>
      %add3A_2819 = arith.addf %add3A_2809, %mul3A_2818 : vector<16xf32>
      %add3A_2820 = arith.constant 2688 : i32
      %add3A_2821 = arith.addi %add3A_2820, %mul3A_684 : i32
      %add3A_2822 = arith.constant 7 : i32
      %add3A_2823 = arith.addi %add3A_2821, %add3A_2822 : i32
      %get3A_2824 = arith.index_cast %add3A_2823 : i32 to index
      %get3A_2825 = arith.constant 0 : index
      %get3A_2826 = tpu.vector_load %arg6[%get3A_2824, %get3A_2825] {strides = array<i32>} : memref<3328x16xf32, #tpu.memory_space<vmem>>, vector<16xf32>,
      %add3A_2827 = arith.addf %add3A_2817, %get3A_2826 : vector<16xf32>
      %mul3A_2828 = arith.mulf %get3A_2826, %get3A_2826 : vector<16xf32>
      %add3A_2829 = arith.addf %add3A_2819, %mul3A_2828 : vector<16xf32>
      %add3A_2830 = arith.constant 2816 : i32
      %add3A_2831 = arith.addi %add3A_2830, %mul3A_684 : i32
      %add3A_2832 = arith.constant 7 : i32
      %add3A_2833 = arith.addi %add3A_2831, %add3A_2832 : i32
      %get3A_2834 = arith.index_cast %add3A_2833 : i32 to index
      %get3A_2835 = arith.constant 0 : index
      %get3A_2836 = tpu.vector_load %arg6[%get3A_2834, %get3A_2835] {strides = array<i32>} : memref<3328x16xf32, #tpu.memory_space<vmem>>, vector<16xf32>,
      %add3A_2837 = arith.addf %add3A_2827, %get3A_2836 : vector<16xf32>
      %mul3A_2838 = arith.mulf %get3A_2836, %get3A_2836 : vector<16xf32>
      %add3A_2839 = arith.addf %add3A_2829, %mul3A_2838 : vector<16xf32>
      %add3A_2840 = arith.constant 2944 : i32
      %add3A_2841 = arith.addi %add3A_2840, %mul3A_684 : i32
      %add3A_2842 = arith.constant 7 : i32
      %add3A_2843 = arith.addi %add3A_2841, %add3A_2842 : i32
      %get3A_2844 = arith.index_cast %add3A_2843 : i32 to index
      %get3A_2845 = arith.constant 0 : index
      %get3A_2846 = tpu.vector_load %arg6[%get3A_2844, %get3A_2845] {strides = array<i32>} : memref<3328x16xf32, #tpu.memory_space<vmem>>, vector<16xf32>,
      %add3A_2847 = arith.addf %add3A_2837, %get3A_2846 : vector<16xf32>
      %mul3A_2848 = arith.mulf %get3A_2846, %get3A_2846 : vector<16xf32>
      %add3A_2849 = arith.addf %add3A_2839, %mul3A_2848 : vector<16xf32>
      %add3A_2850 = arith.constant 3072 : i32
      %add3A_2851 = arith.addi %add3A_2850, %mul3A_684 : i32
      %add3A_2852 = arith.constant 7 : i32
      %add3A_2853 = arith.addi %add3A_2851, %add3A_2852 : i32
      %get3A_2854 = arith.index_cast %add3A_2853 : i32 to index
      %get3A_2855 = arith.constant 0 : index
      %get3A_2856 = tpu.vector_load %arg6[%get3A_2854, %get3A_2855] {strides = array<i32>} : memref<3328x16xf32, #tpu.memory_space<vmem>>, vector<16xf32>,
      %add3A_2857 = arith.addf %add3A_2847, %get3A_2856 : vector<16xf32>
      %mul3A_2858 = arith.mulf %get3A_2856, %get3A_2856 : vector<16xf32>
      %add3A_2859 = arith.addf %add3A_2849, %mul3A_2858 : vector<16xf32>
      %add3A_2860 = arith.constant 3200 : i32
      %add3A_2861 = arith.addi %add3A_2860, %mul3A_684 : i32
      %add3A_2862 = arith.constant 7 : i32
      %add3A_2863 = arith.addi %add3A_2861, %add3A_2862 : i32
      %get3A_2864 = arith.index_cast %add3A_2863 : i32 to index
      %get3A_2865 = arith.constant 0 : index
      %get3A_2866 = tpu.vector_load %arg6[%get3A_2864, %get3A_2865] {strides = array<i32>} : memref<3328x16xf32, #tpu.memory_space<vmem>>, vector<16xf32>,
      %add3A_2867 = arith.addf %add3A_2857, %get3A_2866 : vector<16xf32>
      %mul3A_2868 = arith.mulf %get3A_2866, %get3A_2866 : vector<16xf32>
      %add3A_2869 = arith.addf %add3A_2859, %mul3A_2868 : vector<16xf32>
      %mul3A_2870 = arith.mulf %add3A_2867, %add3A_2867 : vector<16xf32>
      %sub3A_2871 = arith.subf %mul3A_2870, %add3A_2869 : vector<16xf32>
      %reduce_sum3A_2872 = arith.constant true
      %reduce_sum3A_2873 = vector.broadcast %reduce_sum3A_2872 : i1 to vector<16xi1>
      %reduce_sum3A_2874 = tpu.scan <sum>, %sub3A_2871 masked %reduce_sum3A_2873 : vector<16xf32>, vector<16xi1> -> vector<16xf32>
      %reduce_sum3A_2875 = vector.extract %reduce_sum3A_2874[15] : f32 from vector<16xf32>
      %eq3A_2876 = arith.constant 7 : i32
      %eq3A_2877 = vector.broadcast %eq3A_2876 : i32 to vector<16xi32>
      %eq3A_2878 = arith.cmpi eq, %iota3A, %eq3A_2877 : vector<16xi32>
      %broadcast_in_dim3A_2879 = vector.broadcast %reduce_sum3A_2875 : f32 to vector<16xf32>
      %select_n3A_2880 = arith.select %eq3A_2878, %broadcast_in_dim3A_2879, %select_n3A_2605 : vector<16xi1>, vector<16xf32>
      %broadcast_in_dim3A_2881 = arith.constant 0.000000e+00 : f32
      %broadcast_in_dim3A_2882 = vector.broadcast %broadcast_in_dim3A_2881 : f32 to vector<16xf32>
      %broadcast_in_dim3A_2883 = arith.constant 0.000000e+00 : f32
      %broadcast_in_dim3A_2884 = vector.broadcast %broadcast_in_dim3A_2883 : f32 to vector<16xf32>
      %add3A_2885 = arith.constant 0 : i32
      %add3A_2886 = arith.addi %add3A_2885, %mul3A_684 : i32
      %add3A_2887 = arith.constant 8 : i32
      %add3A_2888 = arith.addi %add3A_2886, %add3A_2887 : i32
      %get3A_2889 = arith.index_cast %add3A_2888 : i32 to index
      %get3A_2890 = arith.constant 0 : index
      %get3A_2891 = tpu.vector_load %arg6[%get3A_2889, %get3A_2890] {strides = array<i32>} : memref<3328x16xf32, #tpu.memory_space<vmem>>, vector<16xf32>,
      %add3A_2892 = arith.addf %broadcast_in_dim3A_2882, %get3A_2891 : vector<16xf32>
      %mul3A_2893 = arith.mulf %get3A_2891, %get3A_2891 : vector<16xf32>
      %add3A_2894 = arith.addf %broadcast_in_dim3A_2884, %mul3A_2893 : vector<16xf32>
      %add3A_2895 = arith.constant 128 : i32
      %add3A_2896 = arith.addi %add3A_2895, %mul3A_684 : i32
      %add3A_2897 = arith.constant 8 : i32
      %add3A_2898 = arith.addi %add3A_2896, %add3A_2897 : i32
      %get3A_2899 = arith.index_cast %add3A_2898 : i32 to index
      %get3A_2900 = arith.constant 0 : index
      %get3A_2901 = tpu.vector_load %arg6[%get3A_2899, %get3A_2900] {strides = array<i32>} : memref<3328x16xf32, #tpu.memory_space<vmem>>, vector<16xf32>,
      %add3A_2902 = arith.addf %add3A_2892, %get3A_2901 : vector<16xf32>
      %mul3A_2903 = arith.mulf %get3A_2901, %get3A_2901 : vector<16xf32>
      %add3A_2904 = arith.addf %add3A_2894, %mul3A_2903 : vector<16xf32>
      %add3A_2905 = arith.constant 256 : i32
      %add3A_2906 = arith.addi %add3A_2905, %mul3A_684 : i32
      %add3A_2907 = arith.constant 8 : i32
      %add3A_2908 = arith.addi %add3A_2906, %add3A_2907 : i32
      %get3A_2909 = arith.index_cast %add3A_2908 : i32 to index
      %get3A_2910 = arith.constant 0 : index
      %get3A_2911 = tpu.vector_load %arg6[%get3A_2909, %get3A_2910] {strides = array<i32>} : memref<3328x16xf32, #tpu.memory_space<vmem>>, vector<16xf32>,
      %add3A_2912 = arith.addf %add3A_2902, %get3A_2911 : vector<16xf32>
      %mul3A_2913 = arith.mulf %get3A_2911, %get3A_2911 : vector<16xf32>
      %add3A_2914 = arith.addf %add3A_2904, %mul3A_2913 : vector<16xf32>
      %add3A_2915 = arith.constant 384 : i32
      %add3A_2916 = arith.addi %add3A_2915, %mul3A_684 : i32
      %add3A_2917 = arith.constant 8 : i32
      %add3A_2918 = arith.addi %add3A_2916, %add3A_2917 : i32
      %get3A_2919 = arith.index_cast %add3A_2918 : i32 to index
      %get3A_2920 = arith.constant 0 : index
      %get3A_2921 = tpu.vector_load %arg6[%get3A_2919, %get3A_2920] {strides = array<i32>} : memref<3328x16xf32, #tpu.memory_space<vmem>>, vector<16xf32>,
      %add3A_2922 = arith.addf %add3A_2912, %get3A_2921 : vector<16xf32>
      %mul3A_2923 = arith.mulf %get3A_2921, %get3A_2921 : vector<16xf32>
      %add3A_2924 = arith.addf %add3A_2914, %mul3A_2923 : vector<16xf32>
      %add3A_2925 = arith.constant 512 : i32
      %add3A_2926 = arith.addi %add3A_2925, %mul3A_684 : i32
      %add3A_2927 = arith.constant 8 : i32
      %add3A_2928 = arith.addi %add3A_2926, %add3A_2927 : i32
      %get3A_2929 = arith.index_cast %add3A_2928 : i32 to index
      %get3A_2930 = arith.constant 0 : index
      %get3A_2931 = tpu.vector_load %arg6[%get3A_2929, %get3A_2930] {strides = array<i32>} : memref<3328x16xf32, #tpu.memory_space<vmem>>, vector<16xf32>,
      %add3A_2932 = arith.addf %add3A_2922, %get3A_2931 : vector<16xf32>
      %mul3A_2933 = arith.mulf %get3A_2931, %get3A_2931 : vector<16xf32>
      %add3A_2934 = arith.addf %add3A_2924, %mul3A_2933 : vector<16xf32>
      %add3A_2935 = arith.constant 640 : i32
      %add3A_2936 = arith.addi %add3A_2935, %mul3A_684 : i32
      %add3A_2937 = arith.constant 8 : i32
      %add3A_2938 = arith.addi %add3A_2936, %add3A_2937 : i32
      %get3A_2939 = arith.index_cast %add3A_2938 : i32 to index
      %get3A_2940 = arith.constant 0 : index
      %get3A_2941 = tpu.vector_load %arg6[%get3A_2939, %get3A_2940] {strides = array<i32>} : memref<3328x16xf32, #tpu.memory_space<vmem>>, vector<16xf32>,
      %add3A_2942 = arith.addf %add3A_2932, %get3A_2941 : vector<16xf32>
      %mul3A_2943 = arith.mulf %get3A_2941, %get3A_2941 : vector<16xf32>
      %add3A_2944 = arith.addf %add3A_2934, %mul3A_2943 : vector<16xf32>
      %add3A_2945 = arith.constant 768 : i32
      %add3A_2946 = arith.addi %add3A_2945, %mul3A_684 : i32
      %add3A_2947 = arith.constant 8 : i32
      %add3A_2948 = arith.addi %add3A_2946, %add3A_2947 : i32
      %get3A_2949 = arith.index_cast %add3A_2948 : i32 to index
      %get3A_2950 = arith.constant 0 : index
      %get3A_2951 = tpu.vector_load %arg6[%get3A_2949, %get3A_2950] {strides = array<i32>} : memref<3328x16xf32, #tpu.memory_space<vmem>>, vector<16xf32>,
      %add3A_2952 = arith.addf %add3A_2942, %get3A_2951 : vector<16xf32>
      %mul3A_2953 = arith.mulf %get3A_2951, %get3A_2951 : vector<16xf32>
      %add3A_2954 = arith.addf %add3A_2944, %mul3A_2953 : vector<16xf32>
      %add3A_2955 = arith.constant 896 : i32
      %add3A_2956 = arith.addi %add3A_2955, %mul3A_684 : i32
      %add3A_2957 = arith.constant 8 : i32
      %add3A_2958 = arith.addi %add3A_2956, %add3A_2957 : i32
      %get3A_2959 = arith.index_cast %add3A_2958 : i32 to index
      %get3A_2960 = arith.constant 0 : index
      %get3A_2961 = tpu.vector_load %arg6[%get3A_2959, %get3A_2960] {strides = array<i32>} : memref<3328x16xf32, #tpu.memory_space<vmem>>, vector<16xf32>,
      %add3A_2962 = arith.addf %add3A_2952, %get3A_2961 : vector<16xf32>
      %mul3A_2963 = arith.mulf %get3A_2961, %get3A_2961 : vector<16xf32>
      %add3A_2964 = arith.addf %add3A_2954, %mul3A_2963 : vector<16xf32>
      %add3A_2965 = arith.constant 1024 : i32
      %add3A_2966 = arith.addi %add3A_2965, %mul3A_684 : i32
      %add3A_2967 = arith.constant 8 : i32
      %add3A_2968 = arith.addi %add3A_2966, %add3A_2967 : i32
      %get3A_2969 = arith.index_cast %add3A_2968 : i32 to index
      %get3A_2970 = arith.constant 0 : index
      %get3A_2971 = tpu.vector_load %arg6[%get3A_2969, %get3A_2970] {strides = array<i32>} : memref<3328x16xf32, #tpu.memory_space<vmem>>, vector<16xf32>,
      %add3A_2972 = arith.addf %add3A_2962, %get3A_2971 : vector<16xf32>
      %mul3A_2973 = arith.mulf %get3A_2971, %get3A_2971 : vector<16xf32>
      %add3A_2974 = arith.addf %add3A_2964, %mul3A_2973 : vector<16xf32>
      %add3A_2975 = arith.constant 1152 : i32
      %add3A_2976 = arith.addi %add3A_2975, %mul3A_684 : i32
      %add3A_2977 = arith.constant 8 : i32
      %add3A_2978 = arith.addi %add3A_2976, %add3A_2977 : i32
      %get3A_2979 = arith.index_cast %add3A_2978 : i32 to index
      %get3A_2980 = arith.constant 0 : index
      %get3A_2981 = tpu.vector_load %arg6[%get3A_2979, %get3A_2980] {strides = array<i32>} : memref<3328x16xf32, #tpu.memory_space<vmem>>, vector<16xf32>,
      %add3A_2982 = arith.addf %add3A_2972, %get3A_2981 : vector<16xf32>
      %mul3A_2983 = arith.mulf %get3A_2981, %get3A_2981 : vector<16xf32>
      %add3A_2984 = arith.addf %add3A_2974, %mul3A_2983 : vector<16xf32>
      %add3A_2985 = arith.constant 1280 : i32
      %add3A_2986 = arith.addi %add3A_2985, %mul3A_684 : i32
      %add3A_2987 = arith.constant 8 : i32
      %add3A_2988 = arith.addi %add3A_2986, %add3A_2987 : i32
      %get3A_2989 = arith.index_cast %add3A_2988 : i32 to index
      %get3A_2990 = arith.constant 0 : index
      %get3A_2991 = tpu.vector_load %arg6[%get3A_2989, %get3A_2990] {strides = array<i32>} : memref<3328x16xf32, #tpu.memory_space<vmem>>, vector<16xf32>,
      %add3A_2992 = arith.addf %add3A_2982, %get3A_2991 : vector<16xf32>
      %mul3A_2993 = arith.mulf %get3A_2991, %get3A_2991 : vector<16xf32>
      %add3A_2994 = arith.addf %add3A_2984, %mul3A_2993 : vector<16xf32>
      %add3A_2995 = arith.constant 1408 : i32
      %add3A_2996 = arith.addi %add3A_2995, %mul3A_684 : i32
      %add3A_2997 = arith.constant 8 : i32
      %add3A_2998 = arith.addi %add3A_2996, %add3A_2997 : i32
      %get3A_2999 = arith.index_cast %add3A_2998 : i32 to index
      %get3A_3000 = arith.constant 0 : index
      %get3A_3001 = tpu.vector_load %arg6[%get3A_2999, %get3A_3000] {strides = array<i32>} : memref<3328x16xf32, #tpu.memory_space<vmem>>, vector<16xf32>,
      %add3A_3002 = arith.addf %add3A_2992, %get3A_3001 : vector<16xf32>
      %mul3A_3003 = arith.mulf %get3A_3001, %get3A_3001 : vector<16xf32>
      %add3A_3004 = arith.addf %add3A_2994, %mul3A_3003 : vector<16xf32>
      %add3A_3005 = arith.constant 1536 : i32
      %add3A_3006 = arith.addi %add3A_3005, %mul3A_684 : i32
      %add3A_3007 = arith.constant 8 : i32
      %add3A_3008 = arith.addi %add3A_3006, %add3A_3007 : i32
      %get3A_3009 = arith.index_cast %add3A_3008 : i32 to index
      %get3A_3010 = arith.constant 0 : index
      %get3A_3011 = tpu.vector_load %arg6[%get3A_3009, %get3A_3010] {strides = array<i32>} : memref<3328x16xf32, #tpu.memory_space<vmem>>, vector<16xf32>,
      %add3A_3012 = arith.addf %add3A_3002, %get3A_3011 : vector<16xf32>
      %mul3A_3013 = arith.mulf %get3A_3011, %get3A_3011 : vector<16xf32>
      %add3A_3014 = arith.addf %add3A_3004, %mul3A_3013 : vector<16xf32>
      %add3A_3015 = arith.constant 1664 : i32
      %add3A_3016 = arith.addi %add3A_3015, %mul3A_684 : i32
      %add3A_3017 = arith.constant 8 : i32
      %add3A_3018 = arith.addi %add3A_3016, %add3A_3017 : i32
      %get3A_3019 = arith.index_cast %add3A_3018 : i32 to index
      %get3A_3020 = arith.constant 0 : index
      %get3A_3021 = tpu.vector_load %arg6[%get3A_3019, %get3A_3020] {strides = array<i32>} : memref<3328x16xf32, #tpu.memory_space<vmem>>, vector<16xf32>,
      %add3A_3022 = arith.addf %add3A_3012, %get3A_3021 : vector<16xf32>
      %mul3A_3023 = arith.mulf %get3A_3021, %get3A_3021 : vector<16xf32>
      %add3A_3024 = arith.addf %add3A_3014, %mul3A_3023 : vector<16xf32>
      %add3A_3025 = arith.constant 1792 : i32
      %add3A_3026 = arith.addi %add3A_3025, %mul3A_684 : i32
      %add3A_3027 = arith.constant 8 : i32
      %add3A_3028 = arith.addi %add3A_3026, %add3A_3027 : i32
      %get3A_3029 = arith.index_cast %add3A_3028 : i32 to index
      %get3A_3030 = arith.constant 0 : index
      %get3A_3031 = tpu.vector_load %arg6[%get3A_3029, %get3A_3030] {strides = array<i32>} : memref<3328x16xf32, #tpu.memory_space<vmem>>, vector<16xf32>,
      %add3A_3032 = arith.addf %add3A_3022, %get3A_3031 : vector<16xf32>
      %mul3A_3033 = arith.mulf %get3A_3031, %get3A_3031 : vector<16xf32>
      %add3A_3034 = arith.addf %add3A_3024, %mul3A_3033 : vector<16xf32>
      %add3A_3035 = arith.constant 1920 : i32
      %add3A_3036 = arith.addi %add3A_3035, %mul3A_684 : i32
      %add3A_3037 = arith.constant 8 : i32
      %add3A_3038 = arith.addi %add3A_3036, %add3A_3037 : i32
      %get3A_3039 = arith.index_cast %add3A_3038 : i32 to index
      %get3A_3040 = arith.constant 0 : index
      %get3A_3041 = tpu.vector_load %arg6[%get3A_3039, %get3A_3040] {strides = array<i32>} : memref<3328x16xf32, #tpu.memory_space<vmem>>, vector<16xf32>,
      %add3A_3042 = arith.addf %add3A_3032, %get3A_3041 : vector<16xf32>
      %mul3A_3043 = arith.mulf %get3A_3041, %get3A_3041 : vector<16xf32>
      %add3A_3044 = arith.addf %add3A_3034, %mul3A_3043 : vector<16xf32>
      %add3A_3045 = arith.constant 2048 : i32
      %add3A_3046 = arith.addi %add3A_3045, %mul3A_684 : i32
      %add3A_3047 = arith.constant 8 : i32
      %add3A_3048 = arith.addi %add3A_3046, %add3A_3047 : i32
      %get3A_3049 = arith.index_cast %add3A_3048 : i32 to index
      %get3A_3050 = arith.constant 0 : index
      %get3A_3051 = tpu.vector_load %arg6[%get3A_3049, %get3A_3050] {strides = array<i32>} : memref<3328x16xf32, #tpu.memory_space<vmem>>, vector<16xf32>,
      %add3A_3052 = arith.addf %add3A_3042, %get3A_3051 : vector<16xf32>
      %mul3A_3053 = arith.mulf %get3A_3051, %get3A_3051 : vector<16xf32>
      %add3A_3054 = arith.addf %add3A_3044, %mul3A_3053 : vector<16xf32>
      %add3A_3055 = arith.constant 2176 : i32
      %add3A_3056 = arith.addi %add3A_3055, %mul3A_684 : i32
      %add3A_3057 = arith.constant 8 : i32
      %add3A_3058 = arith.addi %add3A_3056, %add3A_3057 : i32
      %get3A_3059 = arith.index_cast %add3A_3058 : i32 to index
      %get3A_3060 = arith.constant 0 : index
      %get3A_3061 = tpu.vector_load %arg6[%get3A_3059, %get3A_3060] {strides = array<i32>} : memref<3328x16xf32, #tpu.memory_space<vmem>>, vector<16xf32>,
      %add3A_3062 = arith.addf %add3A_3052, %get3A_3061 : vector<16xf32>
      %mul3A_3063 = arith.mulf %get3A_3061, %get3A_3061 : vector<16xf32>
      %add3A_3064 = arith.addf %add3A_3054, %mul3A_3063 : vector<16xf32>
      %add3A_3065 = arith.constant 2304 : i32
      %add3A_3066 = arith.addi %add3A_3065, %mul3A_684 : i32
      %add3A_3067 = arith.constant 8 : i32
      %add3A_3068 = arith.addi %add3A_3066, %add3A_3067 : i32
      %get3A_3069 = arith.index_cast %add3A_3068 : i32 to index
      %get3A_3070 = arith.constant 0 : index
      %get3A_3071 = tpu.vector_load %arg6[%get3A_3069, %get3A_3070] {strides = array<i32>} : memref<3328x16xf32, #tpu.memory_space<vmem>>, vector<16xf32>,
      %add3A_3072 = arith.addf %add3A_3062, %get3A_3071 : vector<16xf32>
      %mul3A_3073 = arith.mulf %get3A_3071, %get3A_3071 : vector<16xf32>
      %add3A_3074 = arith.addf %add3A_3064, %mul3A_3073 : vector<16xf32>
      %add3A_3075 = arith.constant 2432 : i32
      %add3A_3076 = arith.addi %add3A_3075, %mul3A_684 : i32
      %add3A_3077 = arith.constant 8 : i32
      %add3A_3078 = arith.addi %add3A_3076, %add3A_3077 : i32
      %get3A_3079 = arith.index_cast %add3A_3078 : i32 to index
      %get3A_3080 = arith.constant 0 : index
      %get3A_3081 = tpu.vector_load %arg6[%get3A_3079, %get3A_3080] {strides = array<i32>} : memref<3328x16xf32, #tpu.memory_space<vmem>>, vector<16xf32>,
      %add3A_3082 = arith.addf %add3A_3072, %get3A_3081 : vector<16xf32>
      %mul3A_3083 = arith.mulf %get3A_3081, %get3A_3081 : vector<16xf32>
      %add3A_3084 = arith.addf %add3A_3074, %mul3A_3083 : vector<16xf32>
      %add3A_3085 = arith.constant 2560 : i32
      %add3A_3086 = arith.addi %add3A_3085, %mul3A_684 : i32
      %add3A_3087 = arith.constant 8 : i32
      %add3A_3088 = arith.addi %add3A_3086, %add3A_3087 : i32
      %get3A_3089 = arith.index_cast %add3A_3088 : i32 to index
      %get3A_3090 = arith.constant 0 : index
      %get3A_3091 = tpu.vector_load %arg6[%get3A_3089, %get3A_3090] {strides = array<i32>} : memref<3328x16xf32, #tpu.memory_space<vmem>>, vector<16xf32>,
      %add3A_3092 = arith.addf %add3A_3082, %get3A_3091 : vector<16xf32>
      %mul3A_3093 = arith.mulf %get3A_3091, %get3A_3091 : vector<16xf32>
      %add3A_3094 = arith.addf %add3A_3084, %mul3A_3093 : vector<16xf32>
      %add3A_3095 = arith.constant 2688 : i32
      %add3A_3096 = arith.addi %add3A_3095, %mul3A_684 : i32
      %add3A_3097 = arith.constant 8 : i32
      %add3A_3098 = arith.addi %add3A_3096, %add3A_3097 : i32
      %get3A_3099 = arith.index_cast %add3A_3098 : i32 to index
      %get3A_3100 = arith.constant 0 : index
      %get3A_3101 = tpu.vector_load %arg6[%get3A_3099, %get3A_3100] {strides = array<i32>} : memref<3328x16xf32, #tpu.memory_space<vmem>>, vector<16xf32>,
      %add3A_3102 = arith.addf %add3A_3092, %get3A_3101 : vector<16xf32>
      %mul3A_3103 = arith.mulf %get3A_3101, %get3A_3101 : vector<16xf32>
      %add3A_3104 = arith.addf %add3A_3094, %mul3A_3103 : vector<16xf32>
      %add3A_3105 = arith.constant 2816 : i32
      %add3A_3106 = arith.addi %add3A_3105, %mul3A_684 : i32
      %add3A_3107 = arith.constant 8 : i32
      %add3A_3108 = arith.addi %add3A_3106, %add3A_3107 : i32
      %get3A_3109 = arith.index_cast %add3A_3108 : i32 to index
      %get3A_3110 = arith.constant 0 : index
      %get3A_3111 = tpu.vector_load %arg6[%get3A_3109, %get3A_3110] {strides = array<i32>} : memref<3328x16xf32, #tpu.memory_space<vmem>>, vector<16xf32>,
      %add3A_3112 = arith.addf %add3A_3102, %get3A_3111 : vector<16xf32>
      %mul3A_3113 = arith.mulf %get3A_3111, %get3A_3111 : vector<16xf32>
      %add3A_3114 = arith.addf %add3A_3104, %mul3A_3113 : vector<16xf32>
      %add3A_3115 = arith.constant 2944 : i32
      %add3A_3116 = arith.addi %add3A_3115, %mul3A_684 : i32
      %add3A_3117 = arith.constant 8 : i32
      %add3A_3118 = arith.addi %add3A_3116, %add3A_3117 : i32
      %get3A_3119 = arith.index_cast %add3A_3118 : i32 to index
      %get3A_3120 = arith.constant 0 : index
      %get3A_3121 = tpu.vector_load %arg6[%get3A_3119, %get3A_3120] {strides = array<i32>} : memref<3328x16xf32, #tpu.memory_space<vmem>>, vector<16xf32>,
      %add3A_3122 = arith.addf %add3A_3112, %get3A_3121 : vector<16xf32>
      %mul3A_3123 = arith.mulf %get3A_3121, %get3A_3121 : vector<16xf32>
      %add3A_3124 = arith.addf %add3A_3114, %mul3A_3123 : vector<16xf32>
      %add3A_3125 = arith.constant 3072 : i32
      %add3A_3126 = arith.addi %add3A_3125, %mul3A_684 : i32
      %add3A_3127 = arith.constant 8 : i32
      %add3A_3128 = arith.addi %add3A_3126, %add3A_3127 : i32
      %get3A_3129 = arith.index_cast %add3A_3128 : i32 to index
      %get3A_3130 = arith.constant 0 : index
      %get3A_3131 = tpu.vector_load %arg6[%get3A_3129, %get3A_3130] {strides = array<i32>} : memref<3328x16xf32, #tpu.memory_space<vmem>>, vector<16xf32>,
      %add3A_3132 = arith.addf %add3A_3122, %get3A_3131 : vector<16xf32>
      %mul3A_3133 = arith.mulf %get3A_3131, %get3A_3131 : vector<16xf32>
      %add3A_3134 = arith.addf %add3A_3124, %mul3A_3133 : vector<16xf32>
      %add3A_3135 = arith.constant 3200 : i32
      %add3A_3136 = arith.addi %add3A_3135, %mul3A_684 : i32
      %add3A_3137 = arith.constant 8 : i32
      %add3A_3138 = arith.addi %add3A_3136, %add3A_3137 : i32
      %get3A_3139 = arith.index_cast %add3A_3138 : i32 to index
      %get3A_3140 = arith.constant 0 : index
      %get3A_3141 = tpu.vector_load %arg6[%get3A_3139, %get3A_3140] {strides = array<i32>} : memref<3328x16xf32, #tpu.memory_space<vmem>>, vector<16xf32>,
      %add3A_3142 = arith.addf %add3A_3132, %get3A_3141 : vector<16xf32>
      %mul3A_3143 = arith.mulf %get3A_3141, %get3A_3141 : vector<16xf32>
      %add3A_3144 = arith.addf %add3A_3134, %mul3A_3143 : vector<16xf32>
      %mul3A_3145 = arith.mulf %add3A_3142, %add3A_3142 : vector<16xf32>
      %sub3A_3146 = arith.subf %mul3A_3145, %add3A_3144 : vector<16xf32>
      %reduce_sum3A_3147 = arith.constant true
      %reduce_sum3A_3148 = vector.broadcast %reduce_sum3A_3147 : i1 to vector<16xi1>
      %reduce_sum3A_3149 = tpu.scan <sum>, %sub3A_3146 masked %reduce_sum3A_3148 : vector<16xf32>, vector<16xi1> -> vector<16xf32>
      %reduce_sum3A_3150 = vector.extract %reduce_sum3A_3149[15] : f32 from vector<16xf32>
      %eq3A_3151 = arith.constant 8 : i32
      %eq3A_3152 = vector.broadcast %eq3A_3151 : i32 to vector<16xi32>
      %eq3A_3153 = arith.cmpi eq, %iota3A, %eq3A_3152 : vector<16xi32>
      %broadcast_in_dim3A_3154 = vector.broadcast %reduce_sum3A_3150 : f32 to vector<16xf32>
      %select_n3A_3155 = arith.select %eq3A_3153, %broadcast_in_dim3A_3154, %select_n3A_2880 : vector<16xi1>, vector<16xf32>
      %broadcast_in_dim3A_3156 = arith.constant 0.000000e+00 : f32
      %broadcast_in_dim3A_3157 = vector.broadcast %broadcast_in_dim3A_3156 : f32 to vector<16xf32>
      %broadcast_in_dim3A_3158 = arith.constant 0.000000e+00 : f32
      %broadcast_in_dim3A_3159 = vector.broadcast %broadcast_in_dim3A_3158 : f32 to vector<16xf32>
      %add3A_3160 = arith.constant 0 : i32
      %add3A_3161 = arith.addi %add3A_3160, %mul3A_684 : i32
      %add3A_3162 = arith.constant 9 : i32
      %add3A_3163 = arith.addi %add3A_3161, %add3A_3162 : i32
      %get3A_3164 = arith.index_cast %add3A_3163 : i32 to index
      %get3A_3165 = arith.constant 0 : index
      %get3A_3166 = tpu.vector_load %arg6[%get3A_3164, %get3A_3165] {strides = array<i32>} : memref<3328x16xf32, #tpu.memory_space<vmem>>, vector<16xf32>,
      %add3A_3167 = arith.addf %broadcast_in_dim3A_3157, %get3A_3166 : vector<16xf32>
      %mul3A_3168 = arith.mulf %get3A_3166, %get3A_3166 : vector<16xf32>
      %add3A_3169 = arith.addf %broadcast_in_dim3A_3159, %mul3A_3168 : vector<16xf32>
      %add3A_3170 = arith.constant 128 : i32
      %add3A_3171 = arith.addi %add3A_3170, %mul3A_684 : i32
      %add3A_3172 = arith.constant 9 : i32
      %add3A_3173 = arith.addi %add3A_3171, %add3A_3172 : i32
      %get3A_3174 = arith.index_cast %add3A_3173 : i32 to index
      %get3A_3175 = arith.constant 0 : index
      %get3A_3176 = tpu.vector_load %arg6[%get3A_3174, %get3A_3175] {strides = array<i32>} : memref<3328x16xf32, #tpu.memory_space<vmem>>, vector<16xf32>,
      %add3A_3177 = arith.addf %add3A_3167, %get3A_3176 : vector<16xf32>
      %mul3A_3178 = arith.mulf %get3A_3176, %get3A_3176 : vector<16xf32>
      %add3A_3179 = arith.addf %add3A_3169, %mul3A_3178 : vector<16xf32>
      %add3A_3180 = arith.constant 256 : i32
      %add3A_3181 = arith.addi %add3A_3180, %mul3A_684 : i32
      %add3A_3182 = arith.constant 9 : i32
      %add3A_3183 = arith.addi %add3A_3181, %add3A_3182 : i32
      %get3A_3184 = arith.index_cast %add3A_3183 : i32 to index
      %get3A_3185 = arith.constant 0 : index
      %get3A_3186 = tpu.vector_load %arg6[%get3A_3184, %get3A_3185] {strides = array<i32>} : memref<3328x16xf32, #tpu.memory_space<vmem>>, vector<16xf32>,
      %add3A_3187 = arith.addf %add3A_3177, %get3A_3186 : vector<16xf32>
      %mul3A_3188 = arith.mulf %get3A_3186, %get3A_3186 : vector<16xf32>
      %add3A_3189 = arith.addf %add3A_3179, %mul3A_3188 : vector<16xf32>
      %add3A_3190 = arith.constant 384 : i32
      %add3A_3191 = arith.addi %add3A_3190, %mul3A_684 : i32
      %add3A_3192 = arith.constant 9 : i32
      %add3A_3193 = arith.addi %add3A_3191, %add3A_3192 : i32
      %get3A_3194 = arith.index_cast %add3A_3193 : i32 to index
      %get3A_3195 = arith.constant 0 : index
      %get3A_3196 = tpu.vector_load %arg6[%get3A_3194, %get3A_3195] {strides = array<i32>} : memref<3328x16xf32, #tpu.memory_space<vmem>>, vector<16xf32>,
      %add3A_3197 = arith.addf %add3A_3187, %get3A_3196 : vector<16xf32>
      %mul3A_3198 = arith.mulf %get3A_3196, %get3A_3196 : vector<16xf32>
      %add3A_3199 = arith.addf %add3A_3189, %mul3A_3198 : vector<16xf32>
      %add3A_3200 = arith.constant 512 : i32
      %add3A_3201 = arith.addi %add3A_3200, %mul3A_684 : i32
      %add3A_3202 = arith.constant 9 : i32
      %add3A_3203 = arith.addi %add3A_3201, %add3A_3202 : i32
      %get3A_3204 = arith.index_cast %add3A_3203 : i32 to index
      %get3A_3205 = arith.constant 0 : index
      %get3A_3206 = tpu.vector_load %arg6[%get3A_3204, %get3A_3205] {strides = array<i32>} : memref<3328x16xf32, #tpu.memory_space<vmem>>, vector<16xf32>,
      %add3A_3207 = arith.addf %add3A_3197, %get3A_3206 : vector<16xf32>
      %mul3A_3208 = arith.mulf %get3A_3206, %get3A_3206 : vector<16xf32>
      %add3A_3209 = arith.addf %add3A_3199, %mul3A_3208 : vector<16xf32>
      %add3A_3210 = arith.constant 640 : i32
      %add3A_3211 = arith.addi %add3A_3210, %mul3A_684 : i32
      %add3A_3212 = arith.constant 9 : i32
      %add3A_3213 = arith.addi %add3A_3211, %add3A_3212 : i32
      %get3A_3214 = arith.index_cast %add3A_3213 : i32 to index
      %get3A_3215 = arith.constant 0 : index
      %get3A_3216 = tpu.vector_load %arg6[%get3A_3214, %get3A_3215] {strides = array<i32>} : memref<3328x16xf32, #tpu.memory_space<vmem>>, vector<16xf32>,
      %add3A_3217 = arith.addf %add3A_3207, %get3A_3216 : vector<16xf32>
      %mul3A_3218 = arith.mulf %get3A_3216, %get3A_3216 : vector<16xf32>
      %add3A_3219 = arith.addf %add3A_3209, %mul3A_3218 : vector<16xf32>
      %add3A_3220 = arith.constant 768 : i32
      %add3A_3221 = arith.addi %add3A_3220, %mul3A_684 : i32
      %add3A_3222 = arith.constant 9 : i32
      %add3A_3223 = arith.addi %add3A_3221, %add3A_3222 : i32
      %get3A_3224 = arith.index_cast %add3A_3223 : i32 to index
      %get3A_3225 = arith.constant 0 : index
      %get3A_3226 = tpu.vector_load %arg6[%get3A_3224, %get3A_3225] {strides = array<i32>} : memref<3328x16xf32, #tpu.memory_space<vmem>>, vector<16xf32>,
      %add3A_3227 = arith.addf %add3A_3217, %get3A_3226 : vector<16xf32>
      %mul3A_3228 = arith.mulf %get3A_3226, %get3A_3226 : vector<16xf32>
      %add3A_3229 = arith.addf %add3A_3219, %mul3A_3228 : vector<16xf32>
      %add3A_3230 = arith.constant 896 : i32
      %add3A_3231 = arith.addi %add3A_3230, %mul3A_684 : i32
      %add3A_3232 = arith.constant 9 : i32
      %add3A_3233 = arith.addi %add3A_3231, %add3A_3232 : i32
      %get3A_3234 = arith.index_cast %add3A_3233 : i32 to index
      %get3A_3235 = arith.constant 0 : index
      %get3A_3236 = tpu.vector_load %arg6[%get3A_3234, %get3A_3235] {strides = array<i32>} : memref<3328x16xf32, #tpu.memory_space<vmem>>, vector<16xf32>,
      %add3A_3237 = arith.addf %add3A_3227, %get3A_3236 : vector<16xf32>
      %mul3A_3238 = arith.mulf %get3A_3236, %get3A_3236 : vector<16xf32>
      %add3A_3239 = arith.addf %add3A_3229, %mul3A_3238 : vector<16xf32>
      %add3A_3240 = arith.constant 1024 : i32
      %add3A_3241 = arith.addi %add3A_3240, %mul3A_684 : i32
      %add3A_3242 = arith.constant 9 : i32
      %add3A_3243 = arith.addi %add3A_3241, %add3A_3242 : i32
      %get3A_3244 = arith.index_cast %add3A_3243 : i32 to index
      %get3A_3245 = arith.constant 0 : index
      %get3A_3246 = tpu.vector_load %arg6[%get3A_3244, %get3A_3245] {strides = array<i32>} : memref<3328x16xf32, #tpu.memory_space<vmem>>, vector<16xf32>,
      %add3A_3247 = arith.addf %add3A_3237, %get3A_3246 : vector<16xf32>
      %mul3A_3248 = arith.mulf %get3A_3246, %get3A_3246 : vector<16xf32>
      %add3A_3249 = arith.addf %add3A_3239, %mul3A_3248 : vector<16xf32>
      %add3A_3250 = arith.constant 1152 : i32
      %add3A_3251 = arith.addi %add3A_3250, %mul3A_684 : i32
      %add3A_3252 = arith.constant 9 : i32
      %add3A_3253 = arith.addi %add3A_3251, %add3A_3252 : i32
      %get3A_3254 = arith.index_cast %add3A_3253 : i32 to index
      %get3A_3255 = arith.constant 0 : index
      %get3A_3256 = tpu.vector_load %arg6[%get3A_3254, %get3A_3255] {strides = array<i32>} : memref<3328x16xf32, #tpu.memory_space<vmem>>, vector<16xf32>,
      %add3A_3257 = arith.addf %add3A_3247, %get3A_3256 : vector<16xf32>
      %mul3A_3258 = arith.mulf %get3A_3256, %get3A_3256 : vector<16xf32>
      %add3A_3259 = arith.addf %add3A_3249, %mul3A_3258 : vector<16xf32>
      %add3A_3260 = arith.constant 1280 : i32
      %add3A_3261 = arith.addi %add3A_3260, %mul3A_684 : i32
      %add3A_3262 = arith.constant 9 : i32
      %add3A_3263 = arith.addi %add3A_3261, %add3A_3262 : i32
      %get3A_3264 = arith.index_cast %add3A_3263 : i32 to index
      %get3A_3265 = arith.constant 0 : index
      %get3A_3266 = tpu.vector_load %arg6[%get3A_3264, %get3A_3265] {strides = array<i32>} : memref<3328x16xf32, #tpu.memory_space<vmem>>, vector<16xf32>,
      %add3A_3267 = arith.addf %add3A_3257, %get3A_3266 : vector<16xf32>
      %mul3A_3268 = arith.mulf %get3A_3266, %get3A_3266 : vector<16xf32>
      %add3A_3269 = arith.addf %add3A_3259, %mul3A_3268 : vector<16xf32>
      %add3A_3270 = arith.constant 1408 : i32
      %add3A_3271 = arith.addi %add3A_3270, %mul3A_684 : i32
      %add3A_3272 = arith.constant 9 : i32
      %add3A_3273 = arith.addi %add3A_3271, %add3A_3272 : i32
      %get3A_3274 = arith.index_cast %add3A_3273 : i32 to index
      %get3A_3275 = arith.constant 0 : index
      %get3A_3276 = tpu.vector_load %arg6[%get3A_3274, %get3A_3275] {strides = array<i32>} : memref<3328x16xf32, #tpu.memory_space<vmem>>, vector<16xf32>,
      %add3A_3277 = arith.addf %add3A_3267, %get3A_3276 : vector<16xf32>
      %mul3A_3278 = arith.mulf %get3A_3276, %get3A_3276 : vector<16xf32>
      %add3A_3279 = arith.addf %add3A_3269, %mul3A_3278 : vector<16xf32>
      %add3A_3280 = arith.constant 1536 : i32
      %add3A_3281 = arith.addi %add3A_3280, %mul3A_684 : i32
      %add3A_3282 = arith.constant 9 : i32
      %add3A_3283 = arith.addi %add3A_3281, %add3A_3282 : i32
      %get3A_3284 = arith.index_cast %add3A_3283 : i32 to index
      %get3A_3285 = arith.constant 0 : index
      %get3A_3286 = tpu.vector_load %arg6[%get3A_3284, %get3A_3285] {strides = array<i32>} : memref<3328x16xf32, #tpu.memory_space<vmem>>, vector<16xf32>,
      %add3A_3287 = arith.addf %add3A_3277, %get3A_3286 : vector<16xf32>
      %mul3A_3288 = arith.mulf %get3A_3286, %get3A_3286 : vector<16xf32>
      %add3A_3289 = arith.addf %add3A_3279, %mul3A_3288 : vector<16xf32>
      %add3A_3290 = arith.constant 1664 : i32
      %add3A_3291 = arith.addi %add3A_3290, %mul3A_684 : i32
      %add3A_3292 = arith.constant 9 : i32
      %add3A_3293 = arith.addi %add3A_3291, %add3A_3292 : i32
      %get3A_3294 = arith.index_cast %add3A_3293 : i32 to index
      %get3A_3295 = arith.constant 0 : index
      %get3A_3296 = tpu.vector_load %arg6[%get3A_3294, %get3A_3295] {strides = array<i32>} : memref<3328x16xf32, #tpu.memory_space<vmem>>, vector<16xf32>,
      %add3A_3297 = arith.addf %add3A_3287, %get3A_3296 : vector<16xf32>
      %mul3A_3298 = arith.mulf %get3A_3296, %get3A_3296 : vector<16xf32>
      %add3A_3299 = arith.addf %add3A_3289, %mul3A_3298 : vector<16xf32>
      %add3A_3300 = arith.constant 1792 : i32
      %add3A_3301 = arith.addi %add3A_3300, %mul3A_684 : i32
      %add3A_3302 = arith.constant 9 : i32
      %add3A_3303 = arith.addi %add3A_3301, %add3A_3302 : i32
      %get3A_3304 = arith.index_cast %add3A_3303 : i32 to index
      %get3A_3305 = arith.constant 0 : index
      %get3A_3306 = tpu.vector_load %arg6[%get3A_3304, %get3A_3305] {strides = array<i32>} : memref<3328x16xf32, #tpu.memory_space<vmem>>, vector<16xf32>,
      %add3A_3307 = arith.addf %add3A_3297, %get3A_3306 : vector<16xf32>
      %mul3A_3308 = arith.mulf %get3A_3306, %get3A_3306 : vector<16xf32>
      %add3A_3309 = arith.addf %add3A_3299, %mul3A_3308 : vector<16xf32>
      %add3A_3310 = arith.constant 1920 : i32
      %add3A_3311 = arith.addi %add3A_3310, %mul3A_684 : i32
      %add3A_3312 = arith.constant 9 : i32
      %add3A_3313 = arith.addi %add3A_3311, %add3A_3312 : i32
      %get3A_3314 = arith.index_cast %add3A_3313 : i32 to index
      %get3A_3315 = arith.constant 0 : index
      %get3A_3316 = tpu.vector_load %arg6[%get3A_3314, %get3A_3315] {strides = array<i32>} : memref<3328x16xf32, #tpu.memory_space<vmem>>, vector<16xf32>,
      %add3A_3317 = arith.addf %add3A_3307, %get3A_3316 : vector<16xf32>
      %mul3A_3318 = arith.mulf %get3A_3316, %get3A_3316 : vector<16xf32>
      %add3A_3319 = arith.addf %add3A_3309, %mul3A_3318 : vector<16xf32>
      %add3A_3320 = arith.constant 2048 : i32
      %add3A_3321 = arith.addi %add3A_3320, %mul3A_684 : i32
      %add3A_3322 = arith.constant 9 : i32
      %add3A_3323 = arith.addi %add3A_3321, %add3A_3322 : i32
      %get3A_3324 = arith.index_cast %add3A_3323 : i32 to index
      %get3A_3325 = arith.constant 0 : index
      %get3A_3326 = tpu.vector_load %arg6[%get3A_3324, %get3A_3325] {strides = array<i32>} : memref<3328x16xf32, #tpu.memory_space<vmem>>, vector<16xf32>,
      %add3A_3327 = arith.addf %add3A_3317, %get3A_3326 : vector<16xf32>
      %mul3A_3328 = arith.mulf %get3A_3326, %get3A_3326 : vector<16xf32>
      %add3A_3329 = arith.addf %add3A_3319, %mul3A_3328 : vector<16xf32>
      %add3A_3330 = arith.constant 2176 : i32
      %add3A_3331 = arith.addi %add3A_3330, %mul3A_684 : i32
      %add3A_3332 = arith.constant 9 : i32
      %add3A_3333 = arith.addi %add3A_3331, %add3A_3332 : i32
      %get3A_3334 = arith.index_cast %add3A_3333 : i32 to index
      %get3A_3335 = arith.constant 0 : index
      %get3A_3336 = tpu.vector_load %arg6[%get3A_3334, %get3A_3335] {strides = array<i32>} : memref<3328x16xf32, #tpu.memory_space<vmem>>, vector<16xf32>,
      %add3A_3337 = arith.addf %add3A_3327, %get3A_3336 : vector<16xf32>
      %mul3A_3338 = arith.mulf %get3A_3336, %get3A_3336 : vector<16xf32>
      %add3A_3339 = arith.addf %add3A_3329, %mul3A_3338 : vector<16xf32>
      %add3A_3340 = arith.constant 2304 : i32
      %add3A_3341 = arith.addi %add3A_3340, %mul3A_684 : i32
      %add3A_3342 = arith.constant 9 : i32
      %add3A_3343 = arith.addi %add3A_3341, %add3A_3342 : i32
      %get3A_3344 = arith.index_cast %add3A_3343 : i32 to index
      %get3A_3345 = arith.constant 0 : index
      %get3A_3346 = tpu.vector_load %arg6[%get3A_3344, %get3A_3345] {strides = array<i32>} : memref<3328x16xf32, #tpu.memory_space<vmem>>, vector<16xf32>,
      %add3A_3347 = arith.addf %add3A_3337, %get3A_3346 : vector<16xf32>
      %mul3A_3348 = arith.mulf %get3A_3346, %get3A_3346 : vector<16xf32>
      %add3A_3349 = arith.addf %add3A_3339, %mul3A_3348 : vector<16xf32>
      %add3A_3350 = arith.constant 2432 : i32
      %add3A_3351 = arith.addi %add3A_3350, %mul3A_684 : i32
      %add3A_3352 = arith.constant 9 : i32
      %add3A_3353 = arith.addi %add3A_3351, %add3A_3352 : i32
      %get3A_3354 = arith.index_cast %add3A_3353 : i32 to index
      %get3A_3355 = arith.constant 0 : index
      %get3A_3356 = tpu.vector_load %arg6[%get3A_3354, %get3A_3355] {strides = array<i32>} : memref<3328x16xf32, #tpu.memory_space<vmem>>, vector<16xf32>,
      %add3A_3357 = arith.addf %add3A_3347, %get3A_3356 : vector<16xf32>
      %mul3A_3358 = arith.mulf %get3A_3356, %get3A_3356 : vector<16xf32>
      %add3A_3359 = arith.addf %add3A_3349, %mul3A_3358 : vector<16xf32>
      %add3A_3360 = arith.constant 2560 : i32
      %add3A_3361 = arith.addi %add3A_3360, %mul3A_684 : i32
      %add3A_3362 = arith.constant 9 : i32
      %add3A_3363 = arith.addi %add3A_3361, %add3A_3362 : i32
      %get3A_3364 = arith.index_cast %add3A_3363 : i32 to index
      %get3A_3365 = arith.constant 0 : index
      %get3A_3366 = tpu.vector_load %arg6[%get3A_3364, %get3A_3365] {strides = array<i32>} : memref<3328x16xf32, #tpu.memory_space<vmem>>, vector<16xf32>,
      %add3A_3367 = arith.addf %add3A_3357, %get3A_3366 : vector<16xf32>
      %mul3A_3368 = arith.mulf %get3A_3366, %get3A_3366 : vector<16xf32>
      %add3A_3369 = arith.addf %add3A_3359, %mul3A_3368 : vector<16xf32>
      %add3A_3370 = arith.constant 2688 : i32
      %add3A_3371 = arith.addi %add3A_3370, %mul3A_684 : i32
      %add3A_3372 = arith.constant 9 : i32
      %add3A_3373 = arith.addi %add3A_3371, %add3A_3372 : i32
      %get3A_3374 = arith.index_cast %add3A_3373 : i32 to index
      %get3A_3375 = arith.constant 0 : index
      %get3A_3376 = tpu.vector_load %arg6[%get3A_3374, %get3A_3375] {strides = array<i32>} : memref<3328x16xf32, #tpu.memory_space<vmem>>, vector<16xf32>,
      %add3A_3377 = arith.addf %add3A_3367, %get3A_3376 : vector<16xf32>
      %mul3A_3378 = arith.mulf %get3A_3376, %get3A_3376 : vector<16xf32>
      %add3A_3379 = arith.addf %add3A_3369, %mul3A_3378 : vector<16xf32>
      %add3A_3380 = arith.constant 2816 : i32
      %add3A_3381 = arith.addi %add3A_3380, %mul3A_684 : i32
      %add3A_3382 = arith.constant 9 : i32
      %add3A_3383 = arith.addi %add3A_3381, %add3A_3382 : i32
      %get3A_3384 = arith.index_cast %add3A_3383 : i32 to index
      %get3A_3385 = arith.constant 0 : index
      %get3A_3386 = tpu.vector_load %arg6[%get3A_3384, %get3A_3385] {strides = array<i32>} : memref<3328x16xf32, #tpu.memory_space<vmem>>, vector<16xf32>,
      %add3A_3387 = arith.addf %add3A_3377, %get3A_3386 : vector<16xf32>
      %mul3A_3388 = arith.mulf %get3A_3386, %get3A_3386 : vector<16xf32>
      %add3A_3389 = arith.addf %add3A_3379, %mul3A_3388 : vector<16xf32>
      %add3A_3390 = arith.constant 2944 : i32
      %add3A_3391 = arith.addi %add3A_3390, %mul3A_684 : i32
      %add3A_3392 = arith.constant 9 : i32
      %add3A_3393 = arith.addi %add3A_3391, %add3A_3392 : i32
      %get3A_3394 = arith.index_cast %add3A_3393 : i32 to index
      %get3A_3395 = arith.constant 0 : index
      %get3A_3396 = tpu.vector_load %arg6[%get3A_3394, %get3A_3395] {strides = array<i32>} : memref<3328x16xf32, #tpu.memory_space<vmem>>, vector<16xf32>,
      %add3A_3397 = arith.addf %add3A_3387, %get3A_3396 : vector<16xf32>
      %mul3A_3398 = arith.mulf %get3A_3396, %get3A_3396 : vector<16xf32>
      %add3A_3399 = arith.addf %add3A_3389, %mul3A_3398 : vector<16xf32>
      %add3A_3400 = arith.constant 3072 : i32
      %add3A_3401 = arith.addi %add3A_3400, %mul3A_684 : i32
      %add3A_3402 = arith.constant 9 : i32
      %add3A_3403 = arith.addi %add3A_3401, %add3A_3402 : i32
      %get3A_3404 = arith.index_cast %add3A_3403 : i32 to index
      %get3A_3405 = arith.constant 0 : index
      %get3A_3406 = tpu.vector_load %arg6[%get3A_3404, %get3A_3405] {strides = array<i32>} : memref<3328x16xf32, #tpu.memory_space<vmem>>, vector<16xf32>,
      %add3A_3407 = arith.addf %add3A_3397, %get3A_3406 : vector<16xf32>
      %mul3A_3408 = arith.mulf %get3A_3406, %get3A_3406 : vector<16xf32>
      %add3A_3409 = arith.addf %add3A_3399, %mul3A_3408 : vector<16xf32>
      %add3A_3410 = arith.constant 3200 : i32
      %add3A_3411 = arith.addi %add3A_3410, %mul3A_684 : i32
      %add3A_3412 = arith.constant 9 : i32
      %add3A_3413 = arith.addi %add3A_3411, %add3A_3412 : i32
      %get3A_3414 = arith.index_cast %add3A_3413 : i32 to index
      %get3A_3415 = arith.constant 0 : index
      %get3A_3416 = tpu.vector_load %arg6[%get3A_3414, %get3A_3415] {strides = array<i32>} : memref<3328x16xf32, #tpu.memory_space<vmem>>, vector<16xf32>,
      %add3A_3417 = arith.addf %add3A_3407, %get3A_3416 : vector<16xf32>
      %mul3A_3418 = arith.mulf %get3A_3416, %get3A_3416 : vector<16xf32>
      %add3A_3419 = arith.addf %add3A_3409, %mul3A_3418 : vector<16xf32>
      %mul3A_3420 = arith.mulf %add3A_3417, %add3A_3417 : vector<16xf32>
      %sub3A_3421 = arith.subf %mul3A_3420, %add3A_3419 : vector<16xf32>
      %reduce_sum3A_3422 = arith.constant true
      %reduce_sum3A_3423 = vector.broadcast %reduce_sum3A_3422 : i1 to vector<16xi1>
      %reduce_sum3A_3424 = tpu.scan <sum>, %sub3A_3421 masked %reduce_sum3A_3423 : vector<16xf32>, vector<16xi1> -> vector<16xf32>
      %reduce_sum3A_3425 = vector.extract %reduce_sum3A_3424[15] : f32 from vector<16xf32>
      %eq3A_3426 = arith.constant 9 : i32
      %eq3A_3427 = vector.broadcast %eq3A_3426 : i32 to vector<16xi32>
      %eq3A_3428 = arith.cmpi eq, %iota3A, %eq3A_3427 : vector<16xi32>
      %broadcast_in_dim3A_3429 = vector.broadcast %reduce_sum3A_3425 : f32 to vector<16xf32>
      %select_n3A_3430 = arith.select %eq3A_3428, %broadcast_in_dim3A_3429, %select_n3A_3155 : vector<16xi1>, vector<16xf32>
      %broadcast_in_dim3A_3431 = arith.constant 0.000000e+00 : f32
      %broadcast_in_dim3A_3432 = vector.broadcast %broadcast_in_dim3A_3431 : f32 to vector<16xf32>
      %broadcast_in_dim3A_3433 = arith.constant 0.000000e+00 : f32
      %broadcast_in_dim3A_3434 = vector.broadcast %broadcast_in_dim3A_3433 : f32 to vector<16xf32>
      %add3A_3435 = arith.constant 0 : i32
      %add3A_3436 = arith.addi %add3A_3435, %mul3A_684 : i32
      %add3A_3437 = arith.constant 10 : i32
      %add3A_3438 = arith.addi %add3A_3436, %add3A_3437 : i32
      %get3A_3439 = arith.index_cast %add3A_3438 : i32 to index
      %get3A_3440 = arith.constant 0 : index
      %get3A_3441 = tpu.vector_load %arg6[%get3A_3439, %get3A_3440] {strides = array<i32>} : memref<3328x16xf32, #tpu.memory_space<vmem>>, vector<16xf32>,
      %add3A_3442 = arith.addf %broadcast_in_dim3A_3432, %get3A_3441 : vector<16xf32>
      %mul3A_3443 = arith.mulf %get3A_3441, %get3A_3441 : vector<16xf32>
      %add3A_3444 = arith.addf %broadcast_in_dim3A_3434, %mul3A_3443 : vector<16xf32>
      %add3A_3445 = arith.constant 128 : i32
      %add3A_3446 = arith.addi %add3A_3445, %mul3A_684 : i32
      %add3A_3447 = arith.constant 10 : i32
      %add3A_3448 = arith.addi %add3A_3446, %add3A_3447 : i32
      %get3A_3449 = arith.index_cast %add3A_3448 : i32 to index
      %get3A_3450 = arith.constant 0 : index
      %get3A_3451 = tpu.vector_load %arg6[%get3A_3449, %get3A_3450] {strides = array<i32>} : memref<3328x16xf32, #tpu.memory_space<vmem>>, vector<16xf32>,
      %add3A_3452 = arith.addf %add3A_3442, %get3A_3451 : vector<16xf32>
      %mul3A_3453 = arith.mulf %get3A_3451, %get3A_3451 : vector<16xf32>
      %add3A_3454 = arith.addf %add3A_3444, %mul3A_3453 : vector<16xf32>
      %add3A_3455 = arith.constant 256 : i32
      %add3A_3456 = arith.addi %add3A_3455, %mul3A_684 : i32
      %add3A_3457 = arith.constant 10 : i32
      %add3A_3458 = arith.addi %add3A_3456, %add3A_3457 : i32
      %get3A_3459 = arith.index_cast %add3A_3458 : i32 to index
      %get3A_3460 = arith.constant 0 : index
      %get3A_3461 = tpu.vector_load %arg6[%get3A_3459, %get3A_3460] {strides = array<i32>} : memref<3328x16xf32, #tpu.memory_space<vmem>>, vector<16xf32>,
      %add3A_3462 = arith.addf %add3A_3452, %get3A_3461 : vector<16xf32>
      %mul3A_3463 = arith.mulf %get3A_3461, %get3A_3461 : vector<16xf32>
      %add3A_3464 = arith.addf %add3A_3454, %mul3A_3463 : vector<16xf32>
      %add3A_3465 = arith.constant 384 : i32
      %add3A_3466 = arith.addi %add3A_3465, %mul3A_684 : i32
      %add3A_3467 = arith.constant 10 : i32
      %add3A_3468 = arith.addi %add3A_3466, %add3A_3467 : i32
      %get3A_3469 = arith.index_cast %add3A_3468 : i32 to index
      %get3A_3470 = arith.constant 0 : index
      %get3A_3471 = tpu.vector_load %arg6[%get3A_3469, %get3A_3470] {strides = array<i32>} : memref<3328x16xf32, #tpu.memory_space<vmem>>, vector<16xf32>,
      %add3A_3472 = arith.addf %add3A_3462, %get3A_3471 : vector<16xf32>
      %mul3A_3473 = arith.mulf %get3A_3471, %get3A_3471 : vector<16xf32>
      %add3A_3474 = arith.addf %add3A_3464, %mul3A_3473 : vector<16xf32>
      %add3A_3475 = arith.constant 512 : i32
      %add3A_3476 = arith.addi %add3A_3475, %mul3A_684 : i32
      %add3A_3477 = arith.constant 10 : i32
      %add3A_3478 = arith.addi %add3A_3476, %add3A_3477 : i32
      %get3A_3479 = arith.index_cast %add3A_3478 : i32 to index
      %get3A_3480 = arith.constant 0 : index
      %get3A_3481 = tpu.vector_load %arg6[%get3A_3479, %get3A_3480] {strides = array<i32>} : memref<3328x16xf32, #tpu.memory_space<vmem>>, vector<16xf32>,
      %add3A_3482 = arith.addf %add3A_3472, %get3A_3481 : vector<16xf32>
      %mul3A_3483 = arith.mulf %get3A_3481, %get3A_3481 : vector<16xf32>
      %add3A_3484 = arith.addf %add3A_3474, %mul3A_3483 : vector<16xf32>
      %add3A_3485 = arith.constant 640 : i32
      %add3A_3486 = arith.addi %add3A_3485, %mul3A_684 : i32
      %add3A_3487 = arith.constant 10 : i32
      %add3A_3488 = arith.addi %add3A_3486, %add3A_3487 : i32
      %get3A_3489 = arith.index_cast %add3A_3488 : i32 to index
      %get3A_3490 = arith.constant 0 : index
      %get3A_3491 = tpu.vector_load %arg6[%get3A_3489, %get3A_3490] {strides = array<i32>} : memref<3328x16xf32, #tpu.memory_space<vmem>>, vector<16xf32>,
      %add3A_3492 = arith.addf %add3A_3482, %get3A_3491 : vector<16xf32>
      %mul3A_3493 = arith.mulf %get3A_3491, %get3A_3491 : vector<16xf32>
      %add3A_3494 = arith.addf %add3A_3484, %mul3A_3493 : vector<16xf32>
      %add3A_3495 = arith.constant 768 : i32
      %add3A_3496 = arith.addi %add3A_3495, %mul3A_684 : i32
      %add3A_3497 = arith.constant 10 : i32
      %add3A_3498 = arith.addi %add3A_3496, %add3A_3497 : i32
      %get3A_3499 = arith.index_cast %add3A_3498 : i32 to index
      %get3A_3500 = arith.constant 0 : index
      %get3A_3501 = tpu.vector_load %arg6[%get3A_3499, %get3A_3500] {strides = array<i32>} : memref<3328x16xf32, #tpu.memory_space<vmem>>, vector<16xf32>,
      %add3A_3502 = arith.addf %add3A_3492, %get3A_3501 : vector<16xf32>
      %mul3A_3503 = arith.mulf %get3A_3501, %get3A_3501 : vector<16xf32>
      %add3A_3504 = arith.addf %add3A_3494, %mul3A_3503 : vector<16xf32>
      %add3A_3505 = arith.constant 896 : i32
      %add3A_3506 = arith.addi %add3A_3505, %mul3A_684 : i32
      %add3A_3507 = arith.constant 10 : i32
      %add3A_3508 = arith.addi %add3A_3506, %add3A_3507 : i32
      %get3A_3509 = arith.index_cast %add3A_3508 : i32 to index
      %get3A_3510 = arith.constant 0 : index
      %get3A_3511 = tpu.vector_load %arg6[%get3A_3509, %get3A_3510] {strides = array<i32>} : memref<3328x16xf32, #tpu.memory_space<vmem>>, vector<16xf32>,
      %add3A_3512 = arith.addf %add3A_3502, %get3A_3511 : vector<16xf32>
      %mul3A_3513 = arith.mulf %get3A_3511, %get3A_3511 : vector<16xf32>
      %add3A_3514 = arith.addf %add3A_3504, %mul3A_3513 : vector<16xf32>
      %add3A_3515 = arith.constant 1024 : i32
      %add3A_3516 = arith.addi %add3A_3515, %mul3A_684 : i32
      %add3A_3517 = arith.constant 10 : i32
      %add3A_3518 = arith.addi %add3A_3516, %add3A_3517 : i32
      %get3A_3519 = arith.index_cast %add3A_3518 : i32 to index
      %get3A_3520 = arith.constant 0 : index
      %get3A_3521 = tpu.vector_load %arg6[%get3A_3519, %get3A_3520] {strides = array<i32>} : memref<3328x16xf32, #tpu.memory_space<vmem>>, vector<16xf32>,
      %add3A_3522 = arith.addf %add3A_3512, %get3A_3521 : vector<16xf32>
      %mul3A_3523 = arith.mulf %get3A_3521, %get3A_3521 : vector<16xf32>
      %add3A_3524 = arith.addf %add3A_3514, %mul3A_3523 : vector<16xf32>
      %add3A_3525 = arith.constant 1152 : i32
      %add3A_3526 = arith.addi %add3A_3525, %mul3A_684 : i32
      %add3A_3527 = arith.constant 10 : i32
      %add3A_3528 = arith.addi %add3A_3526, %add3A_3527 : i32
      %get3A_3529 = arith.index_cast %add3A_3528 : i32 to index
      %get3A_3530 = arith.constant 0 : index
      %get3A_3531 = tpu.vector_load %arg6[%get3A_3529, %get3A_3530] {strides = array<i32>} : memref<3328x16xf32, #tpu.memory_space<vmem>>, vector<16xf32>,
      %add3A_3532 = arith.addf %add3A_3522, %get3A_3531 : vector<16xf32>
      %mul3A_3533 = arith.mulf %get3A_3531, %get3A_3531 : vector<16xf32>
      %add3A_3534 = arith.addf %add3A_3524, %mul3A_3533 : vector<16xf32>
      %add3A_3535 = arith.constant 1280 : i32
      %add3A_3536 = arith.addi %add3A_3535, %mul3A_684 : i32
      %add3A_3537 = arith.constant 10 : i32
      %add3A_3538 = arith.addi %add3A_3536, %add3A_3537 : i32
      %get3A_3539 = arith.index_cast %add3A_3538 : i32 to index
      %get3A_3540 = arith.constant 0 : index
      %get3A_3541 = tpu.vector_load %arg6[%get3A_3539, %get3A_3540] {strides = array<i32>} : memref<3328x16xf32, #tpu.memory_space<vmem>>, vector<16xf32>,
      %add3A_3542 = arith.addf %add3A_3532, %get3A_3541 : vector<16xf32>
      %mul3A_3543 = arith.mulf %get3A_3541, %get3A_3541 : vector<16xf32>
      %add3A_3544 = arith.addf %add3A_3534, %mul3A_3543 : vector<16xf32>
      %add3A_3545 = arith.constant 1408 : i32
      %add3A_3546 = arith.addi %add3A_3545, %mul3A_684 : i32
      %add3A_3547 = arith.constant 10 : i32
      %add3A_3548 = arith.addi %add3A_3546, %add3A_3547 : i32
      %get3A_3549 = arith.index_cast %add3A_3548 : i32 to index
      %get3A_3550 = arith.constant 0 : index
      %get3A_3551 = tpu.vector_load %arg6[%get3A_3549, %get3A_3550] {strides = array<i32>} : memref<3328x16xf32, #tpu.memory_space<vmem>>, vector<16xf32>,
      %add3A_3552 = arith.addf %add3A_3542, %get3A_3551 : vector<16xf32>
      %mul3A_3553 = arith.mulf %get3A_3551, %get3A_3551 : vector<16xf32>
      %add3A_3554 = arith.addf %add3A_3544, %mul3A_3553 : vector<16xf32>
      %add3A_3555 = arith.constant 1536 : i32
      %add3A_3556 = arith.addi %add3A_3555, %mul3A_684 : i32
      %add3A_3557 = arith.constant 10 : i32
      %add3A_3558 = arith.addi %add3A_3556, %add3A_3557 : i32
      %get3A_3559 = arith.index_cast %add3A_3558 : i32 to index
      %get3A_3560 = arith.constant 0 : index
      %get3A_3561 = tpu.vector_load %arg6[%get3A_3559, %get3A_3560] {strides = array<i32>} : memref<3328x16xf32, #tpu.memory_space<vmem>>, vector<16xf32>,
      %add3A_3562 = arith.addf %add3A_3552, %get3A_3561 : vector<16xf32>
      %mul3A_3563 = arith.mulf %get3A_3561, %get3A_3561 : vector<16xf32>
      %add3A_3564 = arith.addf %add3A_3554, %mul3A_3563 : vector<16xf32>
      %add3A_3565 = arith.constant 1664 : i32
      %add3A_3566 = arith.addi %add3A_3565, %mul3A_684 : i32
      %add3A_3567 = arith.constant 10 : i32
      %add3A_3568 = arith.addi %add3A_3566, %add3A_3567 : i32
      %get3A_3569 = arith.index_cast %add3A_3568 : i32 to index
      %get3A_3570 = arith.constant 0 : index
      %get3A_3571 = tpu.vector_load %arg6[%get3A_3569, %get3A_3570] {strides = array<i32>} : memref<3328x16xf32, #tpu.memory_space<vmem>>, vector<16xf32>,
      %add3A_3572 = arith.addf %add3A_3562, %get3A_3571 : vector<16xf32>
      %mul3A_3573 = arith.mulf %get3A_3571, %get3A_3571 : vector<16xf32>
      %add3A_3574 = arith.addf %add3A_3564, %mul3A_3573 : vector<16xf32>
      %add3A_3575 = arith.constant 1792 : i32
      %add3A_3576 = arith.addi %add3A_3575, %mul3A_684 : i32
      %add3A_3577 = arith.constant 10 : i32
      %add3A_3578 = arith.addi %add3A_3576, %add3A_3577 : i32
      %get3A_3579 = arith.index_cast %add3A_3578 : i32 to index
      %get3A_3580 = arith.constant 0 : index
      %get3A_3581 = tpu.vector_load %arg6[%get3A_3579, %get3A_3580] {strides = array<i32>} : memref<3328x16xf32, #tpu.memory_space<vmem>>, vector<16xf32>,
      %add3A_3582 = arith.addf %add3A_3572, %get3A_3581 : vector<16xf32>
      %mul3A_3583 = arith.mulf %get3A_3581, %get3A_3581 : vector<16xf32>
      %add3A_3584 = arith.addf %add3A_3574, %mul3A_3583 : vector<16xf32>
      %add3A_3585 = arith.constant 1920 : i32
      %add3A_3586 = arith.addi %add3A_3585, %mul3A_684 : i32
      %add3A_3587 = arith.constant 10 : i32
      %add3A_3588 = arith.addi %add3A_3586, %add3A_3587 : i32
      %get3A_3589 = arith.index_cast %add3A_3588 : i32 to index
      %get3A_3590 = arith.constant 0 : index
      %get3A_3591 = tpu.vector_load %arg6[%get3A_3589, %get3A_3590] {strides = array<i32>} : memref<3328x16xf32, #tpu.memory_space<vmem>>, vector<16xf32>,
      %add3A_3592 = arith.addf %add3A_3582, %get3A_3591 : vector<16xf32>
      %mul3A_3593 = arith.mulf %get3A_3591, %get3A_3591 : vector<16xf32>
      %add3A_3594 = arith.addf %add3A_3584, %mul3A_3593 : vector<16xf32>
      %add3A_3595 = arith.constant 2048 : i32
      %add3A_3596 = arith.addi %add3A_3595, %mul3A_684 : i32
      %add3A_3597 = arith.constant 10 : i32
      %add3A_3598 = arith.addi %add3A_3596, %add3A_3597 : i32
      %get3A_3599 = arith.index_cast %add3A_3598 : i32 to index
      %get3A_3600 = arith.constant 0 : index
      %get3A_3601 = tpu.vector_load %arg6[%get3A_3599, %get3A_3600] {strides = array<i32>} : memref<3328x16xf32, #tpu.memory_space<vmem>>, vector<16xf32>,
      %add3A_3602 = arith.addf %add3A_3592, %get3A_3601 : vector<16xf32>
      %mul3A_3603 = arith.mulf %get3A_3601, %get3A_3601 : vector<16xf32>
      %add3A_3604 = arith.addf %add3A_3594, %mul3A_3603 : vector<16xf32>
      %add3A_3605 = arith.constant 2176 : i32
      %add3A_3606 = arith.addi %add3A_3605, %mul3A_684 : i32
      %add3A_3607 = arith.constant 10 : i32
      %add3A_3608 = arith.addi %add3A_3606, %add3A_3607 : i32
      %get3A_3609 = arith.index_cast %add3A_3608 : i32 to index
      %get3A_3610 = arith.constant 0 : index
      %get3A_3611 = tpu.vector_load %arg6[%get3A_3609, %get3A_3610] {strides = array<i32>} : memref<3328x16xf32, #tpu.memory_space<vmem>>, vector<16xf32>,
      %add3A_3612 = arith.addf %add3A_3602, %get3A_3611 : vector<16xf32>
      %mul3A_3613 = arith.mulf %get3A_3611, %get3A_3611 : vector<16xf32>
      %add3A_3614 = arith.addf %add3A_3604, %mul3A_3613 : vector<16xf32>
      %add3A_3615 = arith.constant 2304 : i32
      %add3A_3616 = arith.addi %add3A_3615, %mul3A_684 : i32
      %add3A_3617 = arith.constant 10 : i32
      %add3A_3618 = arith.addi %add3A_3616, %add3A_3617 : i32
      %get3A_3619 = arith.index_cast %add3A_3618 : i32 to index
      %get3A_3620 = arith.constant 0 : index
      %get3A_3621 = tpu.vector_load %arg6[%get3A_3619, %get3A_3620] {strides = array<i32>} : memref<3328x16xf32, #tpu.memory_space<vmem>>, vector<16xf32>,
      %add3A_3622 = arith.addf %add3A_3612, %get3A_3621 : vector<16xf32>
      %mul3A_3623 = arith.mulf %get3A_3621, %get3A_3621 : vector<16xf32>
      %add3A_3624 = arith.addf %add3A_3614, %mul3A_3623 : vector<16xf32>
      %add3A_3625 = arith.constant 2432 : i32
      %add3A_3626 = arith.addi %add3A_3625, %mul3A_684 : i32
      %add3A_3627 = arith.constant 10 : i32
      %add3A_3628 = arith.addi %add3A_3626, %add3A_3627 : i32
      %get3A_3629 = arith.index_cast %add3A_3628 : i32 to index
      %get3A_3630 = arith.constant 0 : index
      %get3A_3631 = tpu.vector_load %arg6[%get3A_3629, %get3A_3630] {strides = array<i32>} : memref<3328x16xf32, #tpu.memory_space<vmem>>, vector<16xf32>,
      %add3A_3632 = arith.addf %add3A_3622, %get3A_3631 : vector<16xf32>
      %mul3A_3633 = arith.mulf %get3A_3631, %get3A_3631 : vector<16xf32>
      %add3A_3634 = arith.addf %add3A_3624, %mul3A_3633 : vector<16xf32>
      %add3A_3635 = arith.constant 2560 : i32
      %add3A_3636 = arith.addi %add3A_3635, %mul3A_684 : i32
      %add3A_3637 = arith.constant 10 : i32
      %add3A_3638 = arith.addi %add3A_3636, %add3A_3637 : i32
      %get3A_3639 = arith.index_cast %add3A_3638 : i32 to index
      %get3A_3640 = arith.constant 0 : index
      %get3A_3641 = tpu.vector_load %arg6[%get3A_3639, %get3A_3640] {strides = array<i32>} : memref<3328x16xf32, #tpu.memory_space<vmem>>, vector<16xf32>,
      %add3A_3642 = arith.addf %add3A_3632, %get3A_3641 : vector<16xf32>
      %mul3A_3643 = arith.mulf %get3A_3641, %get3A_3641 : vector<16xf32>
      %add3A_3644 = arith.addf %add3A_3634, %mul3A_3643 : vector<16xf32>
      %add3A_3645 = arith.constant 2688 : i32
      %add3A_3646 = arith.addi %add3A_3645, %mul3A_684 : i32
      %add3A_3647 = arith.constant 10 : i32
      %add3A_3648 = arith.addi %add3A_3646, %add3A_3647 : i32
      %get3A_3649 = arith.index_cast %add3A_3648 : i32 to index
      %get3A_3650 = arith.constant 0 : index
      %get3A_3651 = tpu.vector_load %arg6[%get3A_3649, %get3A_3650] {strides = array<i32>} : memref<3328x16xf32, #tpu.memory_space<vmem>>, vector<16xf32>,
      %add3A_3652 = arith.addf %add3A_3642, %get3A_3651 : vector<16xf32>
      %mul3A_3653 = arith.mulf %get3A_3651, %get3A_3651 : vector<16xf32>
      %add3A_3654 = arith.addf %add3A_3644, %mul3A_3653 : vector<16xf32>
      %add3A_3655 = arith.constant 2816 : i32
      %add3A_3656 = arith.addi %add3A_3655, %mul3A_684 : i32
      %add3A_3657 = arith.constant 10 : i32
      %add3A_3658 = arith.addi %add3A_3656, %add3A_3657 : i32
      %get3A_3659 = arith.index_cast %add3A_3658 : i32 to index
      %get3A_3660 = arith.constant 0 : index
      %get3A_3661 = tpu.vector_load %arg6[%get3A_3659, %get3A_3660] {strides = array<i32>} : memref<3328x16xf32, #tpu.memory_space<vmem>>, vector<16xf32>,
      %add3A_3662 = arith.addf %add3A_3652, %get3A_3661 : vector<16xf32>
      %mul3A_3663 = arith.mulf %get3A_3661, %get3A_3661 : vector<16xf32>
      %add3A_3664 = arith.addf %add3A_3654, %mul3A_3663 : vector<16xf32>
      %add3A_3665 = arith.constant 2944 : i32
      %add3A_3666 = arith.addi %add3A_3665, %mul3A_684 : i32
      %add3A_3667 = arith.constant 10 : i32
      %add3A_3668 = arith.addi %add3A_3666, %add3A_3667 : i32
      %get3A_3669 = arith.index_cast %add3A_3668 : i32 to index
      %get3A_3670 = arith.constant 0 : index
      %get3A_3671 = tpu.vector_load %arg6[%get3A_3669, %get3A_3670] {strides = array<i32>} : memref<3328x16xf32, #tpu.memory_space<vmem>>, vector<16xf32>,
      %add3A_3672 = arith.addf %add3A_3662, %get3A_3671 : vector<16xf32>
      %mul3A_3673 = arith.mulf %get3A_3671, %get3A_3671 : vector<16xf32>
      %add3A_3674 = arith.addf %add3A_3664, %mul3A_3673 : vector<16xf32>
      %add3A_3675 = arith.constant 3072 : i32
      %add3A_3676 = arith.addi %add3A_3675, %mul3A_684 : i32
      %add3A_3677 = arith.constant 10 : i32
      %add3A_3678 = arith.addi %add3A_3676, %add3A_3677 : i32
      %get3A_3679 = arith.index_cast %add3A_3678 : i32 to index
      %get3A_3680 = arith.constant 0 : index
      %get3A_3681 = tpu.vector_load %arg6[%get3A_3679, %get3A_3680] {strides = array<i32>} : memref<3328x16xf32, #tpu.memory_space<vmem>>, vector<16xf32>,
      %add3A_3682 = arith.addf %add3A_3672, %get3A_3681 : vector<16xf32>
      %mul3A_3683 = arith.mulf %get3A_3681, %get3A_3681 : vector<16xf32>
      %add3A_3684 = arith.addf %add3A_3674, %mul3A_3683 : vector<16xf32>
      %add3A_3685 = arith.constant 3200 : i32
      %add3A_3686 = arith.addi %add3A_3685, %mul3A_684 : i32
      %add3A_3687 = arith.constant 10 : i32
      %add3A_3688 = arith.addi %add3A_3686, %add3A_3687 : i32
      %get3A_3689 = arith.index_cast %add3A_3688 : i32 to index
      %get3A_3690 = arith.constant 0 : index
      %get3A_3691 = tpu.vector_load %arg6[%get3A_3689, %get3A_3690] {strides = array<i32>} : memref<3328x16xf32, #tpu.memory_space<vmem>>, vector<16xf32>,
      %add3A_3692 = arith.addf %add3A_3682, %get3A_3691 : vector<16xf32>
      %mul3A_3693 = arith.mulf %get3A_3691, %get3A_3691 : vector<16xf32>
      %add3A_3694 = arith.addf %add3A_3684, %mul3A_3693 : vector<16xf32>
      %mul3A_3695 = arith.mulf %add3A_3692, %add3A_3692 : vector<16xf32>
      %sub3A_3696 = arith.subf %mul3A_3695, %add3A_3694 : vector<16xf32>
      %reduce_sum3A_3697 = arith.constant true
      %reduce_sum3A_3698 = vector.broadcast %reduce_sum3A_3697 : i1 to vector<16xi1>
      %reduce_sum3A_3699 = tpu.scan <sum>, %sub3A_3696 masked %reduce_sum3A_3698 : vector<16xf32>, vector<16xi1> -> vector<16xf32>
      %reduce_sum3A_3700 = vector.extract %reduce_sum3A_3699[15] : f32 from vector<16xf32>
      %eq3A_3701 = arith.constant 10 : i32
      %eq3A_3702 = vector.broadcast %eq3A_3701 : i32 to vector<16xi32>
      %eq3A_3703 = arith.cmpi eq, %iota3A, %eq3A_3702 : vector<16xi32>
      %broadcast_in_dim3A_3704 = vector.broadcast %reduce_sum3A_3700 : f32 to vector<16xf32>
      %select_n3A_3705 = arith.select %eq3A_3703, %broadcast_in_dim3A_3704, %select_n3A_3430 : vector<16xi1>, vector<16xf32>
      %broadcast_in_dim3A_3706 = arith.constant 0.000000e+00 : f32
      %broadcast_in_dim3A_3707 = vector.broadcast %broadcast_in_dim3A_3706 : f32 to vector<16xf32>
      %broadcast_in_dim3A_3708 = arith.constant 0.000000e+00 : f32
      %broadcast_in_dim3A_3709 = vector.broadcast %broadcast_in_dim3A_3708 : f32 to vector<16xf32>
      %add3A_3710 = arith.constant 0 : i32
      %add3A_3711 = arith.addi %add3A_3710, %mul3A_684 : i32
      %add3A_3712 = arith.constant 11 : i32
      %add3A_3713 = arith.addi %add3A_3711, %add3A_3712 : i32
      %get3A_3714 = arith.index_cast %add3A_3713 : i32 to index
      %get3A_3715 = arith.constant 0 : index
      %get3A_3716 = tpu.vector_load %arg6[%get3A_3714, %get3A_3715] {strides = array<i32>} : memref<3328x16xf32, #tpu.memory_space<vmem>>, vector<16xf32>,
      %add3A_3717 = arith.addf %broadcast_in_dim3A_3707, %get3A_3716 : vector<16xf32>
      %mul3A_3718 = arith.mulf %get3A_3716, %get3A_3716 : vector<16xf32>
      %add3A_3719 = arith.addf %broadcast_in_dim3A_3709, %mul3A_3718 : vector<16xf32>
      %add3A_3720 = arith.constant 128 : i32
      %add3A_3721 = arith.addi %add3A_3720, %mul3A_684 : i32
      %add3A_3722 = arith.constant 11 : i32
      %add3A_3723 = arith.addi %add3A_3721, %add3A_3722 : i32
      %get3A_3724 = arith.index_cast %add3A_3723 : i32 to index
      %get3A_3725 = arith.constant 0 : index
      %get3A_3726 = tpu.vector_load %arg6[%get3A_3724, %get3A_3725] {strides = array<i32>} : memref<3328x16xf32, #tpu.memory_space<vmem>>, vector<16xf32>,
      %add3A_3727 = arith.addf %add3A_3717, %get3A_3726 : vector<16xf32>
      %mul3A_3728 = arith.mulf %get3A_3726, %get3A_3726 : vector<16xf32>
      %add3A_3729 = arith.addf %add3A_3719, %mul3A_3728 : vector<16xf32>
      %add3A_3730 = arith.constant 256 : i32
      %add3A_3731 = arith.addi %add3A_3730, %mul3A_684 : i32
      %add3A_3732 = arith.constant 11 : i32
      %add3A_3733 = arith.addi %add3A_3731, %add3A_3732 : i32
      %get3A_3734 = arith.index_cast %add3A_3733 : i32 to index
      %get3A_3735 = arith.constant 0 : index
      %get3A_3736 = tpu.vector_load %arg6[%get3A_3734, %get3A_3735] {strides = array<i32>} : memref<3328x16xf32, #tpu.memory_space<vmem>>, vector<16xf32>,
      %add3A_3737 = arith.addf %add3A_3727, %get3A_3736 : vector<16xf32>
      %mul3A_3738 = arith.mulf %get3A_3736, %get3A_3736 : vector<16xf32>
      %add3A_3739 = arith.addf %add3A_3729, %mul3A_3738 : vector<16xf32>
      %add3A_3740 = arith.constant 384 : i32
      %add3A_3741 = arith.addi %add3A_3740, %mul3A_684 : i32
      %add3A_3742 = arith.constant 11 : i32
      %add3A_3743 = arith.addi %add3A_3741, %add3A_3742 : i32
      %get3A_3744 = arith.index_cast %add3A_3743 : i32 to index
      %get3A_3745 = arith.constant 0 : index
      %get3A_3746 = tpu.vector_load %arg6[%get3A_3744, %get3A_3745] {strides = array<i32>} : memref<3328x16xf32, #tpu.memory_space<vmem>>, vector<16xf32>,
      %add3A_3747 = arith.addf %add3A_3737, %get3A_3746 : vector<16xf32>
      %mul3A_3748 = arith.mulf %get3A_3746, %get3A_3746 : vector<16xf32>
      %add3A_3749 = arith.addf %add3A_3739, %mul3A_3748 : vector<16xf32>
      %add3A_3750 = arith.constant 512 : i32
      %add3A_3751 = arith.addi %add3A_3750, %mul3A_684 : i32
      %add3A_3752 = arith.constant 11 : i32
      %add3A_3753 = arith.addi %add3A_3751, %add3A_3752 : i32
      %get3A_3754 = arith.index_cast %add3A_3753 : i32 to index
      %get3A_3755 = arith.constant 0 : index
      %get3A_3756 = tpu.vector_load %arg6[%get3A_3754, %get3A_3755] {strides = array<i32>} : memref<3328x16xf32, #tpu.memory_space<vmem>>, vector<16xf32>,
      %add3A_3757 = arith.addf %add3A_3747, %get3A_3756 : vector<16xf32>
      %mul3A_3758 = arith.mulf %get3A_3756, %get3A_3756 : vector<16xf32>
      %add3A_3759 = arith.addf %add3A_3749, %mul3A_3758 : vector<16xf32>
      %add3A_3760 = arith.constant 640 : i32
      %add3A_3761 = arith.addi %add3A_3760, %mul3A_684 : i32
      %add3A_3762 = arith.constant 11 : i32
      %add3A_3763 = arith.addi %add3A_3761, %add3A_3762 : i32
      %get3A_3764 = arith.index_cast %add3A_3763 : i32 to index
      %get3A_3765 = arith.constant 0 : index
      %get3A_3766 = tpu.vector_load %arg6[%get3A_3764, %get3A_3765] {strides = array<i32>} : memref<3328x16xf32, #tpu.memory_space<vmem>>, vector<16xf32>,
      %add3A_3767 = arith.addf %add3A_3757, %get3A_3766 : vector<16xf32>
      %mul3A_3768 = arith.mulf %get3A_3766, %get3A_3766 : vector<16xf32>
      %add3A_3769 = arith.addf %add3A_3759, %mul3A_3768 : vector<16xf32>
      %add3A_3770 = arith.constant 768 : i32
      %add3A_3771 = arith.addi %add3A_3770, %mul3A_684 : i32
      %add3A_3772 = arith.constant 11 : i32
      %add3A_3773 = arith.addi %add3A_3771, %add3A_3772 : i32
      %get3A_3774 = arith.index_cast %add3A_3773 : i32 to index
      %get3A_3775 = arith.constant 0 : index
      %get3A_3776 = tpu.vector_load %arg6[%get3A_3774, %get3A_3775] {strides = array<i32>} : memref<3328x16xf32, #tpu.memory_space<vmem>>, vector<16xf32>,
      %add3A_3777 = arith.addf %add3A_3767, %get3A_3776 : vector<16xf32>
      %mul3A_3778 = arith.mulf %get3A_3776, %get3A_3776 : vector<16xf32>
      %add3A_3779 = arith.addf %add3A_3769, %mul3A_3778 : vector<16xf32>
      %add3A_3780 = arith.constant 896 : i32
      %add3A_3781 = arith.addi %add3A_3780, %mul3A_684 : i32
      %add3A_3782 = arith.constant 11 : i32
      %add3A_3783 = arith.addi %add3A_3781, %add3A_3782 : i32
      %get3A_3784 = arith.index_cast %add3A_3783 : i32 to index
      %get3A_3785 = arith.constant 0 : index
      %get3A_3786 = tpu.vector_load %arg6[%get3A_3784, %get3A_3785] {strides = array<i32>} : memref<3328x16xf32, #tpu.memory_space<vmem>>, vector<16xf32>,
      %add3A_3787 = arith.addf %add3A_3777, %get3A_3786 : vector<16xf32>
      %mul3A_3788 = arith.mulf %get3A_3786, %get3A_3786 : vector<16xf32>
      %add3A_3789 = arith.addf %add3A_3779, %mul3A_3788 : vector<16xf32>
      %add3A_3790 = arith.constant 1024 : i32
      %add3A_3791 = arith.addi %add3A_3790, %mul3A_684 : i32
      %add3A_3792 = arith.constant 11 : i32
      %add3A_3793 = arith.addi %add3A_3791, %add3A_3792 : i32
      %get3A_3794 = arith.index_cast %add3A_3793 : i32 to index
      %get3A_3795 = arith.constant 0 : index
      %get3A_3796 = tpu.vector_load %arg6[%get3A_3794, %get3A_3795] {strides = array<i32>} : memref<3328x16xf32, #tpu.memory_space<vmem>>, vector<16xf32>,
      %add3A_3797 = arith.addf %add3A_3787, %get3A_3796 : vector<16xf32>
      %mul3A_3798 = arith.mulf %get3A_3796, %get3A_3796 : vector<16xf32>
      %add3A_3799 = arith.addf %add3A_3789, %mul3A_3798 : vector<16xf32>
      %add3A_3800 = arith.constant 1152 : i32
      %add3A_3801 = arith.addi %add3A_3800, %mul3A_684 : i32
      %add3A_3802 = arith.constant 11 : i32
      %add3A_3803 = arith.addi %add3A_3801, %add3A_3802 : i32
      %get3A_3804 = arith.index_cast %add3A_3803 : i32 to index
      %get3A_3805 = arith.constant 0 : index
      %get3A_3806 = tpu.vector_load %arg6[%get3A_3804, %get3A_3805] {strides = array<i32>} : memref<3328x16xf32, #tpu.memory_space<vmem>>, vector<16xf32>,
      %add3A_3807 = arith.addf %add3A_3797, %get3A_3806 : vector<16xf32>
      %mul3A_3808 = arith.mulf %get3A_3806, %get3A_3806 : vector<16xf32>
      %add3A_3809 = arith.addf %add3A_3799, %mul3A_3808 : vector<16xf32>
      %add3A_3810 = arith.constant 1280 : i32
      %add3A_3811 = arith.addi %add3A_3810, %mul3A_684 : i32
      %add3A_3812 = arith.constant 11 : i32
      %add3A_3813 = arith.addi %add3A_3811, %add3A_3812 : i32
      %get3A_3814 = arith.index_cast %add3A_3813 : i32 to index
      %get3A_3815 = arith.constant 0 : index
      %get3A_3816 = tpu.vector_load %arg6[%get3A_3814, %get3A_3815] {strides = array<i32>} : memref<3328x16xf32, #tpu.memory_space<vmem>>, vector<16xf32>,
      %add3A_3817 = arith.addf %add3A_3807, %get3A_3816 : vector<16xf32>
      %mul3A_3818 = arith.mulf %get3A_3816, %get3A_3816 : vector<16xf32>
      %add3A_3819 = arith.addf %add3A_3809, %mul3A_3818 : vector<16xf32>
      %add3A_3820 = arith.constant 1408 : i32
      %add3A_3821 = arith.addi %add3A_3820, %mul3A_684 : i32
      %add3A_3822 = arith.constant 11 : i32
      %add3A_3823 = arith.addi %add3A_3821, %add3A_3822 : i32
      %get3A_3824 = arith.index_cast %add3A_3823 : i32 to index
      %get3A_3825 = arith.constant 0 : index
      %get3A_3826 = tpu.vector_load %arg6[%get3A_3824, %get3A_3825] {strides = array<i32>} : memref<3328x16xf32, #tpu.memory_space<vmem>>, vector<16xf32>,
      %add3A_3827 = arith.addf %add3A_3817, %get3A_3826 : vector<16xf32>
      %mul3A_3828 = arith.mulf %get3A_3826, %get3A_3826 : vector<16xf32>
      %add3A_3829 = arith.addf %add3A_3819, %mul3A_3828 : vector<16xf32>
      %add3A_3830 = arith.constant 1536 : i32
      %add3A_3831 = arith.addi %add3A_3830, %mul3A_684 : i32
      %add3A_3832 = arith.constant 11 : i32
      %add3A_3833 = arith.addi %add3A_3831, %add3A_3832 : i32
      %get3A_3834 = arith.index_cast %add3A_3833 : i32 to index
      %get3A_3835 = arith.constant 0 : index
      %get3A_3836 = tpu.vector_load %arg6[%get3A_3834, %get3A_3835] {strides = array<i32>} : memref<3328x16xf32, #tpu.memory_space<vmem>>, vector<16xf32>,
      %add3A_3837 = arith.addf %add3A_3827, %get3A_3836 : vector<16xf32>
      %mul3A_3838 = arith.mulf %get3A_3836, %get3A_3836 : vector<16xf32>
      %add3A_3839 = arith.addf %add3A_3829, %mul3A_3838 : vector<16xf32>
      %add3A_3840 = arith.constant 1664 : i32
      %add3A_3841 = arith.addi %add3A_3840, %mul3A_684 : i32
      %add3A_3842 = arith.constant 11 : i32
      %add3A_3843 = arith.addi %add3A_3841, %add3A_3842 : i32
      %get3A_3844 = arith.index_cast %add3A_3843 : i32 to index
      %get3A_3845 = arith.constant 0 : index
      %get3A_3846 = tpu.vector_load %arg6[%get3A_3844, %get3A_3845] {strides = array<i32>} : memref<3328x16xf32, #tpu.memory_space<vmem>>, vector<16xf32>,
      %add3A_3847 = arith.addf %add3A_3837, %get3A_3846 : vector<16xf32>
      %mul3A_3848 = arith.mulf %get3A_3846, %get3A_3846 : vector<16xf32>
      %add3A_3849 = arith.addf %add3A_3839, %mul3A_3848 : vector<16xf32>
      %add3A_3850 = arith.constant 1792 : i32
      %add3A_3851 = arith.addi %add3A_3850, %mul3A_684 : i32
      %add3A_3852 = arith.constant 11 : i32
      %add3A_3853 = arith.addi %add3A_3851, %add3A_3852 : i32
      %get3A_3854 = arith.index_cast %add3A_3853 : i32 to index
      %get3A_3855 = arith.constant 0 : index
      %get3A_3856 = tpu.vector_load %arg6[%get3A_3854, %get3A_3855] {strides = array<i32>} : memref<3328x16xf32, #tpu.memory_space<vmem>>, vector<16xf32>,
      %add3A_3857 = arith.addf %add3A_3847, %get3A_3856 : vector<16xf32>
      %mul3A_3858 = arith.mulf %get3A_3856, %get3A_3856 : vector<16xf32>
      %add3A_3859 = arith.addf %add3A_3849, %mul3A_3858 : vector<16xf32>
      %add3A_3860 = arith.constant 1920 : i32
      %add3A_3861 = arith.addi %add3A_3860, %mul3A_684 : i32
      %add3A_3862 = arith.constant 11 : i32
      %add3A_3863 = arith.addi %add3A_3861, %add3A_3862 : i32
      %get3A_3864 = arith.index_cast %add3A_3863 : i32 to index
      %get3A_3865 = arith.constant 0 : index
      %get3A_3866 = tpu.vector_load %arg6[%get3A_3864, %get3A_3865] {strides = array<i32>} : memref<3328x16xf32, #tpu.memory_space<vmem>>, vector<16xf32>,
      %add3A_3867 = arith.addf %add3A_3857, %get3A_3866 : vector<16xf32>
      %mul3A_3868 = arith.mulf %get3A_3866, %get3A_3866 : vector<16xf32>
      %add3A_3869 = arith.addf %add3A_3859, %mul3A_3868 : vector<16xf32>
      %add3A_3870 = arith.constant 2048 : i32
      %add3A_3871 = arith.addi %add3A_3870, %mul3A_684 : i32
      %add3A_3872 = arith.constant 11 : i32
      %add3A_3873 = arith.addi %add3A_3871, %add3A_3872 : i32
      %get3A_3874 = arith.index_cast %add3A_3873 : i32 to index
      %get3A_3875 = arith.constant 0 : index
      %get3A_3876 = tpu.vector_load %arg6[%get3A_3874, %get3A_3875] {strides = array<i32>} : memref<3328x16xf32, #tpu.memory_space<vmem>>, vector<16xf32>,
      %add3A_3877 = arith.addf %add3A_3867, %get3A_3876 : vector<16xf32>
      %mul3A_3878 = arith.mulf %get3A_3876, %get3A_3876 : vector<16xf32>
      %add3A_3879 = arith.addf %add3A_3869, %mul3A_3878 : vector<16xf32>
      %add3A_3880 = arith.constant 2176 : i32
      %add3A_3881 = arith.addi %add3A_3880, %mul3A_684 : i32
      %add3A_3882 = arith.constant 11 : i32
      %add3A_3883 = arith.addi %add3A_3881, %add3A_3882 : i32
      %get3A_3884 = arith.index_cast %add3A_3883 : i32 to index
      %get3A_3885 = arith.constant 0 : index
      %get3A_3886 = tpu.vector_load %arg6[%get3A_3884, %get3A_3885] {strides = array<i32>} : memref<3328x16xf32, #tpu.memory_space<vmem>>, vector<16xf32>,
      %add3A_3887 = arith.addf %add3A_3877, %get3A_3886 : vector<16xf32>
      %mul3A_3888 = arith.mulf %get3A_3886, %get3A_3886 : vector<16xf32>
      %add3A_3889 = arith.addf %add3A_3879, %mul3A_3888 : vector<16xf32>
      %add3A_3890 = arith.constant 2304 : i32
      %add3A_3891 = arith.addi %add3A_3890, %mul3A_684 : i32
      %add3A_3892 = arith.constant 11 : i32
      %add3A_3893 = arith.addi %add3A_3891, %add3A_3892 : i32
      %get3A_3894 = arith.index_cast %add3A_3893 : i32 to index
      %get3A_3895 = arith.constant 0 : index
      %get3A_3896 = tpu.vector_load %arg6[%get3A_3894, %get3A_3895] {strides = array<i32>} : memref<3328x16xf32, #tpu.memory_space<vmem>>, vector<16xf32>,
      %add3A_3897 = arith.addf %add3A_3887, %get3A_3896 : vector<16xf32>
      %mul3A_3898 = arith.mulf %get3A_3896, %get3A_3896 : vector<16xf32>
      %add3A_3899 = arith.addf %add3A_3889, %mul3A_3898 : vector<16xf32>
      %add3A_3900 = arith.constant 2432 : i32
      %add3A_3901 = arith.addi %add3A_3900, %mul3A_684 : i32
      %add3A_3902 = arith.constant 11 : i32
      %add3A_3903 = arith.addi %add3A_3901, %add3A_3902 : i32
      %get3A_3904 = arith.index_cast %add3A_3903 : i32 to index
      %get3A_3905 = arith.constant 0 : index
      %get3A_3906 = tpu.vector_load %arg6[%get3A_3904, %get3A_3905] {strides = array<i32>} : memref<3328x16xf32, #tpu.memory_space<vmem>>, vector<16xf32>,
      %add3A_3907 = arith.addf %add3A_3897, %get3A_3906 : vector<16xf32>
      %mul3A_3908 = arith.mulf %get3A_3906, %get3A_3906 : vector<16xf32>
      %add3A_3909 = arith.addf %add3A_3899, %mul3A_3908 : vector<16xf32>
      %add3A_3910 = arith.constant 2560 : i32
      %add3A_3911 = arith.addi %add3A_3910, %mul3A_684 : i32
      %add3A_3912 = arith.constant 11 : i32
      %add3A_3913 = arith.addi %add3A_3911, %add3A_3912 : i32
      %get3A_3914 = arith.index_cast %add3A_3913 : i32 to index
      %get3A_3915 = arith.constant 0 : index
      %get3A_3916 = tpu.vector_load %arg6[%get3A_3914, %get3A_3915] {strides = array<i32>} : memref<3328x16xf32, #tpu.memory_space<vmem>>, vector<16xf32>,
      %add3A_3917 = arith.addf %add3A_3907, %get3A_3916 : vector<16xf32>
      %mul3A_3918 = arith.mulf %get3A_3916, %get3A_3916 : vector<16xf32>
      %add3A_3919 = arith.addf %add3A_3909, %mul3A_3918 : vector<16xf32>
      %add3A_3920 = arith.constant 2688 : i32
      %add3A_3921 = arith.addi %add3A_3920, %mul3A_684 : i32
      %add3A_3922 = arith.constant 11 : i32
      %add3A_3923 = arith.addi %add3A_3921, %add3A_3922 : i32
      %get3A_3924 = arith.index_cast %add3A_3923 : i32 to index
      %get3A_3925 = arith.constant 0 : index
      %get3A_3926 = tpu.vector_load %arg6[%get3A_3924, %get3A_3925] {strides = array<i32>} : memref<3328x16xf32, #tpu.memory_space<vmem>>, vector<16xf32>,
      %add3A_3927 = arith.addf %add3A_3917, %get3A_3926 : vector<16xf32>
      %mul3A_3928 = arith.mulf %get3A_3926, %get3A_3926 : vector<16xf32>
      %add3A_3929 = arith.addf %add3A_3919, %mul3A_3928 : vector<16xf32>
      %add3A_3930 = arith.constant 2816 : i32
      %add3A_3931 = arith.addi %add3A_3930, %mul3A_684 : i32
      %add3A_3932 = arith.constant 11 : i32
      %add3A_3933 = arith.addi %add3A_3931, %add3A_3932 : i32
      %get3A_3934 = arith.index_cast %add3A_3933 : i32 to index
      %get3A_3935 = arith.constant 0 : index
      %get3A_3936 = tpu.vector_load %arg6[%get3A_3934, %get3A_3935] {strides = array<i32>} : memref<3328x16xf32, #tpu.memory_space<vmem>>, vector<16xf32>,
      %add3A_3937 = arith.addf %add3A_3927, %get3A_3936 : vector<16xf32>
      %mul3A_3938 = arith.mulf %get3A_3936, %get3A_3936 : vector<16xf32>
      %add3A_3939 = arith.addf %add3A_3929, %mul3A_3938 : vector<16xf32>
      %add3A_3940 = arith.constant 2944 : i32
      %add3A_3941 = arith.addi %add3A_3940, %mul3A_684 : i32
      %add3A_3942 = arith.constant 11 : i32
      %add3A_3943 = arith.addi %add3A_3941, %add3A_3942 : i32
      %get3A_3944 = arith.index_cast %add3A_3943 : i32 to index
      %get3A_3945 = arith.constant 0 : index
      %get3A_3946 = tpu.vector_load %arg6[%get3A_3944, %get3A_3945] {strides = array<i32>} : memref<3328x16xf32, #tpu.memory_space<vmem>>, vector<16xf32>,
      %add3A_3947 = arith.addf %add3A_3937, %get3A_3946 : vector<16xf32>
      %mul3A_3948 = arith.mulf %get3A_3946, %get3A_3946 : vector<16xf32>
      %add3A_3949 = arith.addf %add3A_3939, %mul3A_3948 : vector<16xf32>
      %add3A_3950 = arith.constant 3072 : i32
      %add3A_3951 = arith.addi %add3A_3950, %mul3A_684 : i32
      %add3A_3952 = arith.constant 11 : i32
      %add3A_3953 = arith.addi %add3A_3951, %add3A_3952 : i32
      %get3A_3954 = arith.index_cast %add3A_3953 : i32 to index
      %get3A_3955 = arith.constant 0 : index
      %get3A_3956 = tpu.vector_load %arg6[%get3A_3954, %get3A_3955] {strides = array<i32>} : memref<3328x16xf32, #tpu.memory_space<vmem>>, vector<16xf32>,
      %add3A_3957 = arith.addf %add3A_3947, %get3A_3956 : vector<16xf32>
      %mul3A_3958 = arith.mulf %get3A_3956, %get3A_3956 : vector<16xf32>
      %add3A_3959 = arith.addf %add3A_3949, %mul3A_3958 : vector<16xf32>
      %add3A_3960 = arith.constant 3200 : i32
      %add3A_3961 = arith.addi %add3A_3960, %mul3A_684 : i32
      %add3A_3962 = arith.constant 11 : i32
      %add3A_3963 = arith.addi %add3A_3961, %add3A_3962 : i32
      %get3A_3964 = arith.index_cast %add3A_3963 : i32 to index
      %get3A_3965 = arith.constant 0 : index
      %get3A_3966 = tpu.vector_load %arg6[%get3A_3964, %get3A_3965] {strides = array<i32>} : memref<3328x16xf32, #tpu.memory_space<vmem>>, vector<16xf32>,
      %add3A_3967 = arith.addf %add3A_3957, %get3A_3966 : vector<16xf32>
      %mul3A_3968 = arith.mulf %get3A_3966, %get3A_3966 : vector<16xf32>
      %add3A_3969 = arith.addf %add3A_3959, %mul3A_3968 : vector<16xf32>
      %mul3A_3970 = arith.mulf %add3A_3967, %add3A_3967 : vector<16xf32>
      %sub3A_3971 = arith.subf %mul3A_3970, %add3A_3969 : vector<16xf32>
      %reduce_sum3A_3972 = arith.constant true
      %reduce_sum3A_3973 = vector.broadcast %reduce_sum3A_3972 : i1 to vector<16xi1>
      %reduce_sum3A_3974 = tpu.scan <sum>, %sub3A_3971 masked %reduce_sum3A_3973 : vector<16xf32>, vector<16xi1> -> vector<16xf32>
      %reduce_sum3A_3975 = vector.extract %reduce_sum3A_3974[15] : f32 from vector<16xf32>
      %eq3A_3976 = arith.constant 11 : i32
      %eq3A_3977 = vector.broadcast %eq3A_3976 : i32 to vector<16xi32>
      %eq3A_3978 = arith.cmpi eq, %iota3A, %eq3A_3977 : vector<16xi32>
      %broadcast_in_dim3A_3979 = vector.broadcast %reduce_sum3A_3975 : f32 to vector<16xf32>
      %select_n3A_3980 = arith.select %eq3A_3978, %broadcast_in_dim3A_3979, %select_n3A_3705 : vector<16xi1>, vector<16xf32>
      %broadcast_in_dim3A_3981 = arith.constant 0.000000e+00 : f32
      %broadcast_in_dim3A_3982 = vector.broadcast %broadcast_in_dim3A_3981 : f32 to vector<16xf32>
      %broadcast_in_dim3A_3983 = arith.constant 0.000000e+00 : f32
      %broadcast_in_dim3A_3984 = vector.broadcast %broadcast_in_dim3A_3983 : f32 to vector<16xf32>
      %add3A_3985 = arith.constant 0 : i32
      %add3A_3986 = arith.addi %add3A_3985, %mul3A_684 : i32
      %add3A_3987 = arith.constant 12 : i32
      %add3A_3988 = arith.addi %add3A_3986, %add3A_3987 : i32
      %get3A_3989 = arith.index_cast %add3A_3988 : i32 to index
      %get3A_3990 = arith.constant 0 : index
      %get3A_3991 = tpu.vector_load %arg6[%get3A_3989, %get3A_3990] {strides = array<i32>} : memref<3328x16xf32, #tpu.memory_space<vmem>>, vector<16xf32>,
      %add3A_3992 = arith.addf %broadcast_in_dim3A_3982, %get3A_3991 : vector<16xf32>
      %mul3A_3993 = arith.mulf %get3A_3991, %get3A_3991 : vector<16xf32>
      %add3A_3994 = arith.addf %broadcast_in_dim3A_3984, %mul3A_3993 : vector<16xf32>
      %add3A_3995 = arith.constant 128 : i32
      %add3A_3996 = arith.addi %add3A_3995, %mul3A_684 : i32
      %add3A_3997 = arith.constant 12 : i32
      %add3A_3998 = arith.addi %add3A_3996, %add3A_3997 : i32
      %get3A_3999 = arith.index_cast %add3A_3998 : i32 to index
      %get3A_4000 = arith.constant 0 : index
      %get3A_4001 = tpu.vector_load %arg6[%get3A_3999, %get3A_4000] {strides = array<i32>} : memref<3328x16xf32, #tpu.memory_space<vmem>>, vector<16xf32>,
      %add3A_4002 = arith.addf %add3A_3992, %get3A_4001 : vector<16xf32>
      %mul3A_4003 = arith.mulf %get3A_4001, %get3A_4001 : vector<16xf32>
      %add3A_4004 = arith.addf %add3A_3994, %mul3A_4003 : vector<16xf32>
      %add3A_4005 = arith.constant 256 : i32
      %add3A_4006 = arith.addi %add3A_4005, %mul3A_684 : i32
      %add3A_4007 = arith.constant 12 : i32
      %add3A_4008 = arith.addi %add3A_4006, %add3A_4007 : i32
      %get3A_4009 = arith.index_cast %add3A_4008 : i32 to index
      %get3A_4010 = arith.constant 0 : index
      %get3A_4011 = tpu.vector_load %arg6[%get3A_4009, %get3A_4010] {strides = array<i32>} : memref<3328x16xf32, #tpu.memory_space<vmem>>, vector<16xf32>,
      %add3A_4012 = arith.addf %add3A_4002, %get3A_4011 : vector<16xf32>
      %mul3A_4013 = arith.mulf %get3A_4011, %get3A_4011 : vector<16xf32>
      %add3A_4014 = arith.addf %add3A_4004, %mul3A_4013 : vector<16xf32>
      %add3A_4015 = arith.constant 384 : i32
      %add3A_4016 = arith.addi %add3A_4015, %mul3A_684 : i32
      %add3A_4017 = arith.constant 12 : i32
      %add3A_4018 = arith.addi %add3A_4016, %add3A_4017 : i32
      %get3A_4019 = arith.index_cast %add3A_4018 : i32 to index
      %get3A_4020 = arith.constant 0 : index
      %get3A_4021 = tpu.vector_load %arg6[%get3A_4019, %get3A_4020] {strides = array<i32>} : memref<3328x16xf32, #tpu.memory_space<vmem>>, vector<16xf32>,
      %add3A_4022 = arith.addf %add3A_4012, %get3A_4021 : vector<16xf32>
      %mul3A_4023 = arith.mulf %get3A_4021, %get3A_4021 : vector<16xf32>
      %add3A_4024 = arith.addf %add3A_4014, %mul3A_4023 : vector<16xf32>
      %add3A_4025 = arith.constant 512 : i32
      %add3A_4026 = arith.addi %add3A_4025, %mul3A_684 : i32
      %add3A_4027 = arith.constant 12 : i32
      %add3A_4028 = arith.addi %add3A_4026, %add3A_4027 : i32
      %get3A_4029 = arith.index_cast %add3A_4028 : i32 to index
      %get3A_4030 = arith.constant 0 : index
      %get3A_4031 = tpu.vector_load %arg6[%get3A_4029, %get3A_4030] {strides = array<i32>} : memref<3328x16xf32, #tpu.memory_space<vmem>>, vector<16xf32>,
      %add3A_4032 = arith.addf %add3A_4022, %get3A_4031 : vector<16xf32>
      %mul3A_4033 = arith.mulf %get3A_4031, %get3A_4031 : vector<16xf32>
      %add3A_4034 = arith.addf %add3A_4024, %mul3A_4033 : vector<16xf32>
      %add3A_4035 = arith.constant 640 : i32
      %add3A_4036 = arith.addi %add3A_4035, %mul3A_684 : i32
      %add3A_4037 = arith.constant 12 : i32
      %add3A_4038 = arith.addi %add3A_4036, %add3A_4037 : i32
      %get3A_4039 = arith.index_cast %add3A_4038 : i32 to index
      %get3A_4040 = arith.constant 0 : index
      %get3A_4041 = tpu.vector_load %arg6[%get3A_4039, %get3A_4040] {strides = array<i32>} : memref<3328x16xf32, #tpu.memory_space<vmem>>, vector<16xf32>,
      %add3A_4042 = arith.addf %add3A_4032, %get3A_4041 : vector<16xf32>
      %mul3A_4043 = arith.mulf %get3A_4041, %get3A_4041 : vector<16xf32>
      %add3A_4044 = arith.addf %add3A_4034, %mul3A_4043 : vector<16xf32>
      %add3A_4045 = arith.constant 768 : i32
      %add3A_4046 = arith.addi %add3A_4045, %mul3A_684 : i32
      %add3A_4047 = arith.constant 12 : i32
      %add3A_4048 = arith.addi %add3A_4046, %add3A_4047 : i32
      %get3A_4049 = arith.index_cast %add3A_4048 : i32 to index
      %get3A_4050 = arith.constant 0 : index
      %get3A_4051 = tpu.vector_load %arg6[%get3A_4049, %get3A_4050] {strides = array<i32>} : memref<3328x16xf32, #tpu.memory_space<vmem>>, vector<16xf32>,
      %add3A_4052 = arith.addf %add3A_4042, %get3A_4051 : vector<16xf32>
      %mul3A_4053 = arith.mulf %get3A_4051, %get3A_4051 : vector<16xf32>
      %add3A_4054 = arith.addf %add3A_4044, %mul3A_4053 : vector<16xf32>
      %add3A_4055 = arith.constant 896 : i32
      %add3A_4056 = arith.addi %add3A_4055, %mul3A_684 : i32
      %add3A_4057 = arith.constant 12 : i32
      %add3A_4058 = arith.addi %add3A_4056, %add3A_4057 : i32
      %get3A_4059 = arith.index_cast %add3A_4058 : i32 to index
      %get3A_4060 = arith.constant 0 : index
      %get3A_4061 = tpu.vector_load %arg6[%get3A_4059, %get3A_4060] {strides = array<i32>} : memref<3328x16xf32, #tpu.memory_space<vmem>>, vector<16xf32>,
      %add3A_4062 = arith.addf %add3A_4052, %get3A_4061 : vector<16xf32>
      %mul3A_4063 = arith.mulf %get3A_4061, %get3A_4061 : vector<16xf32>
      %add3A_4064 = arith.addf %add3A_4054, %mul3A_4063 : vector<16xf32>
      %add3A_4065 = arith.constant 1024 : i32
      %add3A_4066 = arith.addi %add3A_4065, %mul3A_684 : i32
      %add3A_4067 = arith.constant 12 : i32
      %add3A_4068 = arith.addi %add3A_4066, %add3A_4067 : i32
      %get3A_4069 = arith.index_cast %add3A_4068 : i32 to index
      %get3A_4070 = arith.constant 0 : index
      %get3A_4071 = tpu.vector_load %arg6[%get3A_4069, %get3A_4070] {strides = array<i32>} : memref<3328x16xf32, #tpu.memory_space<vmem>>, vector<16xf32>,
      %add3A_4072 = arith.addf %add3A_4062, %get3A_4071 : vector<16xf32>
      %mul3A_4073 = arith.mulf %get3A_4071, %get3A_4071 : vector<16xf32>
      %add3A_4074 = arith.addf %add3A_4064, %mul3A_4073 : vector<16xf32>
      %add3A_4075 = arith.constant 1152 : i32
      %add3A_4076 = arith.addi %add3A_4075, %mul3A_684 : i32
      %add3A_4077 = arith.constant 12 : i32
      %add3A_4078 = arith.addi %add3A_4076, %add3A_4077 : i32
      %get3A_4079 = arith.index_cast %add3A_4078 : i32 to index
      %get3A_4080 = arith.constant 0 : index
      %get3A_4081 = tpu.vector_load %arg6[%get3A_4079, %get3A_4080] {strides = array<i32>} : memref<3328x16xf32, #tpu.memory_space<vmem>>, vector<16xf32>,
      %add3A_4082 = arith.addf %add3A_4072, %get3A_4081 : vector<16xf32>
      %mul3A_4083 = arith.mulf %get3A_4081, %get3A_4081 : vector<16xf32>
      %add3A_4084 = arith.addf %add3A_4074, %mul3A_4083 : vector<16xf32>
      %add3A_4085 = arith.constant 1280 : i32
      %add3A_4086 = arith.addi %add3A_4085, %mul3A_684 : i32
      %add3A_4087 = arith.constant 12 : i32
      %add3A_4088 = arith.addi %add3A_4086, %add3A_4087 : i32
      %get3A_4089 = arith.index_cast %add3A_4088 : i32 to index
      %get3A_4090 = arith.constant 0 : index
      %get3A_4091 = tpu.vector_load %arg6[%get3A_4089, %get3A_4090] {strides = array<i32>} : memref<3328x16xf32, #tpu.memory_space<vmem>>, vector<16xf32>,
      %add3A_4092 = arith.addf %add3A_4082, %get3A_4091 : vector<16xf32>
      %mul3A_4093 = arith.mulf %get3A_4091, %get3A_4091 : vector<16xf32>
      %add3A_4094 = arith.addf %add3A_4084, %mul3A_4093 : vector<16xf32>
      %add3A_4095 = arith.constant 1408 : i32
      %add3A_4096 = arith.addi %add3A_4095, %mul3A_684 : i32
      %add3A_4097 = arith.constant 12 : i32
      %add3A_4098 = arith.addi %add3A_4096, %add3A_4097 : i32
      %get3A_4099 = arith.index_cast %add3A_4098 : i32 to index
      %get3A_4100 = arith.constant 0 : index
      %get3A_4101 = tpu.vector_load %arg6[%get3A_4099, %get3A_4100] {strides = array<i32>} : memref<3328x16xf32, #tpu.memory_space<vmem>>, vector<16xf32>,
      %add3A_4102 = arith.addf %add3A_4092, %get3A_4101 : vector<16xf32>
      %mul3A_4103 = arith.mulf %get3A_4101, %get3A_4101 : vector<16xf32>
      %add3A_4104 = arith.addf %add3A_4094, %mul3A_4103 : vector<16xf32>
      %add3A_4105 = arith.constant 1536 : i32
      %add3A_4106 = arith.addi %add3A_4105, %mul3A_684 : i32
      %add3A_4107 = arith.constant 12 : i32
      %add3A_4108 = arith.addi %add3A_4106, %add3A_4107 : i32
      %get3A_4109 = arith.index_cast %add3A_4108 : i32 to index
      %get3A_4110 = arith.constant 0 : index
      %get3A_4111 = tpu.vector_load %arg6[%get3A_4109, %get3A_4110] {strides = array<i32>} : memref<3328x16xf32, #tpu.memory_space<vmem>>, vector<16xf32>,
      %add3A_4112 = arith.addf %add3A_4102, %get3A_4111 : vector<16xf32>
      %mul3A_4113 = arith.mulf %get3A_4111, %get3A_4111 : vector<16xf32>
      %add3A_4114 = arith.addf %add3A_4104, %mul3A_4113 : vector<16xf32>
      %add3A_4115 = arith.constant 1664 : i32
      %add3A_4116 = arith.addi %add3A_4115, %mul3A_684 : i32
      %add3A_4117 = arith.constant 12 : i32
      %add3A_4118 = arith.addi %add3A_4116, %add3A_4117 : i32
      %get3A_4119 = arith.index_cast %add3A_4118 : i32 to index
      %get3A_4120 = arith.constant 0 : index
      %get3A_4121 = tpu.vector_load %arg6[%get3A_4119, %get3A_4120] {strides = array<i32>} : memref<3328x16xf32, #tpu.memory_space<vmem>>, vector<16xf32>,
      %add3A_4122 = arith.addf %add3A_4112, %get3A_4121 : vector<16xf32>
      %mul3A_4123 = arith.mulf %get3A_4121, %get3A_4121 : vector<16xf32>
      %add3A_4124 = arith.addf %add3A_4114, %mul3A_4123 : vector<16xf32>
      %add3A_4125 = arith.constant 1792 : i32
      %add3A_4126 = arith.addi %add3A_4125, %mul3A_684 : i32
      %add3A_4127 = arith.constant 12 : i32
      %add3A_4128 = arith.addi %add3A_4126, %add3A_4127 : i32
      %get3A_4129 = arith.index_cast %add3A_4128 : i32 to index
      %get3A_4130 = arith.constant 0 : index
      %get3A_4131 = tpu.vector_load %arg6[%get3A_4129, %get3A_4130] {strides = array<i32>} : memref<3328x16xf32, #tpu.memory_space<vmem>>, vector<16xf32>,
      %add3A_4132 = arith.addf %add3A_4122, %get3A_4131 : vector<16xf32>
      %mul3A_4133 = arith.mulf %get3A_4131, %get3A_4131 : vector<16xf32>
      %add3A_4134 = arith.addf %add3A_4124, %mul3A_4133 : vector<16xf32>
      %add3A_4135 = arith.constant 1920 : i32
      %add3A_4136 = arith.addi %add3A_4135, %mul3A_684 : i32
      %add3A_4137 = arith.constant 12 : i32
      %add3A_4138 = arith.addi %add3A_4136, %add3A_4137 : i32
      %get3A_4139 = arith.index_cast %add3A_4138 : i32 to index
      %get3A_4140 = arith.constant 0 : index
      %get3A_4141 = tpu.vector_load %arg6[%get3A_4139, %get3A_4140] {strides = array<i32>} : memref<3328x16xf32, #tpu.memory_space<vmem>>, vector<16xf32>,
      %add3A_4142 = arith.addf %add3A_4132, %get3A_4141 : vector<16xf32>
      %mul3A_4143 = arith.mulf %get3A_4141, %get3A_4141 : vector<16xf32>
      %add3A_4144 = arith.addf %add3A_4134, %mul3A_4143 : vector<16xf32>
      %add3A_4145 = arith.constant 2048 : i32
      %add3A_4146 = arith.addi %add3A_4145, %mul3A_684 : i32
      %add3A_4147 = arith.constant 12 : i32
      %add3A_4148 = arith.addi %add3A_4146, %add3A_4147 : i32
      %get3A_4149 = arith.index_cast %add3A_4148 : i32 to index
      %get3A_4150 = arith.constant 0 : index
      %get3A_4151 = tpu.vector_load %arg6[%get3A_4149, %get3A_4150] {strides = array<i32>} : memref<3328x16xf32, #tpu.memory_space<vmem>>, vector<16xf32>,
      %add3A_4152 = arith.addf %add3A_4142, %get3A_4151 : vector<16xf32>
      %mul3A_4153 = arith.mulf %get3A_4151, %get3A_4151 : vector<16xf32>
      %add3A_4154 = arith.addf %add3A_4144, %mul3A_4153 : vector<16xf32>
      %add3A_4155 = arith.constant 2176 : i32
      %add3A_4156 = arith.addi %add3A_4155, %mul3A_684 : i32
      %add3A_4157 = arith.constant 12 : i32
      %add3A_4158 = arith.addi %add3A_4156, %add3A_4157 : i32
      %get3A_4159 = arith.index_cast %add3A_4158 : i32 to index
      %get3A_4160 = arith.constant 0 : index
      %get3A_4161 = tpu.vector_load %arg6[%get3A_4159, %get3A_4160] {strides = array<i32>} : memref<3328x16xf32, #tpu.memory_space<vmem>>, vector<16xf32>,
      %add3A_4162 = arith.addf %add3A_4152, %get3A_4161 : vector<16xf32>
      %mul3A_4163 = arith.mulf %get3A_4161, %get3A_4161 : vector<16xf32>
      %add3A_4164 = arith.addf %add3A_4154, %mul3A_4163 : vector<16xf32>
      %add3A_4165 = arith.constant 2304 : i32
      %add3A_4166 = arith.addi %add3A_4165, %mul3A_684 : i32
      %add3A_4167 = arith.constant 12 : i32
      %add3A_4168 = arith.addi %add3A_4166, %add3A_4167 : i32
      %get3A_4169 = arith.index_cast %add3A_4168 : i32 to index
      %get3A_4170 = arith.constant 0 : index
      %get3A_4171 = tpu.vector_load %arg6[%get3A_4169, %get3A_4170] {strides = array<i32>} : memref<3328x16xf32, #tpu.memory_space<vmem>>, vector<16xf32>,
      %add3A_4172 = arith.addf %add3A_4162, %get3A_4171 : vector<16xf32>
      %mul3A_4173 = arith.mulf %get3A_4171, %get3A_4171 : vector<16xf32>
      %add3A_4174 = arith.addf %add3A_4164, %mul3A_4173 : vector<16xf32>
      %add3A_4175 = arith.constant 2432 : i32
      %add3A_4176 = arith.addi %add3A_4175, %mul3A_684 : i32
      %add3A_4177 = arith.constant 12 : i32
      %add3A_4178 = arith.addi %add3A_4176, %add3A_4177 : i32
      %get3A_4179 = arith.index_cast %add3A_4178 : i32 to index
      %get3A_4180 = arith.constant 0 : index
      %get3A_4181 = tpu.vector_load %arg6[%get3A_4179, %get3A_4180] {strides = array<i32>} : memref<3328x16xf32, #tpu.memory_space<vmem>>, vector<16xf32>,
      %add3A_4182 = arith.addf %add3A_4172, %get3A_4181 : vector<16xf32>
      %mul3A_4183 = arith.mulf %get3A_4181, %get3A_4181 : vector<16xf32>
      %add3A_4184 = arith.addf %add3A_4174, %mul3A_4183 : vector<16xf32>
      %add3A_4185 = arith.constant 2560 : i32
      %add3A_4186 = arith.addi %add3A_4185, %mul3A_684 : i32
      %add3A_4187 = arith.constant 12 : i32
      %add3A_4188 = arith.addi %add3A_4186, %add3A_4187 : i32
      %get3A_4189 = arith.index_cast %add3A_4188 : i32 to index
      %get3A_4190 = arith.constant 0 : index
      %get3A_4191 = tpu.vector_load %arg6[%get3A_4189, %get3A_4190] {strides = array<i32>} : memref<3328x16xf32, #tpu.memory_space<vmem>>, vector<16xf32>,
      %add3A_4192 = arith.addf %add3A_4182, %get3A_4191 : vector<16xf32>
      %mul3A_4193 = arith.mulf %get3A_4191, %get3A_4191 : vector<16xf32>
      %add3A_4194 = arith.addf %add3A_4184, %mul3A_4193 : vector<16xf32>
      %add3A_4195 = arith.constant 2688 : i32
      %add3A_4196 = arith.addi %add3A_4195, %mul3A_684 : i32
      %add3A_4197 = arith.constant 12 : i32
      %add3A_4198 = arith.addi %add3A_4196, %add3A_4197 : i32
      %get3A_4199 = arith.index_cast %add3A_4198 : i32 to index
      %get3A_4200 = arith.constant 0 : index
      %get3A_4201 = tpu.vector_load %arg6[%get3A_4199, %get3A_4200] {strides = array<i32>} : memref<3328x16xf32, #tpu.memory_space<vmem>>, vector<16xf32>,
      %add3A_4202 = arith.addf %add3A_4192, %get3A_4201 : vector<16xf32>
      %mul3A_4203 = arith.mulf %get3A_4201, %get3A_4201 : vector<16xf32>
      %add3A_4204 = arith.addf %add3A_4194, %mul3A_4203 : vector<16xf32>
      %add3A_4205 = arith.constant 2816 : i32
      %add3A_4206 = arith.addi %add3A_4205, %mul3A_684 : i32
      %add3A_4207 = arith.constant 12 : i32
      %add3A_4208 = arith.addi %add3A_4206, %add3A_4207 : i32
      %get3A_4209 = arith.index_cast %add3A_4208 : i32 to index
      %get3A_4210 = arith.constant 0 : index
      %get3A_4211 = tpu.vector_load %arg6[%get3A_4209, %get3A_4210] {strides = array<i32>} : memref<3328x16xf32, #tpu.memory_space<vmem>>, vector<16xf32>,
      %add3A_4212 = arith.addf %add3A_4202, %get3A_4211 : vector<16xf32>
      %mul3A_4213 = arith.mulf %get3A_4211, %get3A_4211 : vector<16xf32>
      %add3A_4214 = arith.addf %add3A_4204, %mul3A_4213 : vector<16xf32>
      %add3A_4215 = arith.constant 2944 : i32
      %add3A_4216 = arith.addi %add3A_4215, %mul3A_684 : i32
      %add3A_4217 = arith.constant 12 : i32
      %add3A_4218 = arith.addi %add3A_4216, %add3A_4217 : i32
      %get3A_4219 = arith.index_cast %add3A_4218 : i32 to index
      %get3A_4220 = arith.constant 0 : index
      %get3A_4221 = tpu.vector_load %arg6[%get3A_4219, %get3A_4220] {strides = array<i32>} : memref<3328x16xf32, #tpu.memory_space<vmem>>, vector<16xf32>,
      %add3A_4222 = arith.addf %add3A_4212, %get3A_4221 : vector<16xf32>
      %mul3A_4223 = arith.mulf %get3A_4221, %get3A_4221 : vector<16xf32>
      %add3A_4224 = arith.addf %add3A_4214, %mul3A_4223 : vector<16xf32>
      %add3A_4225 = arith.constant 3072 : i32
      %add3A_4226 = arith.addi %add3A_4225, %mul3A_684 : i32
      %add3A_4227 = arith.constant 12 : i32
      %add3A_4228 = arith.addi %add3A_4226, %add3A_4227 : i32
      %get3A_4229 = arith.index_cast %add3A_4228 : i32 to index
      %get3A_4230 = arith.constant 0 : index
      %get3A_4231 = tpu.vector_load %arg6[%get3A_4229, %get3A_4230] {strides = array<i32>} : memref<3328x16xf32, #tpu.memory_space<vmem>>, vector<16xf32>,
      %add3A_4232 = arith.addf %add3A_4222, %get3A_4231 : vector<16xf32>
      %mul3A_4233 = arith.mulf %get3A_4231, %get3A_4231 : vector<16xf32>
      %add3A_4234 = arith.addf %add3A_4224, %mul3A_4233 : vector<16xf32>
      %add3A_4235 = arith.constant 3200 : i32
      %add3A_4236 = arith.addi %add3A_4235, %mul3A_684 : i32
      %add3A_4237 = arith.constant 12 : i32
      %add3A_4238 = arith.addi %add3A_4236, %add3A_4237 : i32
      %get3A_4239 = arith.index_cast %add3A_4238 : i32 to index
      %get3A_4240 = arith.constant 0 : index
      %get3A_4241 = tpu.vector_load %arg6[%get3A_4239, %get3A_4240] {strides = array<i32>} : memref<3328x16xf32, #tpu.memory_space<vmem>>, vector<16xf32>,
      %add3A_4242 = arith.addf %add3A_4232, %get3A_4241 : vector<16xf32>
      %mul3A_4243 = arith.mulf %get3A_4241, %get3A_4241 : vector<16xf32>
      %add3A_4244 = arith.addf %add3A_4234, %mul3A_4243 : vector<16xf32>
      %mul3A_4245 = arith.mulf %add3A_4242, %add3A_4242 : vector<16xf32>
      %sub3A_4246 = arith.subf %mul3A_4245, %add3A_4244 : vector<16xf32>
      %reduce_sum3A_4247 = arith.constant true
      %reduce_sum3A_4248 = vector.broadcast %reduce_sum3A_4247 : i1 to vector<16xi1>
      %reduce_sum3A_4249 = tpu.scan <sum>, %sub3A_4246 masked %reduce_sum3A_4248 : vector<16xf32>, vector<16xi1> -> vector<16xf32>
      %reduce_sum3A_4250 = vector.extract %reduce_sum3A_4249[15] : f32 from vector<16xf32>
      %eq3A_4251 = arith.constant 12 : i32
      %eq3A_4252 = vector.broadcast %eq3A_4251 : i32 to vector<16xi32>
      %eq3A_4253 = arith.cmpi eq, %iota3A, %eq3A_4252 : vector<16xi32>
      %broadcast_in_dim3A_4254 = vector.broadcast %reduce_sum3A_4250 : f32 to vector<16xf32>
      %select_n3A_4255 = arith.select %eq3A_4253, %broadcast_in_dim3A_4254, %select_n3A_3980 : vector<16xi1>, vector<16xf32>
      %broadcast_in_dim3A_4256 = arith.constant 0.000000e+00 : f32
      %broadcast_in_dim3A_4257 = vector.broadcast %broadcast_in_dim3A_4256 : f32 to vector<16xf32>
      %broadcast_in_dim3A_4258 = arith.constant 0.000000e+00 : f32
      %broadcast_in_dim3A_4259 = vector.broadcast %broadcast_in_dim3A_4258 : f32 to vector<16xf32>
      %add3A_4260 = arith.constant 0 : i32
      %add3A_4261 = arith.addi %add3A_4260, %mul3A_684 : i32
      %add3A_4262 = arith.constant 13 : i32
      %add3A_4263 = arith.addi %add3A_4261, %add3A_4262 : i32
      %get3A_4264 = arith.index_cast %add3A_4263 : i32 to index
      %get3A_4265 = arith.constant 0 : index
      %get3A_4266 = tpu.vector_load %arg6[%get3A_4264, %get3A_4265] {strides = array<i32>} : memref<3328x16xf32, #tpu.memory_space<vmem>>, vector<16xf32>,
      %add3A_4267 = arith.addf %broadcast_in_dim3A_4257, %get3A_4266 : vector<16xf32>
      %mul3A_4268 = arith.mulf %get3A_4266, %get3A_4266 : vector<16xf32>
      %add3A_4269 = arith.addf %broadcast_in_dim3A_4259, %mul3A_4268 : vector<16xf32>
      %add3A_4270 = arith.constant 128 : i32
      %add3A_4271 = arith.addi %add3A_4270, %mul3A_684 : i32
      %add3A_4272 = arith.constant 13 : i32
      %add3A_4273 = arith.addi %add3A_4271, %add3A_4272 : i32
      %get3A_4274 = arith.index_cast %add3A_4273 : i32 to index
      %get3A_4275 = arith.constant 0 : index
      %get3A_4276 = tpu.vector_load %arg6[%get3A_4274, %get3A_4275] {strides = array<i32>} : memref<3328x16xf32, #tpu.memory_space<vmem>>, vector<16xf32>,
      %add3A_4277 = arith.addf %add3A_4267, %get3A_4276 : vector<16xf32>
      %mul3A_4278 = arith.mulf %get3A_4276, %get3A_4276 : vector<16xf32>
      %add3A_4279 = arith.addf %add3A_4269, %mul3A_4278 : vector<16xf32>
      %add3A_4280 = arith.constant 256 : i32
      %add3A_4281 = arith.addi %add3A_4280, %mul3A_684 : i32
      %add3A_4282 = arith.constant 13 : i32
      %add3A_4283 = arith.addi %add3A_4281, %add3A_4282 : i32
      %get3A_4284 = arith.index_cast %add3A_4283 : i32 to index
      %get3A_4285 = arith.constant 0 : index
      %get3A_4286 = tpu.vector_load %arg6[%get3A_4284, %get3A_4285] {strides = array<i32>} : memref<3328x16xf32, #tpu.memory_space<vmem>>, vector<16xf32>,
      %add3A_4287 = arith.addf %add3A_4277, %get3A_4286 : vector<16xf32>
      %mul3A_4288 = arith.mulf %get3A_4286, %get3A_4286 : vector<16xf32>
      %add3A_4289 = arith.addf %add3A_4279, %mul3A_4288 : vector<16xf32>
      %add3A_4290 = arith.constant 384 : i32
      %add3A_4291 = arith.addi %add3A_4290, %mul3A_684 : i32
      %add3A_4292 = arith.constant 13 : i32
      %add3A_4293 = arith.addi %add3A_4291, %add3A_4292 : i32
      %get3A_4294 = arith.index_cast %add3A_4293 : i32 to index
      %get3A_4295 = arith.constant 0 : index
      %get3A_4296 = tpu.vector_load %arg6[%get3A_4294, %get3A_4295] {strides = array<i32>} : memref<3328x16xf32, #tpu.memory_space<vmem>>, vector<16xf32>,
      %add3A_4297 = arith.addf %add3A_4287, %get3A_4296 : vector<16xf32>
      %mul3A_4298 = arith.mulf %get3A_4296, %get3A_4296 : vector<16xf32>
      %add3A_4299 = arith.addf %add3A_4289, %mul3A_4298 : vector<16xf32>
      %add3A_4300 = arith.constant 512 : i32
      %add3A_4301 = arith.addi %add3A_4300, %mul3A_684 : i32
      %add3A_4302 = arith.constant 13 : i32
      %add3A_4303 = arith.addi %add3A_4301, %add3A_4302 : i32
      %get3A_4304 = arith.index_cast %add3A_4303 : i32 to index
      %get3A_4305 = arith.constant 0 : index
      %get3A_4306 = tpu.vector_load %arg6[%get3A_4304, %get3A_4305] {strides = array<i32>} : memref<3328x16xf32, #tpu.memory_space<vmem>>, vector<16xf32>,
      %add3A_4307 = arith.addf %add3A_4297, %get3A_4306 : vector<16xf32>
      %mul3A_4308 = arith.mulf %get3A_4306, %get3A_4306 : vector<16xf32>
      %add3A_4309 = arith.addf %add3A_4299, %mul3A_4308 : vector<16xf32>
      %add3A_4310 = arith.constant 640 : i32
      %add3A_4311 = arith.addi %add3A_4310, %mul3A_684 : i32
      %add3A_4312 = arith.constant 13 : i32
      %add3A_4313 = arith.addi %add3A_4311, %add3A_4312 : i32
      %get3A_4314 = arith.index_cast %add3A_4313 : i32 to index
      %get3A_4315 = arith.constant 0 : index
      %get3A_4316 = tpu.vector_load %arg6[%get3A_4314, %get3A_4315] {strides = array<i32>} : memref<3328x16xf32, #tpu.memory_space<vmem>>, vector<16xf32>,
      %add3A_4317 = arith.addf %add3A_4307, %get3A_4316 : vector<16xf32>
      %mul3A_4318 = arith.mulf %get3A_4316, %get3A_4316 : vector<16xf32>
      %add3A_4319 = arith.addf %add3A_4309, %mul3A_4318 : vector<16xf32>
      %add3A_4320 = arith.constant 768 : i32
      %add3A_4321 = arith.addi %add3A_4320, %mul3A_684 : i32
      %add3A_4322 = arith.constant 13 : i32
      %add3A_4323 = arith.addi %add3A_4321, %add3A_4322 : i32
      %get3A_4324 = arith.index_cast %add3A_4323 : i32 to index
      %get3A_4325 = arith.constant 0 : index
      %get3A_4326 = tpu.vector_load %arg6[%get3A_4324, %get3A_4325] {strides = array<i32>} : memref<3328x16xf32, #tpu.memory_space<vmem>>, vector<16xf32>,
      %add3A_4327 = arith.addf %add3A_4317, %get3A_4326 : vector<16xf32>
      %mul3A_4328 = arith.mulf %get3A_4326, %get3A_4326 : vector<16xf32>
      %add3A_4329 = arith.addf %add3A_4319, %mul3A_4328 : vector<16xf32>
      %add3A_4330 = arith.constant 896 : i32
      %add3A_4331 = arith.addi %add3A_4330, %mul3A_684 : i32
      %add3A_4332 = arith.constant 13 : i32
      %add3A_4333 = arith.addi %add3A_4331, %add3A_4332 : i32
      %get3A_4334 = arith.index_cast %add3A_4333 : i32 to index
      %get3A_4335 = arith.constant 0 : index
      %get3A_4336 = tpu.vector_load %arg6[%get3A_4334, %get3A_4335] {strides = array<i32>} : memref<3328x16xf32, #tpu.memory_space<vmem>>, vector<16xf32>,
      %add3A_4337 = arith.addf %add3A_4327, %get3A_4336 : vector<16xf32>
      %mul3A_4338 = arith.mulf %get3A_4336, %get3A_4336 : vector<16xf32>
      %add3A_4339 = arith.addf %add3A_4329, %mul3A_4338 : vector<16xf32>
      %add3A_4340 = arith.constant 1024 : i32
      %add3A_4341 = arith.addi %add3A_4340, %mul3A_684 : i32
      %add3A_4342 = arith.constant 13 : i32
      %add3A_4343 = arith.addi %add3A_4341, %add3A_4342 : i32
      %get3A_4344 = arith.index_cast %add3A_4343 : i32 to index
      %get3A_4345 = arith.constant 0 : index
      %get3A_4346 = tpu.vector_load %arg6[%get3A_4344, %get3A_4345] {strides = array<i32>} : memref<3328x16xf32, #tpu.memory_space<vmem>>, vector<16xf32>,
      %add3A_4347 = arith.addf %add3A_4337, %get3A_4346 : vector<16xf32>
      %mul3A_4348 = arith.mulf %get3A_4346, %get3A_4346 : vector<16xf32>
      %add3A_4349 = arith.addf %add3A_4339, %mul3A_4348 : vector<16xf32>
      %add3A_4350 = arith.constant 1152 : i32
      %add3A_4351 = arith.addi %add3A_4350, %mul3A_684 : i32
      %add3A_4352 = arith.constant 13 : i32
      %add3A_4353 = arith.addi %add3A_4351, %add3A_4352 : i32
      %get3A_4354 = arith.index_cast %add3A_4353 : i32 to index
      %get3A_4355 = arith.constant 0 : index
      %get3A_4356 = tpu.vector_load %arg6[%get3A_4354, %get3A_4355] {strides = array<i32>} : memref<3328x16xf32, #tpu.memory_space<vmem>>, vector<16xf32>,
      %add3A_4357 = arith.addf %add3A_4347, %get3A_4356 : vector<16xf32>
      %mul3A_4358 = arith.mulf %get3A_4356, %get3A_4356 : vector<16xf32>
      %add3A_4359 = arith.addf %add3A_4349, %mul3A_4358 : vector<16xf32>
      %add3A_4360 = arith.constant 1280 : i32
      %add3A_4361 = arith.addi %add3A_4360, %mul3A_684 : i32
      %add3A_4362 = arith.constant 13 : i32
      %add3A_4363 = arith.addi %add3A_4361, %add3A_4362 : i32
      %get3A_4364 = arith.index_cast %add3A_4363 : i32 to index
      %get3A_4365 = arith.constant 0 : index
      %get3A_4366 = tpu.vector_load %arg6[%get3A_4364, %get3A_4365] {strides = array<i32>} : memref<3328x16xf32, #tpu.memory_space<vmem>>, vector<16xf32>,
      %add3A_4367 = arith.addf %add3A_4357, %get3A_4366 : vector<16xf32>
      %mul3A_4368 = arith.mulf %get3A_4366, %get3A_4366 : vector<16xf32>
      %add3A_4369 = arith.addf %add3A_4359, %mul3A_4368 : vector<16xf32>
      %add3A_4370 = arith.constant 1408 : i32
      %add3A_4371 = arith.addi %add3A_4370, %mul3A_684 : i32
      %add3A_4372 = arith.constant 13 : i32
      %add3A_4373 = arith.addi %add3A_4371, %add3A_4372 : i32
      %get3A_4374 = arith.index_cast %add3A_4373 : i32 to index
      %get3A_4375 = arith.constant 0 : index
      %get3A_4376 = tpu.vector_load %arg6[%get3A_4374, %get3A_4375] {strides = array<i32>} : memref<3328x16xf32, #tpu.memory_space<vmem>>, vector<16xf32>,
      %add3A_4377 = arith.addf %add3A_4367, %get3A_4376 : vector<16xf32>
      %mul3A_4378 = arith.mulf %get3A_4376, %get3A_4376 : vector<16xf32>
      %add3A_4379 = arith.addf %add3A_4369, %mul3A_4378 : vector<16xf32>
      %add3A_4380 = arith.constant 1536 : i32
      %add3A_4381 = arith.addi %add3A_4380, %mul3A_684 : i32
      %add3A_4382 = arith.constant 13 : i32
      %add3A_4383 = arith.addi %add3A_4381, %add3A_4382 : i32
      %get3A_4384 = arith.index_cast %add3A_4383 : i32 to index
      %get3A_4385 = arith.constant 0 : index
      %get3A_4386 = tpu.vector_load %arg6[%get3A_4384, %get3A_4385] {strides = array<i32>} : memref<3328x16xf32, #tpu.memory_space<vmem>>, vector<16xf32>,
      %add3A_4387 = arith.addf %add3A_4377, %get3A_4386 : vector<16xf32>
      %mul3A_4388 = arith.mulf %get3A_4386, %get3A_4386 : vector<16xf32>
      %add3A_4389 = arith.addf %add3A_4379, %mul3A_4388 : vector<16xf32>
      %add3A_4390 = arith.constant 1664 : i32
      %add3A_4391 = arith.addi %add3A_4390, %mul3A_684 : i32
      %add3A_4392 = arith.constant 13 : i32
      %add3A_4393 = arith.addi %add3A_4391, %add3A_4392 : i32
      %get3A_4394 = arith.index_cast %add3A_4393 : i32 to index
      %get3A_4395 = arith.constant 0 : index
      %get3A_4396 = tpu.vector_load %arg6[%get3A_4394, %get3A_4395] {strides = array<i32>} : memref<3328x16xf32, #tpu.memory_space<vmem>>, vector<16xf32>,
      %add3A_4397 = arith.addf %add3A_4387, %get3A_4396 : vector<16xf32>
      %mul3A_4398 = arith.mulf %get3A_4396, %get3A_4396 : vector<16xf32>
      %add3A_4399 = arith.addf %add3A_4389, %mul3A_4398 : vector<16xf32>
      %add3A_4400 = arith.constant 1792 : i32
      %add3A_4401 = arith.addi %add3A_4400, %mul3A_684 : i32
      %add3A_4402 = arith.constant 13 : i32
      %add3A_4403 = arith.addi %add3A_4401, %add3A_4402 : i32
      %get3A_4404 = arith.index_cast %add3A_4403 : i32 to index
      %get3A_4405 = arith.constant 0 : index
      %get3A_4406 = tpu.vector_load %arg6[%get3A_4404, %get3A_4405] {strides = array<i32>} : memref<3328x16xf32, #tpu.memory_space<vmem>>, vector<16xf32>,
      %add3A_4407 = arith.addf %add3A_4397, %get3A_4406 : vector<16xf32>
      %mul3A_4408 = arith.mulf %get3A_4406, %get3A_4406 : vector<16xf32>
      %add3A_4409 = arith.addf %add3A_4399, %mul3A_4408 : vector<16xf32>
      %add3A_4410 = arith.constant 1920 : i32
      %add3A_4411 = arith.addi %add3A_4410, %mul3A_684 : i32
      %add3A_4412 = arith.constant 13 : i32
      %add3A_4413 = arith.addi %add3A_4411, %add3A_4412 : i32
      %get3A_4414 = arith.index_cast %add3A_4413 : i32 to index
      %get3A_4415 = arith.constant 0 : index
      %get3A_4416 = tpu.vector_load %arg6[%get3A_4414, %get3A_4415] {strides = array<i32>} : memref<3328x16xf32, #tpu.memory_space<vmem>>, vector<16xf32>,
      %add3A_4417 = arith.addf %add3A_4407, %get3A_4416 : vector<16xf32>
      %mul3A_4418 = arith.mulf %get3A_4416, %get3A_4416 : vector<16xf32>
      %add3A_4419 = arith.addf %add3A_4409, %mul3A_4418 : vector<16xf32>
      %add3A_4420 = arith.constant 2048 : i32
      %add3A_4421 = arith.addi %add3A_4420, %mul3A_684 : i32
      %add3A_4422 = arith.constant 13 : i32
      %add3A_4423 = arith.addi %add3A_4421, %add3A_4422 : i32
      %get3A_4424 = arith.index_cast %add3A_4423 : i32 to index
      %get3A_4425 = arith.constant 0 : index
      %get3A_4426 = tpu.vector_load %arg6[%get3A_4424, %get3A_4425] {strides = array<i32>} : memref<3328x16xf32, #tpu.memory_space<vmem>>, vector<16xf32>,
      %add3A_4427 = arith.addf %add3A_4417, %get3A_4426 : vector<16xf32>
      %mul3A_4428 = arith.mulf %get3A_4426, %get3A_4426 : vector<16xf32>
      %add3A_4429 = arith.addf %add3A_4419, %mul3A_4428 : vector<16xf32>
      %add3A_4430 = arith.constant 2176 : i32
      %add3A_4431 = arith.addi %add3A_4430, %mul3A_684 : i32
      %add3A_4432 = arith.constant 13 : i32
      %add3A_4433 = arith.addi %add3A_4431, %add3A_4432 : i32
      %get3A_4434 = arith.index_cast %add3A_4433 : i32 to index
      %get3A_4435 = arith.constant 0 : index
      %get3A_4436 = tpu.vector_load %arg6[%get3A_4434, %get3A_4435] {strides = array<i32>} : memref<3328x16xf32, #tpu.memory_space<vmem>>, vector<16xf32>,
      %add3A_4437 = arith.addf %add3A_4427, %get3A_4436 : vector<16xf32>
      %mul3A_4438 = arith.mulf %get3A_4436, %get3A_4436 : vector<16xf32>
      %add3A_4439 = arith.addf %add3A_4429, %mul3A_4438 : vector<16xf32>
      %add3A_4440 = arith.constant 2304 : i32
      %add3A_4441 = arith.addi %add3A_4440, %mul3A_684 : i32
      %add3A_4442 = arith.constant 13 : i32
      %add3A_4443 = arith.addi %add3A_4441, %add3A_4442 : i32
      %get3A_4444 = arith.index_cast %add3A_4443 : i32 to index
      %get3A_4445 = arith.constant 0 : index
      %get3A_4446 = tpu.vector_load %arg6[%get3A_4444, %get3A_4445] {strides = array<i32>} : memref<3328x16xf32, #tpu.memory_space<vmem>>, vector<16xf32>,
      %add3A_4447 = arith.addf %add3A_4437, %get3A_4446 : vector<16xf32>
      %mul3A_4448 = arith.mulf %get3A_4446, %get3A_4446 : vector<16xf32>
      %add3A_4449 = arith.addf %add3A_4439, %mul3A_4448 : vector<16xf32>
      %add3A_4450 = arith.constant 2432 : i32
      %add3A_4451 = arith.addi %add3A_4450, %mul3A_684 : i32
      %add3A_4452 = arith.constant 13 : i32
      %add3A_4453 = arith.addi %add3A_4451, %add3A_4452 : i32
      %get3A_4454 = arith.index_cast %add3A_4453 : i32 to index
      %get3A_4455 = arith.constant 0 : index
      %get3A_4456 = tpu.vector_load %arg6[%get3A_4454, %get3A_4455] {strides = array<i32>} : memref<3328x16xf32, #tpu.memory_space<vmem>>, vector<16xf32>,
      %add3A_4457 = arith.addf %add3A_4447, %get3A_4456 : vector<16xf32>
      %mul3A_4458 = arith.mulf %get3A_4456, %get3A_4456 : vector<16xf32>
      %add3A_4459 = arith.addf %add3A_4449, %mul3A_4458 : vector<16xf32>
      %add3A_4460 = arith.constant 2560 : i32
      %add3A_4461 = arith.addi %add3A_4460, %mul3A_684 : i32
      %add3A_4462 = arith.constant 13 : i32
      %add3A_4463 = arith.addi %add3A_4461, %add3A_4462 : i32
      %get3A_4464 = arith.index_cast %add3A_4463 : i32 to index
      %get3A_4465 = arith.constant 0 : index
      %get3A_4466 = tpu.vector_load %arg6[%get3A_4464, %get3A_4465] {strides = array<i32>} : memref<3328x16xf32, #tpu.memory_space<vmem>>, vector<16xf32>,
      %add3A_4467 = arith.addf %add3A_4457, %get3A_4466 : vector<16xf32>
      %mul3A_4468 = arith.mulf %get3A_4466, %get3A_4466 : vector<16xf32>
      %add3A_4469 = arith.addf %add3A_4459, %mul3A_4468 : vector<16xf32>
      %add3A_4470 = arith.constant 2688 : i32
      %add3A_4471 = arith.addi %add3A_4470, %mul3A_684 : i32
      %add3A_4472 = arith.constant 13 : i32
      %add3A_4473 = arith.addi %add3A_4471, %add3A_4472 : i32
      %get3A_4474 = arith.index_cast %add3A_4473 : i32 to index
      %get3A_4475 = arith.constant 0 : index
      %get3A_4476 = tpu.vector_load %arg6[%get3A_4474, %get3A_4475] {strides = array<i32>} : memref<3328x16xf32, #tpu.memory_space<vmem>>, vector<16xf32>,
      %add3A_4477 = arith.addf %add3A_4467, %get3A_4476 : vector<16xf32>
      %mul3A_4478 = arith.mulf %get3A_4476, %get3A_4476 : vector<16xf32>
      %add3A_4479 = arith.addf %add3A_4469, %mul3A_4478 : vector<16xf32>
      %add3A_4480 = arith.constant 2816 : i32
      %add3A_4481 = arith.addi %add3A_4480, %mul3A_684 : i32
      %add3A_4482 = arith.constant 13 : i32
      %add3A_4483 = arith.addi %add3A_4481, %add3A_4482 : i32
      %get3A_4484 = arith.index_cast %add3A_4483 : i32 to index
      %get3A_4485 = arith.constant 0 : index
      %get3A_4486 = tpu.vector_load %arg6[%get3A_4484, %get3A_4485] {strides = array<i32>} : memref<3328x16xf32, #tpu.memory_space<vmem>>, vector<16xf32>,
      %add3A_4487 = arith.addf %add3A_4477, %get3A_4486 : vector<16xf32>
      %mul3A_4488 = arith.mulf %get3A_4486, %get3A_4486 : vector<16xf32>
      %add3A_4489 = arith.addf %add3A_4479, %mul3A_4488 : vector<16xf32>
      %add3A_4490 = arith.constant 2944 : i32
      %add3A_4491 = arith.addi %add3A_4490, %mul3A_684 : i32
      %add3A_4492 = arith.constant 13 : i32
      %add3A_4493 = arith.addi %add3A_4491, %add3A_4492 : i32
      %get3A_4494 = arith.index_cast %add3A_4493 : i32 to index
      %get3A_4495 = arith.constant 0 : index
      %get3A_4496 = tpu.vector_load %arg6[%get3A_4494, %get3A_4495] {strides = array<i32>} : memref<3328x16xf32, #tpu.memory_space<vmem>>, vector<16xf32>,
      %add3A_4497 = arith.addf %add3A_4487, %get3A_4496 : vector<16xf32>
      %mul3A_4498 = arith.mulf %get3A_4496, %get3A_4496 : vector<16xf32>
      %add3A_4499 = arith.addf %add3A_4489, %mul3A_4498 : vector<16xf32>
      %add3A_4500 = arith.constant 3072 : i32
      %add3A_4501 = arith.addi %add3A_4500, %mul3A_684 : i32
      %add3A_4502 = arith.constant 13 : i32
      %add3A_4503 = arith.addi %add3A_4501, %add3A_4502 : i32
      %get3A_4504 = arith.index_cast %add3A_4503 : i32 to index
      %get3A_4505 = arith.constant 0 : index
      %get3A_4506 = tpu.vector_load %arg6[%get3A_4504, %get3A_4505] {strides = array<i32>} : memref<3328x16xf32, #tpu.memory_space<vmem>>, vector<16xf32>,
      %add3A_4507 = arith.addf %add3A_4497, %get3A_4506 : vector<16xf32>
      %mul3A_4508 = arith.mulf %get3A_4506, %get3A_4506 : vector<16xf32>
      %add3A_4509 = arith.addf %add3A_4499, %mul3A_4508 : vector<16xf32>
      %add3A_4510 = arith.constant 3200 : i32
      %add3A_4511 = arith.addi %add3A_4510, %mul3A_684 : i32
      %add3A_4512 = arith.constant 13 : i32
      %add3A_4513 = arith.addi %add3A_4511, %add3A_4512 : i32
      %get3A_4514 = arith.index_cast %add3A_4513 : i32 to index
      %get3A_4515 = arith.constant 0 : index
      %get3A_4516 = tpu.vector_load %arg6[%get3A_4514, %get3A_4515] {strides = array<i32>} : memref<3328x16xf32, #tpu.memory_space<vmem>>, vector<16xf32>,
      %add3A_4517 = arith.addf %add3A_4507, %get3A_4516 : vector<16xf32>
      %mul3A_4518 = arith.mulf %get3A_4516, %get3A_4516 : vector<16xf32>
      %add3A_4519 = arith.addf %add3A_4509, %mul3A_4518 : vector<16xf32>
      %mul3A_4520 = arith.mulf %add3A_4517, %add3A_4517 : vector<16xf32>
      %sub3A_4521 = arith.subf %mul3A_4520, %add3A_4519 : vector<16xf32>
      %reduce_sum3A_4522 = arith.constant true
      %reduce_sum3A_4523 = vector.broadcast %reduce_sum3A_4522 : i1 to vector<16xi1>
      %reduce_sum3A_4524 = tpu.scan <sum>, %sub3A_4521 masked %reduce_sum3A_4523 : vector<16xf32>, vector<16xi1> -> vector<16xf32>
      %reduce_sum3A_4525 = vector.extract %reduce_sum3A_4524[15] : f32 from vector<16xf32>
      %eq3A_4526 = arith.constant 13 : i32
      %eq3A_4527 = vector.broadcast %eq3A_4526 : i32 to vector<16xi32>
      %eq3A_4528 = arith.cmpi eq, %iota3A, %eq3A_4527 : vector<16xi32>
      %broadcast_in_dim3A_4529 = vector.broadcast %reduce_sum3A_4525 : f32 to vector<16xf32>
      %select_n3A_4530 = arith.select %eq3A_4528, %broadcast_in_dim3A_4529, %select_n3A_4255 : vector<16xi1>, vector<16xf32>
      %broadcast_in_dim3A_4531 = arith.constant 0.000000e+00 : f32
      %broadcast_in_dim3A_4532 = vector.broadcast %broadcast_in_dim3A_4531 : f32 to vector<16xf32>
      %broadcast_in_dim3A_4533 = arith.constant 0.000000e+00 : f32
      %broadcast_in_dim3A_4534 = vector.broadcast %broadcast_in_dim3A_4533 : f32 to vector<16xf32>
      %add3A_4535 = arith.constant 0 : i32
      %add3A_4536 = arith.addi %add3A_4535, %mul3A_684 : i32
      %add3A_4537 = arith.constant 14 : i32
      %add3A_4538 = arith.addi %add3A_4536, %add3A_4537 : i32
      %get3A_4539 = arith.index_cast %add3A_4538 : i32 to index
      %get3A_4540 = arith.constant 0 : index
      %get3A_4541 = tpu.vector_load %arg6[%get3A_4539, %get3A_4540] {strides = array<i32>} : memref<3328x16xf32, #tpu.memory_space<vmem>>, vector<16xf32>,
      %add3A_4542 = arith.addf %broadcast_in_dim3A_4532, %get3A_4541 : vector<16xf32>
      %mul3A_4543 = arith.mulf %get3A_4541, %get3A_4541 : vector<16xf32>
      %add3A_4544 = arith.addf %broadcast_in_dim3A_4534, %mul3A_4543 : vector<16xf32>
      %add3A_4545 = arith.constant 128 : i32
      %add3A_4546 = arith.addi %add3A_4545, %mul3A_684 : i32
      %add3A_4547 = arith.constant 14 : i32
      %add3A_4548 = arith.addi %add3A_4546, %add3A_4547 : i32
      %get3A_4549 = arith.index_cast %add3A_4548 : i32 to index
      %get3A_4550 = arith.constant 0 : index
      %get3A_4551 = tpu.vector_load %arg6[%get3A_4549, %get3A_4550] {strides = array<i32>} : memref<3328x16xf32, #tpu.memory_space<vmem>>, vector<16xf32>,
      %add3A_4552 = arith.addf %add3A_4542, %get3A_4551 : vector<16xf32>
      %mul3A_4553 = arith.mulf %get3A_4551, %get3A_4551 : vector<16xf32>
      %add3A_4554 = arith.addf %add3A_4544, %mul3A_4553 : vector<16xf32>
      %add3A_4555 = arith.constant 256 : i32
      %add3A_4556 = arith.addi %add3A_4555, %mul3A_684 : i32
      %add3A_4557 = arith.constant 14 : i32
      %add3A_4558 = arith.addi %add3A_4556, %add3A_4557 : i32
      %get3A_4559 = arith.index_cast %add3A_4558 : i32 to index
      %get3A_4560 = arith.constant 0 : index
      %get3A_4561 = tpu.vector_load %arg6[%get3A_4559, %get3A_4560] {strides = array<i32>} : memref<3328x16xf32, #tpu.memory_space<vmem>>, vector<16xf32>,
      %add3A_4562 = arith.addf %add3A_4552, %get3A_4561 : vector<16xf32>
      %mul3A_4563 = arith.mulf %get3A_4561, %get3A_4561 : vector<16xf32>
      %add3A_4564 = arith.addf %add3A_4554, %mul3A_4563 : vector<16xf32>
      %add3A_4565 = arith.constant 384 : i32
      %add3A_4566 = arith.addi %add3A_4565, %mul3A_684 : i32
      %add3A_4567 = arith.constant 14 : i32
      %add3A_4568 = arith.addi %add3A_4566, %add3A_4567 : i32
      %get3A_4569 = arith.index_cast %add3A_4568 : i32 to index
      %get3A_4570 = arith.constant 0 : index
      %get3A_4571 = tpu.vector_load %arg6[%get3A_4569, %get3A_4570] {strides = array<i32>} : memref<3328x16xf32, #tpu.memory_space<vmem>>, vector<16xf32>,
      %add3A_4572 = arith.addf %add3A_4562, %get3A_4571 : vector<16xf32>
      %mul3A_4573 = arith.mulf %get3A_4571, %get3A_4571 : vector<16xf32>
      %add3A_4574 = arith.addf %add3A_4564, %mul3A_4573 : vector<16xf32>
      %add3A_4575 = arith.constant 512 : i32
      %add3A_4576 = arith.addi %add3A_4575, %mul3A_684 : i32
      %add3A_4577 = arith.constant 14 : i32
      %add3A_4578 = arith.addi %add3A_4576, %add3A_4577 : i32
      %get3A_4579 = arith.index_cast %add3A_4578 : i32 to index
      %get3A_4580 = arith.constant 0 : index
      %get3A_4581 = tpu.vector_load %arg6[%get3A_4579, %get3A_4580] {strides = array<i32>} : memref<3328x16xf32, #tpu.memory_space<vmem>>, vector<16xf32>,
      %add3A_4582 = arith.addf %add3A_4572, %get3A_4581 : vector<16xf32>
      %mul3A_4583 = arith.mulf %get3A_4581, %get3A_4581 : vector<16xf32>
      %add3A_4584 = arith.addf %add3A_4574, %mul3A_4583 : vector<16xf32>
      %add3A_4585 = arith.constant 640 : i32
      %add3A_4586 = arith.addi %add3A_4585, %mul3A_684 : i32
      %add3A_4587 = arith.constant 14 : i32
      %add3A_4588 = arith.addi %add3A_4586, %add3A_4587 : i32
      %get3A_4589 = arith.index_cast %add3A_4588 : i32 to index
      %get3A_4590 = arith.constant 0 : index
      %get3A_4591 = tpu.vector_load %arg6[%get3A_4589, %get3A_4590] {strides = array<i32>} : memref<3328x16xf32, #tpu.memory_space<vmem>>, vector<16xf32>,
      %add3A_4592 = arith.addf %add3A_4582, %get3A_4591 : vector<16xf32>
      %mul3A_4593 = arith.mulf %get3A_4591, %get3A_4591 : vector<16xf32>
      %add3A_4594 = arith.addf %add3A_4584, %mul3A_4593 : vector<16xf32>
      %add3A_4595 = arith.constant 768 : i32
      %add3A_4596 = arith.addi %add3A_4595, %mul3A_684 : i32
      %add3A_4597 = arith.constant 14 : i32
      %add3A_4598 = arith.addi %add3A_4596, %add3A_4597 : i32
      %get3A_4599 = arith.index_cast %add3A_4598 : i32 to index
      %get3A_4600 = arith.constant 0 : index
      %get3A_4601 = tpu.vector_load %arg6[%get3A_4599, %get3A_4600] {strides = array<i32>} : memref<3328x16xf32, #tpu.memory_space<vmem>>, vector<16xf32>,
      %add3A_4602 = arith.addf %add3A_4592, %get3A_4601 : vector<16xf32>
      %mul3A_4603 = arith.mulf %get3A_4601, %get3A_4601 : vector<16xf32>
      %add3A_4604 = arith.addf %add3A_4594, %mul3A_4603 : vector<16xf32>
      %add3A_4605 = arith.constant 896 : i32
      %add3A_4606 = arith.addi %add3A_4605, %mul3A_684 : i32
      %add3A_4607 = arith.constant 14 : i32
      %add3A_4608 = arith.addi %add3A_4606, %add3A_4607 : i32
      %get3A_4609 = arith.index_cast %add3A_4608 : i32 to index
      %get3A_4610 = arith.constant 0 : index
      %get3A_4611 = tpu.vector_load %arg6[%get3A_4609, %get3A_4610] {strides = array<i32>} : memref<3328x16xf32, #tpu.memory_space<vmem>>, vector<16xf32>,
      %add3A_4612 = arith.addf %add3A_4602, %get3A_4611 : vector<16xf32>
      %mul3A_4613 = arith.mulf %get3A_4611, %get3A_4611 : vector<16xf32>
      %add3A_4614 = arith.addf %add3A_4604, %mul3A_4613 : vector<16xf32>
      %add3A_4615 = arith.constant 1024 : i32
      %add3A_4616 = arith.addi %add3A_4615, %mul3A_684 : i32
      %add3A_4617 = arith.constant 14 : i32
      %add3A_4618 = arith.addi %add3A_4616, %add3A_4617 : i32
      %get3A_4619 = arith.index_cast %add3A_4618 : i32 to index
      %get3A_4620 = arith.constant 0 : index
      %get3A_4621 = tpu.vector_load %arg6[%get3A_4619, %get3A_4620] {strides = array<i32>} : memref<3328x16xf32, #tpu.memory_space<vmem>>, vector<16xf32>,
      %add3A_4622 = arith.addf %add3A_4612, %get3A_4621 : vector<16xf32>
      %mul3A_4623 = arith.mulf %get3A_4621, %get3A_4621 : vector<16xf32>
      %add3A_4624 = arith.addf %add3A_4614, %mul3A_4623 : vector<16xf32>
      %add3A_4625 = arith.constant 1152 : i32
      %add3A_4626 = arith.addi %add3A_4625, %mul3A_684 : i32
      %add3A_4627 = arith.constant 14 : i32
      %add3A_4628 = arith.addi %add3A_4626, %add3A_4627 : i32
      %get3A_4629 = arith.index_cast %add3A_4628 : i32 to index
      %get3A_4630 = arith.constant 0 : index
      %get3A_4631 = tpu.vector_load %arg6[%get3A_4629, %get3A_4630] {strides = array<i32>} : memref<3328x16xf32, #tpu.memory_space<vmem>>, vector<16xf32>,
      %add3A_4632 = arith.addf %add3A_4622, %get3A_4631 : vector<16xf32>
      %mul3A_4633 = arith.mulf %get3A_4631, %get3A_4631 : vector<16xf32>
      %add3A_4634 = arith.addf %add3A_4624, %mul3A_4633 : vector<16xf32>
      %add3A_4635 = arith.constant 1280 : i32
      %add3A_4636 = arith.addi %add3A_4635, %mul3A_684 : i32
      %add3A_4637 = arith.constant 14 : i32
      %add3A_4638 = arith.addi %add3A_4636, %add3A_4637 : i32
      %get3A_4639 = arith.index_cast %add3A_4638 : i32 to index
      %get3A_4640 = arith.constant 0 : index
      %get3A_4641 = tpu.vector_load %arg6[%get3A_4639, %get3A_4640] {strides = array<i32>} : memref<3328x16xf32, #tpu.memory_space<vmem>>, vector<16xf32>,
      %add3A_4642 = arith.addf %add3A_4632, %get3A_4641 : vector<16xf32>
      %mul3A_4643 = arith.mulf %get3A_4641, %get3A_4641 : vector<16xf32>
      %add3A_4644 = arith.addf %add3A_4634, %mul3A_4643 : vector<16xf32>
      %add3A_4645 = arith.constant 1408 : i32
      %add3A_4646 = arith.addi %add3A_4645, %mul3A_684 : i32
      %add3A_4647 = arith.constant 14 : i32
      %add3A_4648 = arith.addi %add3A_4646, %add3A_4647 : i32
      %get3A_4649 = arith.index_cast %add3A_4648 : i32 to index
      %get3A_4650 = arith.constant 0 : index
      %get3A_4651 = tpu.vector_load %arg6[%get3A_4649, %get3A_4650] {strides = array<i32>} : memref<3328x16xf32, #tpu.memory_space<vmem>>, vector<16xf32>,
      %add3A_4652 = arith.addf %add3A_4642, %get3A_4651 : vector<16xf32>
      %mul3A_4653 = arith.mulf %get3A_4651, %get3A_4651 : vector<16xf32>
      %add3A_4654 = arith.addf %add3A_4644, %mul3A_4653 : vector<16xf32>
      %add3A_4655 = arith.constant 1536 : i32
      %add3A_4656 = arith.addi %add3A_4655, %mul3A_684 : i32
      %add3A_4657 = arith.constant 14 : i32
      %add3A_4658 = arith.addi %add3A_4656, %add3A_4657 : i32
      %get3A_4659 = arith.index_cast %add3A_4658 : i32 to index
      %get3A_4660 = arith.constant 0 : index
      %get3A_4661 = tpu.vector_load %arg6[%get3A_4659, %get3A_4660] {strides = array<i32>} : memref<3328x16xf32, #tpu.memory_space<vmem>>, vector<16xf32>,
      %add3A_4662 = arith.addf %add3A_4652, %get3A_4661 : vector<16xf32>
      %mul3A_4663 = arith.mulf %get3A_4661, %get3A_4661 : vector<16xf32>
      %add3A_4664 = arith.addf %add3A_4654, %mul3A_4663 : vector<16xf32>
      %add3A_4665 = arith.constant 1664 : i32
      %add3A_4666 = arith.addi %add3A_4665, %mul3A_684 : i32
      %add3A_4667 = arith.constant 14 : i32
      %add3A_4668 = arith.addi %add3A_4666, %add3A_4667 : i32
      %get3A_4669 = arith.index_cast %add3A_4668 : i32 to index
      %get3A_4670 = arith.constant 0 : index
      %get3A_4671 = tpu.vector_load %arg6[%get3A_4669, %get3A_4670] {strides = array<i32>} : memref<3328x16xf32, #tpu.memory_space<vmem>>, vector<16xf32>,
      %add3A_4672 = arith.addf %add3A_4662, %get3A_4671 : vector<16xf32>
      %mul3A_4673 = arith.mulf %get3A_4671, %get3A_4671 : vector<16xf32>
      %add3A_4674 = arith.addf %add3A_4664, %mul3A_4673 : vector<16xf32>
      %add3A_4675 = arith.constant 1792 : i32
      %add3A_4676 = arith.addi %add3A_4675, %mul3A_684 : i32
      %add3A_4677 = arith.constant 14 : i32
      %add3A_4678 = arith.addi %add3A_4676, %add3A_4677 : i32
      %get3A_4679 = arith.index_cast %add3A_4678 : i32 to index
      %get3A_4680 = arith.constant 0 : index
      %get3A_4681 = tpu.vector_load %arg6[%get3A_4679, %get3A_4680] {strides = array<i32>} : memref<3328x16xf32, #tpu.memory_space<vmem>>, vector<16xf32>,
      %add3A_4682 = arith.addf %add3A_4672, %get3A_4681 : vector<16xf32>
      %mul3A_4683 = arith.mulf %get3A_4681, %get3A_4681 : vector<16xf32>
      %add3A_4684 = arith.addf %add3A_4674, %mul3A_4683 : vector<16xf32>
      %add3A_4685 = arith.constant 1920 : i32
      %add3A_4686 = arith.addi %add3A_4685, %mul3A_684 : i32
      %add3A_4687 = arith.constant 14 : i32
      %add3A_4688 = arith.addi %add3A_4686, %add3A_4687 : i32
      %get3A_4689 = arith.index_cast %add3A_4688 : i32 to index
      %get3A_4690 = arith.constant 0 : index
      %get3A_4691 = tpu.vector_load %arg6[%get3A_4689, %get3A_4690] {strides = array<i32>} : memref<3328x16xf32, #tpu.memory_space<vmem>>, vector<16xf32>,
      %add3A_4692 = arith.addf %add3A_4682, %get3A_4691 : vector<16xf32>
      %mul3A_4693 = arith.mulf %get3A_4691, %get3A_4691 : vector<16xf32>
      %add3A_4694 = arith.addf %add3A_4684, %mul3A_4693 : vector<16xf32>
      %add3A_4695 = arith.constant 2048 : i32
      %add3A_4696 = arith.addi %add3A_4695, %mul3A_684 : i32
      %add3A_4697 = arith.constant 14 : i32
      %add3A_4698 = arith.addi %add3A_4696, %add3A_4697 : i32
      %get3A_4699 = arith.index_cast %add3A_4698 : i32 to index
      %get3A_4700 = arith.constant 0 : index
      %get3A_4701 = tpu.vector_load %arg6[%get3A_4699, %get3A_4700] {strides = array<i32>} : memref<3328x16xf32, #tpu.memory_space<vmem>>, vector<16xf32>,
      %add3A_4702 = arith.addf %add3A_4692, %get3A_4701 : vector<16xf32>
      %mul3A_4703 = arith.mulf %get3A_4701, %get3A_4701 : vector<16xf32>
      %add3A_4704 = arith.addf %add3A_4694, %mul3A_4703 : vector<16xf32>
      %add3A_4705 = arith.constant 2176 : i32
      %add3A_4706 = arith.addi %add3A_4705, %mul3A_684 : i32
      %add3A_4707 = arith.constant 14 : i32
      %add3A_4708 = arith.addi %add3A_4706, %add3A_4707 : i32
      %get3A_4709 = arith.index_cast %add3A_4708 : i32 to index
      %get3A_4710 = arith.constant 0 : index
      %get3A_4711 = tpu.vector_load %arg6[%get3A_4709, %get3A_4710] {strides = array<i32>} : memref<3328x16xf32, #tpu.memory_space<vmem>>, vector<16xf32>,
      %add3A_4712 = arith.addf %add3A_4702, %get3A_4711 : vector<16xf32>
      %mul3A_4713 = arith.mulf %get3A_4711, %get3A_4711 : vector<16xf32>
      %add3A_4714 = arith.addf %add3A_4704, %mul3A_4713 : vector<16xf32>
      %add3A_4715 = arith.constant 2304 : i32
      %add3A_4716 = arith.addi %add3A_4715, %mul3A_684 : i32
      %add3A_4717 = arith.constant 14 : i32
      %add3A_4718 = arith.addi %add3A_4716, %add3A_4717 : i32
      %get3A_4719 = arith.index_cast %add3A_4718 : i32 to index
      %get3A_4720 = arith.constant 0 : index
      %get3A_4721 = tpu.vector_load %arg6[%get3A_4719, %get3A_4720] {strides = array<i32>} : memref<3328x16xf32, #tpu.memory_space<vmem>>, vector<16xf32>,
      %add3A_4722 = arith.addf %add3A_4712, %get3A_4721 : vector<16xf32>
      %mul3A_4723 = arith.mulf %get3A_4721, %get3A_4721 : vector<16xf32>
      %add3A_4724 = arith.addf %add3A_4714, %mul3A_4723 : vector<16xf32>
      %add3A_4725 = arith.constant 2432 : i32
      %add3A_4726 = arith.addi %add3A_4725, %mul3A_684 : i32
      %add3A_4727 = arith.constant 14 : i32
      %add3A_4728 = arith.addi %add3A_4726, %add3A_4727 : i32
      %get3A_4729 = arith.index_cast %add3A_4728 : i32 to index
      %get3A_4730 = arith.constant 0 : index
      %get3A_4731 = tpu.vector_load %arg6[%get3A_4729, %get3A_4730] {strides = array<i32>} : memref<3328x16xf32, #tpu.memory_space<vmem>>, vector<16xf32>,
      %add3A_4732 = arith.addf %add3A_4722, %get3A_4731 : vector<16xf32>
      %mul3A_4733 = arith.mulf %get3A_4731, %get3A_4731 : vector<16xf32>
      %add3A_4734 = arith.addf %add3A_4724, %mul3A_4733 : vector<16xf32>
      %add3A_4735 = arith.constant 2560 : i32
      %add3A_4736 = arith.addi %add3A_4735, %mul3A_684 : i32
      %add3A_4737 = arith.constant 14 : i32
      %add3A_4738 = arith.addi %add3A_4736, %add3A_4737 : i32
      %get3A_4739 = arith.index_cast %add3A_4738 : i32 to index
      %get3A_4740 = arith.constant 0 : index
      %get3A_4741 = tpu.vector_load %arg6[%get3A_4739, %get3A_4740] {strides = array<i32>} : memref<3328x16xf32, #tpu.memory_space<vmem>>, vector<16xf32>,
      %add3A_4742 = arith.addf %add3A_4732, %get3A_4741 : vector<16xf32>
      %mul3A_4743 = arith.mulf %get3A_4741, %get3A_4741 : vector<16xf32>
      %add3A_4744 = arith.addf %add3A_4734, %mul3A_4743 : vector<16xf32>
      %add3A_4745 = arith.constant 2688 : i32
      %add3A_4746 = arith.addi %add3A_4745, %mul3A_684 : i32
      %add3A_4747 = arith.constant 14 : i32
      %add3A_4748 = arith.addi %add3A_4746, %add3A_4747 : i32
      %get3A_4749 = arith.index_cast %add3A_4748 : i32 to index
      %get3A_4750 = arith.constant 0 : index
      %get3A_4751 = tpu.vector_load %arg6[%get3A_4749, %get3A_4750] {strides = array<i32>} : memref<3328x16xf32, #tpu.memory_space<vmem>>, vector<16xf32>,
      %add3A_4752 = arith.addf %add3A_4742, %get3A_4751 : vector<16xf32>
      %mul3A_4753 = arith.mulf %get3A_4751, %get3A_4751 : vector<16xf32>
      %add3A_4754 = arith.addf %add3A_4744, %mul3A_4753 : vector<16xf32>
      %add3A_4755 = arith.constant 2816 : i32
      %add3A_4756 = arith.addi %add3A_4755, %mul3A_684 : i32
      %add3A_4757 = arith.constant 14 : i32
      %add3A_4758 = arith.addi %add3A_4756, %add3A_4757 : i32
      %get3A_4759 = arith.index_cast %add3A_4758 : i32 to index
      %get3A_4760 = arith.constant 0 : index
      %get3A_4761 = tpu.vector_load %arg6[%get3A_4759, %get3A_4760] {strides = array<i32>} : memref<3328x16xf32, #tpu.memory_space<vmem>>, vector<16xf32>,
      %add3A_4762 = arith.addf %add3A_4752, %get3A_4761 : vector<16xf32>
      %mul3A_4763 = arith.mulf %get3A_4761, %get3A_4761 : vector<16xf32>
      %add3A_4764 = arith.addf %add3A_4754, %mul3A_4763 : vector<16xf32>
      %add3A_4765 = arith.constant 2944 : i32
      %add3A_4766 = arith.addi %add3A_4765, %mul3A_684 : i32
      %add3A_4767 = arith.constant 14 : i32
      %add3A_4768 = arith.addi %add3A_4766, %add3A_4767 : i32
      %get3A_4769 = arith.index_cast %add3A_4768 : i32 to index
      %get3A_4770 = arith.constant 0 : index
      %get3A_4771 = tpu.vector_load %arg6[%get3A_4769, %get3A_4770] {strides = array<i32>} : memref<3328x16xf32, #tpu.memory_space<vmem>>, vector<16xf32>,
      %add3A_4772 = arith.addf %add3A_4762, %get3A_4771 : vector<16xf32>
      %mul3A_4773 = arith.mulf %get3A_4771, %get3A_4771 : vector<16xf32>
      %add3A_4774 = arith.addf %add3A_4764, %mul3A_4773 : vector<16xf32>
      %add3A_4775 = arith.constant 3072 : i32
      %add3A_4776 = arith.addi %add3A_4775, %mul3A_684 : i32
      %add3A_4777 = arith.constant 14 : i32
      %add3A_4778 = arith.addi %add3A_4776, %add3A_4777 : i32
      %get3A_4779 = arith.index_cast %add3A_4778 : i32 to index
      %get3A_4780 = arith.constant 0 : index
      %get3A_4781 = tpu.vector_load %arg6[%get3A_4779, %get3A_4780] {strides = array<i32>} : memref<3328x16xf32, #tpu.memory_space<vmem>>, vector<16xf32>,
      %add3A_4782 = arith.addf %add3A_4772, %get3A_4781 : vector<16xf32>
      %mul3A_4783 = arith.mulf %get3A_4781, %get3A_4781 : vector<16xf32>
      %add3A_4784 = arith.addf %add3A_4774, %mul3A_4783 : vector<16xf32>
      %add3A_4785 = arith.constant 3200 : i32
      %add3A_4786 = arith.addi %add3A_4785, %mul3A_684 : i32
      %add3A_4787 = arith.constant 14 : i32
      %add3A_4788 = arith.addi %add3A_4786, %add3A_4787 : i32
      %get3A_4789 = arith.index_cast %add3A_4788 : i32 to index
      %get3A_4790 = arith.constant 0 : index
      %get3A_4791 = tpu.vector_load %arg6[%get3A_4789, %get3A_4790] {strides = array<i32>} : memref<3328x16xf32, #tpu.memory_space<vmem>>, vector<16xf32>,
      %add3A_4792 = arith.addf %add3A_4782, %get3A_4791 : vector<16xf32>
      %mul3A_4793 = arith.mulf %get3A_4791, %get3A_4791 : vector<16xf32>
      %add3A_4794 = arith.addf %add3A_4784, %mul3A_4793 : vector<16xf32>
      %mul3A_4795 = arith.mulf %add3A_4792, %add3A_4792 : vector<16xf32>
      %sub3A_4796 = arith.subf %mul3A_4795, %add3A_4794 : vector<16xf32>
      %reduce_sum3A_4797 = arith.constant true
      %reduce_sum3A_4798 = vector.broadcast %reduce_sum3A_4797 : i1 to vector<16xi1>
      %reduce_sum3A_4799 = tpu.scan <sum>, %sub3A_4796 masked %reduce_sum3A_4798 : vector<16xf32>, vector<16xi1> -> vector<16xf32>
      %reduce_sum3A_4800 = vector.extract %reduce_sum3A_4799[15] : f32 from vector<16xf32>
      %eq3A_4801 = arith.constant 14 : i32
      %eq3A_4802 = vector.broadcast %eq3A_4801 : i32 to vector<16xi32>
      %eq3A_4803 = arith.cmpi eq, %iota3A, %eq3A_4802 : vector<16xi32>
      %broadcast_in_dim3A_4804 = vector.broadcast %reduce_sum3A_4800 : f32 to vector<16xf32>
      %select_n3A_4805 = arith.select %eq3A_4803, %broadcast_in_dim3A_4804, %select_n3A_4530 : vector<16xi1>, vector<16xf32>
      %broadcast_in_dim3A_4806 = arith.constant 0.000000e+00 : f32
      %broadcast_in_dim3A_4807 = vector.broadcast %broadcast_in_dim3A_4806 : f32 to vector<16xf32>
      %broadcast_in_dim3A_4808 = arith.constant 0.000000e+00 : f32
      %broadcast_in_dim3A_4809 = vector.broadcast %broadcast_in_dim3A_4808 : f32 to vector<16xf32>
      %add3A_4810 = arith.constant 0 : i32
      %add3A_4811 = arith.addi %add3A_4810, %mul3A_684 : i32
      %add3A_4812 = arith.constant 15 : i32
      %add3A_4813 = arith.addi %add3A_4811, %add3A_4812 : i32
      %get3A_4814 = arith.index_cast %add3A_4813 : i32 to index
      %get3A_4815 = arith.constant 0 : index
      %get3A_4816 = tpu.vector_load %arg6[%get3A_4814, %get3A_4815] {strides = array<i32>} : memref<3328x16xf32, #tpu.memory_space<vmem>>, vector<16xf32>,
      %add3A_4817 = arith.addf %broadcast_in_dim3A_4807, %get3A_4816 : vector<16xf32>
      %mul3A_4818 = arith.mulf %get3A_4816, %get3A_4816 : vector<16xf32>
      %add3A_4819 = arith.addf %broadcast_in_dim3A_4809, %mul3A_4818 : vector<16xf32>
      %add3A_4820 = arith.constant 128 : i32
      %add3A_4821 = arith.addi %add3A_4820, %mul3A_684 : i32
      %add3A_4822 = arith.constant 15 : i32
      %add3A_4823 = arith.addi %add3A_4821, %add3A_4822 : i32
      %get3A_4824 = arith.index_cast %add3A_4823 : i32 to index
      %get3A_4825 = arith.constant 0 : index
      %get3A_4826 = tpu.vector_load %arg6[%get3A_4824, %get3A_4825] {strides = array<i32>} : memref<3328x16xf32, #tpu.memory_space<vmem>>, vector<16xf32>,
      %add3A_4827 = arith.addf %add3A_4817, %get3A_4826 : vector<16xf32>
      %mul3A_4828 = arith.mulf %get3A_4826, %get3A_4826 : vector<16xf32>
      %add3A_4829 = arith.addf %add3A_4819, %mul3A_4828 : vector<16xf32>
      %add3A_4830 = arith.constant 256 : i32
      %add3A_4831 = arith.addi %add3A_4830, %mul3A_684 : i32
      %add3A_4832 = arith.constant 15 : i32
      %add3A_4833 = arith.addi %add3A_4831, %add3A_4832 : i32
      %get3A_4834 = arith.index_cast %add3A_4833 : i32 to index
      %get3A_4835 = arith.constant 0 : index
      %get3A_4836 = tpu.vector_load %arg6[%get3A_4834, %get3A_4835] {strides = array<i32>} : memref<3328x16xf32, #tpu.memory_space<vmem>>, vector<16xf32>,
      %add3A_4837 = arith.addf %add3A_4827, %get3A_4836 : vector<16xf32>
      %mul3A_4838 = arith.mulf %get3A_4836, %get3A_4836 : vector<16xf32>
      %add3A_4839 = arith.addf %add3A_4829, %mul3A_4838 : vector<16xf32>
      %add3A_4840 = arith.constant 384 : i32
      %add3A_4841 = arith.addi %add3A_4840, %mul3A_684 : i32
      %add3A_4842 = arith.constant 15 : i32
      %add3A_4843 = arith.addi %add3A_4841, %add3A_4842 : i32
      %get3A_4844 = arith.index_cast %add3A_4843 : i32 to index
      %get3A_4845 = arith.constant 0 : index
      %get3A_4846 = tpu.vector_load %arg6[%get3A_4844, %get3A_4845] {strides = array<i32>} : memref<3328x16xf32, #tpu.memory_space<vmem>>, vector<16xf32>,
      %add3A_4847 = arith.addf %add3A_4837, %get3A_4846 : vector<16xf32>
      %mul3A_4848 = arith.mulf %get3A_4846, %get3A_4846 : vector<16xf32>
      %add3A_4849 = arith.addf %add3A_4839, %mul3A_4848 : vector<16xf32>
      %add3A_4850 = arith.constant 512 : i32
      %add3A_4851 = arith.addi %add3A_4850, %mul3A_684 : i32
      %add3A_4852 = arith.constant 15 : i32
      %add3A_4853 = arith.addi %add3A_4851, %add3A_4852 : i32
      %get3A_4854 = arith.index_cast %add3A_4853 : i32 to index
      %get3A_4855 = arith.constant 0 : index
      %get3A_4856 = tpu.vector_load %arg6[%get3A_4854, %get3A_4855] {strides = array<i32>} : memref<3328x16xf32, #tpu.memory_space<vmem>>, vector<16xf32>,
      %add3A_4857 = arith.addf %add3A_4847, %get3A_4856 : vector<16xf32>
      %mul3A_4858 = arith.mulf %get3A_4856, %get3A_4856 : vector<16xf32>
      %add3A_4859 = arith.addf %add3A_4849, %mul3A_4858 : vector<16xf32>
      %add3A_4860 = arith.constant 640 : i32
      %add3A_4861 = arith.addi %add3A_4860, %mul3A_684 : i32
      %add3A_4862 = arith.constant 15 : i32
      %add3A_4863 = arith.addi %add3A_4861, %add3A_4862 : i32
      %get3A_4864 = arith.index_cast %add3A_4863 : i32 to index
      %get3A_4865 = arith.constant 0 : index
      %get3A_4866 = tpu.vector_load %arg6[%get3A_4864, %get3A_4865] {strides = array<i32>} : memref<3328x16xf32, #tpu.memory_space<vmem>>, vector<16xf32>,
      %add3A_4867 = arith.addf %add3A_4857, %get3A_4866 : vector<16xf32>
      %mul3A_4868 = arith.mulf %get3A_4866, %get3A_4866 : vector<16xf32>
      %add3A_4869 = arith.addf %add3A_4859, %mul3A_4868 : vector<16xf32>
      %add3A_4870 = arith.constant 768 : i32
      %add3A_4871 = arith.addi %add3A_4870, %mul3A_684 : i32
      %add3A_4872 = arith.constant 15 : i32
      %add3A_4873 = arith.addi %add3A_4871, %add3A_4872 : i32
      %get3A_4874 = arith.index_cast %add3A_4873 : i32 to index
      %get3A_4875 = arith.constant 0 : index
      %get3A_4876 = tpu.vector_load %arg6[%get3A_4874, %get3A_4875] {strides = array<i32>} : memref<3328x16xf32, #tpu.memory_space<vmem>>, vector<16xf32>,
      %add3A_4877 = arith.addf %add3A_4867, %get3A_4876 : vector<16xf32>
      %mul3A_4878 = arith.mulf %get3A_4876, %get3A_4876 : vector<16xf32>
      %add3A_4879 = arith.addf %add3A_4869, %mul3A_4878 : vector<16xf32>
      %add3A_4880 = arith.constant 896 : i32
      %add3A_4881 = arith.addi %add3A_4880, %mul3A_684 : i32
      %add3A_4882 = arith.constant 15 : i32
      %add3A_4883 = arith.addi %add3A_4881, %add3A_4882 : i32
      %get3A_4884 = arith.index_cast %add3A_4883 : i32 to index
      %get3A_4885 = arith.constant 0 : index
      %get3A_4886 = tpu.vector_load %arg6[%get3A_4884, %get3A_4885] {strides = array<i32>} : memref<3328x16xf32, #tpu.memory_space<vmem>>, vector<16xf32>,
      %add3A_4887 = arith.addf %add3A_4877, %get3A_4886 : vector<16xf32>
      %mul3A_4888 = arith.mulf %get3A_4886, %get3A_4886 : vector<16xf32>
      %add3A_4889 = arith.addf %add3A_4879, %mul3A_4888 : vector<16xf32>
      %add3A_4890 = arith.constant 1024 : i32
      %add3A_4891 = arith.addi %add3A_4890, %mul3A_684 : i32
      %add3A_4892 = arith.constant 15 : i32
      %add3A_4893 = arith.addi %add3A_4891, %add3A_4892 : i32
      %get3A_4894 = arith.index_cast %add3A_4893 : i32 to index
      %get3A_4895 = arith.constant 0 : index
      %get3A_4896 = tpu.vector_load %arg6[%get3A_4894, %get3A_4895] {strides = array<i32>} : memref<3328x16xf32, #tpu.memory_space<vmem>>, vector<16xf32>,
      %add3A_4897 = arith.addf %add3A_4887, %get3A_4896 : vector<16xf32>
      %mul3A_4898 = arith.mulf %get3A_4896, %get3A_4896 : vector<16xf32>
      %add3A_4899 = arith.addf %add3A_4889, %mul3A_4898 : vector<16xf32>
      %add3A_4900 = arith.constant 1152 : i32
      %add3A_4901 = arith.addi %add3A_4900, %mul3A_684 : i32
      %add3A_4902 = arith.constant 15 : i32
      %add3A_4903 = arith.addi %add3A_4901, %add3A_4902 : i32
      %get3A_4904 = arith.index_cast %add3A_4903 : i32 to index
      %get3A_4905 = arith.constant 0 : index
      %get3A_4906 = tpu.vector_load %arg6[%get3A_4904, %get3A_4905] {strides = array<i32>} : memref<3328x16xf32, #tpu.memory_space<vmem>>, vector<16xf32>,
      %add3A_4907 = arith.addf %add3A_4897, %get3A_4906 : vector<16xf32>
      %mul3A_4908 = arith.mulf %get3A_4906, %get3A_4906 : vector<16xf32>
      %add3A_4909 = arith.addf %add3A_4899, %mul3A_4908 : vector<16xf32>
      %add3A_4910 = arith.constant 1280 : i32
      %add3A_4911 = arith.addi %add3A_4910, %mul3A_684 : i32
      %add3A_4912 = arith.constant 15 : i32
      %add3A_4913 = arith.addi %add3A_4911, %add3A_4912 : i32
      %get3A_4914 = arith.index_cast %add3A_4913 : i32 to index
      %get3A_4915 = arith.constant 0 : index
      %get3A_4916 = tpu.vector_load %arg6[%get3A_4914, %get3A_4915] {strides = array<i32>} : memref<3328x16xf32, #tpu.memory_space<vmem>>, vector<16xf32>,
      %add3A_4917 = arith.addf %add3A_4907, %get3A_4916 : vector<16xf32>
      %mul3A_4918 = arith.mulf %get3A_4916, %get3A_4916 : vector<16xf32>
      %add3A_4919 = arith.addf %add3A_4909, %mul3A_4918 : vector<16xf32>
      %add3A_4920 = arith.constant 1408 : i32
      %add3A_4921 = arith.addi %add3A_4920, %mul3A_684 : i32
      %add3A_4922 = arith.constant 15 : i32
      %add3A_4923 = arith.addi %add3A_4921, %add3A_4922 : i32
      %get3A_4924 = arith.index_cast %add3A_4923 : i32 to index
      %get3A_4925 = arith.constant 0 : index
      %get3A_4926 = tpu.vector_load %arg6[%get3A_4924, %get3A_4925] {strides = array<i32>} : memref<3328x16xf32, #tpu.memory_space<vmem>>, vector<16xf32>,
      %add3A_4927 = arith.addf %add3A_4917, %get3A_4926 : vector<16xf32>
      %mul3A_4928 = arith.mulf %get3A_4926, %get3A_4926 : vector<16xf32>
      %add3A_4929 = arith.addf %add3A_4919, %mul3A_4928 : vector<16xf32>
      %add3A_4930 = arith.constant 1536 : i32
      %add3A_4931 = arith.addi %add3A_4930, %mul3A_684 : i32
      %add3A_4932 = arith.constant 15 : i32
      %add3A_4933 = arith.addi %add3A_4931, %add3A_4932 : i32
      %get3A_4934 = arith.index_cast %add3A_4933 : i32 to index
      %get3A_4935 = arith.constant 0 : index
      %get3A_4936 = tpu.vector_load %arg6[%get3A_4934, %get3A_4935] {strides = array<i32>} : memref<3328x16xf32, #tpu.memory_space<vmem>>, vector<16xf32>,
      %add3A_4937 = arith.addf %add3A_4927, %get3A_4936 : vector<16xf32>
      %mul3A_4938 = arith.mulf %get3A_4936, %get3A_4936 : vector<16xf32>
      %add3A_4939 = arith.addf %add3A_4929, %mul3A_4938 : vector<16xf32>
      %add3A_4940 = arith.constant 1664 : i32
      %add3A_4941 = arith.addi %add3A_4940, %mul3A_684 : i32
      %add3A_4942 = arith.constant 15 : i32
      %add3A_4943 = arith.addi %add3A_4941, %add3A_4942 : i32
      %get3A_4944 = arith.index_cast %add3A_4943 : i32 to index
      %get3A_4945 = arith.constant 0 : index
      %get3A_4946 = tpu.vector_load %arg6[%get3A_4944, %get3A_4945] {strides = array<i32>} : memref<3328x16xf32, #tpu.memory_space<vmem>>, vector<16xf32>,
      %add3A_4947 = arith.addf %add3A_4937, %get3A_4946 : vector<16xf32>
      %mul3A_4948 = arith.mulf %get3A_4946, %get3A_4946 : vector<16xf32>
      %add3A_4949 = arith.addf %add3A_4939, %mul3A_4948 : vector<16xf32>
      %add3A_4950 = arith.constant 1792 : i32
      %add3A_4951 = arith.addi %add3A_4950, %mul3A_684 : i32
      %add3A_4952 = arith.constant 15 : i32
      %add3A_4953 = arith.addi %add3A_4951, %add3A_4952 : i32
      %get3A_4954 = arith.index_cast %add3A_4953 : i32 to index
      %get3A_4955 = arith.constant 0 : index
      %get3A_4956 = tpu.vector_load %arg6[%get3A_4954, %get3A_4955] {strides = array<i32>} : memref<3328x16xf32, #tpu.memory_space<vmem>>, vector<16xf32>,
      %add3A_4957 = arith.addf %add3A_4947, %get3A_4956 : vector<16xf32>
      %mul3A_4958 = arith.mulf %get3A_4956, %get3A_4956 : vector<16xf32>
      %add3A_4959 = arith.addf %add3A_4949, %mul3A_4958 : vector<16xf32>
      %add3A_4960 = arith.constant 1920 : i32
      %add3A_4961 = arith.addi %add3A_4960, %mul3A_684 : i32
      %add3A_4962 = arith.constant 15 : i32
      %add3A_4963 = arith.addi %add3A_4961, %add3A_4962 : i32
      %get3A_4964 = arith.index_cast %add3A_4963 : i32 to index
      %get3A_4965 = arith.constant 0 : index
      %get3A_4966 = tpu.vector_load %arg6[%get3A_4964, %get3A_4965] {strides = array<i32>} : memref<3328x16xf32, #tpu.memory_space<vmem>>, vector<16xf32>,
      %add3A_4967 = arith.addf %add3A_4957, %get3A_4966 : vector<16xf32>
      %mul3A_4968 = arith.mulf %get3A_4966, %get3A_4966 : vector<16xf32>
      %add3A_4969 = arith.addf %add3A_4959, %mul3A_4968 : vector<16xf32>
      %add3A_4970 = arith.constant 2048 : i32
      %add3A_4971 = arith.addi %add3A_4970, %mul3A_684 : i32
      %add3A_4972 = arith.constant 15 : i32
      %add3A_4973 = arith.addi %add3A_4971, %add3A_4972 : i32
      %get3A_4974 = arith.index_cast %add3A_4973 : i32 to index
      %get3A_4975 = arith.constant 0 : index
      %get3A_4976 = tpu.vector_load %arg6[%get3A_4974, %get3A_4975] {strides = array<i32>} : memref<3328x16xf32, #tpu.memory_space<vmem>>, vector<16xf32>,
      %add3A_4977 = arith.addf %add3A_4967, %get3A_4976 : vector<16xf32>
      %mul3A_4978 = arith.mulf %get3A_4976, %get3A_4976 : vector<16xf32>
      %add3A_4979 = arith.addf %add3A_4969, %mul3A_4978 : vector<16xf32>
      %add3A_4980 = arith.constant 2176 : i32
      %add3A_4981 = arith.addi %add3A_4980, %mul3A_684 : i32
      %add3A_4982 = arith.constant 15 : i32
      %add3A_4983 = arith.addi %add3A_4981, %add3A_4982 : i32
      %get3A_4984 = arith.index_cast %add3A_4983 : i32 to index
      %get3A_4985 = arith.constant 0 : index
      %get3A_4986 = tpu.vector_load %arg6[%get3A_4984, %get3A_4985] {strides = array<i32>} : memref<3328x16xf32, #tpu.memory_space<vmem>>, vector<16xf32>,
      %add3A_4987 = arith.addf %add3A_4977, %get3A_4986 : vector<16xf32>
      %mul3A_4988 = arith.mulf %get3A_4986, %get3A_4986 : vector<16xf32>
      %add3A_4989 = arith.addf %add3A_4979, %mul3A_4988 : vector<16xf32>
      %add3A_4990 = arith.constant 2304 : i32
      %add3A_4991 = arith.addi %add3A_4990, %mul3A_684 : i32
      %add3A_4992 = arith.constant 15 : i32
      %add3A_4993 = arith.addi %add3A_4991, %add3A_4992 : i32
      %get3A_4994 = arith.index_cast %add3A_4993 : i32 to index
      %get3A_4995 = arith.constant 0 : index
      %get3A_4996 = tpu.vector_load %arg6[%get3A_4994, %get3A_4995] {strides = array<i32>} : memref<3328x16xf32, #tpu.memory_space<vmem>>, vector<16xf32>,
      %add3A_4997 = arith.addf %add3A_4987, %get3A_4996 : vector<16xf32>
      %mul3A_4998 = arith.mulf %get3A_4996, %get3A_4996 : vector<16xf32>
      %add3A_4999 = arith.addf %add3A_4989, %mul3A_4998 : vector<16xf32>
      %add3A_5000 = arith.constant 2432 : i32
      %add3A_5001 = arith.addi %add3A_5000, %mul3A_684 : i32
      %add3A_5002 = arith.constant 15 : i32
      %add3A_5003 = arith.addi %add3A_5001, %add3A_5002 : i32
      %get3A_5004 = arith.index_cast %add3A_5003 : i32 to index
      %get3A_5005 = arith.constant 0 : index
      %get3A_5006 = tpu.vector_load %arg6[%get3A_5004, %get3A_5005] {strides = array<i32>} : memref<3328x16xf32, #tpu.memory_space<vmem>>, vector<16xf32>,
      %add3A_5007 = arith.addf %add3A_4997, %get3A_5006 : vector<16xf32>
      %mul3A_5008 = arith.mulf %get3A_5006, %get3A_5006 : vector<16xf32>
      %add3A_5009 = arith.addf %add3A_4999, %mul3A_5008 : vector<16xf32>
      %add3A_5010 = arith.constant 2560 : i32
      %add3A_5011 = arith.addi %add3A_5010, %mul3A_684 : i32
      %add3A_5012 = arith.constant 15 : i32
      %add3A_5013 = arith.addi %add3A_5011, %add3A_5012 : i32
      %get3A_5014 = arith.index_cast %add3A_5013 : i32 to index
      %get3A_5015 = arith.constant 0 : index
      %get3A_5016 = tpu.vector_load %arg6[%get3A_5014, %get3A_5015] {strides = array<i32>} : memref<3328x16xf32, #tpu.memory_space<vmem>>, vector<16xf32>,
      %add3A_5017 = arith.addf %add3A_5007, %get3A_5016 : vector<16xf32>
      %mul3A_5018 = arith.mulf %get3A_5016, %get3A_5016 : vector<16xf32>
      %add3A_5019 = arith.addf %add3A_5009, %mul3A_5018 : vector<16xf32>
      %add3A_5020 = arith.constant 2688 : i32
      %add3A_5021 = arith.addi %add3A_5020, %mul3A_684 : i32
      %add3A_5022 = arith.constant 15 : i32
      %add3A_5023 = arith.addi %add3A_5021, %add3A_5022 : i32
      %get3A_5024 = arith.index_cast %add3A_5023 : i32 to index
      %get3A_5025 = arith.constant 0 : index
      %get3A_5026 = tpu.vector_load %arg6[%get3A_5024, %get3A_5025] {strides = array<i32>} : memref<3328x16xf32, #tpu.memory_space<vmem>>, vector<16xf32>,
      %add3A_5027 = arith.addf %add3A_5017, %get3A_5026 : vector<16xf32>
      %mul3A_5028 = arith.mulf %get3A_5026, %get3A_5026 : vector<16xf32>
      %add3A_5029 = arith.addf %add3A_5019, %mul3A_5028 : vector<16xf32>
      %add3A_5030 = arith.constant 2816 : i32
      %add3A_5031 = arith.addi %add3A_5030, %mul3A_684 : i32
      %add3A_5032 = arith.constant 15 : i32
      %add3A_5033 = arith.addi %add3A_5031, %add3A_5032 : i32
      %get3A_5034 = arith.index_cast %add3A_5033 : i32 to index
      %get3A_5035 = arith.constant 0 : index
      %get3A_5036 = tpu.vector_load %arg6[%get3A_5034, %get3A_5035] {strides = array<i32>} : memref<3328x16xf32, #tpu.memory_space<vmem>>, vector<16xf32>,
      %add3A_5037 = arith.addf %add3A_5027, %get3A_5036 : vector<16xf32>
      %mul3A_5038 = arith.mulf %get3A_5036, %get3A_5036 : vector<16xf32>
      %add3A_5039 = arith.addf %add3A_5029, %mul3A_5038 : vector<16xf32>
      %add3A_5040 = arith.constant 2944 : i32
      %add3A_5041 = arith.addi %add3A_5040, %mul3A_684 : i32
      %add3A_5042 = arith.constant 15 : i32
      %add3A_5043 = arith.addi %add3A_5041, %add3A_5042 : i32
      %get3A_5044 = arith.index_cast %add3A_5043 : i32 to index
      %get3A_5045 = arith.constant 0 : index
      %get3A_5046 = tpu.vector_load %arg6[%get3A_5044, %get3A_5045] {strides = array<i32>} : memref<3328x16xf32, #tpu.memory_space<vmem>>, vector<16xf32>,
      %add3A_5047 = arith.addf %add3A_5037, %get3A_5046 : vector<16xf32>
      %mul3A_5048 = arith.mulf %get3A_5046, %get3A_5046 : vector<16xf32>
      %add3A_5049 = arith.addf %add3A_5039, %mul3A_5048 : vector<16xf32>
      %add3A_5050 = arith.constant 3072 : i32
      %add3A_5051 = arith.addi %add3A_5050, %mul3A_684 : i32
      %add3A_5052 = arith.constant 15 : i32
      %add3A_5053 = arith.addi %add3A_5051, %add3A_5052 : i32
      %get3A_5054 = arith.index_cast %add3A_5053 : i32 to index
      %get3A_5055 = arith.constant 0 : index
      %get3A_5056 = tpu.vector_load %arg6[%get3A_5054, %get3A_5055] {strides = array<i32>} : memref<3328x16xf32, #tpu.memory_space<vmem>>, vector<16xf32>,
      %add3A_5057 = arith.addf %add3A_5047, %get3A_5056 : vector<16xf32>
      %mul3A_5058 = arith.mulf %get3A_5056, %get3A_5056 : vector<16xf32>
      %add3A_5059 = arith.addf %add3A_5049, %mul3A_5058 : vector<16xf32>
      %add3A_5060 = arith.constant 3200 : i32
      %add3A_5061 = arith.addi %add3A_5060, %mul3A_684 : i32
      %add3A_5062 = arith.constant 15 : i32
      %add3A_5063 = arith.addi %add3A_5061, %add3A_5062 : i32
      %get3A_5064 = arith.index_cast %add3A_5063 : i32 to index
      %get3A_5065 = arith.constant 0 : index
      %get3A_5066 = tpu.vector_load %arg6[%get3A_5064, %get3A_5065] {strides = array<i32>} : memref<3328x16xf32, #tpu.memory_space<vmem>>, vector<16xf32>,
      %add3A_5067 = arith.addf %add3A_5057, %get3A_5066 : vector<16xf32>
      %mul3A_5068 = arith.mulf %get3A_5066, %get3A_5066 : vector<16xf32>
      %add3A_5069 = arith.addf %add3A_5059, %mul3A_5068 : vector<16xf32>
      %mul3A_5070 = arith.mulf %add3A_5067, %add3A_5067 : vector<16xf32>
      %sub3A_5071 = arith.subf %mul3A_5070, %add3A_5069 : vector<16xf32>
      %reduce_sum3A_5072 = arith.constant true
      %reduce_sum3A_5073 = vector.broadcast %reduce_sum3A_5072 : i1 to vector<16xi1>
      %reduce_sum3A_5074 = tpu.scan <sum>, %sub3A_5071 masked %reduce_sum3A_5073 : vector<16xf32>, vector<16xi1> -> vector<16xf32>
      %reduce_sum3A_5075 = vector.extract %reduce_sum3A_5074[15] : f32 from vector<16xf32>
      %eq3A_5076 = arith.constant 15 : i32
      %eq3A_5077 = vector.broadcast %eq3A_5076 : i32 to vector<16xi32>
      %eq3A_5078 = arith.cmpi eq, %iota3A, %eq3A_5077 : vector<16xi32>
      %broadcast_in_dim3A_5079 = vector.broadcast %reduce_sum3A_5075 : f32 to vector<16xf32>
      %select_n3A_5080 = arith.select %eq3A_5078, %broadcast_in_dim3A_5079, %select_n3A_4805 : vector<16xi1>, vector<16xf32>
      %mul3A_5081 = arith.constant 5.000000e-01 : f32
      %mul3A_5082 = vector.broadcast %mul3A_5081 : f32 to vector<16xf32>
      %mul3A_5083 = arith.mulf %mul3A_5082, %select_n3A_5080 : vector<16xf32>
      %swap3A = arith.index_cast %mul3A_684 : i32 to index
      %swap3A_5084 = tpu.vector_load %arg7[%swap3A] {strides = array<i32>} : memref<128xf32, #tpu.memory_space<vmem>>, vector<16xf32>,
      tpu.vector_store %arg7[%swap3A], %mul3A_5083 {strides = array<i32>} : memref<128xf32, #tpu.memory_space<vmem>>, vector<16xf32>,
    }
    %scan3A_681 = arith.constant 8 : i32
    "tpu.region"() ({
      %run_scoped3A = tpu.sem_alloc : memref<!tpu.dma_semaphore, #tpu.memory_space<semaphore_mem>>
      %dma_start3A_682 = tpu.memref_slice %arg4[%mul3A_2] : memref<4096xf32, #tpu.memory_space<hbm>> -> memref<128xf32, #tpu.memory_space<hbm>>
      %dma_start3A_683 = tpu.memref_slice %arg4[%mul3A_2] : memref<4096xf32, #tpu.memory_space<hbm>> -> memref<128xf32, #tpu.memory_space<hbm>>
      tpu.enqueue_dma source(%arg7 : memref<128xf32, #tpu.memory_space<vmem>>) target(%dma_start3A_683 : memref<128xf32, #tpu.memory_space<hbm>>) target_semaphore(%run_scoped3A : memref<!tpu.dma_semaphore, #tpu.memory_space<semaphore_mem>>)
      %dma_wait3A_684 = tpu.memref_slice %arg4[%mul3A_2] : memref<4096xf32, #tpu.memory_space<hbm>> -> memref<128xf32, #tpu.memory_space<hbm>>
      %dma_wait3A_685 = tpu.memref_slice %arg4[%mul3A_2] : memref<4096xf32, #tpu.memory_space<hbm>> -> memref<128xf32, #tpu.memory_space<hbm>>
      tpu.wait_dma2 semaphore(%run_scoped3A : memref<!tpu.dma_semaphore, #tpu.memory_space<semaphore_mem>>) src(%arg7 : memref<128xf32, #tpu.memory_space<vmem>>) dst(%dma_wait3A_685 : memref<128xf32, #tpu.memory_space<hbm>>)
      tpu.yield
    }) : () -> ()
    return
  }
}

</mosaic_0001>

<sc_bundles>
// kernel: kernel.3.cloned.1.call-start
scs
__scs_entry_jumppad:
0x0: {  	(pc) =	sbr.rel $0x88, $3  }
0x1: {  	(tag) =	ssettag $0x0;
	lr =	simm.s32 $0x1  }
0x2: {  	[smem:$0x3F9F] =	sst lr;
	_ =	strace $0xD0000000  }
0x3: {  	_ = 	snop  }
0x4: {  	_ = 	snop  }
0x5: {  	_ = 	snop  }
0x6: {  	_ = 	snop  }
0x7: {  	_ = 	snop  }
__scs_overlays_trampoline_lowered:
0x8: {  	[smem:$0x3FAE] =	sst s0  }
0x9: {  	[smem:$0x3FAF] =	sst s1  }
0xa: {  	[smem:$0x3FB0] =	sst s2  }
0xb: {  	[smem:$0x3FB1] =	sst s3  }
0xc: {  	[smem:$0x3FB2] =	sst s4  }
0xd: {  	[smem:$0x3FB3] =	sst s5  }
0xe: {  	[smem:$0x3FB4] =	sst s6  }
0xf: {  	[smem:$0x3FB5] =	sst s7  }
0x10: {  	[smem:$0x3FB6] =	sst s8  }
0x11: {  	[smem:$0x3FB7] =	sst s9;
	s0 =	simm.s32 @!p0 $0x0  }
0x12: {  	s1 =	sld [smem:$0x3F9D];
	s0 =	simm.s32 @p0 $0x1  }
0x13: {  	[smem:$0x3FB8] =	sst s0;
	s0 =	simm.s32 @!p1 $0x0  }
0x14: {  	s2 =	sld [smem:$0x3F9C];
	s0 =	simm.s32 @p1 $0x1  }
0x15: {  	[smem:$0x3FB9] =	sst s0;
	s0 =	simm.s32 @!p2 $0x0  }
0x16: {  	s3 =	sld [smem:$0x3FDB];
	s0 =	simm.s32 @p2 $0x1  }
0x17: {  	s4 =	simm.s32 $0x1BF5;
	[smem:$0x3FBB] =	sst s0  }
0x18: {  	s0 =	sld [smem:$0x3F9E];
	_ =	swait.ge [sflag:s4], $0x0  }
0x19: {  	s7 =	sld [smem:$0x3F9F]  }
0x1a: {  	s8 =	sadd.s32 $0xFFFFE003, lr  }
0x1b: {  	s9 =	sadd.s32 $0xFFFFFEF7, lr;
	s5 =	simm.s32 $0xFFFFFFFF;
	p2 =	slt.u32 s8, $0xFFFFF086  }
0x1c: {  	p1 =	slt.u32 s9, $0xF7A;
	s5 =	simm.s32 @!p2 $0x0  }
0x1d: {  	s5 =	simm.s32 @p1 $0x1;
	p0 =	seq.s32 s7, s2  }
0x1e: {  	s7 =	smul.u32 @!p0 $0xF7A, s2;
	p2 =	seq.s32 @!p0 s5, $0x0  }
0x1f: {  	s9 =	smul.u32 $0xF7A, s1;
	s8 =	simm.s32 @!p0 $0x1BF5;
	p2 =	por !p2, p0  }
0x20: {  	[sflag:s8] =	ssyncset.s32 @!p0 $0xFFFFF086;
	s6 =	sadd.s32 @!p0 s3, s7;
	s7 =	simm.s32 @!p0 $0x108  }
0x21: {  	s3 =	sadd.s32 s3, s9;
	s6 =	sadd.s32 @!p0 $0x88, s6;
	s7 =	simm.s32 @p2 $0x1082  }
0x22: {  	[simem:s7], [sflag:s8] =	dma.local @!p0 [hbm:s6], $0xF7A  }
0x23: {  	s9 =	sor.u32 $0xD0000000, s2;
	s6 =	simm.s32 $0x108;
	_ =	swait.ge @!p0 [sflag:s8], $0x0  }
0x24: {  	s3 =	sadd.s32 $0x88, s3;
	s6 =	simm.s32 @!p1 $0x1082;
	[sflag:s4] =	ssyncset.s32 $0xFFFFF086  }
0x25: {  	[simem:s6], [sflag:s4] =	dma.local [hbm:s3], $0xF7A  }
0x26: {  	[smem:$0x3F9F] =	sst s1;
	(tag) =	ssettag s2;
	_ =	strace s9  }
0x27: {  	s1 =	sld [smem:$0x3FAF]  }
0x28: {  	s2 =	sld [smem:$0x3FB0]  }
0x29: {  	s4 =	sld [smem:$0x3FB2]  }
0x2a: {  	p0 =	seq.s32 s5, $0x0;
	s5 =	sld [smem:$0x3FB3]  }
0x2b: {  	s6 =	sld [smem:$0x3FB4]  }
0x2c: {  	s7 =	sld [smem:$0x3FB5]  }
0x2d: {  	s3 =	simm.s32 $0x108;
	s8 =	sld [smem:$0x3FB6]  }
0x2e: {  	s3 =	simm.s32 @!p0 $0x1082;
	s9 =	sld [smem:$0x3FB7]  }
0x2f: {  	lr =	sadd.s32 s0, s3;
	s0 =	sld [smem:$0x3FAE]  }
0x30: {  	s3 =	sld [smem:$0x3FB1]  }
0x31: {  	[smem:$0x3FBA] =	sst s10  }
0x32: {  	s10 =	sld [smem:$0x3FB8];
	_ =	sdelay $0x3  }
0x33: {  	p0 =	seq.s32 s10, $0x1;
	s10 =	sld [smem:$0x3FBA];
	_ =	sdelay $0x3  }
0x34: {  	[smem:$0x3FBA] =	sst s10  }
0x35: {  	s10 =	sld [smem:$0x3FB9];
	_ =	sdelay $0x3  }
0x36: {  	p1 =	seq.s32 s10, $0x1;
	s10 =	sld [smem:$0x3FBA];
	_ =	sdelay $0x3  }
0x37: {  	[smem:$0x3FBA] =	sst s10  }
0x38: {  	s10 =	sld [smem:$0x3FBB]  }
0x39: {  	_ = 	snop;
	(pc) =	sbr.ind lr, $3  }
0x3a: {  	_ = 	snop  }
0x3b: {  	_ = 	snop  }
0x3c: {  	p2 =	seq.s32 s10, $0x1;
	s10 =	sld [smem:$0x3FBA]  }
0x3d: {  	_ =	shalt  }
0x3e: {  	_ =	shalt  }
0x3f: {  	_ =	shalt  }
0x40: {  	_ =	shalt  }
0x41: {  	_ =	shalt  }
0x42: {  	_ =	shalt  }
0x43: {  	_ =	shalt  }
0x44: {  	_ =	shalt  }
0x45: {  	_ =	shalt  }
0x46: {  	_ =	shalt  }
0x47: {  	_ =	shalt  }
0x48: {  	_ =	shalt  }
0x49: {  	_ =	shalt  }
0x4a: {  	_ =	shalt  }
0x4b: {  	_ =	shalt  }
0x4c: {  	_ =	shalt  }
0x4d: {  	_ =	shalt  }
0x4e: {  	_ =	shalt  }
0x4f: {  	_ =	shalt  }
0x50: {  	_ =	shalt  }
0x51: {  	_ =	shalt  }
0x52: {  	_ =	shalt  }
0x53: {  	_ =	shalt  }
0x54: {  	_ =	shalt  }
0x55: {  	_ =	shalt  }
0x56: {  	_ =	shalt  }
0x57: {  	_ =	shalt  }
0x58: {  	_ =	shalt  }
0x59: {  	_ =	shalt  }
0x5a: {  	_ =	shalt  }
0x5b: {  	_ =	shalt  }
0x5c: {  	_ =	shalt  }
0x5d: {  	_ =	shalt  }
0x5e: {  	_ =	shalt  }
0x5f: {  	_ =	shalt  }
0x60: {  	_ =	shalt  }
0x61: {  	_ =	shalt  }
0x62: {  	_ =	shalt  }
0x63: {  	_ =	shalt  }
0x64: {  	_ =	shalt  }
0x65: {  	_ =	shalt  }
0x66: {  	_ =	shalt  }
0x67: {  	_ =	shalt  }
0x68: {  	_ =	shalt  }
0x69: {  	_ =	shalt  }
0x6a: {  	_ =	shalt  }
0x6b: {  	_ =	shalt  }
0x6c: {  	_ =	shalt  }
0x6d: {  	_ =	shalt  }
0x6e: {  	_ =	shalt  }
0x6f: {  	_ =	shalt  }
0x70: {  	_ =	shalt  }
0x71: {  	_ =	shalt  }
0x72: {  	_ =	shalt  }
0x73: {  	_ =	shalt  }
0x74: {  	_ =	shalt  }
0x75: {  	_ =	shalt  }
0x76: {  	_ =	shalt  }
0x77: {  	_ =	shalt  }
0x78: {  	_ =	shalt  }
0x79: {  	_ =	shalt  }
0x7a: {  	_ =	shalt  }
0x7b: {  	_ =	shalt  }
0x7c: {  	_ =	shalt  }
0x7d: {  	_ =	shalt  }
0x7e: {  	_ =	shalt  }
0x7f: {  	_ =	shalt  }
0x80: {  	_ =	shalt  }
0x81: {  	_ =	shalt  }
0x82: {  	_ =	shalt  }
0x83: {  	_ =	shalt  }
0x84: {  	_ =	shalt  }
0x85: {  	_ =	shalt  }
0x86: {  	_ =	shalt  }
0x87: {  	_ =	shalt  }
.Lfunc_end0:
.L_simem_size_0:
called_computation_lowered:
.L_overlay_start_0:
0x88: {  	s2 =	sld [smem:$0x3FD9]  }
0x89: {  	s3 =	sld [smem:$0x3FFE];
	_ =	sdelay $0x1  }
0x8a: {  	s1 =	srdreg.scid  }
0x8b: {  	s0 =	sand.u32 $0x1, s1  }
0x8c: {  	s17 =	sshll.u32 s0, $0xA;
	s2 =	sadd.s32 s3, s2  }
0x8d: {  	s2 =	sadd.s32 s2, s17  }
0x8e: {  	[smem:$0x3FC6] =	sst s2  }
0x8f: {  	_ = 	snop  }
0x90: {  	s2 =	sld [smem:$0x3FD0];
	(tm) =	ssettm $0x1  }
0x91: {  	s18 =	sld [smem:$0x3FFB];
	_ =	sdelay $0x3  }
0x92: {  	_ =	strace s18  }
0x93: {  	s3 =	sld [smem:$0x3FFC];
	_ =	sdelay $0x3  }
0x94: {  	_ =	strace s3  }
0x95: {  	s3 =	sld [smem:$0x3FFD];
	_ =	sdelay $0x3  }
0x96: {  	_ =	strace s3  }
0x97: {  	_ =	strace $0x8FFFFFFF  }
0x98: {  	s19 =	sld [smem:$0x3FDB];
	_ =	sdelay $0x1  }
0x99: {  	s4 =	simm.s32 $_scs_section_size  }
0x9a: {  	s5 =	simm.s32 $_size__tile_overlayer_lowered;
	s6 =	simm.s32 $_tile_overlayer_lowered  }
0x9b: {  	s22 =	simm.s32 $0x1BFF;
	s21 =	sshll.u32 s6, $0x1;
	s3 =	sadd.s32 s4, s19  }
0x9c: {  	s7 =	simm.s32 $0x0;
	s20 =	sshll.u32 s5, $0x1;
	s5 =	sadd.s32 s21, s3  }
0x9d: {  	[timem:s7], [sflag:s22] =	dma.local [hbm:s5], s20  }
0x9e: {  	_ =	swait.ge [sflag:s22], s20  }
0x9f: {  	s4 =	ssub.s32 $0x0, s20;
	[sflag:s22] =	ssyncset.done $0x0  }
0xa0: {  	[sflag:s22] =	ssyncadd.s32 s4;
	_ =	sdelay $0x1  }
0xa1: {  	s23 =	simm.s32 $0x1B8B  }
0xa2: {  	_ =	swait.ge [sflag:s23], $0x1  }
0xa3: {  	[sflag:s23] =	ssyncset.done $0x0  }
0xa4: {  	s25 =	simm.s32 $0x1B8E;
	s24 =	sld [smem:$0x3FFE];
	[sflag:s23] =	ssyncadd.s32 $0xFFFFFFFF  }
0xa5: {  	s26 =	simm.s32 $execute0_lowered;
	[smem:$0x3FD2] =	sst s25  }
0xa6: {  	s5 =	sshll.u32 s26, $0x1;
	_ =	strace $0x80000046;
	[dreg:$0x1] =	wrdreg $0xFFFFFFFF  }
0xa7: {  	s28 =	simm.s32 $_size_execute0_lowered;
	s3 =	sadd.s32 s3, s5;
	[dreg:$0x0] =	wrdreg $0x0  }
0xa8: {  	s5 =	sshll.u32 s28, $0x1;
	[dreg:$0x2] =	wrdreg s3  }
0xa9: {  	[dreg:$0x3] =	wrdreg s5  }
0xaa: {  	[dreg:$0x4] =	wrdreg $0xC0  }
0xab: {  	_ =	task [dreg:s7], $0x5FFFF  }
0xac: {  	[dreg:$0x1] =	wrdreg $0xFFFFFFFF  }
0xad: {  	[dreg:$0x0] =	wrdreg $0x60  }
0xae: {  	[dreg:$0x2] =	wrdreg s24  }
0xaf: {  	[dreg:$0x3] =	wrdreg s2  }
0xb0: {  	[dreg:$0x4] =	wrdreg $0x9  }
0xb1: {  	_ =	task.clear_ibuf [dreg:s7], $0x5FFFF;
	_ =	strace $0x90000046  }
0xb2: {  	s29 =	simm.s32 $0x9;
	_ =	strace $0x80000048  }
0xb3: {  	_ =	swait.ge [sflag:s29], $0x1  }
0xb4: {  	[sflag:s29] =	ssyncadd.s32 $0xFFFFFFFF  }
0xb5: {  	_ =	strace $0x90000048  }
0xb6: {  	_ =	sfence  }
0xb7: {  	s30 =	sld [smem:$0x0];
	_ =	sdelay $0x2  }
0xb8: {  	s31 =	sshll.u32 s1, $0xD;
	s1 =	sshrl.u32 s1, $0x2  }
0xb9: {  	s3 =	sand.u32 $0x4000, s31;
	s1 =	sadd.s32 s1, s30  }
0xba: {  	s0 =	sor.u32 s3, s0;
	s1 =	sshll.u32 s1, $0x11  }
0xbb: {  	s0 =	sor.u32 s1, s0  }
0xbc: {  	s0 =	sadd.s32 $0x8F2B, s0  }
0xbd: {  	[sflag:s0] =	ssyncadd.remote.s32 $0x1  }
0xbe: {  	_ =	sfence.sel $0xFFFF  }
0xbf: {  	[dreg:$0x0] =	wrdreg $0xFFFFFFFF;
	(pc) =	sbr.abs _section_cstart, $3  }
0xc0: {  	[dreg:$0x1] =	wrdreg $0xFFFFFFFF  }
0xc1: {  	_ =	task.clear_ibuf [dreg:s7], $0x2FFFF;
	_ =	strace $0x9FFFFFFF  }
0xc2: {  	(tm) =	ssettm $0x7FFFFFFF  }
0xc3: {  	_ =	shalt  }
tec
execute0_lowered:
.L_overlay_start_1:
0x0: {  	(tag) =	ssettag $0x1  }
0x1: {  	s1 =	rddreg [dreg:$0x0]  }
0x2: {  	s6 =	sadd.s32 $0x27ACA00, s1  }
0x3: {  	s22 =	sadd.s32 $0x27DD740, s1;
	s23 =	sadd.s32 $0x280E480, s1  }
0x4: {  	s24 =	sadd.s32 $0x283F1C0, s1;
	s25 =	sadd.s32 $0x286FF00, s1  }
0x5: {  	s9 =	sadd.s32 $0x28A0C40, s1;
	s10 =	sadd.s32 $0x28D1980, s1  }
0x6: {  	s0 =	srdreg.scid;
	s11 =	sadd.s32 $0x29026C0, s1;
	s12 =	sadd.s32 $0x2933400, s1  }
0x7: {  	s2 =	stileid.u32;
	s13 =	sadd.s32 $0x2964140, s1;
	s14 =	sadd.s32 $0x2994E80, s1  }
0x8: {  	s3 =	rddreg [dreg:$0x1];
	s15 =	sadd.s32 $0x29C5BC0, s1;
	s16 =	sadd.s32 $0x29F6900, s1  }
0x9: {  	s0 =	sand.u32 $0x1, s0;
	s17 =	sadd.s32 $0x2A27640, s1;
	s18 =	sadd.s32 $0x2A58380, s1  }
0xa: {  	s2 =	sshll.u32 s2, $0x1;
	s19 =	sadd.s32 $0x2A890C0, s1;
	s20 =	sadd.s32 $0x2AB9E00, s1  }
0xb: {  	s21 =	sadd.s32 $0x2AEAB40, s1;
	s4 =	sor.u32 s0, s2;
	s2 =	simm.s32 $0x0  }
0xc: {  	s29 =	sadd.s32 $0x2C0FAC0, s1;
	[smem:$0x7FF] =	sst s2  }
0xd: {  	s30 =	sadd.s32 $0x2C40800, s1;
	_ =	strace $0x80000047;
	[dreg:$0x3] =	wrdreg s6  }
0xe: {  	s31 =	sadd.s32 $0x2C71540, s1;
	s0 =	ssub.s32 $0x2, s0;
	[dreg:$0x5] =	wrdreg s22  }
0xf: {  	s5 =	smul.u32 $0x1A0, s4;
	s26 =	sshrl.u32 s0, $0x1;
	[dreg:$0x6] =	wrdreg s23  }
0x10: {  	s4 =	sshll.u32 s4, $0x4;
	[dreg:$0x7] =	wrdreg s24;
	s22 =	sadd.s32 $0x2B1B880, s1  }
0x11: {  	vm0 =	vmmov $0x1;
	vm1 =	vmmov $0x3;
	vm2 =	vmmov $0x7;
	[dreg:$0x8] =	wrdreg s25;
	s23 =	sadd.s32 $0x2B4C5C0, s1;
	s24 =	sadd.s32 $0x2B7D300, s1  }
0x12: {  	vm3 =	vmmov $0xf;
	vm4 =	vmmov $0x1f;
	vm5 =	vmmov $0x3f;
	s0 =	ssub.s32 s0, s26;
	s25 =	sadd.s32 $0x2BAE040, s1;
	s26 =	sadd.s32 $0x2BDED80, s1  }
0x13: {  	vm6 =	vmmov $0x7f;
	vm7 =	vmmov $0xff;
	vm8 =	vmmov $0x1ff;
	s28 =	sadd.s32 s3, s4;
	s3 =	simm.s32 $0x80;
	s5 =	sadd.s32 s5, s1  }
0x14: {  	vm9 =	vmmov $0x3ff;
	vm10 =	vmmov $0x7ff;
	vm11 =	vmmov $0xfff;
	s4 =	simm.s32 $0x1;
	s1 =	smax.u32 s0, $0x1;
	s5 =	sadd.s32 $0x600, s5  }
0x15: {  	vm12 =	vmmov $0x1fff;
	vm13 =	vmmov $0x3fff;
	vm14 =	vmmov $0x7fff;
	s0 =	simm.s32 $0x2;
	[dreg:$0x4] =	wrdreg s5;
	s5 =	simm.s32 $0x0  }
.LBB2_1:
0x16: {  	s6 =	rddreg [dreg:$0x4]  }
0x17: {  	[tilespmem:s2], [sflag:$0x2] =	stream.linear.gather [hbm4b:s6+s2], $0xD00, $0x38;
	[tilespmem:$0xDD80] =	vst v63  }
0x18: {  	_ =	swait.ge [sflag:s0], $0xD00  }
0x19: {  	[sflag:s0] =	ssyncset.done $0x0  }
0x1a: {  	s7 =	simm.s32 $0xD00;
	s8 =	rddreg [dreg:$0x3];
	[sflag:s0] =	ssyncadd.s32 $0xFFFFF300  }
0x1b: {  	[tilespmem:s7], [sflag:$0x1] =	stream.indirect.gather [hbm4b:s8+s3], $0x10, s2, s3, $0xb8;
	[tilespmem:$0xDD80] =	vst v63  }
0x1c: {  	s7 =	rddreg [dreg:$0x5];
	s8 =	simm.s32 $0x1500  }
0x1d: {  	[tilespmem:s8], [sflag:$0x1] =	stream.indirect.gather [hbm4b:s7+s3], $0x10, s3, s3, $0xb8;
	[tilespmem:$0xDD80] =	vst v63  }
0x1e: {  	s6 =	rddreg [dreg:$0x6];
	s7 =	simm.s32 $0x100;
	s8 =	simm.s32 $0x1D00  }
0x1f: {  	[tilespmem:s8], [sflag:$0x1] =	stream.indirect.gather [hbm4b:s6+s3], $0x10, s7, s3, $0xb8;
	[tilespmem:$0xDD80] =	vst v63  }
0x20: {  	s6 =	rddreg [dreg:$0x7];
	s7 =	simm.s32 $0x180;
	s8 =	simm.s32 $0x2500  }
0x21: {  	[tilespmem:s8], [sflag:$0x1] =	stream.indirect.gather [hbm4b:s6+s3], $0x10, s7, s3, $0xb8;
	[tilespmem:$0xDD80] =	vst v63  }
0x22: {  	s6 =	rddreg [dreg:$0x8];
	s7 =	simm.s32 $0x200;
	s8 =	simm.s32 $0x2D00  }
0x23: {  	[tilespmem:s8], [sflag:$0x1] =	stream.indirect.gather [hbm4b:s6+s3], $0x10, s7, s3, $0xb8;
	[tilespmem:$0xDD80] =	vst v63  }
0x24: {  	s7 =	simm.s32 $0x280;
	s8 =	simm.s32 $0x3500  }
0x25: {  	[tilespmem:s8], [sflag:$0x1] =	stream.indirect.gather [hbm4b:s9+s3], $0x10, s7, s3, $0xb8;
	[tilespmem:$0xDD80] =	vst v63  }
0x26: {  	s7 =	simm.s32 $0x300;
	s8 =	simm.s32 $0x3D00  }
0x27: {  	[tilespmem:s8], [sflag:$0x1] =	stream.indirect.gather [hbm4b:s10+s3], $0x10, s7, s3, $0xb8;
	[tilespmem:$0xDD80] =	vst v63  }
0x28: {  	s7 =	simm.s32 $0x380;
	s8 =	simm.s32 $0x4500  }
0x29: {  	[tilespmem:s8], [sflag:$0x1] =	stream.indirect.gather [hbm4b:s11+s3], $0x10, s7, s3, $0xb8;
	[tilespmem:$0xDD80] =	vst v63  }
0x2a: {  	s7 =	simm.s32 $0x400;
	s8 =	simm.s32 $0x4D00  }
0x2b: {  	[tilespmem:s8], [sflag:$0x1] =	stream.indirect.gather [hbm4b:s12+s3], $0x10, s7, s3, $0xb8;
	[tilespmem:$0xDD80] =	vst v63  }
0x2c: {  	s7 =	simm.s32 $0x480;
	s8 =	simm.s32 $0x5500  }
0x2d: {  	[tilespmem:s8], [sflag:$0x1] =	stream.indirect.gather [hbm4b:s13+s3], $0x10, s7, s3, $0xb8;
	[tilespmem:$0xDD80] =	vst v63  }
0x2e: {  	s7 =	simm.s32 $0x500;
	s8 =	simm.s32 $0x5D00  }
0x2f: {  	[tilespmem:s8], [sflag:$0x1] =	stream.indirect.gather [hbm4b:s14+s3], $0x10, s7, s3, $0xb8;
	[tilespmem:$0xDD80] =	vst v63  }
0x30: {  	s7 =	simm.s32 $0x580;
	s8 =	simm.s32 $0x6500  }
0x31: {  	[tilespmem:s8], [sflag:$0x1] =	stream.indirect.gather [hbm4b:s15+s3], $0x10, s7, s3, $0xb8;
	[tilespmem:$0xDD80] =	vst v63  }
0x32: {  	s7 =	simm.s32 $0x600;
	s8 =	simm.s32 $0x6D00  }
0x33: {  	[tilespmem:s8], [sflag:$0x1] =	stream.indirect.gather [hbm4b:s16+s3], $0x10, s7, s3, $0xb8;
	[tilespmem:$0xDD80] =	vst v63  }
0x34: {  	s7 =	simm.s32 $0x680;
	s8 =	simm.s32 $0x7500  }
0x35: {  	[tilespmem:s8], [sflag:$0x1] =	stream.indirect.gather [hbm4b:s17+s3], $0x10, s7, s3, $0xb8;
	[tilespmem:$0xDD80] =	vst v63  }
0x36: {  	s7 =	simm.s32 $0x700;
	s8 =	simm.s32 $0x7D00  }
0x37: {  	[tilespmem:s8], [sflag:$0x1] =	stream.indirect.gather [hbm4b:s18+s3], $0x10, s7, s3, $0xb8;
	[tilespmem:$0xDD80] =	vst v63  }
0x38: {  	s7 =	simm.s32 $0x780;
	s8 =	simm.s32 $0x8500  }
0x39: {  	[tilespmem:s8], [sflag:$0x1] =	stream.indirect.gather [hbm4b:s19+s3], $0x10, s7, s3, $0xb8;
	[tilespmem:$0xDD80] =	vst v63  }
0x3a: {  	s7 =	simm.s32 $0x800;
	s8 =	simm.s32 $0x8D00  }
0x3b: {  	[tilespmem:s8], [sflag:$0x1] =	stream.indirect.gather [hbm4b:s20+s3], $0x10, s7, s3, $0xb8;
	[tilespmem:$0xDD80] =	vst v63  }
0x3c: {  	s7 =	simm.s32 $0x880;
	s8 =	simm.s32 $0x9500  }
0x3d: {  	[tilespmem:s8], [sflag:$0x1] =	stream.indirect.gather [hbm4b:s21+s3], $0x10, s7, s3, $0xb8;
	[tilespmem:$0xDD80] =	vst v63  }
0x3e: {  	s7 =	simm.s32 $0x900;
	s8 =	simm.s32 $0x9D00  }
0x3f: {  	[tilespmem:s8], [sflag:$0x1] =	stream.indirect.gather [hbm4b:s22+s3], $0x10, s7, s3, $0xb8;
	[tilespmem:$0xDD80] =	vst v63  }
0x40: {  	s7 =	simm.s32 $0x980;
	s8 =	simm.s32 $0xA500  }
0x41: {  	[tilespmem:s8], [sflag:$0x1] =	stream.indirect.gather [hbm4b:s23+s3], $0x10, s7, s3, $0xb8;
	[tilespmem:$0xDD80] =	vst v63  }
0x42: {  	s7 =	simm.s32 $0xA00;
	s8 =	simm.s32 $0xAD00  }
0x43: {  	[tilespmem:s8], [sflag:$0x1] =	stream.indirect.gather [hbm4b:s24+s3], $0x10, s7, s3, $0xb8;
	[tilespmem:$0xDD80] =	vst v63  }
0x44: {  	s7 =	simm.s32 $0xA80;
	s8 =	simm.s32 $0xB500  }
0x45: {  	[tilespmem:s8], [sflag:$0x1] =	stream.indirect.gather [hbm4b:s25+s3], $0x10, s7, s3, $0xb8;
	[tilespmem:$0xDD80] =	vst v63  }
0x46: {  	s7 =	simm.s32 $0xB00;
	s8 =	simm.s32 $0xBD00  }
0x47: {  	[tilespmem:s8], [sflag:$0x1] =	stream.indirect.gather [hbm4b:s26+s3], $0x10, s7, s3, $0xb8;
	[tilespmem:$0xDD80] =	vst v63  }
0x48: {  	s7 =	simm.s32 $0xB80;
	s8 =	simm.s32 $0xC500  }
0x49: {  	[tilespmem:s8], [sflag:$0x1] =	stream.indirect.gather [hbm4b:s29+s3], $0x10, s7, s3, $0xb8;
	[tilespmem:$0xDD80] =	vst v63  }
0x4a: {  	s7 =	simm.s32 $0xC00;
	s8 =	simm.s32 $0xCD00  }
0x4b: {  	[tilespmem:s8], [sflag:$0x1] =	stream.indirect.gather [hbm4b:s30+s3], $0x10, s7, s3, $0xb8;
	[tilespmem:$0xDD80] =	vst v63  }
0x4c: {  	s7 =	simm.s32 $0xC80;
	s8 =	simm.s32 $0xD500  }
0x4d: {  	[tilespmem:s8], [sflag:$0x1] =	stream.indirect.gather [hbm4b:s31+s3], $0x10, s7, s3, $0xb8;
	[tilespmem:$0xDD80] =	vst v63  }
0x4e: {  	_ =	swait.ge [sflag:s4], $0x800  }
0x4f: {  	[sflag:s4] =	ssyncset.done $0x0  }
0x50: {  	[sflag:s4] =	ssyncadd.s32 $0xFFFFF800  }
0x51: {  	_ =	swait.ge [sflag:s4], $0x800  }
0x52: {  	[sflag:s4] =	ssyncset.done $0x0  }
0x53: {  	[sflag:s4] =	ssyncadd.s32 $0xFFFFF800  }
0x54: {  	_ =	swait.ge [sflag:s4], $0x800  }
0x55: {  	[sflag:s4] =	ssyncset.done $0x0  }
0x56: {  	[sflag:s4] =	ssyncadd.s32 $0xFFFFF800  }
0x57: {  	_ =	swait.ge [sflag:s4], $0x800  }
0x58: {  	[sflag:s4] =	ssyncset.done $0x0  }
0x59: {  	[sflag:s4] =	ssyncadd.s32 $0xFFFFF800  }
0x5a: {  	_ =	swait.ge [sflag:s4], $0x800  }
0x5b: {  	[sflag:s4] =	ssyncset.done $0x0  }
0x5c: {  	[sflag:s4] =	ssyncadd.s32 $0xFFFFF800  }
0x5d: {  	_ =	swait.ge [sflag:s4], $0x800  }
0x5e: {  	[sflag:s4] =	ssyncset.done $0x0  }
0x5f: {  	[sflag:s4] =	ssyncadd.s32 $0xFFFFF800  }
0x60: {  	_ =	swait.ge [sflag:s4], $0x800  }
0x61: {  	[sflag:s4] =	ssyncset.done $0x0  }
0x62: {  	[sflag:s4] =	ssyncadd.s32 $0xFFFFF800  }
0x63: {  	_ =	swait.ge [sflag:s4], $0x800  }
0x64: {  	[sflag:s4] =	ssyncset.done $0x0  }
0x65: {  	[sflag:s4] =	ssyncadd.s32 $0xFFFFF800  }
0x66: {  	_ =	swait.ge [sflag:s4], $0x800  }
0x67: {  	[sflag:s4] =	ssyncset.done $0x0  }
0x68: {  	[sflag:s4] =	ssyncadd.s32 $0xFFFFF800  }
0x69: {  	_ =	swait.ge [sflag:s4], $0x800  }
0x6a: {  	[sflag:s4] =	ssyncset.done $0x0  }
0x6b: {  	[sflag:s4] =	ssyncadd.s32 $0xFFFFF800  }
0x6c: {  	_ =	swait.ge [sflag:s4], $0x800  }
0x6d: {  	[sflag:s4] =	ssyncset.done $0x0  }
0x6e: {  	[sflag:s4] =	ssyncadd.s32 $0xFFFFF800  }
0x6f: {  	_ =	swait.ge [sflag:s4], $0x800  }
0x70: {  	[sflag:s4] =	ssyncset.done $0x0  }
0x71: {  	[sflag:s4] =	ssyncadd.s32 $0xFFFFF800  }
0x72: {  	_ =	swait.ge [sflag:s4], $0x800  }
0x73: {  	[sflag:s4] =	ssyncset.done $0x0  }
0x74: {  	[sflag:s4] =	ssyncadd.s32 $0xFFFFF800  }
0x75: {  	_ =	swait.ge [sflag:s4], $0x800  }
0x76: {  	[sflag:s4] =	ssyncset.done $0x0  }
0x77: {  	[sflag:s4] =	ssyncadd.s32 $0xFFFFF800  }
0x78: {  	_ =	swait.ge [sflag:s4], $0x800  }
0x79: {  	[sflag:s4] =	ssyncset.done $0x0  }
0x7a: {  	[sflag:s4] =	ssyncadd.s32 $0xFFFFF800  }
0x7b: {  	_ =	swait.ge [sflag:s4], $0x800  }
0x7c: {  	[sflag:s4] =	ssyncset.done $0x0  }
0x7d: {  	[sflag:s4] =	ssyncadd.s32 $0xFFFFF800  }
0x7e: {  	_ =	swait.ge [sflag:s4], $0x800  }
0x7f: {  	[sflag:s4] =	ssyncset.done $0x0  }
0x80: {  	[sflag:s4] =	ssyncadd.s32 $0xFFFFF800  }
0x81: {  	_ =	swait.ge [sflag:s4], $0x800  }
0x82: {  	[sflag:s4] =	ssyncset.done $0x0  }
0x83: {  	[sflag:s4] =	ssyncadd.s32 $0xFFFFF800  }
0x84: {  	_ =	swait.ge [sflag:s4], $0x800  }
0x85: {  	[sflag:s4] =	ssyncset.done $0x0  }
0x86: {  	[sflag:s4] =	ssyncadd.s32 $0xFFFFF800  }
0x87: {  	_ =	swait.ge [sflag:s4], $0x800  }
0x88: {  	[sflag:s4] =	ssyncset.done $0x0  }
0x89: {  	[sflag:s4] =	ssyncadd.s32 $0xFFFFF800  }
0x8a: {  	_ =	swait.ge [sflag:s4], $0x800  }
0x8b: {  	[sflag:s4] =	ssyncset.done $0x0  }
0x8c: {  	[sflag:s4] =	ssyncadd.s32 $0xFFFFF800  }
0x8d: {  	_ =	swait.ge [sflag:s4], $0x800  }
0x8e: {  	[sflag:s4] =	ssyncset.done $0x0  }
0x8f: {  	[sflag:s4] =	ssyncadd.s32 $0xFFFFF800  }
0x90: {  	_ =	swait.ge [sflag:s4], $0x800  }
0x91: {  	[sflag:s4] =	ssyncset.done $0x0  }
0x92: {  	[sflag:s4] =	ssyncadd.s32 $0xFFFFF800  }
0x93: {  	_ =	swait.ge [sflag:s4], $0x800  }
0x94: {  	[sflag:s4] =	ssyncset.done $0x0  }
0x95: {  	[sflag:s4] =	ssyncadd.s32 $0xFFFFF800  }
0x96: {  	_ =	swait.ge [sflag:s4], $0x800  }
0x97: {  	[sflag:s4] =	ssyncset.done $0x0  }
0x98: {  	[sflag:s4] =	ssyncadd.s32 $0xFFFFF800  }
0x99: {  	_ =	swait.ge [sflag:s4], $0x800  }
0x9a: {  	[sflag:s4] =	ssyncset.done $0x0  }
0x9b: {  	s6 =	simm.s32 $0x0;
	[sflag:s4] =	ssyncadd.s32 $0xFFFFF800  }
.LBB2_2:
0x9c: {  	s7 =	sshll.u32 s6, $0x8  }
0x9d: {  	s7 =	sand.u32 $0x3FFFFF00, s7  }
0x9e: {  	v0 =	vld [tilespmem:s7+$0xD00]  }
0x9f: {  	v1 =	vld [tilespmem:s7+$0x1500]  }
0xa0: {  	v2 =	vld [tilespmem:s7+$0x1D00]  }
0xa1: {  	v4 =	vld [tilespmem:s7+$0x2500]  }
0xa2: {  	v5 =	vld [tilespmem:s7+$0x2D00]  }
0xa3: {  	v37 =	vld [tilespmem:s7+$0x3500]  }
0xa4: {  	v39 =	vld [tilespmem:s7+$0x3D00]  }
0xa5: {  	v41 =	vld [tilespmem:s7+$0x4500]  }
0xa6: {  	v43 =	vld [tilespmem:s7+$0x4D00]  }
0xa7: {  	v45 =	vld [tilespmem:s7+$0x5500]  }
0xa8: {  	v47 =	vld [tilespmem:s7+$0xD10]  }
0xa9: {  	v6 =	vld [tilespmem:s7+$0x5D00]  }
0xaa: {  	v49 =	vld [tilespmem:s7+$0x1510]  }
0xab: {  	v7 =	vld [tilespmem:s7+$0x6500];
	v3 =	vadd.f32 $0.0e+00, v0;
	v0 =	vmul.f32 v0, v0  }
0xac: {  	v51 =	vld [tilespmem:s7+$0x1D10];
	v38 =	vmul.f32 v4, v4;
	v40 =	vmul.f32 v5, v5  }
0xad: {  	v8 =	vld [tilespmem:s7+$0x6D00];
	v42 =	vmul.f32 v37, v37;
	v3 =	vadd.f32 v1, v3;
	v1 =	vmul.f32 v1, v1  }
0xae: {  	v53 =	vld [tilespmem:s7+$0x2510];
	v44 =	vmul.f32 v39, v39;
	v46 =	vmul.f32 v41, v41  }
0xaf: {  	v10 =	vld [tilespmem:s7+$0x7500];
	v0 =	vadd.f32 v1, v0;
	v36 =	vadd.f32 v2, v3;
	v2 =	vmul.f32 v2, v2  }
0xb0: {  	v55 =	vld [tilespmem:s7+$0x2D10];
	v48 =	vmul.f32 v43, v43;
	v50 =	vmul.f32 v45, v45;
	v9 =	vadd.f32 $0.0e+00, v47  }
0xb1: {  	v11 =	vld [tilespmem:s7+$0x7D00];
	v52 =	vmul.f32 v6, v6;
	v0 =	vadd.f32 v2, v0;
	v1 =	vadd.f32 v4, v36  }
0xb2: {  	v58 =	vld [tilespmem:s7+$0x3510];
	v54 =	vmul.f32 v7, v7;
	v57 =	vmul.f32 v8, v8;
	v9 =	vadd.f32 v49, v9  }
0xb3: {  	v59 =	vld [tilespmem:s7+$0x8500];
	v61 =	vmul.f32 v53, v53;
	v0 =	vadd.f32 v38, v0;
	v1 =	vadd.f32 v5, v1  }
0xb4: {  	v63 =	vld [tilespmem:s7+$0x3D10];
	v3 =	vmul.f32 v49, v49;
	v56 =	vadd.f32 v51, v9;
	v5 =	vmul.f32 v47, v47  }
0xb5: {  	v12 =	vld [tilespmem:s7+$0x8D00];
	v62 =	vmul.f32 v10, v10;
	v0 =	vadd.f32 v40, v0;
	v1 =	vadd.f32 v37, v1  }
0xb6: {  	v15 =	vld [tilespmem:s7+$0x4510];
	v4 =	vmul.f32 v51, v51;
	v60 =	vadd.f32 v53, v56;
	v3 =	vadd.f32 v3, v5  }
0xb7: {  	v16 =	vld [tilespmem:s7+$0x9500];
	v13 =	vmul.f32 v55, v55;
	v0 =	vadd.f32 v42, v0;
	v1 =	vadd.f32 v39, v1  }
0xb8: {  	v19 =	vld [tilespmem:s7+$0x4D10];
	v14 =	vmul.f32 v11, v11;
	v3 =	vadd.f32 v4, v3;
	v4 =	vadd.f32 v55, v60  }
0xb9: {  	v20 =	vld [tilespmem:s7+$0x9D00];
	v17 =	vmul.f32 v58, v58;
	v0 =	vadd.f32 v44, v0;
	v1 =	vadd.f32 v41, v1  }
0xba: {  	v18 =	vmul.f32 v59, v59;
	v56 =	vld [tilespmem:s7+$0xD20];
	v3 =	vadd.f32 v61, v3;
	v4 =	vadd.f32 v58, v4  }
0xbb: {  	v23 =	vld [tilespmem:s7+$0x5510];
	v21 =	vmul.f32 v63, v63;
	v0 =	vadd.f32 v46, v0;
	v1 =	vadd.f32 v43, v1  }
0xbc: {  	v24 =	vld [tilespmem:s7+$0xA500];
	v22 =	vmul.f32 v12, v12;
	v3 =	vadd.f32 v13, v3;
	v4 =	vadd.f32 v63, v4  }
0xbd: {  	v27 =	vld [tilespmem:s7+$0x5D10];
	v25 =	vmul.f32 v15, v15;
	v0 =	vadd.f32 v48, v0;
	v1 =	vadd.f32 v45, v1  }
0xbe: {  	v26 =	vmul.f32 v16, v16;
	v60 =	vld [tilespmem:s7+$0x1520];
	v3 =	vadd.f32 v17, v3;
	v4 =	vadd.f32 v15, v4  }
0xbf: {  	v28 =	vld [tilespmem:s7+$0xAD00];
	v29 =	vmul.f32 v19, v19;
	v17 =	vadd.f32 $0.0e+00, v56;
	v0 =	vadd.f32 v50, v0  }
0xc0: {  	v31 =	vld [tilespmem:s7+$0x6510];
	v30 =	vmul.f32 v20, v20;
	v1 =	vadd.f32 v6, v1;
	v3 =	vadd.f32 v21, v3  }
0xc1: {  	v33 =	vmul.f32 v23, v23;
	v63 =	vld [tilespmem:s7+$0x1D20];
	v4 =	vadd.f32 v19, v4;
	v0 =	vadd.f32 v52, v0  }
0xc2: {  	v32 =	vld [tilespmem:s7+$0xB500];
	v6 =	vmul.f32 v56, v56;
	v1 =	vadd.f32 v7, v1;
	v3 =	vadd.f32 v25, v3  }
0xc3: {  	v35 =	vld [tilespmem:s7+$0x6D10];
	v4 =	vadd.f32 v23, v4;
	v7 =	vmul.f32 v60, v60;
	v0 =	vadd.f32 v54, v0  }
0xc4: {  	v34 =	vmul.f32 v24, v24;
	v47 =	vld [tilespmem:s7+$0x8510];
	v1 =	vadd.f32 v8, v1;
	v3 =	vadd.f32 v29, v3  }
0xc5: {  	v36 =	vld [tilespmem:s7+$0xBD00];
	v38 =	vmul.f32 v28, v28;
	v4 =	vadd.f32 v27, v4;
	v6 =	vadd.f32 v7, v6  }
0xc6: {  	v39 =	vld [tilespmem:s7+$0x7510];
	v8 =	vmul.f32 v63, v63;
	v0 =	vadd.f32 v57, v0;
	v1 =	vadd.f32 v10, v1  }
0xc7: {  	v51 =	vld [tilespmem:s7+$0x8D10];
	v37 =	vmul.f32 v27, v27;
	v3 =	vadd.f32 v33, v3;
	v4 =	vadd.f32 v31, v4  }
0xc8: {  	v42 =	vmul.f32 v32, v32;
	v44 =	vld [tilespmem:s7+$0xCD00];
	v10 =	vadd.f32 v60, v17;
	v6 =	vadd.f32 v8, v6  }
0xc9: {  	v55 =	vmul.f32 v47, v47;
	v43 =	vld [tilespmem:s7+$0x7D10];
	v0 =	vadd.f32 v62, v0;
	v1 =	vadd.f32 v11, v1  }
0xca: {  	v41 =	vmul.f32 v31, v31;
	v61 =	vld [tilespmem:s7+$0xA510];
	v3 =	vadd.f32 v37, v3;
	v4 =	vadd.f32 v35, v4  }
0xcb: {  	v40 =	vld [tilespmem:s7+$0xC500];
	v49 =	vmul.f32 v39, v39;
	v0 =	vadd.f32 v14, v0;
	v1 =	vadd.f32 v59, v1  }
0xcc: {  	v45 =	vmul.f32 v35, v35;
	v3 =	vadd.f32 v41, v3;
	v4 =	vadd.f32 v39, v4;
	v39 =	vld [tilespmem:s7+$0xD30]  }
0xcd: {  	v46 =	vmul.f32 v36, v36;
	v21 =	vld [tilespmem:s7+$0x2D20];
	v0 =	vadd.f32 v18, v0;
	v1 =	vadd.f32 v12, v1  }
0xce: {  	v48 =	vld [tilespmem:s7+$0xD500];
	v53 =	vmul.f32 v44, v44;
	v3 =	vadd.f32 v45, v3;
	v4 =	vadd.f32 v43, v4  }
0xcf: {  	v2 =	vmul.f32 v61, v61;
	v19 =	vld [tilespmem:s7+$0x2520];
	v0 =	vadd.f32 v22, v0;
	v1 =	vadd.f32 v16, v1  }
0xd0: {  	v52 =	vmul.f32 v43, v43;
	v43 =	vld [tilespmem:s7+$0x1530];
	v3 =	vadd.f32 v49, v3;
	v4 =	vadd.f32 v47, v4  }
0xd1: {  	v50 =	vmul.f32 v40, v40;
	v54 =	vld [tilespmem:s7+$0x9510];
	v22 =	vadd.f32 v63, v10;
	v49 =	vadd.f32 $0.0e+00, v39  }
0xd2: {  	v58 =	vld [tilespmem:s7+$0x9D10];
	v5 =	vmul.f32 v21, v21;
	v0 =	vadd.f32 v26, v0;
	v1 =	vadd.f32 v20, v1  }
0xd3: {  	v13 =	vld [tilespmem:s7+$0x6D20];
	v9 =	vmul.f32 v39, v39;
	v3 =	vadd.f32 v52, v3;
	v4 =	vadd.f32 v51, v4  }
0xd4: {  	v56 =	vld [tilespmem:s7+$0x7D20];
	v7 =	vadd.f32 v19, v22;
	v26 =	vmul.f32 v19, v19;
	v0 =	vadd.f32 v30, v0  }
0xd5: {  	v25 =	vld [tilespmem:s7+$0xC510];
	v8 =	vmul.f32 v43, v43;
	v1 =	vadd.f32 v24, v1;
	v3 =	vadd.f32 v55, v3  }
0xd6: {  	v57 =	vmul.f32 v48, v48;
	v12 =	vld [tilespmem:s7+$0xBD10];
	v4 =	vadd.f32 v54, v4;
	v6 =	vadd.f32 v26, v6  }
0xd7: {  	v59 =	vmul.f32 v51, v51;
	v24 =	vld [tilespmem:s7+$0x3520];
	v7 =	vadd.f32 v21, v7;
	v8 =	vadd.f32 v8, v9  }
0xd8: {  	v60 =	vmul.f32 v13, v13;
	v47 =	vld [tilespmem:s7+$0x1D30];
	v0 =	vadd.f32 v34, v0;
	v1 =	vadd.f32 v28, v1  }
0xd9: {  	v62 =	vmul.f32 v54, v54;
	v16 =	vld [tilespmem:s7+$0xAD10];
	v3 =	vadd.f32 v59, v3;
	v4 =	vadd.f32 v58, v4  }
0xda: {  	v29 =	vld [tilespmem:s7+$0x3D20];
	v35 =	vmul.f32 v25, v25;
	v5 =	vadd.f32 v5, v6;
	v0 =	vadd.f32 v38, v0  }
0xdb: {  	v18 =	vmul.f32 v58, v58;
	v45 =	vld [tilespmem:s7+$0x5D20];
	v1 =	vadd.f32 v32, v1;
	v3 =	vadd.f32 v62, v3  }
0xdc: {  	v19 =	vmul.f32 v56, v56;
	v4 =	vadd.f32 v61, v4;
	v32 =	vld [tilespmem:s7+$0x4520];
	v34 =	vadd.f32 v24, v7  }
0xdd: {  	v20 =	vld [tilespmem:s7+$0xB510];
	v7 =	vmul.f32 v47, v47;
	v0 =	vadd.f32 v42, v0;
	v1 =	vadd.f32 v36, v1  }
0xde: {  	v31 =	vmul.f32 v12, v12;
	v3 =	vadd.f32 v18, v3;
	v23 =	vadd.f32 v16, v4;
	v36 =	vld [tilespmem:s7+$0x4D20]  }
0xdf: {  	v51 =	vld [tilespmem:s7+$0x2530];
	v4 =	vmul.f32 v24, v24;
	v37 =	vadd.f32 v29, v34;
	v7 =	vadd.f32 v7, v8  }
0xe0: {  	v52 =	vmul.f32 v45, v45;
	v0 =	vadd.f32 v46, v0;
	v1 =	vadd.f32 v40, v1  }
0xe1: {  	v41 =	vld [tilespmem:s7+$0x5520];
	v38 =	vmul.f32 v29, v29;
	v4 =	vadd.f32 v4, v5;
	v5 =	vadd.f32 v32, v37  }
0xe2: {  	v33 =	vld [tilespmem:s7+$0xD510];
	v28 =	vmul.f32 v20, v20;
	v0 =	vadd.f32 v50, v0;
	v1 =	vadd.f32 v44, v1  }
0xe3: {  	v30 =	vld [tilespmem:s7+$0xCD10];
	v42 =	vmul.f32 v32, v32;
	v4 =	vadd.f32 v38, v4;
	v5 =	vadd.f32 v36, v5  }
0xe4: {  	v55 =	vld [tilespmem:s7+$0x3530];
	v58 =	vmul.f32 v51, v51;
	v0 =	vadd.f32 v53, v0;
	v1 =	vadd.f32 v48, v1  }
0xe5: {  	v2 =	vadd.f32 v2, v3;
	v46 =	vmul.f32 v36, v36;
	v4 =	vadd.f32 v42, v4;
	v48 =	vld [tilespmem:s7+$0x6520]  }
0xe6: {  	v53 =	vld [tilespmem:s7+$0x2D30];
	v5 =	vadd.f32 v41, v5;
	v0 =	vadd.f32 v57, v0;
	v1 =	vmul.f32 v1, v1  }
0xe7: {  	v61 =	vld [tilespmem:s7+$0x3D30];
	v27 =	vadd.f32 v20, v23;
	v50 =	vmul.f32 v41, v41;
	v4 =	vadd.f32 v46, v4  }
0xe8: {  	v14 =	vld [tilespmem:s7+$0x7520];
	v5 =	vadd.f32 v45, v5;
	v0 =	vsub.f32 v1, v0;
	v1 =	vmul.f32 v16, v16  }
0xe9: {  	v62 =	vld [tilespmem:s7+$0x8520];
	v6 =	vmul.f32 v55, v55;
	v7 =	vadd.f32 v58, v7;
	v4 =	vadd.f32 v50, v4  }
0xea: {  	v21 =	vld [tilespmem:s7+$0x9520];
	v40 =	vmul.f32 v30, v30;
	v5 =	vadd.f32 v48, v5;
	v1 =	vadd.f32 v1, v2  }
0xeb: {  	v17 =	vld [tilespmem:s7+$0x4530];
	v63 =	vmul.f32 v53, v53;
	v2 =	vadd.f32 v12, v27;
	v12 =	vadd.f32 v43, v49  }
0xec: {  	v26 =	vld [tilespmem:s7+$0x9D20];
	v23 =	vmul.f32 v61, v61;
	v4 =	vadd.f32 v52, v4;
	v59 =	vadd.f32 v13, v5  }
0xed: {  	v29 =	vld [tilespmem:s7+$0x5D30];
	v3 =	vmul.f32 v48, v48;
	v7 =	vadd.f32 v63, v7;
	v1 =	vadd.f32 v28, v1  }
0xee: {  	v18 =	vld [tilespmem:s7+$0x8D20];
	v24 =	vmul.f32 v62, v62;
	v2 =	vadd.f32 v25, v2;
	v54 =	vadd.f32 v47, v12  }
0xef: {  	v34 =	vld [tilespmem:s7+$0xAD20];
	v32 =	vmul.f32 v21, v21;
	v3 =	vadd.f32 v3, v4;
	v4 =	vadd.f32 v14, v59  }
0xf0: {  	v44 =	vmul.f32 v33, v33;
	v38 =	vld [tilespmem:s7+$0xB520];
	v6 =	vadd.f32 v6, v7;
	v1 =	vadd.f32 v31, v1  }
0xf1: {  	v20 =	vld [tilespmem:s7+$0x4D30];
	v36 =	vmul.f32 v26, v26;
	v2 =	vadd.f32 v30, v2;
	v57 =	vadd.f32 v51, v54  }
0xf2: {  	v39 =	vmul.f32 v29, v29;
	v42 =	vld [tilespmem:s7+$0xBD20];
	v3 =	vadd.f32 v60, v3;
	v4 =	vadd.f32 v56, v4  }
0xf3: {  	v37 =	vld [tilespmem:s7+$0x6D30];
	v16 =	vmul.f32 v14, v14;
	v6 =	vadd.f32 v23, v6;
	v1 =	vadd.f32 v35, v1  }
0xf4: {  	v27 =	vmul.f32 v17, v17;
	v25 =	vld [tilespmem:s7+$0x5530];
	v2 =	vadd.f32 v33, v2;
	v8 =	vadd.f32 v53, v57  }
0xf5: {  	v41 =	vld [tilespmem:s7+$0x7530];
	v48 =	vmul.f32 v38, v38;
	v3 =	vadd.f32 v16, v3;
	v4 =	vadd.f32 v62, v4  }
0xf6: {  	v46 =	vld [tilespmem:s7+$0xC520];
	v31 =	vmul.f32 v20, v20;
	v6 =	vadd.f32 v27, v6;
	v1 =	vadd.f32 v40, v1  }
0xf7: {  	v50 =	vld [tilespmem:s7+$0xCD20];
	v52 =	vmul.f32 v42, v42;
	v8 =	vadd.f32 v55, v8;
	v3 =	vadd.f32 v19, v3  }
0xf8: {  	v28 =	vmul.f32 v18, v18;
	v62 =	vld [tilespmem:s7+$0xD40];
	v4 =	vadd.f32 v18, v4;
	v6 =	vadd.f32 v31, v6  }
0xf9: {  	v33 =	vld [tilespmem:s7+$0x6530];
	v35 =	vmul.f32 v25, v25;
	v1 =	vadd.f32 v44, v1;
	v22 =	vadd.f32 v61, v8  }
0xfa: {  	v2 =	vmul.f32 v2, v2;
	v18 =	vld [tilespmem:s7+$0x1540];
	v3 =	vadd.f32 v24, v3;
	v4 =	vadd.f32 v21, v4  }
0xfb: {  	v47 =	vmul.f32 v37, v37;
	v30 =	vld [tilespmem:s7+$0xA520];
	v6 =	vadd.f32 v35, v6;
	v7 =	vadd.f32 v17, v22  }
0xfc: {  	v45 =	vld [tilespmem:s7+$0x7D30];
	v59 =	vmul.f32 v50, v50;
	v3 =	vadd.f32 v28, v3;
	v1 =	vsub.f32 v2, v1  }
0xfd: {  	v49 =	vld [tilespmem:s7+$0x8530];
	v51 =	vmul.f32 v41, v41;
	v27 =	vadd.f32 $0.0e+00, v62;
	v4 =	vadd.f32 v26, v4  }
0xfe: {  	v54 =	vld [tilespmem:s7+$0xD520];
	v43 =	vmul.f32 v33, v33;
	v6 =	vadd.f32 v39, v6;
	v7 =	vadd.f32 v20, v7  }
0xff: {  	v60 =	vld [tilespmem:s7+$0x9D30];
	v11 =	vmul.f32 v62, v62;
	v3 =	vadd.f32 v32, v3;
	v10 =	vadd.f32 v18, v27  }
0x100: {  	v53 =	vld [tilespmem:s7+$0x8D30];
	v9 =	vmul.f32 v18, v18;
	v4 =	vadd.f32 v30, v4;
	v6 =	vadd.f32 v43, v6  }
0x101: {  	v56 =	vmul.f32 v46, v46;
	v57 =	vld [tilespmem:s7+$0x9530];
	v7 =	vadd.f32 v25, v7;
	v3 =	vadd.f32 v36, v3  }
0x102: {  	v40 =	vmul.f32 v30, v30;
	v25 =	vld [tilespmem:s7+$0x1D40];
	v9 =	vadd.f32 v9, v11;
	v4 =	vadd.f32 v34, v4  }
0x103: {  	v58 =	vmul.f32 v49, v49;
	v16 =	vld [tilespmem:s7+$0xA530];
	v6 =	vadd.f32 v47, v6;
	v7 =	vadd.f32 v29, v7  }
0x104: {  	v31 =	vld [tilespmem:s7+$0x2D40];
	v44 =	vmul.f32 v34, v34;
	v3 =	vadd.f32 v40, v3;
	v4 =	vadd.f32 v38, v4  }
0x105: {  	v55 =	vmul.f32 v45, v45;
	v29 =	vld [tilespmem:s7+$0x2540];
	v6 =	vadd.f32 v51, v6;
	v7 =	vadd.f32 v33, v7  }
0x106: {  	v63 =	vmul.f32 v54, v54;
	v35 =	vld [tilespmem:s7+$0xCD30];
	v3 =	vadd.f32 v44, v3;
	v4 =	vadd.f32 v42, v4  }
0x107: {  	v24 =	vmul.f32 v60, v60;
	v32 =	vld [tilespmem:s7+$0xC530];
	v6 =	vadd.f32 v55, v6;
	v10 =	vadd.f32 v25, v10  }
0x108: {  	v30 =	vld [tilespmem:s7+$0xBD30];
	v8 =	vmul.f32 v25, v25;
	v7 =	vadd.f32 v37, v7;
	v3 =	vadd.f32 v48, v3  }
0x109: {  	v61 =	vmul.f32 v53, v53;
	v27 =	vld [tilespmem:s7+$0x8540];
	v4 =	vadd.f32 v46, v4;
	v6 =	vadd.f32 v58, v6  }
0x10a: {  	v17 =	vmul.f32 v57, v57;
	v34 =	vld [tilespmem:s7+$0x3540];
	v8 =	vadd.f32 v8, v9;
	v36 =	vadd.f32 v29, v10  }
0x10b: {  	v40 =	vld [tilespmem:s7+$0x3D40];
	v37 =	vmul.f32 v29, v29;
	v7 =	vadd.f32 v41, v7;
	v3 =	vadd.f32 v52, v3  }
0x10c: {  	v28 =	vmul.f32 v16, v16;
	v58 =	vld [tilespmem:s7+$0x2550];
	v4 =	vadd.f32 v50, v4;
	v6 =	vadd.f32 v61, v6  }
0x10d: {  	v21 =	vld [tilespmem:s7+$0xAD30];
	v39 =	vmul.f32 v30, v30;
	v8 =	vadd.f32 v37, v8;
	v9 =	vadd.f32 v31, v36  }
0x10e: {  	v42 =	vmul.f32 v32, v32;
	v50 =	vld [tilespmem:s7+$0x1550];
	v7 =	vadd.f32 v45, v7;
	v3 =	vadd.f32 v56, v3  }
0x10f: {  	v46 =	vmul.f32 v35, v35;
	v45 =	vld [tilespmem:s7+$0xD50];
	v4 =	vadd.f32 v54, v4;
	v22 =	vadd.f32 v17, v6  }
0x110: {  	v15 =	vld [tilespmem:s7+$0x6540];
	v37 =	vmul.f32 v27, v27;
	v44 =	vadd.f32 v34, v9;
	v7 =	vadd.f32 v49, v7  }
0x111: {  	v26 =	vld [tilespmem:s7+$0xB530];
	v3 =	vadd.f32 v59, v3;
	v49 =	vmul.f32 v40, v40;
	v11 =	vmul.f32 v58, v58  }
0x112: {  	v54 =	vld [tilespmem:s7+$0x1D50];
	v20 =	vmul.f32 v4, v4;
	v5 =	vadd.f32 v24, v22;
	v48 =	vadd.f32 v40, v44  }
0x113: {  	v62 =	vld [tilespmem:s7+$0x3550];
	v4 =	vmul.f32 v21, v21;
	v7 =	vadd.f32 v53, v7;
	v19 =	vadd.f32 v63, v3  }
0x114: {  	v41 =	vld [tilespmem:s7+$0xD530];
	v12 =	vmul.f32 v50, v50;
	v5 =	vadd.f32 v28, v5;
	v56 =	vadd.f32 $0.0e+00, v45  }
0x115: {  	v52 =	vld [tilespmem:s7+$0x5540];
	v9 =	vmul.f32 v45, v45;
	v7 =	vadd.f32 v57, v7;
	v2 =	vsub.f32 v20, v19  }
0x116: {  	v29 =	vld [tilespmem:s7+$0x4D50];
	v3 =	vmul.f32 v26, v26;
	v4 =	vadd.f32 v4, v5;
	v14 =	vadd.f32 v50, v56  }
0x117: {  	v10 =	vmul.f32 v54, v54;
	v9 =	vadd.f32 v12, v9;
	v23 =	vadd.f32 v60, v7;
	v60 =	vld [tilespmem:s7+$0x2D50]  }
0x118: {  	v43 =	vld [tilespmem:s7+$0x4540];
	v7 =	vmul.f32 v31, v31;
	v3 =	vadd.f32 v3, v4;
	v61 =	vadd.f32 v54, v14  }
0x119: {  	v18 =	vld [tilespmem:s7+$0x6560];
	v51 =	vmul.f32 v41, v41;
	v9 =	vadd.f32 v10, v9;
	v6 =	vadd.f32 v16, v23  }
0x11a: {  	v47 =	vld [tilespmem:s7+$0x4D40];
	v59 =	vmul.f32 v52, v52;
	v7 =	vadd.f32 v7, v8;
	v3 =	vadd.f32 v39, v3  }
0x11b: {  	v55 =	vld [tilespmem:s7+$0x5D40];
	v40 =	vmul.f32 v29, v29;
	v19 =	vadd.f32 v58, v61;
	v6 =	vadd.f32 v21, v6  }
0x11c: {  	v22 =	vld [tilespmem:s7+$0x3D50];
	v9 =	vadd.f32 v11, v9;
	v3 =	vadd.f32 v42, v3;
	v24 =	vmul.f32 v60, v60  }
0x11d: {  	v53 =	vmul.f32 v43, v43;
	v63 =	vld [tilespmem:s7+$0x7540];
	v10 =	vadd.f32 v60, v19;
	v33 =	vadd.f32 v26, v6  }
0x11e: {  	v50 =	vld [tilespmem:s7+$0x7550];
	v6 =	vmul.f32 v34, v34;
	v3 =	vadd.f32 v46, v3;
	v9 =	vadd.f32 v24, v9  }
0x11f: {  	v8 =	vmul.f32 v62, v62;
	v26 =	vld [tilespmem:s7+$0x4550];
	v10 =	vadd.f32 v62, v10;
	v38 =	vadd.f32 v30, v33  }
0x120: {  	v57 =	vmul.f32 v47, v47;
	v54 =	vld [tilespmem:s7+$0x7D50];
	v6 =	vadd.f32 v6, v7;
	v7 =	vadd.f32 v43, v48  }
0x121: {  	v5 =	vmul.f32 v55, v55;
	v16 =	vld [tilespmem:s7+$0x6D40];
	v3 =	vadd.f32 v51, v3;
	v8 =	vadd.f32 v8, v9  }
0x122: {  	v28 =	vmul.f32 v63, v63;
	v23 =	vld [tilespmem:s7+$0x7D40];
	v31 =	vadd.f32 v22, v10;
	v4 =	vadd.f32 v32, v38  }
0x123: {  	v58 =	vld [tilespmem:s7+$0x8550];
	v21 =	vmul.f32 v15, v15;
	v6 =	vadd.f32 v49, v6;
	v7 =	vadd.f32 v47, v7  }
0x124: {  	v34 =	vld [tilespmem:s7+$0x5550];
	v32 =	vmul.f32 v22, v22;
	v9 =	vadd.f32 v26, v31;
	v4 =	vadd.f32 v35, v4  }
0x125: {  	v39 =	vld [tilespmem:s7+$0x9D40];
	v60 =	vmul.f32 v50, v50;
	v6 =	vadd.f32 v53, v6;
	v7 =	vadd.f32 v52, v7  }
0x126: {  	v38 =	vld [tilespmem:s7+$0x5D50];
	v36 =	vmul.f32 v26, v26;
	v8 =	vadd.f32 v32, v8;
	v9 =	vadd.f32 v29, v9  }
0x127: {  	v42 =	vld [tilespmem:s7+$0x6550];
	v25 =	vmul.f32 v16, v16;
	v4 =	vadd.f32 v41, v4;
	v6 =	vadd.f32 v57, v6  }
0x128: {  	v33 =	vmul.f32 v23, v23;
	v31 =	vld [tilespmem:s7+$0xD60];
	v7 =	vadd.f32 v55, v7;
	v8 =	vadd.f32 v36, v8  }
0x129: {  	v46 =	vld [tilespmem:s7+$0x6D50];
	v24 =	vmul.f32 v58, v58;
	v9 =	vadd.f32 v34, v9;
	v6 =	vadd.f32 v59, v6  }
0x12a: {  	v62 =	vld [tilespmem:s7+$0x8D50];
	v44 =	vmul.f32 v34, v34;
	v20 =	vadd.f32 v15, v7;
	v8 =	vadd.f32 v40, v8  }
0x12b: {  	v43 =	vld [tilespmem:s7+$0xA540];
	v4 =	vmul.f32 v4, v4;
	v9 =	vadd.f32 v38, v9;
	v5 =	vadd.f32 v5, v6  }
0x12c: {  	v30 =	vld [tilespmem:s7+$0x8D40];
	v49 =	vmul.f32 v39, v39;
	v6 =	vadd.f32 v16, v20;
	v8 =	vadd.f32 v44, v8  }
0x12d: {  	v51 =	vld [tilespmem:s7+$0xB540];
	v48 =	vmul.f32 v38, v38;
	v3 =	vsub.f32 v4, v3;
	v44 =	vadd.f32 $0.0e+00, v31  }
0x12e: {  	v47 =	vld [tilespmem:s7+$0xAD40];
	v52 =	vmul.f32 v42, v42;
	v9 =	vadd.f32 v42, v9;
	v5 =	vadd.f32 v21, v5  }
0x12f: {  	v26 =	vld [tilespmem:s7+$0x9D50];
	v56 =	vmul.f32 v46, v46;
	v6 =	vadd.f32 v63, v6;
	v8 =	vadd.f32 v48, v8  }
0x130: {  	v22 =	vld [tilespmem:s7+$0x9550];
	v53 =	vmul.f32 v43, v43;
	v9 =	vadd.f32 v46, v9;
	v5 =	vadd.f32 v25, v5  }
0x131: {  	v35 =	vld [tilespmem:s7+$0x9540];
	v41 =	vmul.f32 v30, v30;
	v6 =	vadd.f32 v23, v6;
	v8 =	vadd.f32 v52, v8  }
0x132: {  	v29 =	vld [tilespmem:s7+$0xA550];
	v61 =	vmul.f32 v51, v51;
	v9 =	vadd.f32 v50, v9;
	v5 =	vadd.f32 v28, v5  }
0x133: {  	v55 =	vld [tilespmem:s7+$0xBD40];
	v57 =	vmul.f32 v47, v47;
	v6 =	vadd.f32 v27, v6;
	v8 =	vadd.f32 v56, v8  }
0x134: {  	v59 =	vld [tilespmem:s7+$0xC540];
	v34 =	vmul.f32 v26, v26;
	v9 =	vadd.f32 v54, v9;
	v5 =	vadd.f32 v33, v5  }
0x135: {  	v38 =	vld [tilespmem:s7+$0xB550];
	v20 =	vmul.f32 v54, v54;
	v6 =	vadd.f32 v30, v6;
	v8 =	vadd.f32 v60, v8  }
0x136: {  	v11 =	vmul.f32 v31, v31;
	v42 =	vld [tilespmem:s7+$0x1D60];
	v9 =	vadd.f32 v58, v9;
	v5 =	vadd.f32 v37, v5  }
0x137: {  	v45 =	vmul.f32 v35, v35;
	v6 =	vadd.f32 v35, v6;
	v8 =	vadd.f32 v20, v8;
	v35 =	vld [tilespmem:s7+$0x1560]  }
0x138: {  	v63 =	vld [tilespmem:s7+$0xCD40];
	v21 =	vmul.f32 v55, v55;
	v9 =	vadd.f32 v62, v9;
	v5 =	vadd.f32 v41, v5  }
0x139: {  	v48 =	vld [tilespmem:s7+$0x2D60];
	v27 =	vmul.f32 v62, v62;
	v6 =	vadd.f32 v39, v6;
	v8 =	vadd.f32 v24, v8  }
0x13a: {  	v23 =	vld [tilespmem:s7+$0xD540];
	v25 =	vmul.f32 v59, v59;
	v9 =	vadd.f32 v22, v9;
	v5 =	vadd.f32 v45, v5  }
0x13b: {  	v46 =	vld [tilespmem:s7+$0x2560];
	v10 =	vmul.f32 v42, v42;
	v6 =	vadd.f32 v43, v6;
	v8 =	vadd.f32 v27, v8  }
0x13c: {  	v30 =	vmul.f32 v22, v22;
	v33 =	vld [tilespmem:s7+$0xAD50];
	v9 =	vadd.f32 v26, v9;
	v13 =	vadd.f32 v35, v44  }
0x13d: {  	v52 =	vld [tilespmem:s7+$0x3560];
	v12 =	vmul.f32 v35, v35;
	v5 =	vadd.f32 v49, v5;
	v6 =	vadd.f32 v47, v6  }
0x13e: {  	v28 =	vmul.f32 v63, v63;
	v24 =	vld [tilespmem:s7+$0x1D70];
	v8 =	vadd.f32 v30, v8;
	v40 =	vadd.f32 v29, v9  }
0x13f: {  	v32 =	vmul.f32 v23, v23;
	v43 =	vld [tilespmem:s7+$0xBD50];
	v11 =	vadd.f32 v12, v11;
	v50 =	vadd.f32 v42, v13  }
0x140: {  	v41 =	vmul.f32 v29, v29;
	v47 =	vld [tilespmem:s7+$0xC550];
	v5 =	vadd.f32 v53, v5;
	v6 =	vadd.f32 v51, v6  }
0x141: {  	v45 =	vmul.f32 v33, v33;
	v49 =	vld [tilespmem:s7+$0xCD50];
	v39 =	vadd.f32 v34, v8;
	v8 =	vadd.f32 v33, v40  }
0x142: {  	v30 =	vld [tilespmem:s7+$0x2D70];
	v9 =	vmul.f32 v48, v48;
	v10 =	vadd.f32 v10, v11;
	v54 =	vadd.f32 v46, v50  }
0x143: {  	v44 =	vld [tilespmem:s7+$0x8560];
	v14 =	vmul.f32 v24, v24;
	v5 =	vadd.f32 v57, v5;
	v6 =	vadd.f32 v55, v6  }
0x144: {  	v58 =	vld [tilespmem:s7+$0x3D60];
	v7 =	vadd.f32 v41, v39;
	v55 =	vmul.f32 v46, v46;
	v39 =	vmul.f32 v18, v18  }
0x145: {  	v53 =	vld [tilespmem:s7+$0xD550];
	v8 =	vadd.f32 v38, v8;
	v57 =	vmul.f32 v47, v47;
	v11 =	vadd.f32 v48, v54  }
0x146: {  	v33 =	vld [tilespmem:s7+$0x6D60];
	v60 =	vmul.f32 v49, v49;
	v5 =	vadd.f32 v61, v5;
	v6 =	vadd.f32 v59, v6  }
0x147: {  	v13 =	vmul.f32 v30, v30;
	v7 =	vadd.f32 v45, v7;
	v10 =	vadd.f32 v55, v10;
	v59 =	vld [tilespmem:s7+$0xD70]  }
0x148: {  	v61 =	vld [tilespmem:s7+$0x4560];
	v55 =	vmul.f32 v44, v44;
	v51 =	vadd.f32 v43, v8;
	v62 =	vadd.f32 v52, v11  }
0x149: {  	v8 =	vmul.f32 v52, v52;
	v5 =	vadd.f32 v21, v5;
	v6 =	vadd.f32 v63, v6  }
0x14a: {  	v20 =	vmul.f32 v53, v53;
	v9 =	vadd.f32 v9, v10;
	v63 =	vld [tilespmem:s7+$0x1570];
	v56 =	vadd.f32 v47, v51  }
0x14b: {  	v21 =	vld [tilespmem:s7+$0x4D60];
	v42 =	vmul.f32 v33, v33;
	v22 =	vadd.f32 v58, v62;
	v5 =	vadd.f32 v25, v5  }
0x14c: {  	v40 =	vld [tilespmem:s7+$0x4570];
	v6 =	vadd.f32 v23, v6;
	v8 =	vadd.f32 v8, v9;
	v23 =	vmul.f32 v58, v58  }
0x14d: {  	v26 =	vadd.f32 $0.0e+00, v59;
	v9 =	vadd.f32 v61, v22;
	v27 =	vmul.f32 v61, v61  }
0x14e: {  	v25 =	vld [tilespmem:s7+$0x5560];
	v12 =	vmul.f32 v59, v59;
	v5 =	vadd.f32 v28, v5;
	v37 =	vmul.f32 v6, v6  }
0x14f: {  	v41 =	vld [tilespmem:s7+$0x7D60];
	v6 =	vmul.f32 v38, v38;
	v8 =	vadd.f32 v23, v8;
	v16 =	vadd.f32 v63, v26  }
0x150: {  	v17 =	vld [tilespmem:s7+$0x5D60];
	v11 =	vmul.f32 v63, v63;
	v9 =	vadd.f32 v21, v9;
	v36 =	vadd.f32 v32, v5  }
0x151: {  	v50 =	vmul.f32 v40, v40;
	v28 =	vld [tilespmem:s7+$0x2570];
	v6 =	vadd.f32 v6, v7;
	v8 =	vadd.f32 v27, v8  }
0x152: {  	v48 =	vld [tilespmem:s7+$0x5570];
	v5 =	vmul.f32 v43, v43;
	v11 =	vadd.f32 v11, v12;
	v31 =	vadd.f32 v24, v16  }
0x153: {  	v19 =	vld [tilespmem:s7+$0x5580];
	v29 =	vmul.f32 v21, v21;
	v9 =	vadd.f32 v25, v9;
	v4 =	vsub.f32 v37, v36  }
0x154: {  	v52 =	vld [tilespmem:s7+$0x5D70];
	v51 =	vmul.f32 v41, v41;
	v5 =	vadd.f32 v5, v6;
	v6 =	vadd.f32 v49, v56  }
0x155: {  	v38 =	vld [tilespmem:s7+$0x7560];
	v7 =	vmul.f32 v25, v25;
	v8 =	vadd.f32 v29, v8;
	v11 =	vadd.f32 v14, v11  }
0x156: {  	v32 =	vld [tilespmem:s7+$0x3570];
	v12 =	vadd.f32 v28, v31;
	v34 =	vmul.f32 v28, v28;
	v35 =	vadd.f32 v17, v9  }
0x157: {  	v58 =	vmul.f32 v48, v48;
	v61 =	vld [tilespmem:s7+$0xA560];
	v5 =	vadd.f32 v57, v5;
	v6 =	vadd.f32 v53, v6  }
0x158: {  	v22 =	vld [tilespmem:s7+$0xAD60];
	v36 =	vmul.f32 v17, v17;
	v7 =	vadd.f32 v7, v8;
	v11 =	vadd.f32 v34, v11  }
0x159: {  	v62 =	vmul.f32 v52, v52;
	v37 =	vld [tilespmem:s7+$0x3D70];
	v12 =	vadd.f32 v30, v12;
	v8 =	vadd.f32 v18, v35  }
0x15a: {  	v21 =	vld [tilespmem:s7+$0x7570];
	v47 =	vmul.f32 v38, v38;
	v5 =	vadd.f32 v60, v5;
	v7 =	vadd.f32 v36, v7  }
0x15b: {  	v43 =	vld [tilespmem:s7+$0x4D70];
	v10 =	vmul.f32 v32, v32;
	v11 =	vadd.f32 v13, v11;
	v12 =	vadd.f32 v32, v12  }
0x15c: {  	v25 =	vld [tilespmem:s7+$0x7D70];
	v28 =	vmul.f32 v61, v61;
	v8 =	vadd.f32 v33, v8;
	v5 =	vadd.f32 v20, v5  }
0x15d: {  	v26 =	vld [tilespmem:s7+$0xB560];
	v6 =	vmul.f32 v6, v6;
	v7 =	vadd.f32 v39, v7;
	v10 =	vadd.f32 v10, v11  }
0x15e: {  	v49 =	vld [tilespmem:s7+$0x8D60];
	v46 =	vmul.f32 v37, v37;
	v45 =	vadd.f32 v37, v12;
	v8 =	vadd.f32 v38, v8  }
0x15f: {  	v56 =	vld [tilespmem:s7+$0x6570];
	v31 =	vmul.f32 v21, v21;
	v7 =	vadd.f32 v42, v7;
	v5 =	vsub.f32 v6, v5  }
0x160: {  	v29 =	vld [tilespmem:s7+$0x8570];
	v54 =	vmul.f32 v43, v43;
	v10 =	vadd.f32 v46, v10;
	v11 =	vadd.f32 v40, v45  }
0x161: {  	v53 =	vld [tilespmem:s7+$0x9560];
	v35 =	vmul.f32 v25, v25;
	v8 =	vadd.f32 v41, v8;
	v7 =	vadd.f32 v47, v7  }
0x162: {  	v57 =	vld [tilespmem:s7+$0x9D60];
	v36 =	vmul.f32 v26, v26;
	v10 =	vadd.f32 v50, v10;
	v11 =	vadd.f32 v43, v11  }
0x163: {  	v30 =	vld [tilespmem:s7+$0xBD60];
	v59 =	vmul.f32 v49, v49;
	v8 =	vadd.f32 v44, v8;
	v7 =	vadd.f32 v51, v7  }
0x164: {  	v60 =	vld [tilespmem:s7+$0x6D70];
	v23 =	vmul.f32 v56, v56;
	v10 =	vadd.f32 v54, v10;
	v11 =	vadd.f32 v48, v11  }
0x165: {  	v32 =	vmul.f32 v22, v22;
	v50 =	vld [tilespmem:s7+$0xD80];
	v8 =	vadd.f32 v49, v8;
	v7 =	vadd.f32 v55, v7  }
0x166: {  	v39 =	vmul.f32 v29, v29;
	v54 =	vld [tilespmem:s7+$0x1580];
	v10 =	vadd.f32 v58, v10;
	v11 =	vadd.f32 v52, v11  }
0x167: {  	v34 =	vld [tilespmem:s7+$0xC560];
	v63 =	vmul.f32 v53, v53;
	v8 =	vadd.f32 v53, v8;
	v7 =	vadd.f32 v59, v7  }
0x168: {  	v33 =	vld [tilespmem:s7+$0x8D70];
	v24 =	vmul.f32 v57, v57;
	v10 =	vadd.f32 v62, v10;
	v11 =	vadd.f32 v56, v11  }
0x169: {  	v37 =	vld [tilespmem:s7+$0x9570];
	v27 =	vmul.f32 v60, v60;
	v8 =	vadd.f32 v57, v8;
	v7 =	vadd.f32 v63, v7  }
0x16a: {  	v38 =	vld [tilespmem:s7+$0xCD60];
	v15 =	vmul.f32 v50, v50;
	v63 =	vadd.f32 $0.0e+00, v50;
	v10 =	vadd.f32 v23, v10  }
0x16b: {  	v42 =	vld [tilespmem:s7+$0xD560];
	v14 =	vmul.f32 v54, v54;
	v11 =	vadd.f32 v60, v11;
	v8 =	vadd.f32 v61, v8  }
0x16c: {  	v40 =	vmul.f32 v30, v30;
	v61 =	vld [tilespmem:s7+$0x1D80];
	v7 =	vadd.f32 v24, v7;
	v13 =	vadd.f32 v54, v63  }
0x16d: {  	v41 =	vld [tilespmem:s7+$0x9D70];
	v43 =	vmul.f32 v33, v33;
	v14 =	vadd.f32 v14, v15;
	v10 =	vadd.f32 v27, v10  }
0x16e: {  	v45 =	vld [tilespmem:s7+$0xA570];
	v44 =	vmul.f32 v34, v34;
	v11 =	vadd.f32 v21, v11;
	v8 =	vadd.f32 v22, v8  }
0x16f: {  	v46 =	vmul.f32 v37, v37;
	v21 =	vld [tilespmem:s7+$0x2580];
	v7 =	vadd.f32 v28, v7;
	v10 =	vadd.f32 v31, v10  }
0x170: {  	v47 =	vmul.f32 v38, v38;
	v48 =	vld [tilespmem:s7+$0xAD70];
	v11 =	vadd.f32 v25, v11;
	v8 =	vadd.f32 v26, v8  }
0x171: {  	v51 =	vmul.f32 v42, v42;
	v52 =	vld [tilespmem:s7+$0xB570];
	v7 =	vadd.f32 v32, v7;
	v13 =	vadd.f32 v61, v13  }
0x172: {  	v23 =	vld [tilespmem:s7+$0x2D80];
	v12 =	vmul.f32 v61, v61;
	v10 =	vadd.f32 v35, v10;
	v11 =	vadd.f32 v29, v11  }
0x173: {  	v49 =	vmul.f32 v41, v41;
	v22 =	vld [tilespmem:s7+$0xCD70];
	v8 =	vadd.f32 v30, v8;
	v7 =	vadd.f32 v36, v7  }
0x174: {  	v53 =	vmul.f32 v45, v45;
	v28 =	vld [tilespmem:s7+$0xD90];
	v12 =	vadd.f32 v12, v14;
	v13 =	vadd.f32 v21, v13  }
0x175: {  	v26 =	vld [tilespmem:s7+$0x3580];
	v27 =	vmul.f32 v21, v21;
	v10 =	vadd.f32 v39, v10;
	v11 =	vadd.f32 v33, v11  }
0x176: {  	v50 =	vmul.f32 v19, v19;
	v32 =	vld [tilespmem:s7+$0x1590];
	v8 =	vadd.f32 v34, v8;
	v7 =	vadd.f32 v40, v7  }
0x177: {  	v60 =	vmul.f32 v48, v48;
	v24 =	vld [tilespmem:s7+$0xD570];
	v12 =	vadd.f32 v27, v12;
	v13 =	vadd.f32 v23, v13  }
0x178: {  	v20 =	vmul.f32 v52, v52;
	v31 =	vld [tilespmem:s7+$0x3D80];
	v10 =	vadd.f32 v43, v10;
	v11 =	vadd.f32 v37, v11  }
0x179: {  	v30 =	vmul.f32 v22, v22;
	v36 =	vld [tilespmem:s7+$0x1D90];
	v8 =	vadd.f32 v38, v8;
	v38 =	vadd.f32 $0.0e+00, v28  }
0x17a: {  	v34 =	vld [tilespmem:s7+$0x4580];
	v15 =	vmul.f32 v28, v28;
	v7 =	vadd.f32 v44, v7;
	v35 =	vadd.f32 v26, v13  }
0x17b: {  	v14 =	vmul.f32 v32, v32;
	v10 =	vadd.f32 v46, v10;
	v11 =	vadd.f32 v41, v11  }
0x17c: {  	v57 =	vld [tilespmem:s7+$0xBD70];
	v33 =	vmul.f32 v24, v24;
	v8 =	vadd.f32 v42, v8;
	v18 =	vadd.f32 v32, v38  }
0x17d: {  	v40 =	vmul.f32 v31, v31;
	v41 =	vld [tilespmem:s7+$0x2590];
	v14 =	vadd.f32 v14, v15;
	v7 =	vadd.f32 v47, v7  }
0x17e: {  	v62 =	vld [tilespmem:s7+$0xC570];
	v13 =	vmul.f32 v36, v36;
	v39 =	vadd.f32 v31, v35;
	v10 =	vadd.f32 v49, v10  }
0x17f: {  	v43 =	vld [tilespmem:s7+$0x2D90];
	v42 =	vmul.f32 v34, v34;
	v11 =	vadd.f32 v45, v11;
	v44 =	vadd.f32 v36, v18  }
0x180: {  	v63 =	vld [tilespmem:s7+$0x5590];
	v56 =	vmul.f32 v8, v8;
	v13 =	vadd.f32 v13, v14;
	v55 =	vadd.f32 v51, v7  }
0x181: {  	v45 =	vld [tilespmem:s7+$0x3590];
	v58 =	vadd.f32 v53, v10;
	v59 =	vadd.f32 v48, v11;
	v11 =	vmul.f32 v23, v23  }
0x182: {  	v28 =	vld [tilespmem:s7+$0x8D80];
	v6 =	vsub.f32 v56, v55;
	v47 =	vadd.f32 v41, v44;
	v48 =	vmul.f32 v41, v41  }
0x183: {  	v21 =	vld [tilespmem:s7+$0x4DA0];
	v8 =	vmul.f32 v57, v57;
	v9 =	vadd.f32 v60, v58;
	v10 =	vadd.f32 v52, v59  }
0x184: {  	v51 =	vld [tilespmem:s7+$0x3D90];
	v53 =	vmul.f32 v43, v43;
	v11 =	vadd.f32 v11, v12;
	v13 =	vadd.f32 v48, v13  }
0x185: {  	v31 =	vld [tilespmem:s7+$0x6590];
	v7 =	vmul.f32 v62, v62;
	v14 =	vadd.f32 v43, v47;
	v9 =	vadd.f32 v20, v9  }
0x186: {  	v46 =	vld [tilespmem:s7+$0x6580];
	v12 =	vmul.f32 v45, v45;
	v10 =	vadd.f32 v57, v10;
	v13 =	vadd.f32 v53, v13  }
0x187: {  	v38 =	vmul.f32 v28, v28;
	v55 =	vld [tilespmem:s7+$0x4590];
	v14 =	vadd.f32 v45, v14;
	v8 =	vadd.f32 v8, v9  }
0x188: {  	v35 =	vld [tilespmem:s7+$0x6D90];
	v25 =	vadd.f32 v62, v10;
	v10 =	vmul.f32 v26, v26;
	v12 =	vadd.f32 v12, v13  }
0x189: {  	v37 =	vld [tilespmem:s7+$0x4D80];
	v61 =	vmul.f32 v51, v51;
	v60 =	vadd.f32 v51, v14;
	v7 =	vadd.f32 v7, v8  }
0x18a: {  	v58 =	vld [tilespmem:s7+$0x4D90];
	v41 =	vmul.f32 v31, v31;
	v29 =	vadd.f32 v22, v25;
	v10 =	vadd.f32 v10, v11  }
0x18b: {  	v27 =	vld [tilespmem:s7+$0x5D90];
	v57 =	vmul.f32 v46, v46;
	v11 =	vadd.f32 v34, v39;
	v12 =	vadd.f32 v61, v12  }
0x18c: {  	v56 =	vld [tilespmem:s7+$0x7580];
	v25 =	vmul.f32 v55, v55;
	v13 =	vadd.f32 v55, v60;
	v7 =	vadd.f32 v30, v7  }
0x18d: {  	v20 =	vld [tilespmem:s7+$0x5D80];
	v45 =	vmul.f32 v35, v35;
	v8 =	vadd.f32 v24, v29;
	v10 =	vadd.f32 v40, v10  }
0x18e: {  	v32 =	vld [tilespmem:s7+$0x9580];
	v9 =	vmul.f32 v37, v37;
	v11 =	vadd.f32 v37, v11;
	v12 =	vadd.f32 v25, v12  }
0x18f: {  	v36 =	vld [tilespmem:s7+$0x9D80];
	v29 =	vmul.f32 v58, v58;
	v13 =	vadd.f32 v58, v13;
	v7 =	vadd.f32 v33, v7  }
0x190: {  	v52 =	vld [tilespmem:s7+$0x6D80];
	v8 =	vmul.f32 v8, v8;
	v10 =	vadd.f32 v42, v10;
	v49 =	vadd.f32 v19, v11  }
0x191: {  	v43 =	vld [tilespmem:s7+$0x7D90];
	v33 =	vmul.f32 v63, v63;
	v12 =	vadd.f32 v29, v12;
	v13 =	vadd.f32 v63, v13  }
0x192: {  	v59 =	vld [tilespmem:s7+$0x7D80];
	v26 =	vmul.f32 v56, v56;
	v9 =	vadd.f32 v9, v10;
	v10 =	vadd.f32 v20, v49  }
0x193: {  	v48 =	vld [tilespmem:s7+$0xB580];
	v37 =	vmul.f32 v27, v27;
	v7 =	vsub.f32 v8, v7;
	v12 =	vadd.f32 v33, v12  }
0x194: {  	v39 =	vld [tilespmem:s7+$0x7590];
	v54 =	vmul.f32 v20, v20;
	v13 =	vadd.f32 v27, v13;
	v9 =	vadd.f32 v50, v9  }
0x195: {  	v47 =	vld [tilespmem:s7+$0x8590];
	v62 =	vmul.f32 v52, v52;
	v10 =	vadd.f32 v46, v10;
	v12 =	vadd.f32 v37, v12  }
0x196: {  	v51 =	vld [tilespmem:s7+$0x8D90];
	v53 =	vmul.f32 v43, v43;
	v13 =	vadd.f32 v31, v13;
	v9 =	vadd.f32 v54, v9  }
0x197: {  	v55 =	vld [tilespmem:s7+$0x9590];
	v30 =	vmul.f32 v59, v59;
	v10 =	vadd.f32 v52, v10;
	v12 =	vadd.f32 v41, v12  }
0x198: {  	v24 =	vld [tilespmem:s7+$0x8580];
	v58 =	vmul.f32 v48, v48;
	v13 =	vadd.f32 v35, v13;
	v9 =	vadd.f32 v57, v9  }
0x199: {  	v44 =	vld [tilespmem:s7+$0xAD80];
	v49 =	vmul.f32 v39, v39;
	v10 =	vadd.f32 v56, v10;
	v12 =	vadd.f32 v45, v12  }
0x19a: {  	v60 =	vld [tilespmem:s7+$0xCD80];
	v42 =	vmul.f32 v32, v32;
	v13 =	vadd.f32 v39, v13;
	v9 =	vadd.f32 v62, v9  }
0x19b: {  	v40 =	vld [tilespmem:s7+$0xA580];
	v61 =	vmul.f32 v51, v51;
	v10 =	vadd.f32 v59, v10;
	v12 =	vadd.f32 v49, v12  }
0x19c: {  	v63 =	vld [tilespmem:s7+$0xA590];
	v25 =	vmul.f32 v55, v55;
	v13 =	vadd.f32 v43, v13;
	v9 =	vadd.f32 v26, v9  }
0x19d: {  	v27 =	vld [tilespmem:s7+$0xAD90];
	v57 =	vmul.f32 v47, v47;
	v10 =	vadd.f32 v24, v10;
	v12 =	vadd.f32 v53, v12  }
0x19e: {  	v34 =	vmul.f32 v24, v24;
	v59 =	vld [tilespmem:s7+$0x9D90];
	v13 =	vadd.f32 v47, v13;
	v9 =	vadd.f32 v30, v9  }
0x19f: {  	v29 =	vmul.f32 v60, v60;
	v52 =	vld [tilespmem:s7+$0xBD80];
	v10 =	vadd.f32 v28, v10;
	v12 =	vadd.f32 v57, v12  }
0x1a0: {  	v46 =	vmul.f32 v36, v36;
	v56 =	vld [tilespmem:s7+$0xC580];
	v13 =	vadd.f32 v51, v13;
	v9 =	vadd.f32 v34, v9  }
0x1a1: {  	v50 =	vmul.f32 v40, v40;
	v10 =	vadd.f32 v32, v10;
	v32 =	vld [tilespmem:s7+$0xDA0];
	v12 =	vadd.f32 v61, v12  }
0x1a2: {  	v54 =	vmul.f32 v44, v44;
	v39 =	vld [tilespmem:s7+$0xC590];
	v13 =	vadd.f32 v55, v13;
	v9 =	vadd.f32 v38, v9  }
0x1a3: {  	v43 =	vld [tilespmem:s7+$0x1DA0];
	v28 =	vmul.f32 v59, v59;
	v10 =	vadd.f32 v36, v10;
	v12 =	vadd.f32 v25, v12  }
0x1a4: {  	v31 =	vmul.f32 v63, v63;
	v36 =	vld [tilespmem:s7+$0x15A0];
	v13 =	vadd.f32 v59, v13;
	v9 =	vadd.f32 v42, v9  }
0x1a5: {  	v35 =	vmul.f32 v27, v27;
	v49 =	vld [tilespmem:s7+$0x2DA0];
	v10 =	vadd.f32 v40, v10;
	v12 =	vadd.f32 v28, v12  }
0x1a6: {  	v62 =	vmul.f32 v52, v52;
	v30 =	vld [tilespmem:s7+$0xB590];
	v13 =	vadd.f32 v63, v13;
	v45 =	vadd.f32 $0.0e+00, v32  }
0x1a7: {  	v24 =	vld [tilespmem:s7+$0xD580];
	v26 =	vmul.f32 v56, v56;
	v9 =	vadd.f32 v46, v9;
	v10 =	vadd.f32 v44, v10  }
0x1a8: {  	v47 =	vld [tilespmem:s7+$0x25A0];
	v17 =	vmul.f32 v32, v32;
	v12 =	vadd.f32 v31, v12;
	v13 =	vadd.f32 v27, v13  }
0x1a9: {  	v34 =	vld [tilespmem:s7+$0xBD90];
	v16 =	vadd.f32 v36, v45;
	v15 =	vmul.f32 v36, v36;
	v9 =	vadd.f32 v50, v9  }
0x1aa: {  	v14 =	vmul.f32 v43, v43;
	v55 =	vld [tilespmem:s7+$0x15B0];
	v10 =	vadd.f32 v48, v10;
	v40 =	vadd.f32 v35, v12  }
0x1ab: {  	v59 =	vld [tilespmem:s7+$0x1DB0];
	v42 =	vmul.f32 v30, v30;
	v41 =	vadd.f32 v30, v13;
	v15 =	vadd.f32 v15, v17  }
0x1ac: {  	v33 =	vmul.f32 v24, v24;
	v63 =	vld [tilespmem:s7+$0x25B0];
	v16 =	vadd.f32 v43, v16;
	v9 =	vadd.f32 v54, v9  }
0x1ad: {  	v32 =	vmul.f32 v21, v21;
	v50 =	vld [tilespmem:s7+$0xDB0];
	v10 =	vadd.f32 v52, v10;
	v11 =	vadd.f32 v42, v40  }
0x1ae: {  	v46 =	vmul.f32 v34, v34;
	v48 =	vld [tilespmem:s7+$0xD590];
	v12 =	vadd.f32 v34, v41;
	v14 =	vadd.f32 v14, v15  }
0x1af: {  	v44 =	vld [tilespmem:s7+$0xCD90];
	v54 =	vmul.f32 v47, v47;
	v53 =	vadd.f32 v47, v16;
	v9 =	vadd.f32 v58, v9  }
0x1b0: {  	v18 =	vmul.f32 v55, v55;
	v52 =	vld [tilespmem:s7+$0x35A0];
	v10 =	vadd.f32 v56, v10;
	v11 =	vadd.f32 v46, v11  }
0x1b1: {  	v28 =	vld [tilespmem:s7+$0x35B0];
	v13 =	vmul.f32 v49, v49;
	v12 =	vadd.f32 v39, v12;
	v14 =	vadd.f32 v54, v14  }
0x1b2: {  	v16 =	vmul.f32 v59, v59;
	v34 =	vld [tilespmem:s7+$0x65A0];
	v15 =	vadd.f32 v49, v53;
	v61 =	vadd.f32 $0.0e+00, v50  }
0x1b3: {  	v41 =	vld [tilespmem:s7+$0x4DB0];
	v57 =	vmul.f32 v48, v48;
	v9 =	vadd.f32 v62, v9;
	v10 =	vadd.f32 v60, v10  }
0x1b4: {  	v58 =	vld [tilespmem:s7+$0x3DA0];
	v17 =	vmul.f32 v50, v50;
	v51 =	vadd.f32 v44, v12;
	v13 =	vadd.f32 v13, v14  }
0x1b5: {  	v62 =	vadd.f32 v52, v15;
	v12 =	vmul.f32 v52, v52;
	v20 =	vadd.f32 v55, v61  }
0x1b6: {  	v60 =	vld [tilespmem:s7+$0x45A0];
	v17 =	vadd.f32 v18, v17;
	v15 =	vmul.f32 v63, v63;
	v14 =	vmul.f32 v28, v28  }
0x1b7: {  	v42 =	vld [tilespmem:s7+$0x75A0];
	v9 =	vadd.f32 v26, v9;
	v10 =	vadd.f32 v24, v10;
	v45 =	vmul.f32 v34, v34  }
0x1b8: {  	v22 =	vld [tilespmem:s7+$0x55A0];
	v52 =	vmul.f32 v41, v41;
	v56 =	vadd.f32 v48, v51;
	v12 =	vadd.f32 v12, v13  }
0x1b9: {  	v26 =	vld [tilespmem:s7+$0x2DB0];
	v24 =	vadd.f32 v58, v62;
	v25 =	vmul.f32 v58, v58;
	v27 =	vadd.f32 v59, v20  }
0x1ba: {  	v47 =	vld [tilespmem:s7+$0x7DA0];
	v16 =	vadd.f32 v16, v17;
	v9 =	vadd.f32 v29, v9;
	v38 =	vmul.f32 v10, v10  }
0x1bb: {  	v54 =	vld [tilespmem:s7+$0x65B0];
	v10 =	vmul.f32 v39, v39;
	v12 =	vadd.f32 v25, v12;
	v13 =	vadd.f32 v60, v24  }
0x1bc: {  	v50 =	vld [tilespmem:s7+$0x5DB0];
	v53 =	vmul.f32 v42, v42;
	v30 =	vadd.f32 v63, v27;
	v15 =	vadd.f32 v15, v16  }
0x1bd: {  	v46 =	vld [tilespmem:s7+$0x55B0];
	v37 =	vadd.f32 v33, v9;
	v10 =	vadd.f32 v10, v11;
	v9 =	vmul.f32 v44, v44  }
0x1be: {  	v29 =	vld [tilespmem:s7+$0x5DA0];
	v11 =	vmul.f32 v60, v60;
	v31 =	vadd.f32 v21, v13;
	v35 =	vadd.f32 v26, v30  }
0x1bf: {  	v33 =	vld [tilespmem:s7+$0x3DB0];
	v36 =	vmul.f32 v26, v26;
	v8 =	vsub.f32 v38, v37;
	v9 =	vadd.f32 v9, v10  }
0x1c0: {  	v55 =	vld [tilespmem:s7+$0x8DA0];
	v24 =	vmul.f32 v54, v54;
	v11 =	vadd.f32 v11, v12;
	v12 =	vadd.f32 v22, v31  }
0x1c1: {  	v60 =	vmul.f32 v50, v50;
	v38 =	vld [tilespmem:s7+$0x45B0];
	v15 =	vadd.f32 v36, v15;
	v16 =	vadd.f32 v28, v35  }
0x1c2: {  	v39 =	vld [tilespmem:s7+$0x6DA0];
	v37 =	vmul.f32 v22, v22;
	v9 =	vadd.f32 v57, v9;
	v11 =	vadd.f32 v32, v11  }
0x1c3: {  	v51 =	vld [tilespmem:s7+$0x85A0];
	v10 =	vmul.f32 v56, v56;
	v12 =	vadd.f32 v29, v12;
	v14 =	vadd.f32 v14, v15  }
0x1c4: {  	v58 =	vld [tilespmem:s7+$0x6DB0];
	v43 =	vadd.f32 v33, v16;
	v44 =	vmul.f32 v33, v33;
	v11 =	vadd.f32 v37, v11  }
0x1c5: {  	v59 =	vld [tilespmem:s7+$0x95A0];
	v40 =	vmul.f32 v29, v29;
	v9 =	vsub.f32 v10, v9;
	v12 =	vadd.f32 v34, v12  }
0x1c6: {  	v62 =	vld [tilespmem:s7+$0x75B0];
	v14 =	vadd.f32 v44, v14;
	v15 =	vadd.f32 v38, v43;
	v48 =	vmul.f32 v38, v38  }
0x1c7: {  	v63 =	vld [tilespmem:s7+$0x9DA0];
	v25 =	vmul.f32 v55, v55;
	v11 =	vadd.f32 v40, v11;
	v12 =	vadd.f32 v39, v12  }
0x1c8: {  	v27 =	vld [tilespmem:s7+$0xA5A0];
	v56 =	vmul.f32 v46, v46;
	v14 =	vadd.f32 v48, v14;
	v15 =	vadd.f32 v41, v15  }
0x1c9: {  	v26 =	vld [tilespmem:s7+$0x7DB0];
	v49 =	vmul.f32 v39, v39;
	v11 =	vadd.f32 v45, v11;
	v12 =	vadd.f32 v42, v12  }
0x1ca: {  	v30 =	vld [tilespmem:s7+$0x85B0];
	v61 =	vmul.f32 v51, v51;
	v14 =	vadd.f32 v52, v14;
	v15 =	vadd.f32 v46, v15  }
0x1cb: {  	v28 =	vmul.f32 v58, v58;
	v31 =	vld [tilespmem:s7+$0xADA0];
	v11 =	vadd.f32 v49, v11;
	v12 =	vadd.f32 v47, v12  }
0x1cc: {  	v35 =	vld [tilespmem:s7+$0xB5A0];
	v57 =	vmul.f32 v47, v47;
	v14 =	vadd.f32 v56, v14;
	v15 =	vadd.f32 v50, v15  }
0x1cd: {  	v32 =	vmul.f32 v62, v62;
	v34 =	vld [tilespmem:s7+$0x8DB0];
	v11 =	vadd.f32 v53, v11;
	v12 =	vadd.f32 v51, v12  }
0x1ce: {  	v29 =	vmul.f32 v59, v59;
	v38 =	vld [tilespmem:s7+$0x95B0];
	v14 =	vadd.f32 v60, v14;
	v15 =	vadd.f32 v54, v15  }
0x1cf: {  	v33 =	vmul.f32 v63, v63;
	v43 =	vld [tilespmem:s7+$0xC5A0];
	v11 =	vadd.f32 v57, v11;
	v12 =	vadd.f32 v55, v12  }
0x1d0: {  	v36 =	vmul.f32 v26, v26;
	v39 =	vld [tilespmem:s7+$0xBDA0];
	v14 =	vadd.f32 v24, v14;
	v15 =	vadd.f32 v58, v15  }
0x1d1: {  	v37 =	vmul.f32 v27, v27;
	v42 =	vld [tilespmem:s7+$0x9DB0];
	v11 =	vadd.f32 v61, v11;
	v12 =	vadd.f32 v59, v12  }
0x1d2: {  	v40 =	vmul.f32 v30, v30;
	v46 =	vld [tilespmem:s7+$0xA5B0];
	v14 =	vadd.f32 v28, v14;
	v15 =	vadd.f32 v62, v15  }
0x1d3: {  	v41 =	vmul.f32 v31, v31;
	v47 =	vld [tilespmem:s7+$0xCDA0];
	v11 =	vadd.f32 v25, v11;
	v12 =	vadd.f32 v63, v12  }
0x1d4: {  	v45 =	vmul.f32 v35, v35;
	v59 =	vld [tilespmem:s7+$0xDC0];
	v14 =	vadd.f32 v32, v14;
	v15 =	vadd.f32 v26, v15  }
0x1d5: {  	v44 =	vmul.f32 v34, v34;
	v63 =	vld [tilespmem:s7+$0x15C0];
	v11 =	vadd.f32 v29, v11;
	v12 =	vadd.f32 v27, v12  }
0x1d6: {  	v48 =	vmul.f32 v38, v38;
	v50 =	vld [tilespmem:s7+$0xADB0];
	v14 =	vadd.f32 v36, v14;
	v15 =	vadd.f32 v30, v15  }
0x1d7: {  	v49 =	vmul.f32 v39, v39;
	v51 =	vld [tilespmem:s7+$0xD5A0];
	v11 =	vadd.f32 v33, v11;
	v12 =	vadd.f32 v31, v12  }
0x1d8: {  	v53 =	vmul.f32 v43, v43;
	v29 =	vld [tilespmem:s7+$0x1DC0];
	v14 =	vadd.f32 v40, v14;
	v15 =	vadd.f32 v34, v15  }
0x1d9: {  	v54 =	vld [tilespmem:s7+$0xB5B0];
	v17 =	vmul.f32 v59, v59;
	v31 =	vadd.f32 $0.0e+00, v59;
	v11 =	vadd.f32 v37, v11  }
0x1da: {  	v57 =	vld [tilespmem:s7+$0xBDB0];
	v18 =	vmul.f32 v63, v63;
	v12 =	vadd.f32 v35, v12;
	v14 =	vadd.f32 v44, v14  }
0x1db: {  	v52 =	vmul.f32 v42, v42;
	v61 =	vld [tilespmem:s7+$0xC5B0];
	v15 =	vadd.f32 v38, v15;
	v19 =	vadd.f32 v63, v31  }
0x1dc: {  	v55 =	vmul.f32 v46, v46;
	v33 =	vld [tilespmem:s7+$0x25C0];
	v11 =	vadd.f32 v41, v11;
	v17 =	vadd.f32 v18, v17  }
0x1dd: {  	v34 =	vld [tilespmem:s7+$0xDD0];
	v16 =	vmul.f32 v29, v29;
	v12 =	vadd.f32 v39, v12;
	v14 =	vadd.f32 v48, v14  }
0x1de: {  	v56 =	vmul.f32 v47, v47;
	v59 =	vld [tilespmem:s7+$0x65C0];
	v15 =	vadd.f32 v42, v15;
	v36 =	vadd.f32 v29, v19  }
0x1df: {  	v58 =	vmul.f32 v50, v50;
	v37 =	vld [tilespmem:s7+$0x15D0];
	v11 =	vadd.f32 v45, v11;
	v16 =	vadd.f32 v16, v17  }
0x1e0: {  	v60 =	vmul.f32 v51, v51;
	v35 =	vld [tilespmem:s7+$0x2DC0];
	v12 =	vadd.f32 v43, v12;
	v14 =	vadd.f32 v52, v14  }
0x1e1: {  	v38 =	vld [tilespmem:s7+$0x35C0];
	v40 =	vmul.f32 v33, v33;
	v15 =	vadd.f32 v46, v15;
	v39 =	vadd.f32 v33, v36  }
0x1e2: {  	v62 =	vmul.f32 v54, v54;
	v41 =	vld [tilespmem:s7+$0x1DD0];
	v43 =	vadd.f32 $0.0e+00, v34;
	v11 =	vadd.f32 v49, v11  }
0x1e3: {  	v44 =	vld [tilespmem:s7+$0x25D0];
	v21 =	vmul.f32 v34, v34;
	v16 =	vadd.f32 v40, v16;
	v12 =	vadd.f32 v47, v12  }
0x1e4: {  	v63 =	vld [tilespmem:s7+$0x6DC0];
	v19 =	vmul.f32 v37, v37;
	v14 =	vadd.f32 v55, v14;
	v15 =	vadd.f32 v50, v15  }
0x1e5: {  	v28 =	vmul.f32 v57, v57;
	v42 =	vld [tilespmem:s7+$0x3DC0];
	v17 =	vadd.f32 v35, v39;
	v22 =	vadd.f32 v37, v43  }
0x1e6: {  	v32 =	vmul.f32 v61, v61;
	v46 =	vld [tilespmem:s7+$0x2DD0];
	v19 =	vadd.f32 v19, v21;
	v11 =	vadd.f32 v53, v11  }
0x1e7: {  	v20 =	vmul.f32 v41, v41;
	v12 =	vadd.f32 v51, v12;
	v14 =	vadd.f32 v58, v14  }
0x1e8: {  	v33 =	vmul.f32 v59, v59;
	v15 =	vadd.f32 v54, v15;
	v45 =	vadd.f32 v38, v17  }
0x1e9: {  	v25 =	vld [tilespmem:s7+$0xCDB0];
	v18 =	vmul.f32 v44, v44;
	v47 =	vadd.f32 v41, v22;
	v19 =	vadd.f32 v20, v19  }
0x1ea: {  	v30 =	vld [tilespmem:s7+$0xD5B0];
	v37 =	vmul.f32 v63, v63;
	v11 =	vadd.f32 v56, v11;
	v26 =	vadd.f32 v62, v14  }
0x1eb: {  	v49 =	vld [tilespmem:s7+$0x35D0];
	v17 =	vmul.f32 v46, v46;
	v27 =	vadd.f32 v57, v15;
	v48 =	vadd.f32 v42, v45  }
0x1ec: {  	v54 =	vld [tilespmem:s7+$0x3DD0];
	v15 =	vmul.f32 v35, v35;
	v51 =	vadd.f32 v44, v47;
	v18 =	vadd.f32 v18, v19  }
0x1ed: {  	v58 =	vld [tilespmem:s7+$0x45D0];
	v24 =	vmul.f32 v12, v12;
	v23 =	vadd.f32 v60, v11;
	v13 =	vadd.f32 v28, v26  }
0x1ee: {  	v12 =	vmul.f32 v25, v25;
	v14 =	vadd.f32 v61, v27;
	v15 =	vadd.f32 v15, v16  }
0x1ef: {  	v62 =	vld [tilespmem:s7+$0x4DD0];
	v11 =	vmul.f32 v30, v30;
	v56 =	vadd.f32 v46, v51;
	v17 =	vadd.f32 v17, v18  }
0x1f0: {  	v16 =	vmul.f32 v49, v49;
	v10 =	vsub.f32 v24, v23;
	v23 =	vld [tilespmem:s7+$0x45C0];
	v13 =	vadd.f32 v32, v13  }
0x1f1: {  	v28 =	vmul.f32 v54, v54;
	v14 =	vadd.f32 v25, v14;
	v60 =	vadd.f32 v49, v56  }
0x1f2: {  	v24 =	vld [tilespmem:s7+$0x4DC0];
	v16 =	vadd.f32 v16, v17;
	v32 =	vmul.f32 v58, v58;
	v13 =	vadd.f32 v12, v13  }
0x1f3: {  	v34 =	vld [tilespmem:s7+$0x5DD0];
	v12 =	vadd.f32 v30, v14;
	v14 =	vmul.f32 v38, v38;
	v27 =	vadd.f32 v54, v60  }
0x1f4: {  	v36 =	vmul.f32 v62, v62;
	v30 =	vld [tilespmem:s7+$0x55D0];
	v16 =	vadd.f32 v28, v16;
	v11 =	vadd.f32 v11, v13  }
0x1f5: {  	v50 =	vld [tilespmem:s7+$0x55C0];
	v14 =	vadd.f32 v14, v15;
	v13 =	vmul.f32 v42, v42;
	v52 =	vadd.f32 v23, v48  }
0x1f6: {  	v31 =	vld [tilespmem:s7+$0x75C0];
	v53 =	vmul.f32 v23, v23;
	v17 =	vadd.f32 v58, v27;
	v16 =	vadd.f32 v32, v16  }
0x1f7: {  	v55 =	vld [tilespmem:s7+$0x5DC0];
	v12 =	vmul.f32 v12, v12;
	v13 =	vadd.f32 v13, v14;
	v14 =	vadd.f32 v24, v52  }
0x1f8: {  	v38 =	vld [tilespmem:s7+$0x65D0];
	v57 =	vmul.f32 v24, v24;
	v17 =	vadd.f32 v62, v17;
	v16 =	vadd.f32 v36, v16  }
0x1f9: {  	v39 =	vld [tilespmem:s7+$0x85C0];
	v12 =	vsub.f32 v12, v11;
	v40 =	vmul.f32 v30, v30;
	v13 =	vadd.f32 v53, v13  }
0x1fa: {  	v44 =	vmul.f32 v34, v34;
	v42 =	vld [tilespmem:s7+$0x6DD0];
	v14 =	vadd.f32 v50, v14;
	v17 =	vadd.f32 v30, v17  }
0x1fb: {  	v43 =	vld [tilespmem:s7+$0x8DC0];
	v61 =	vmul.f32 v50, v50;
	v16 =	vadd.f32 v40, v16;
	v13 =	vadd.f32 v57, v13  }
0x1fc: {  	v29 =	vmul.f32 v55, v55;
	v46 =	vld [tilespmem:s7+$0x75D0];
	v14 =	vadd.f32 v55, v14;
	v17 =	vadd.f32 v34, v17  }
0x1fd: {  	v35 =	vld [tilespmem:s7+$0x7DC0];
	v48 =	vmul.f32 v38, v38;
	v16 =	vadd.f32 v44, v16;
	v13 =	vadd.f32 v61, v13  }
0x1fe: {  	v41 =	vmul.f32 v31, v31;
	v50 =	vld [tilespmem:s7+$0x7DD0];
	v14 =	vadd.f32 v59, v14;
	v17 =	vadd.f32 v38, v17  }
0x1ff: {  	v54 =	vld [tilespmem:s7+$0x85D0];
	v52 =	vmul.f32 v42, v42;
	v16 =	vadd.f32 v48, v16;
	v13 =	vadd.f32 v29, v13  }
0x200: {  	v47 =	vld [tilespmem:s7+$0x95C0];
	v49 =	vmul.f32 v39, v39;
	v14 =	vadd.f32 v63, v14;
	v17 =	vadd.f32 v42, v17  }
0x201: {  	v56 =	vmul.f32 v46, v46;
	v58 =	vld [tilespmem:s7+$0x8DD0];
	v16 =	vadd.f32 v52, v16;
	v13 =	vadd.f32 v33, v13  }
0x202: {  	v51 =	vld [tilespmem:s7+$0x9DC0];
	v45 =	vmul.f32 v35, v35;
	v14 =	vadd.f32 v31, v14;
	v17 =	vadd.f32 v46, v17  }
0x203: {  	v62 =	vld [tilespmem:s7+$0x95D0];
	v60 =	vmul.f32 v50, v50;
	v16 =	vadd.f32 v56, v16;
	v13 =	vadd.f32 v37, v13  }
0x204: {  	v28 =	vld [tilespmem:s7+$0x9DD0];
	v26 =	vmul.f32 v54, v54;
	v14 =	vadd.f32 v35, v14;
	v17 =	vadd.f32 v50, v17  }
0x205: {  	v32 =	vld [tilespmem:s7+$0xA5D0];
	v53 =	vmul.f32 v43, v43;
	v16 =	vadd.f32 v60, v16;
	v13 =	vadd.f32 v41, v13  }
0x206: {  	v36 =	vld [tilespmem:s7+$0xADD0];
	v30 =	vmul.f32 v58, v58;
	v14 =	vadd.f32 v39, v14;
	v17 =	vadd.f32 v54, v17  }
0x207: {  	v40 =	vld [tilespmem:s7+$0xB5D0];
	v57 =	vmul.f32 v47, v47;
	v16 =	vadd.f32 v26, v16;
	v13 =	vadd.f32 v45, v13  }
0x208: {  	v55 =	vld [tilespmem:s7+$0xA5C0];
	v34 =	vmul.f32 v62, v62;
	v14 =	vadd.f32 v43, v14;
	v17 =	vadd.f32 v58, v17  }
0x209: {  	v44 =	vld [tilespmem:s7+$0xBDD0];
	v61 =	vmul.f32 v51, v51;
	v16 =	vadd.f32 v30, v16;
	v13 =	vadd.f32 v49, v13  }
0x20a: {  	v59 =	vld [tilespmem:s7+$0xADC0];
	v38 =	vmul.f32 v28, v28;
	v14 =	vadd.f32 v47, v14;
	v17 =	vadd.f32 v62, v17  }
0x20b: {  	v63 =	vld [tilespmem:s7+$0xB5C0];
	v42 =	vmul.f32 v32, v32;
	v16 =	vadd.f32 v34, v16;
	v13 =	vadd.f32 v53, v13  }
0x20c: {  	v48 =	vmul.f32 v40, v40;
	v14 =	vadd.f32 v51, v14;
	v17 =	vadd.f32 v28, v17;
	v51 =	vld [tilespmem:s7+$0xDE0]  }
0x20d: {  	v29 =	vld [tilespmem:s7+$0xBDC0];
	v27 =	vmul.f32 v55, v55;
	v16 =	vadd.f32 v38, v16;
	v13 =	vadd.f32 v57, v13  }
0x20e: {  	v52 =	vmul.f32 v44, v44;
	v53 =	vld [tilespmem:s7+$0x15E0];
	v14 =	vadd.f32 v55, v14;
	v17 =	vadd.f32 v32, v17  }
0x20f: {  	v45 =	vmul.f32 v36, v36;
	v57 =	vld [tilespmem:s7+$0xDF0];
	v16 =	vadd.f32 v42, v16;
	v13 =	vadd.f32 v61, v13  }
0x210: {  	v33 =	vld [tilespmem:s7+$0xC5C0];
	v31 =	vmul.f32 v59, v59;
	v14 =	vadd.f32 v59, v14;
	v17 =	vadd.f32 v36, v17  }
0x211: {  	v37 =	vld [tilespmem:s7+$0xCDC0];
	v35 =	vmul.f32 v63, v63;
	v16 =	vadd.f32 v45, v16;
	v62 =	vadd.f32 $0.0e+00, v51  }
0x212: {  	v56 =	vld [tilespmem:s7+$0x1DE0];
	v39 =	vmul.f32 v29, v29;
	v13 =	vadd.f32 v27, v13;
	v14 =	vadd.f32 v63, v14  }
0x213: {  	v47 =	vld [tilespmem:s7+$0xC5D0];
	v28 =	vmul.f32 v53, v53;
	v17 =	vadd.f32 v40, v17;
	v16 =	vadd.f32 v48, v16  }
0x214: {  	v41 =	vld [tilespmem:s7+$0xD5C0];
	v63 =	vmul.f32 v51, v51;
	v18 =	vadd.f32 v53, v62;
	v25 =	vadd.f32 $0.0e+00, v57  }
0x215: {  	v43 =	vmul.f32 v33, v33;
	v49 =	vld [tilespmem:s7+$0xCDD0];
	v13 =	vadd.f32 v31, v13;
	v14 =	vadd.f32 v29, v14  }
0x216: {  	v46 =	vmul.f32 v37, v37;
	v61 =	vld [tilespmem:s7+$0x25E0];
	v17 =	vadd.f32 v44, v17;
	v31 =	vadd.f32 v28, v63  }
0x217: {  	v30 =	vld [tilespmem:s7+$0x2DE0];
	v32 =	vmul.f32 v56, v56;
	v16 =	vadd.f32 v52, v16;
	v18 =	vadd.f32 v56, v18  }
0x218: {  	v55 =	vmul.f32 v47, v47;
	v29 =	vld [tilespmem:s7+$0x15F0];
	v13 =	vadd.f32 v35, v13;
	v14 =	vadd.f32 v33, v14  }
0x219: {  	v50 =	vmul.f32 v41, v41;
	v17 =	vadd.f32 v47, v17;
	v35 =	vadd.f32 v32, v31  }
0x21a: {  	v34 =	vld [tilespmem:s7+$0x35E0];
	v60 =	vmul.f32 v49, v49;
	v58 =	vadd.f32 v55, v16;
	v13 =	vadd.f32 v39, v13  }
0x21b: {  	v36 =	vmul.f32 v61, v61;
	v14 =	vadd.f32 v37, v14;
	v59 =	vadd.f32 v49, v17  }
0x21c: {  	v23 =	vmul.f32 v57, v57;
	v33 =	vld [tilespmem:s7+$0x1DF0];
	v17 =	vadd.f32 v61, v18;
	v13 =	vadd.f32 v43, v13  }
0x21d: {  	v54 =	vld [tilespmem:s7+$0xD5D0];
	v38 =	vadd.f32 v36, v35;
	v39 =	vmul.f32 v30, v30;
	v25 =	vadd.f32 v29, v25  }
0x21e: {  	v37 =	vld [tilespmem:s7+$0x25F0];
	v24 =	vmul.f32 v29, v29;
	v14 =	vadd.f32 v41, v14;
	v13 =	vadd.f32 v46, v13  }
0x21f: {  	v26 =	vld [tilespmem:s7+$0x3DE0];
	v16 =	vadd.f32 v30, v17;
	v42 =	vadd.f32 v39, v38;
	v43 =	vmul.f32 v34, v34  }
0x220: {  	v40 =	vld [tilespmem:s7+$0x2DF0];
	v23 =	vadd.f32 v24, v23;
	v14 =	vmul.f32 v14, v14;
	v13 =	vadd.f32 v50, v13  }
0x221: {  	v45 =	vld [tilespmem:s7+$0x4DE0];
	v25 =	vadd.f32 v33, v25;
	v22 =	vmul.f32 v33, v33;
	v46 =	vadd.f32 v43, v42  }
0x222: {  	v15 =	vmul.f32 v54, v54;
	v44 =	vld [tilespmem:s7+$0x35F0];
	v11 =	vsub.f32 v14, v13;
	v13 =	vadd.f32 v60, v58  }
0x223: {  	v41 =	vld [tilespmem:s7+$0x45E0];
	v22 =	vadd.f32 v22, v23;
	v25 =	vadd.f32 v37, v25;
	v21 =	vmul.f32 v37, v37  }
0x224: {  	v48 =	vld [tilespmem:s7+$0x3DF0];
	v47 =	vmul.f32 v26, v26;
	v13 =	vadd.f32 v15, v13;
	v15 =	vadd.f32 v34, v16  }
0x225: {  	v28 =	vld [tilespmem:s7+$0x7DE0];
	v20 =	vmul.f32 v40, v40;
	v21 =	vadd.f32 v21, v22;
	v25 =	vadd.f32 v40, v25  }
0x226: {  	v51 =	vld [tilespmem:s7+$0x45F0];
	v53 =	vmul.f32 v45, v45;
	v14 =	vadd.f32 v54, v59;
	v15 =	vadd.f32 v26, v15  }
0x227: {  	v49 =	vld [tilespmem:s7+$0x55E0];
	v19 =	vmul.f32 v44, v44;
	v20 =	vadd.f32 v20, v21;
	v25 =	vadd.f32 v44, v25  }
0x228: {  	v50 =	vmul.f32 v41, v41;
	v54 =	vld [tilespmem:s7+$0x4DF0];
	v16 =	vadd.f32 v47, v46;
	v15 =	vadd.f32 v41, v15  }
0x229: {  	v52 =	vld [tilespmem:s7+$0x5DE0];
	v18 =	vmul.f32 v48, v48;
	v19 =	vadd.f32 v19, v20;
	v25 =	vadd.f32 v48, v25  }
0x22a: {  	v57 =	vld [tilespmem:s7+$0x55F0];
	v35 =	vmul.f32 v28, v28;
	v16 =	vadd.f32 v50, v16;
	v15 =	vadd.f32 v45, v15  }
0x22b: {  	v55 =	vld [tilespmem:s7+$0x65E0];
	v26 =	vmul.f32 v51, v51;
	v18 =	vadd.f32 v18, v19;
	v25 =	vadd.f32 v51, v25  }
0x22c: {  	v56 =	vmul.f32 v49, v49;
	v60 =	vld [tilespmem:s7+$0x5DF0];
	v16 =	vadd.f32 v53, v16;
	v15 =	vadd.f32 v49, v15  }
0x22d: {  	v58 =	vld [tilespmem:s7+$0x6DE0];
	v24 =	vmul.f32 v54, v54;
	v18 =	vadd.f32 v26, v18;
	v25 =	vadd.f32 v54, v25  }
0x22e: {  	v63 =	vld [tilespmem:s7+$0x65F0];
	v59 =	vmul.f32 v52, v52;
	v16 =	vadd.f32 v56, v16;
	v15 =	vadd.f32 v52, v15  }
0x22f: {  	v61 =	vld [tilespmem:s7+$0x75E0];
	v23 =	vmul.f32 v57, v57;
	v18 =	vadd.f32 v24, v18;
	v25 =	vadd.f32 v57, v25  }
0x230: {  	v30 =	vld [tilespmem:s7+$0x6DF0];
	v62 =	vmul.f32 v55, v55;
	v16 =	vadd.f32 v59, v16;
	v15 =	vadd.f32 v55, v15  }
0x231: {  	v31 =	vld [tilespmem:s7+$0x85E0];
	v22 =	vmul.f32 v60, v60;
	v18 =	vadd.f32 v23, v18;
	v25 =	vadd.f32 v60, v25  }
0x232: {  	v33 =	vld [tilespmem:s7+$0x75F0];
	v29 =	vmul.f32 v58, v58;
	v16 =	vadd.f32 v62, v16;
	v15 =	vadd.f32 v58, v15  }
0x233: {  	v37 =	vld [tilespmem:s7+$0x95E0];
	v21 =	vmul.f32 v63, v63;
	v18 =	vadd.f32 v22, v18;
	v25 =	vadd.f32 v63, v25  }
0x234: {  	v36 =	vld [tilespmem:s7+$0x7DF0];
	v32 =	vmul.f32 v61, v61;
	v16 =	vadd.f32 v29, v16;
	v15 =	vadd.f32 v61, v15  }
0x235: {  	v34 =	vld [tilespmem:s7+$0x8DE0];
	v20 =	vmul.f32 v30, v30;
	v18 =	vadd.f32 v21, v18;
	v25 =	vadd.f32 v30, v25  }
0x236: {  	v39 =	vld [tilespmem:s7+$0x85F0];
	v38 =	vmul.f32 v31, v31;
	v16 =	vadd.f32 v32, v16;
	v15 =	vadd.f32 v28, v15  }
0x237: {  	v40 =	vld [tilespmem:s7+$0x9DE0];
	v19 =	vmul.f32 v33, v33;
	v18 =	vadd.f32 v20, v18;
	v25 =	vadd.f32 v33, v25  }
0x238: {  	v42 =	vld [tilespmem:s7+$0x8DF0];
	v44 =	vmul.f32 v37, v37;
	v16 =	vadd.f32 v35, v16;
	v15 =	vadd.f32 v31, v15  }
0x239: {  	v43 =	vld [tilespmem:s7+$0xA5E0];
	v26 =	vmul.f32 v36, v36;
	v18 =	vadd.f32 v19, v18;
	v25 =	vadd.f32 v36, v25  }
0x23a: {  	v41 =	vmul.f32 v34, v34;
	v45 =	vld [tilespmem:s7+$0x95F0];
	v16 =	vadd.f32 v38, v16;
	v15 =	vadd.f32 v34, v15  }
0x23b: {  	v46 =	vld [tilespmem:s7+$0xADE0];
	v24 =	vmul.f32 v39, v39;
	v18 =	vadd.f32 v26, v18;
	v25 =	vadd.f32 v39, v25  }
0x23c: {  	v48 =	vld [tilespmem:s7+$0x9DF0];
	v47 =	vmul.f32 v40, v40;
	v16 =	vadd.f32 v41, v16;
	v15 =	vadd.f32 v37, v15  }
0x23d: {  	v49 =	vld [tilespmem:s7+$0xB5E0];
	v23 =	vmul.f32 v42, v42;
	v18 =	vadd.f32 v24, v18;
	v25 =	vadd.f32 v42, v25  }
0x23e: {  	v50 =	vmul.f32 v43, v43;
	v51 =	vld [tilespmem:s7+$0xA5F0];
	v16 =	vadd.f32 v44, v16;
	v15 =	vadd.f32 v40, v15  }
0x23f: {  	v57 =	vld [tilespmem:s7+$0xB5F0];
	v22 =	vmul.f32 v45, v45;
	v18 =	vadd.f32 v23, v18;
	v25 =	vadd.f32 v45, v25  }
0x240: {  	v53 =	vmul.f32 v46, v46;
	v54 =	vld [tilespmem:s7+$0xADF0];
	v16 =	vadd.f32 v47, v16;
	v15 =	vadd.f32 v43, v15  }
0x241: {  	v52 =	vld [tilespmem:s7+$0xBDE0];
	v21 =	vmul.f32 v48, v48;
	v18 =	vadd.f32 v22, v18;
	v25 =	vadd.f32 v48, v25  }
0x242: {  	v62 =	vld [tilespmem:s7+$0xBDF0];
	v56 =	vmul.f32 v49, v49;
	v16 =	vadd.f32 v50, v16;
	v15 =	vadd.f32 v46, v15  }
0x243: {  	v55 =	vld [tilespmem:s7+$0xC5E0];
	v20 =	vmul.f32 v51, v51;
	v18 =	vadd.f32 v21, v18;
	v25 =	vadd.f32 v51, v25  }
0x244: {  	(xrf2) =	vadd.scan.msk.f32 $0xffff, v0;
	v30 =	vmul.f32 v57, v57;
	v16 =	vadd.f32 v53, v16;
	v59 =	vadd.f32 v49, v15  }
0x245: {  	(xrf2) =	vadd.scan.msk.f32 $0xffff, v1;
	v58 =	vld [tilespmem:s7+$0xCDE0];
	v19 =	vmul.f32 v54, v54;
	v63 =	vadd.f32 v20, v18;
	v24 =	vadd.f32 v54, v25  }
0x246: {  	(xrf2) =	vadd.scan.msk.f32 $0xffff, v2;
	v61 =	vmul.f32 v52, v52;
	v28 =	vld [tilespmem:s7+$0xC5F0];
	v60 =	vadd.f32 v56, v16;
	v0 =	vadd.f32 v52, v59  }
0x247: {  	(xrf2) =	vadd.scan.msk.f32 $0xffff, v3;
	v29 =	vld [tilespmem:s7+$0xD5E0];
	v17 =	vmul.f32 v62, v62;
	v1 =	vadd.f32 v19, v63;
	v18 =	vadd.f32 v57, v24  }
0x248: {  	(xrf2) =	vadd.scan.msk.f32 $0xffff, v4;
	v32 =	vld [tilespmem:s7+$0xCDF0];
	v27 =	vmul.f32 v55, v55;
	v25 =	vadd.f32 v61, v60;
	v0 =	vadd.f32 v55, v0  }
0x249: {  	(xrf2) =	vadd.scan.msk.f32 $0xffff, v5;
	v36 =	vmul.f32 v14, v14;
	v1 =	vadd.f32 v30, v1;
	v33 =	vadd.f32 v62, v18  }
0x24a: {  	(xrf2) =	vadd.scan.msk.f32 $0xffff, v6;
	v31 =	vmul.f32 v58, v58;
	v34 =	vld [tilespmem:s7+$0xD5F0];
	v2 =	vadd.f32 v27, v25;
	v0 =	vadd.f32 v58, v0  }
0x24b: {  	(xrf2) =	vadd.scan.msk.f32 $0xffff, v7;
	v35 =	vmul.f32 v28, v28;
	v1 =	vadd.f32 v17, v1;
	v5 =	vadd.f32 v28, v33  }
0x24c: {  	(xrf2) =	vadd.scan.msk.f32 $0xffff, v8;
	v3 =	vmul.f32 v29, v29;
	v2 =	vadd.f32 v31, v2;
	v0 =	vadd.f32 v29, v0  }
0x24d: {  	(xrf2) =	vadd.scan.msk.f32 $0xffff, v9;
	v37 =	vmul.f32 v32, v32;
	v1 =	vadd.f32 v35, v1;
	v5 =	vadd.f32 v32, v5  }
0x24e: {  	v38, _, _ =	vpop (xrf2);
	(xrf2) =	vadd.scan.msk.f32 $0xffff, v10;
	v7 =	vsub.f32 v36, v13;
	v2 =	vadd.f32 v3, v2;
	v0 =	vmul.f32 v0, v0  }
0x24f: {  	v39, _, _ =	vpop (xrf2);
	(xrf2) =	vadd.scan.msk.f32 $0xffff, v12;
	v4 =	vmul.f32 v34, v34;
	v1 =	vadd.f32 v37, v1;
	v5 =	vadd.f32 v34, v5  }
0x250: {  	v8 =	vbroadcast v38, $0xF;
	v40, _, _ =	vpop (xrf2);
	(xrf2) =	vadd.scan.msk.f32 $0xffff, v11;
	v3 =	vbroadcast v39, $0xF;
	v0 =	vsub.f32 v0, v2  }
0x251: {  	v41, _, _ =	vpop (xrf2);
	(xrf2) =	vadd.scan.msk.f32 $0xffff, v7;
	v42 =	vbroadcast v40, $0xF;
	v1 =	vadd.f32 v4, v1;
	v5 =	vmul.f32 v5, v5  }
0x252: {  	v43, _, _ =	vpop (xrf2);
	v3 =	vsel vm0, v8, v3;
	v2 =	vbroadcast v41, $0xF;
	(xrf2) =	vadd.scan.msk.f32 $0xffff, v0  }
0x253: {  	v44, _, _ =	vpop (xrf2);
	v45 =	vbroadcast v43, $0xF;
	v3 =	vsel vm1, v3, v42;
	v1 =	vsub.f32 v5, v1  }
0x254: {  	v46, _, _ =	vpop (xrf2);
	v2 =	vsel vm2, v3, v2;
	v0 =	vbroadcast v44, $0xF  }
0x255: {  	v47 =	vbroadcast v46, $0xF;
	v48, _, _ =	vpop (xrf2);
	v2 =	vsel vm3, v2, v45;
	(xrf2) =	vadd.scan.msk.f32 $0xffff, v1  }
0x256: {  	v49, _, _ =	vpop (xrf2);
	v50 =	vbroadcast v48, $0xF;
	v0 =	vsel vm4, v2, v0  }
0x257: {  	v51, _, _ =	vpop (xrf2);
	v1 =	vbroadcast v49, $0xF;
	v0 =	vsel vm5, v0, v47  }
0x258: {  	v52, _, _ =	vpop (xrf2);
	v53 =	vbroadcast v51, $0xF;
	v0 =	vsel vm6, v0, v50  }
0x259: {  	v54, _, _ =	vpop (xrf2);
	v55 =	vbroadcast v52, $0xF;
	v0 =	vsel vm7, v0, v1  }
0x25a: {  	v56, _, _ =	vpop (xrf2);
	v57 =	vbroadcast v54, $0xF;
	v0 =	vsel vm8, v0, v53  }
0x25b: {  	v59 =	vbroadcast v56, $0xF;
	v58, _, _ =	vpop (xrf2);
	v0 =	vsel vm9, v0, v55  }
0x25c: {  	v61 =	vbroadcast v58, $0xF;
	v0 =	vsel vm10, v0, v57;
	v60, _, _ =	vpop (xrf2)  }
0x25d: {  	v0 =	vsel vm11, v0, v59;
	v62 =	vbroadcast v60, $0xF  }
0x25e: {  	p0 =	sne.s32 s6, $0x7;
	v0 =	vsel vm12, v0, v61  }
.Ltmp0:
0x25f: {  	v63, _, _ =	vpop (xrf2);
	v0 =	vsel vm13, v0, v62;
	(pc) =	sbr.rel @p0 .LBB2_2-.Ltmp0, $4  }
0x260: {  	v0 =	vsel vm14, v0, v63  }
0x261: {  	s8 =	sshll.u32 s6, $0x4;
	v0 =	vmul.f32 $5.000000000e-01, v0  }
0x262: {  	s7 =	sand.u32 $0x3FFFFFF0, s8  }
0x263: {  	s6 =	sadd.s32 $0x1, s6;
	[tilespmem:s7+$0xDD00] =	vst v0  }
0x264: {  	s5 =	sadd.s32 $0x1, s5  }
0x265: {  	p0 =	sne.s32 s5, s1  }
.Ltmp1:
0x266: {  	s6 =	simm.s32 $0xDD00;
	(pc) =	sbr.rel @p0 .LBB2_1-.Ltmp1, $4  }
0x267: {  	[hbm4b:s28+s2] =	stream.linear.scatter [tilespmem:s6], [sflag:$0x2], $0x80, $0x38;
	[tilespmem:$0xDD80] =	vst v63  }
0x268: {  	_ =	swait.ge [sflag:s0], $0x80  }
0x269: {  	[sflag:s0] =	ssyncset.done $0x0  }
0x26a: {  	[sflag:s0] =	ssyncadd.s32 $0xFFFFFF80  }
0x26b: {  	_ =	sfence.sel $0x180000  }
0x26c: {  	[bflag:$0x0] =	sbarrier.arrive $0xFFFF  }
0x26d: {  	_ =	strace $0x90000047  }
0x26e: {  	s0 =	stileid.u32;
	[bflag:$0x2] =	sbarrier.arrive $0xFFFF  }
0x26f: {  	p0 =	sne.s32 s0, $0x0;
	s0 =	rddreg [dreg:$0x2]  }
0x270: {  	s0 =	sadd.s32 @!p0 $0x100000, s0  }
0x271: {  	[sflag:s0] =	ssyncadd.tile.s32 @!p0 $0x1;
	_ =	shalt  }
.Lfunc_end2:
_tile_overlayer_lowered:
.L_overlay_start_2:
0x272: {  	(tag) =	ssettag $0x2  }
0x273: {  	s0 =	rddreg [dreg:$0x0];
	s2 =	stileid.u32  }
0x274: {  	s1 =	rddreg [dreg:$0x1];
	p0 =	sne.s32 s2, $0x0  }
0x275: {  	s3 =	rddreg [dreg:$0x2];
	[bflag:$0x3] =	sbarrier.arrive $0xFFFF;
	s2 =	simm.s32 @!p0 $0x1C02  }
0x276: {  	[timem:s3], [sflag:s2] =	dma.local @!p0 [hbm:s0], s1  }
0x277: {  	s0 =	simm.s32 @!p0 $0x2  }
0x278: {  	_ =	swait.ge @!p0 [sflag:s0], s1  }
0x279: {  	s1 =	ssub.s32 @!p0 $0x0, s1;
	[sflag:s0] =	ssyncset.done @!p0 $0x0  }
0x27a: {  	[sflag:s0] =	ssyncadd.s32 @!p0 s1  }
0x27b: {  	[bflag:$0x3] =	sbarrier.arrive $0xFFFF  }
0x27c: {  	_ =	shalt  }

</sc_bundles>
